<compile_context>
chip_gen: v7x
topology: tpu7x:2x2x1
jax: 0.10.2.dev20260603
libtpu: 0.0.44.dev20260713+nightly
codegen_flags: <defaults>
</compile_context>

<pallas_src>
import functools

import jax
import jax.numpy as jnp
from jax import lax
from jax.experimental import pallas as pl
from jax.experimental.pallas import tpu as pltpu
from jax.experimental.pallas import tpu_sc as plsc

_NUM_CORES = 2
_NUM_SUBCORES = 16
_NW = _NUM_CORES * _NUM_SUBCORES
_LANES = 16


def _sc_gather(table_flat, idx2, H, nrd):
    spad, W = idx2.shape
    nvec = W // _LANES
    main_rows = 16 * _NW
    rest = spad - min(spad, main_rows)
    assert rest % 8 == 0 and rest // 8 <= _NW
    mesh = plsc.VectorSubcoreMesh(core_axis_name="c", subcore_axis_name="s")

    @functools.partial(
        pl.kernel,
        out_type=jax.ShapeDtypeStruct((H, spad, W), jnp.float32),
        mesh=mesh,
        compiler_params=pltpu.CompilerParams(needs_layout_passes=False),
        scratch_types=[
            pltpu.VMEM((16, W), jnp.int32),
            pltpu.VMEM((H * nrd,), jnp.float32),
            [pltpu.VMEM((16, W), jnp.float32) for _ in range(4)],
            [pltpu.SemaphoreType.DMA for _ in range(4)],
        ],
    )
    def k(table_hbm, idx_hbm, out_hbm, idx_v, tab_v, bufs, sems):
        wid = lax.axis_index("s") * _NUM_CORES + lax.axis_index("c")
        pltpu.sync_copy(table_hbm, tab_v)
        nbuf = len(bufs)

        def do_span(r0, R):
            pltpu.sync_copy(idx_hbm.at[pl.ds(r0, R), :], idx_v.at[pl.ds(0, R), :])
            pending = [None] * nbuf
            for h in range(H):
                buf, sem = bufs[h % nbuf], sems[h % nbuf]
                if pending[h % nbuf] is not None:
                    pending[h % nbuf].wait()
                hoff = jnp.full((_LANES,), h * nrd, jnp.int32)

                def g_row(r, c):
                    def g_vec(j, c2):
                        sl = pl.ds(j * _LANES, _LANES)
                        buf[r, sl] = plsc.load_gather(
                            tab_v, [idx_v[r, sl] + hoff]
                        )
                        return c2

                    return lax.fori_loop(0, nvec, g_vec, c)

                lax.fori_loop(0, R, g_row, 0)
                pending[h % nbuf] = pltpu.async_copy(
                    buf.at[pl.ds(0, R), :],
                    out_hbm.at[h, pl.ds(r0, R), :],
                    sem,
                )
            for p in pending:
                if p is not None:
                    p.wait()

        if main_rows <= spad:
            do_span(wid * 16, 16)
        else:
            @pl.when(wid * 16 < spad)
            def _():
                do_span(wid * 16, 16)
        if rest:

            @pl.when(wid < rest // 8)
            def _():
                do_span(main_rows + wid * 8, 8)

    return k(table_flat, idx2)


def _tc_add(inputs, pos3):
    B, H, S1, S2 = inputs.shape
    _, spad, W = pos3.shape

    def body(x_ref, p_ref, o_ref):
        o_ref[:, 0] = x_ref[:, 0] + p_ref[:1, :S1, :S2]

    return pl.pallas_call(
        body,
        grid=(H,),
        in_specs=[
            pl.BlockSpec((B, 1, S1, S2), lambda h: (0, h, 0, 0)),
            pl.BlockSpec((1, spad, W), lambda h: (h, 0, 0)),
        ],
        out_specs=pl.BlockSpec((B, 1, S1, S2), lambda h: (0, h, 0, 0)),
        out_shape=jax.ShapeDtypeStruct((B, H, S1, S2), jnp.float32),
    )(inputs, pos3)


def kernel(inputs, positional_embedding, relative_position_index):
    B, H, S1, S2 = inputs.shape
    idx = relative_position_index[:S1, :S2]
    nrd = positional_embedding.shape[1]
    spad = -(-S1 // 8) * 8
    W = -(-S2 // _LANES) * _LANES
    idx2 = jnp.pad(idx.astype(jnp.int32), ((0, spad - S1), (0, W - S2)))
    table_flat = jnp.reshape(positional_embedding, (H * nrd,))
    pos3 = _sc_gather(table_flat, idx2, H, nrd)
    return _tc_add(inputs, pos3)

# --- scband reference (transcript-rebuilt; emitter-appended) ---
"""Pipeline reference for scband-multi-head-relative-positional-embedding-82265803587925 (READ-ONLY COPY).

The authoritative reference and input builder live on the scoring server;
editing this copy changes nothing except your own understanding.
"""

import jax, jax.numpy as jnp
import numpy as np


def _build_rel_index(height, width, cls_token=True):
    cls_token_pos_len = 3 if cls_token else 0
    num_relative_distance = (2 * height - 1) * (2 * width - 1) + cls_token_pos_len
    hh, ww = np.meshgrid(range(height), range(width))
    coords = np.stack([hh, ww], axis=-1)
    coords_flatten = np.reshape(coords, [-1, 2])
    relative_coords = coords_flatten[:, None, :] - coords_flatten[None, :, :]
    rel_hh = relative_coords[:, :, 0] + height - 1
    rel_ww = (relative_coords[:, :, 1] + width - 1) * (2 * height - 1)
    rel = np.stack([rel_hh, rel_ww], axis=-1)
    rpi = np.sum(rel, axis=-1).astype('int64')
    if cls_token:
        top = np.ones((1, rpi.shape[1]), dtype=rpi.dtype) * (num_relative_distance - 3)
        left = np.ones((rpi.shape[0], 1), dtype=rpi.dtype) * (num_relative_distance - 2)
        corner = np.ones((1, 1), dtype=rpi.dtype) * (num_relative_distance - 1)
        left_corner = np.concatenate([corner, left], axis=0)
        rpi = np.concatenate([top, rpi], axis=0)
        rpi = np.concatenate([left_corner, rpi], axis=1)
    return rpi, num_relative_distance


def setup_inputs(seed: int = 0):
    key = jax.random.key(seed)
    B, H, S = 4, 12, 577
    height = width = 24
    k1, k2 = jax.random.split(key)
    inputs = jax.random.normal(k1, (B, H, S, S), dtype=jnp.float32)
    rpi, nrd = _build_rel_index(height, width, cls_token=True)
    positional_embedding = jax.random.normal(k2, (H, nrd), dtype=jnp.float32) * 0.02
    relative_position_index = jnp.asarray(rpi, dtype=jnp.int32)
    return {
        'inputs': inputs,
        'positional_embedding': positional_embedding,
        'relative_position_index': relative_position_index,
    }


def reference(inputs, positional_embedding, relative_position_index):
    # call(): slice the precomputed index map to the attention shape,
    # gather per-head relative position biases, add to attention logits.
    mask = relative_position_index[:inputs.shape[2], :inputs.shape[3]]
    pos_emb = jnp.take(positional_embedding, mask, axis=1)  # [H, S, S]
    return inputs + pos_emb

if __name__ == "__main__":
    import jax
    _d = setup_inputs()
    print(jax.jit(kernel)(*tuple(_d.values())))

</pallas_src>

<mosaic_0001>
#map = affine_map<(d0, d1) -> (0)>
#map1 = affine_map<(d0, d1) -> (0, 0)>
#map2 = affine_map<(d0, d1) -> (0, 0, 0)>
module attributes {stable_mosaic.version = 14 : i64} {
  func.func @k(%arg0: i32, %arg1: i32, %arg2: memref<26544xf32, #tpu.memory_space<hbm>>, %arg3: memref<584x592xi32, #tpu.memory_space<hbm>>, %arg4: memref<12x584x592xf32, #tpu.memory_space<hbm>>, %arg5: memref<16x592xi32, #tpu.memory_space<vmem>>, %arg6: memref<26544xf32, #tpu.memory_space<vmem>>, %arg7: memref<16x592xf32, #tpu.memory_space<vmem>>, %arg8: memref<16x592xf32, #tpu.memory_space<vmem>>, %arg9: memref<16x592xf32, #tpu.memory_space<vmem>>, %arg10: memref<16x592xf32, #tpu.memory_space<vmem>>, %arg11: memref<!tpu.dma_semaphore, #tpu.memory_space<semaphore_mem>>, %arg12: memref<!tpu.dma_semaphore, #tpu.memory_space<semaphore_mem>>, %arg13: memref<!tpu.dma_semaphore, #tpu.memory_space<semaphore_mem>>, %arg14: memref<!tpu.dma_semaphore, #tpu.memory_space<semaphore_mem>>) attributes {dimension_semantics = [#tpu.dimension_semantics<core_parallel>, #tpu.dimension_semantics<subcore_parallel>], iteration_bounds = array<i64: 2, 16>, scalar_prefetch = 0 : i64, scratch_operands = 10 : i64, tpu.core_type = #tpu.core_type<sc_vector_subcore>, window_params = [{transform_indices = #map}, {transform_indices = #map1}, {transform_indices = #map2}]} {
    %mul3A = arith.constant 2 : i32
    %mul3A_0 = arith.muli %arg1, %mul3A : i32
    %add3A = arith.addi %mul3A_0, %arg0 : i32
    "tpu.region"() ({
      %run_scoped3A = tpu.sem_alloc : memref<!tpu.dma_semaphore, #tpu.memory_space<semaphore_mem>>
      tpu.enqueue_dma source(%arg2 : memref<26544xf32, #tpu.memory_space<hbm>>) target(%arg6 : memref<26544xf32, #tpu.memory_space<vmem>>) target_semaphore(%run_scoped3A : memref<!tpu.dma_semaphore, #tpu.memory_space<semaphore_mem>>)
      tpu.wait_dma2 semaphore(%run_scoped3A : memref<!tpu.dma_semaphore, #tpu.memory_space<semaphore_mem>>) src(%arg2 : memref<26544xf32, #tpu.memory_space<hbm>>) dst(%arg6 : memref<26544xf32, #tpu.memory_space<vmem>>)
      tpu.yield
    }) : () -> ()
    %mul3A_1 = arith.constant 16 : i32
    %mul3A_2 = arith.muli %add3A, %mul3A_1 : i32
    "tpu.region"() ({
      %run_scoped3A = tpu.sem_alloc : memref<!tpu.dma_semaphore, #tpu.memory_space<semaphore_mem>>
      %dma_start3A_409 = arith.constant 0 : i32
      %dma_start3A_410 = arith.constant 0 : i32
      %dma_start3A_411 = tpu.memref_slice %arg5[%dma_start3A_409, %dma_start3A_410] : memref<16x592xi32, #tpu.memory_space<vmem>> -> memref<16x592xi32, #tpu.memory_space<vmem>>
      %dma_start3A_412 = arith.constant 0 : i32
      %dma_start3A_413 = tpu.memref_slice %arg3[%mul3A_2, %dma_start3A_412] : memref<584x592xi32, #tpu.memory_space<hbm>> -> memref<16x592xi32, #tpu.memory_space<hbm>>
      %dma_start3A_414 = arith.constant 0 : i32
      %dma_start3A_415 = arith.constant 0 : i32
      %dma_start3A_416 = tpu.memref_slice %arg5[%dma_start3A_414, %dma_start3A_415] : memref<16x592xi32, #tpu.memory_space<vmem>> -> memref<16x592xi32, #tpu.memory_space<vmem>>
      %dma_start3A_417 = arith.constant 0 : i32
      %dma_start3A_418 = tpu.memref_slice %arg3[%mul3A_2, %dma_start3A_417] : memref<584x592xi32, #tpu.memory_space<hbm>> -> memref<16x592xi32, #tpu.memory_space<hbm>>
      tpu.enqueue_dma source(%dma_start3A_418 : memref<16x592xi32, #tpu.memory_space<hbm>>) target(%dma_start3A_416 : memref<16x592xi32, #tpu.memory_space<vmem>>) target_semaphore(%run_scoped3A : memref<!tpu.dma_semaphore, #tpu.memory_space<semaphore_mem>>)
      %dma_wait3A_419 = arith.constant 0 : i32
      %dma_wait3A_420 = arith.constant 0 : i32
      %dma_wait3A_421 = tpu.memref_slice %arg5[%dma_wait3A_419, %dma_wait3A_420] : memref<16x592xi32, #tpu.memory_space<vmem>> -> memref<16x592xi32, #tpu.memory_space<vmem>>
      %dma_wait3A_422 = arith.constant 0 : i32
      %dma_wait3A_423 = tpu.memref_slice %arg3[%mul3A_2, %dma_wait3A_422] : memref<584x592xi32, #tpu.memory_space<hbm>> -> memref<16x592xi32, #tpu.memory_space<hbm>>
      %dma_wait3A_424 = arith.constant 0 : i32
      %dma_wait3A_425 = arith.constant 0 : i32
      %dma_wait3A_426 = tpu.memref_slice %arg5[%dma_wait3A_424, %dma_wait3A_425] : memref<16x592xi32, #tpu.memory_space<vmem>> -> memref<16x592xi32, #tpu.memory_space<vmem>>
      %dma_wait3A_427 = arith.constant 0 : i32
      %dma_wait3A_428 = tpu.memref_slice %arg3[%mul3A_2, %dma_wait3A_427] : memref<584x592xi32, #tpu.memory_space<hbm>> -> memref<16x592xi32, #tpu.memory_space<hbm>>
      tpu.wait_dma2 semaphore(%run_scoped3A : memref<!tpu.dma_semaphore, #tpu.memory_space<semaphore_mem>>) src(%dma_wait3A_428 : memref<16x592xi32, #tpu.memory_space<hbm>>) dst(%dma_wait3A_426 : memref<16x592xi32, #tpu.memory_space<vmem>>)
      tpu.yield
    }) : () -> ()
    %broadcast_in_dim3A = arith.constant 0 : i32
    %broadcast_in_dim3A_3 = vector.broadcast %broadcast_in_dim3A : i32 to vector<16xi32>
    %scan3A = arith.constant 0 : i32
    %scan3A_4 = arith.constant 0 : i32
    %scan3A_5 = arith.constant 16 : i32
    %scan3A_6 = arith.addi %scan3A_4, %scan3A_5 : i32
    %scan3A_7 = arith.constant 1 : i32
    scf.for %scan3A_409 = %scan3A_4 to %scan3A_6 step %scan3A_7  : i32 {
      %scan3A_410 = arith.constant 0 : i32
      %scan3A_411 = arith.constant 37 : i32
      %scan3A_412 = arith.addi %scan3A_410, %scan3A_411 : i32
      %scan3A_413 = arith.constant 1 : i32
      scf.for %scan3A_415 = %scan3A_410 to %scan3A_412 step %scan3A_413  : i32 {
        %mul3A_416 = arith.constant 16 : i32
        %mul3A_417 = arith.muli %scan3A_415, %mul3A_416 : i32
        %get3A = arith.index_cast %scan3A_409 : i32 to index
        %get3A_418 = arith.index_cast %mul3A_417 : i32 to index
        %get3A_419 = tpu.vector_load %arg5[%get3A, %get3A_418] {strides = array<i32>} : memref<16x592xi32, #tpu.memory_space<vmem>>, vector<16xi32>,
        %add3A_420 = arith.addi %get3A_419, %broadcast_in_dim3A_3 : vector<16xi32>
        %gather3A = tpu.vector_load_idx %arg6[%add3A_420] : memref<26544xf32, #tpu.memory_space<vmem>>[vector<16xi32>], vector<16xf32>,
        %swap3A = arith.index_cast %scan3A_409 : i32 to index
        %swap3A_421 = arith.index_cast %mul3A_417 : i32 to index
        %swap3A_422 = tpu.vector_load %arg7[%swap3A, %swap3A_421] {strides = array<i32>} : memref<16x592xf32, #tpu.memory_space<vmem>>, vector<16xf32>,
        tpu.vector_store %arg7[%swap3A, %swap3A_421], %gather3A {strides = array<i32>} : memref<16x592xf32, #tpu.memory_space<vmem>>, vector<16xf32>,
      }
      %scan3A_414 = arith.constant 37 : i32
    }
    %scan3A_8 = arith.constant 16 : i32
    %dma_start3A = arith.constant 0 : i32
    %dma_start3A_9 = arith.constant 0 : i32
    %dma_start3A_10 = arith.constant 0 : i32
    %dma_start3A_11 = tpu.memref_slice %arg7[%dma_start3A_9, %dma_start3A_10] : memref<16x592xf32, #tpu.memory_space<vmem>> -> memref<16x592xf32, #tpu.memory_space<vmem>>
    %dma_start3A_12 = arith.constant 0 : i32
    %dma_start3A_13 = tpu.memref_slice %arg4[%dma_start3A, %mul3A_2, %dma_start3A_12] : memref<12x584x592xf32, #tpu.memory_space<hbm>> -> memref<1x16x592xf32, #tpu.memory_space<hbm>>
    %dma_start3A_14 = tpu.memref_squeeze %dma_start3A_13 : memref<1x16x592xf32, #tpu.memory_space<hbm>> -> memref<16x592xf32, #tpu.memory_space<hbm>>
    %dma_start3A_15 = arith.constant 0 : i32
    %dma_start3A_16 = tpu.memref_slice %arg4[%dma_start3A, %mul3A_2, %dma_start3A_15] : memref<12x584x592xf32, #tpu.memory_space<hbm>> -> memref<1x16x592xf32, #tpu.memory_space<hbm>>
    %dma_start3A_17 = tpu.memref_squeeze %dma_start3A_16 : memref<1x16x592xf32, #tpu.memory_space<hbm>> -> memref<16x592xf32, #tpu.memory_space<hbm>>
    %dma_start3A_18 = arith.constant 0 : i32
    %dma_start3A_19 = arith.constant 0 : i32
    %dma_start3A_20 = tpu.memref_slice %arg7[%dma_start3A_18, %dma_start3A_19] : memref<16x592xf32, #tpu.memory_space<vmem>> -> memref<16x592xf32, #tpu.memory_space<vmem>>
    tpu.enqueue_dma source(%dma_start3A_20 : memref<16x592xf32, #tpu.memory_space<vmem>>) target(%dma_start3A_17 : memref<16x592xf32, #tpu.memory_space<hbm>>) target_semaphore(%arg11 : memref<!tpu.dma_semaphore, #tpu.memory_space<semaphore_mem>>)
    %broadcast_in_dim3A_21 = arith.constant 2212 : i32
    %broadcast_in_dim3A_22 = vector.broadcast %broadcast_in_dim3A_21 : i32 to vector<16xi32>
    %scan3A_23 = arith.constant 0 : i32
    %scan3A_24 = arith.constant 0 : i32
    %scan3A_25 = arith.constant 16 : i32
    %scan3A_26 = arith.addi %scan3A_24, %scan3A_25 : i32
    %scan3A_27 = arith.constant 1 : i32
    scf.for %scan3A_409 = %scan3A_24 to %scan3A_26 step %scan3A_27  : i32 {
      %scan3A_410 = arith.constant 0 : i32
      %scan3A_411 = arith.constant 37 : i32
      %scan3A_412 = arith.addi %scan3A_410, %scan3A_411 : i32
      %scan3A_413 = arith.constant 1 : i32
      scf.for %scan3A_415 = %scan3A_410 to %scan3A_412 step %scan3A_413  : i32 {
        %mul3A_416 = arith.constant 16 : i32
        %mul3A_417 = arith.muli %scan3A_415, %mul3A_416 : i32
        %get3A = arith.index_cast %scan3A_409 : i32 to index
        %get3A_418 = arith.index_cast %mul3A_417 : i32 to index
        %get3A_419 = tpu.vector_load %arg5[%get3A, %get3A_418] {strides = array<i32>} : memref<16x592xi32, #tpu.memory_space<vmem>>, vector<16xi32>,
        %add3A_420 = arith.addi %get3A_419, %broadcast_in_dim3A_22 : vector<16xi32>
        %gather3A = tpu.vector_load_idx %arg6[%add3A_420] : memref<26544xf32, #tpu.memory_space<vmem>>[vector<16xi32>], vector<16xf32>,
        %swap3A = arith.index_cast %scan3A_409 : i32 to index
        %swap3A_421 = arith.index_cast %mul3A_417 : i32 to index
        %swap3A_422 = tpu.vector_load %arg8[%swap3A, %swap3A_421] {strides = array<i32>} : memref<16x592xf32, #tpu.memory_space<vmem>>, vector<16xf32>,
        tpu.vector_store %arg8[%swap3A, %swap3A_421], %gather3A {strides = array<i32>} : memref<16x592xf32, #tpu.memory_space<vmem>>, vector<16xf32>,
      }
      %scan3A_414 = arith.constant 37 : i32
    }
    %scan3A_28 = arith.constant 16 : i32
    %dma_start3A_29 = arith.constant 1 : i32
    %dma_start3A_30 = arith.constant 0 : i32
    %dma_start3A_31 = arith.constant 0 : i32
    %dma_start3A_32 = tpu.memref_slice %arg8[%dma_start3A_30, %dma_start3A_31] : memref<16x592xf32, #tpu.memory_space<vmem>> -> memref<16x592xf32, #tpu.memory_space<vmem>>
    %dma_start3A_33 = arith.constant 0 : i32
    %dma_start3A_34 = tpu.memref_slice %arg4[%dma_start3A_29, %mul3A_2, %dma_start3A_33] : memref<12x584x592xf32, #tpu.memory_space<hbm>> -> memref<1x16x592xf32, #tpu.memory_space<hbm>>
    %dma_start3A_35 = tpu.memref_squeeze %dma_start3A_34 : memref<1x16x592xf32, #tpu.memory_space<hbm>> -> memref<16x592xf32, #tpu.memory_space<hbm>>
    %dma_start3A_36 = arith.constant 0 : i32
    %dma_start3A_37 = tpu.memref_slice %arg4[%dma_start3A_29, %mul3A_2, %dma_start3A_36] : memref<12x584x592xf32, #tpu.memory_space<hbm>> -> memref<1x16x592xf32, #tpu.memory_space<hbm>>
    %dma_start3A_38 = tpu.memref_squeeze %dma_start3A_37 : memref<1x16x592xf32, #tpu.memory_space<hbm>> -> memref<16x592xf32, #tpu.memory_space<hbm>>
    %dma_start3A_39 = arith.constant 0 : i32
    %dma_start3A_40 = arith.constant 0 : i32
    %dma_start3A_41 = tpu.memref_slice %arg8[%dma_start3A_39, %dma_start3A_40] : memref<16x592xf32, #tpu.memory_space<vmem>> -> memref<16x592xf32, #tpu.memory_space<vmem>>
    tpu.enqueue_dma source(%dma_start3A_41 : memref<16x592xf32, #tpu.memory_space<vmem>>) target(%dma_start3A_38 : memref<16x592xf32, #tpu.memory_space<hbm>>) target_semaphore(%arg12 : memref<!tpu.dma_semaphore, #tpu.memory_space<semaphore_mem>>)
    %broadcast_in_dim3A_42 = arith.constant 4424 : i32
    %broadcast_in_dim3A_43 = vector.broadcast %broadcast_in_dim3A_42 : i32 to vector<16xi32>
    %scan3A_44 = arith.constant 0 : i32
    %scan3A_45 = arith.constant 0 : i32
    %scan3A_46 = arith.constant 16 : i32
    %scan3A_47 = arith.addi %scan3A_45, %scan3A_46 : i32
    %scan3A_48 = arith.constant 1 : i32
    scf.for %scan3A_409 = %scan3A_45 to %scan3A_47 step %scan3A_48  : i32 {
      %scan3A_410 = arith.constant 0 : i32
      %scan3A_411 = arith.constant 37 : i32
      %scan3A_412 = arith.addi %scan3A_410, %scan3A_411 : i32
      %scan3A_413 = arith.constant 1 : i32
      scf.for %scan3A_415 = %scan3A_410 to %scan3A_412 step %scan3A_413  : i32 {
        %mul3A_416 = arith.constant 16 : i32
        %mul3A_417 = arith.muli %scan3A_415, %mul3A_416 : i32
        %get3A = arith.index_cast %scan3A_409 : i32 to index
        %get3A_418 = arith.index_cast %mul3A_417 : i32 to index
        %get3A_419 = tpu.vector_load %arg5[%get3A, %get3A_418] {strides = array<i32>} : memref<16x592xi32, #tpu.memory_space<vmem>>, vector<16xi32>,
        %add3A_420 = arith.addi %get3A_419, %broadcast_in_dim3A_43 : vector<16xi32>
        %gather3A = tpu.vector_load_idx %arg6[%add3A_420] : memref<26544xf32, #tpu.memory_space<vmem>>[vector<16xi32>], vector<16xf32>,
        %swap3A = arith.index_cast %scan3A_409 : i32 to index
        %swap3A_421 = arith.index_cast %mul3A_417 : i32 to index
        %swap3A_422 = tpu.vector_load %arg9[%swap3A, %swap3A_421] {strides = array<i32>} : memref<16x592xf32, #tpu.memory_space<vmem>>, vector<16xf32>,
        tpu.vector_store %arg9[%swap3A, %swap3A_421], %gather3A {strides = array<i32>} : memref<16x592xf32, #tpu.memory_space<vmem>>, vector<16xf32>,
      }
      %scan3A_414 = arith.constant 37 : i32
    }
    %scan3A_49 = arith.constant 16 : i32
    %dma_start3A_50 = arith.constant 2 : i32
    %dma_start3A_51 = arith.constant 0 : i32
    %dma_start3A_52 = arith.constant 0 : i32
    %dma_start3A_53 = tpu.memref_slice %arg9[%dma_start3A_51, %dma_start3A_52] : memref<16x592xf32, #tpu.memory_space<vmem>> -> memref<16x592xf32, #tpu.memory_space<vmem>>
    %dma_start3A_54 = arith.constant 0 : i32
    %dma_start3A_55 = tpu.memref_slice %arg4[%dma_start3A_50, %mul3A_2, %dma_start3A_54] : memref<12x584x592xf32, #tpu.memory_space<hbm>> -> memref<1x16x592xf32, #tpu.memory_space<hbm>>
    %dma_start3A_56 = tpu.memref_squeeze %dma_start3A_55 : memref<1x16x592xf32, #tpu.memory_space<hbm>> -> memref<16x592xf32, #tpu.memory_space<hbm>>
    %dma_start3A_57 = arith.constant 0 : i32
    %dma_start3A_58 = tpu.memref_slice %arg4[%dma_start3A_50, %mul3A_2, %dma_start3A_57] : memref<12x584x592xf32, #tpu.memory_space<hbm>> -> memref<1x16x592xf32, #tpu.memory_space<hbm>>
    %dma_start3A_59 = tpu.memref_squeeze %dma_start3A_58 : memref<1x16x592xf32, #tpu.memory_space<hbm>> -> memref<16x592xf32, #tpu.memory_space<hbm>>
    %dma_start3A_60 = arith.constant 0 : i32
    %dma_start3A_61 = arith.constant 0 : i32
    %dma_start3A_62 = tpu.memref_slice %arg9[%dma_start3A_60, %dma_start3A_61] : memref<16x592xf32, #tpu.memory_space<vmem>> -> memref<16x592xf32, #tpu.memory_space<vmem>>
    tpu.enqueue_dma source(%dma_start3A_62 : memref<16x592xf32, #tpu.memory_space<vmem>>) target(%dma_start3A_59 : memref<16x592xf32, #tpu.memory_space<hbm>>) target_semaphore(%arg13 : memref<!tpu.dma_semaphore, #tpu.memory_space<semaphore_mem>>)
    %broadcast_in_dim3A_63 = arith.constant 6636 : i32
    %broadcast_in_dim3A_64 = vector.broadcast %broadcast_in_dim3A_63 : i32 to vector<16xi32>
    %scan3A_65 = arith.constant 0 : i32
    %scan3A_66 = arith.constant 0 : i32
    %scan3A_67 = arith.constant 16 : i32
    %scan3A_68 = arith.addi %scan3A_66, %scan3A_67 : i32
    %scan3A_69 = arith.constant 1 : i32
    scf.for %scan3A_409 = %scan3A_66 to %scan3A_68 step %scan3A_69  : i32 {
      %scan3A_410 = arith.constant 0 : i32
      %scan3A_411 = arith.constant 37 : i32
      %scan3A_412 = arith.addi %scan3A_410, %scan3A_411 : i32
      %scan3A_413 = arith.constant 1 : i32
      scf.for %scan3A_415 = %scan3A_410 to %scan3A_412 step %scan3A_413  : i32 {
        %mul3A_416 = arith.constant 16 : i32
        %mul3A_417 = arith.muli %scan3A_415, %mul3A_416 : i32
        %get3A = arith.index_cast %scan3A_409 : i32 to index
        %get3A_418 = arith.index_cast %mul3A_417 : i32 to index
        %get3A_419 = tpu.vector_load %arg5[%get3A, %get3A_418] {strides = array<i32>} : memref<16x592xi32, #tpu.memory_space<vmem>>, vector<16xi32>,
        %add3A_420 = arith.addi %get3A_419, %broadcast_in_dim3A_64 : vector<16xi32>
        %gather3A = tpu.vector_load_idx %arg6[%add3A_420] : memref<26544xf32, #tpu.memory_space<vmem>>[vector<16xi32>], vector<16xf32>,
        %swap3A = arith.index_cast %scan3A_409 : i32 to index
        %swap3A_421 = arith.index_cast %mul3A_417 : i32 to index
        %swap3A_422 = tpu.vector_load %arg10[%swap3A, %swap3A_421] {strides = array<i32>} : memref<16x592xf32, #tpu.memory_space<vmem>>, vector<16xf32>,
        tpu.vector_store %arg10[%swap3A, %swap3A_421], %gather3A {strides = array<i32>} : memref<16x592xf32, #tpu.memory_space<vmem>>, vector<16xf32>,
      }
      %scan3A_414 = arith.constant 37 : i32
    }
    %scan3A_70 = arith.constant 16 : i32
    %dma_start3A_71 = arith.constant 3 : i32
    %dma_start3A_72 = arith.constant 0 : i32
    %dma_start3A_73 = arith.constant 0 : i32
    %dma_start3A_74 = tpu.memref_slice %arg10[%dma_start3A_72, %dma_start3A_73] : memref<16x592xf32, #tpu.memory_space<vmem>> -> memref<16x592xf32, #tpu.memory_space<vmem>>
    %dma_start3A_75 = arith.constant 0 : i32
    %dma_start3A_76 = tpu.memref_slice %arg4[%dma_start3A_71, %mul3A_2, %dma_start3A_75] : memref<12x584x592xf32, #tpu.memory_space<hbm>> -> memref<1x16x592xf32, #tpu.memory_space<hbm>>
    %dma_start3A_77 = tpu.memref_squeeze %dma_start3A_76 : memref<1x16x592xf32, #tpu.memory_space<hbm>> -> memref<16x592xf32, #tpu.memory_space<hbm>>
    %dma_start3A_78 = arith.constant 0 : i32
    %dma_start3A_79 = tpu.memref_slice %arg4[%dma_start3A_71, %mul3A_2, %dma_start3A_78] : memref<12x584x592xf32, #tpu.memory_space<hbm>> -> memref<1x16x592xf32, #tpu.memory_space<hbm>>
    %dma_start3A_80 = tpu.memref_squeeze %dma_start3A_79 : memref<1x16x592xf32, #tpu.memory_space<hbm>> -> memref<16x592xf32, #tpu.memory_space<hbm>>
    %dma_start3A_81 = arith.constant 0 : i32
    %dma_start3A_82 = arith.constant 0 : i32
    %dma_start3A_83 = tpu.memref_slice %arg10[%dma_start3A_81, %dma_start3A_82] : memref<16x592xf32, #tpu.memory_space<vmem>> -> memref<16x592xf32, #tpu.memory_space<vmem>>
    tpu.enqueue_dma source(%dma_start3A_83 : memref<16x592xf32, #tpu.memory_space<vmem>>) target(%dma_start3A_80 : memref<16x592xf32, #tpu.memory_space<hbm>>) target_semaphore(%arg14 : memref<!tpu.dma_semaphore, #tpu.memory_space<semaphore_mem>>)
    %dma_wait3A = arith.constant 0 : i32
    %dma_wait3A_84 = arith.constant 0 : i32
    %dma_wait3A_85 = arith.constant 0 : i32
    %dma_wait3A_86 = tpu.memref_slice %arg7[%dma_wait3A_84, %dma_wait3A_85] : memref<16x592xf32, #tpu.memory_space<vmem>> -> memref<16x592xf32, #tpu.memory_space<vmem>>
    %dma_wait3A_87 = arith.constant 0 : i32
    %dma_wait3A_88 = tpu.memref_slice %arg4[%dma_wait3A, %mul3A_2, %dma_wait3A_87] : memref<12x584x592xf32, #tpu.memory_space<hbm>> -> memref<1x16x592xf32, #tpu.memory_space<hbm>>
    %dma_wait3A_89 = tpu.memref_squeeze %dma_wait3A_88 : memref<1x16x592xf32, #tpu.memory_space<hbm>> -> memref<16x592xf32, #tpu.memory_space<hbm>>
    %dma_wait3A_90 = arith.constant 0 : i32
    %dma_wait3A_91 = tpu.memref_slice %arg4[%dma_wait3A, %mul3A_2, %dma_wait3A_90] : memref<12x584x592xf32, #tpu.memory_space<hbm>> -> memref<1x16x592xf32, #tpu.memory_space<hbm>>
    %dma_wait3A_92 = tpu.memref_squeeze %dma_wait3A_91 : memref<1x16x592xf32, #tpu.memory_space<hbm>> -> memref<16x592xf32, #tpu.memory_space<hbm>>
    %dma_wait3A_93 = arith.constant 0 : i32
    %dma_wait3A_94 = arith.constant 0 : i32
    %dma_wait3A_95 = tpu.memref_slice %arg7[%dma_wait3A_93, %dma_wait3A_94] : memref<16x592xf32, #tpu.memory_space<vmem>> -> memref<16x592xf32, #tpu.memory_space<vmem>>
    tpu.wait_dma2 semaphore(%arg11 : memref<!tpu.dma_semaphore, #tpu.memory_space<semaphore_mem>>) src(%dma_wait3A_95 : memref<16x592xf32, #tpu.memory_space<vmem>>) dst(%dma_wait3A_92 : memref<16x592xf32, #tpu.memory_space<hbm>>)
    %broadcast_in_dim3A_96 = arith.constant 8848 : i32
    %broadcast_in_dim3A_97 = vector.broadcast %broadcast_in_dim3A_96 : i32 to vector<16xi32>
    %scan3A_98 = arith.constant 0 : i32
    %scan3A_99 = arith.constant 0 : i32
    %scan3A_100 = arith.constant 16 : i32
    %scan3A_101 = arith.addi %scan3A_99, %scan3A_100 : i32
    %scan3A_102 = arith.constant 1 : i32
    scf.for %scan3A_409 = %scan3A_99 to %scan3A_101 step %scan3A_102  : i32 {
      %scan3A_410 = arith.constant 0 : i32
      %scan3A_411 = arith.constant 37 : i32
      %scan3A_412 = arith.addi %scan3A_410, %scan3A_411 : i32
      %scan3A_413 = arith.constant 1 : i32
      scf.for %scan3A_415 = %scan3A_410 to %scan3A_412 step %scan3A_413  : i32 {
        %mul3A_416 = arith.constant 16 : i32
        %mul3A_417 = arith.muli %scan3A_415, %mul3A_416 : i32
        %get3A = arith.index_cast %scan3A_409 : i32 to index
        %get3A_418 = arith.index_cast %mul3A_417 : i32 to index
        %get3A_419 = tpu.vector_load %arg5[%get3A, %get3A_418] {strides = array<i32>} : memref<16x592xi32, #tpu.memory_space<vmem>>, vector<16xi32>,
        %add3A_420 = arith.addi %get3A_419, %broadcast_in_dim3A_97 : vector<16xi32>
        %gather3A = tpu.vector_load_idx %arg6[%add3A_420] : memref<26544xf32, #tpu.memory_space<vmem>>[vector<16xi32>], vector<16xf32>,
        %swap3A = arith.index_cast %scan3A_409 : i32 to index
        %swap3A_421 = arith.index_cast %mul3A_417 : i32 to index
        %swap3A_422 = tpu.vector_load %arg7[%swap3A, %swap3A_421] {strides = array<i32>} : memref<16x592xf32, #tpu.memory_space<vmem>>, vector<16xf32>,
        tpu.vector_store %arg7[%swap3A, %swap3A_421], %gather3A {strides = array<i32>} : memref<16x592xf32, #tpu.memory_space<vmem>>, vector<16xf32>,
      }
      %scan3A_414 = arith.constant 37 : i32
    }
    %scan3A_103 = arith.constant 16 : i32
    %dma_start3A_104 = arith.constant 4 : i32
    %dma_start3A_105 = arith.constant 0 : i32
    %dma_start3A_106 = arith.constant 0 : i32
    %dma_start3A_107 = tpu.memref_slice %arg7[%dma_start3A_105, %dma_start3A_106] : memref<16x592xf32, #tpu.memory_space<vmem>> -> memref<16x592xf32, #tpu.memory_space<vmem>>
    %dma_start3A_108 = arith.constant 0 : i32
    %dma_start3A_109 = tpu.memref_slice %arg4[%dma_start3A_104, %mul3A_2, %dma_start3A_108] : memref<12x584x592xf32, #tpu.memory_space<hbm>> -> memref<1x16x592xf32, #tpu.memory_space<hbm>>
    %dma_start3A_110 = tpu.memref_squeeze %dma_start3A_109 : memref<1x16x592xf32, #tpu.memory_space<hbm>> -> memref<16x592xf32, #tpu.memory_space<hbm>>
    %dma_start3A_111 = arith.constant 0 : i32
    %dma_start3A_112 = tpu.memref_slice %arg4[%dma_start3A_104, %mul3A_2, %dma_start3A_111] : memref<12x584x592xf32, #tpu.memory_space<hbm>> -> memref<1x16x592xf32, #tpu.memory_space<hbm>>
    %dma_start3A_113 = tpu.memref_squeeze %dma_start3A_112 : memref<1x16x592xf32, #tpu.memory_space<hbm>> -> memref<16x592xf32, #tpu.memory_space<hbm>>
    %dma_start3A_114 = arith.constant 0 : i32
    %dma_start3A_115 = arith.constant 0 : i32
    %dma_start3A_116 = tpu.memref_slice %arg7[%dma_start3A_114, %dma_start3A_115] : memref<16x592xf32, #tpu.memory_space<vmem>> -> memref<16x592xf32, #tpu.memory_space<vmem>>
    tpu.enqueue_dma source(%dma_start3A_116 : memref<16x592xf32, #tpu.memory_space<vmem>>) target(%dma_start3A_113 : memref<16x592xf32, #tpu.memory_space<hbm>>) target_semaphore(%arg11 : memref<!tpu.dma_semaphore, #tpu.memory_space<semaphore_mem>>)
    %dma_wait3A_117 = arith.constant 1 : i32
    %dma_wait3A_118 = arith.constant 0 : i32
    %dma_wait3A_119 = arith.constant 0 : i32
    %dma_wait3A_120 = tpu.memref_slice %arg8[%dma_wait3A_118, %dma_wait3A_119] : memref<16x592xf32, #tpu.memory_space<vmem>> -> memref<16x592xf32, #tpu.memory_space<vmem>>
    %dma_wait3A_121 = arith.constant 0 : i32
    %dma_wait3A_122 = tpu.memref_slice %arg4[%dma_wait3A_117, %mul3A_2, %dma_wait3A_121] : memref<12x584x592xf32, #tpu.memory_space<hbm>> -> memref<1x16x592xf32, #tpu.memory_space<hbm>>
    %dma_wait3A_123 = tpu.memref_squeeze %dma_wait3A_122 : memref<1x16x592xf32, #tpu.memory_space<hbm>> -> memref<16x592xf32, #tpu.memory_space<hbm>>
    %dma_wait3A_124 = arith.constant 0 : i32
    %dma_wait3A_125 = tpu.memref_slice %arg4[%dma_wait3A_117, %mul3A_2, %dma_wait3A_124] : memref<12x584x592xf32, #tpu.memory_space<hbm>> -> memref<1x16x592xf32, #tpu.memory_space<hbm>>
    %dma_wait3A_126 = tpu.memref_squeeze %dma_wait3A_125 : memref<1x16x592xf32, #tpu.memory_space<hbm>> -> memref<16x592xf32, #tpu.memory_space<hbm>>
    %dma_wait3A_127 = arith.constant 0 : i32
    %dma_wait3A_128 = arith.constant 0 : i32
    %dma_wait3A_129 = tpu.memref_slice %arg8[%dma_wait3A_127, %dma_wait3A_128] : memref<16x592xf32, #tpu.memory_space<vmem>> -> memref<16x592xf32, #tpu.memory_space<vmem>>
    tpu.wait_dma2 semaphore(%arg12 : memref<!tpu.dma_semaphore, #tpu.memory_space<semaphore_mem>>) src(%dma_wait3A_129 : memref<16x592xf32, #tpu.memory_space<vmem>>) dst(%dma_wait3A_126 : memref<16x592xf32, #tpu.memory_space<hbm>>)
    %broadcast_in_dim3A_130 = arith.constant 11060 : i32
    %broadcast_in_dim3A_131 = vector.broadcast %broadcast_in_dim3A_130 : i32 to vector<16xi32>
    %scan3A_132 = arith.constant 0 : i32
    %scan3A_133 = arith.constant 0 : i32
    %scan3A_134 = arith.constant 16 : i32
    %scan3A_135 = arith.addi %scan3A_133, %scan3A_134 : i32
    %scan3A_136 = arith.constant 1 : i32
    scf.for %scan3A_409 = %scan3A_133 to %scan3A_135 step %scan3A_136  : i32 {
      %scan3A_410 = arith.constant 0 : i32
      %scan3A_411 = arith.constant 37 : i32
      %scan3A_412 = arith.addi %scan3A_410, %scan3A_411 : i32
      %scan3A_413 = arith.constant 1 : i32
      scf.for %scan3A_415 = %scan3A_410 to %scan3A_412 step %scan3A_413  : i32 {
        %mul3A_416 = arith.constant 16 : i32
        %mul3A_417 = arith.muli %scan3A_415, %mul3A_416 : i32
        %get3A = arith.index_cast %scan3A_409 : i32 to index
        %get3A_418 = arith.index_cast %mul3A_417 : i32 to index
        %get3A_419 = tpu.vector_load %arg5[%get3A, %get3A_418] {strides = array<i32>} : memref<16x592xi32, #tpu.memory_space<vmem>>, vector<16xi32>,
        %add3A_420 = arith.addi %get3A_419, %broadcast_in_dim3A_131 : vector<16xi32>
        %gather3A = tpu.vector_load_idx %arg6[%add3A_420] : memref<26544xf32, #tpu.memory_space<vmem>>[vector<16xi32>], vector<16xf32>,
        %swap3A = arith.index_cast %scan3A_409 : i32 to index
        %swap3A_421 = arith.index_cast %mul3A_417 : i32 to index
        %swap3A_422 = tpu.vector_load %arg8[%swap3A, %swap3A_421] {strides = array<i32>} : memref<16x592xf32, #tpu.memory_space<vmem>>, vector<16xf32>,
        tpu.vector_store %arg8[%swap3A, %swap3A_421], %gather3A {strides = array<i32>} : memref<16x592xf32, #tpu.memory_space<vmem>>, vector<16xf32>,
      }
      %scan3A_414 = arith.constant 37 : i32
    }
    %scan3A_137 = arith.constant 16 : i32
    %dma_start3A_138 = arith.constant 5 : i32
    %dma_start3A_139 = arith.constant 0 : i32
    %dma_start3A_140 = arith.constant 0 : i32
    %dma_start3A_141 = tpu.memref_slice %arg8[%dma_start3A_139, %dma_start3A_140] : memref<16x592xf32, #tpu.memory_space<vmem>> -> memref<16x592xf32, #tpu.memory_space<vmem>>
    %dma_start3A_142 = arith.constant 0 : i32
    %dma_start3A_143 = tpu.memref_slice %arg4[%dma_start3A_138, %mul3A_2, %dma_start3A_142] : memref<12x584x592xf32, #tpu.memory_space<hbm>> -> memref<1x16x592xf32, #tpu.memory_space<hbm>>
    %dma_start3A_144 = tpu.memref_squeeze %dma_start3A_143 : memref<1x16x592xf32, #tpu.memory_space<hbm>> -> memref<16x592xf32, #tpu.memory_space<hbm>>
    %dma_start3A_145 = arith.constant 0 : i32
    %dma_start3A_146 = tpu.memref_slice %arg4[%dma_start3A_138, %mul3A_2, %dma_start3A_145] : memref<12x584x592xf32, #tpu.memory_space<hbm>> -> memref<1x16x592xf32, #tpu.memory_space<hbm>>
    %dma_start3A_147 = tpu.memref_squeeze %dma_start3A_146 : memref<1x16x592xf32, #tpu.memory_space<hbm>> -> memref<16x592xf32, #tpu.memory_space<hbm>>
    %dma_start3A_148 = arith.constant 0 : i32
    %dma_start3A_149 = arith.constant 0 : i32
    %dma_start3A_150 = tpu.memref_slice %arg8[%dma_start3A_148, %dma_start3A_149] : memref<16x592xf32, #tpu.memory_space<vmem>> -> memref<16x592xf32, #tpu.memory_space<vmem>>
    tpu.enqueue_dma source(%dma_start3A_150 : memref<16x592xf32, #tpu.memory_space<vmem>>) target(%dma_start3A_147 : memref<16x592xf32, #tpu.memory_space<hbm>>) target_semaphore(%arg12 : memref<!tpu.dma_semaphore, #tpu.memory_space<semaphore_mem>>)
    %dma_wait3A_151 = arith.constant 2 : i32
    %dma_wait3A_152 = arith.constant 0 : i32
    %dma_wait3A_153 = arith.constant 0 : i32
    %dma_wait3A_154 = tpu.memref_slice %arg9[%dma_wait3A_152, %dma_wait3A_153] : memref<16x592xf32, #tpu.memory_space<vmem>> -> memref<16x592xf32, #tpu.memory_space<vmem>>
    %dma_wait3A_155 = arith.constant 0 : i32
    %dma_wait3A_156 = tpu.memref_slice %arg4[%dma_wait3A_151, %mul3A_2, %dma_wait3A_155] : memref<12x584x592xf32, #tpu.memory_space<hbm>> -> memref<1x16x592xf32, #tpu.memory_space<hbm>>
    %dma_wait3A_157 = tpu.memref_squeeze %dma_wait3A_156 : memref<1x16x592xf32, #tpu.memory_space<hbm>> -> memref<16x592xf32, #tpu.memory_space<hbm>>
    %dma_wait3A_158 = arith.constant 0 : i32
    %dma_wait3A_159 = tpu.memref_slice %arg4[%dma_wait3A_151, %mul3A_2, %dma_wait3A_158] : memref<12x584x592xf32, #tpu.memory_space<hbm>> -> memref<1x16x592xf32, #tpu.memory_space<hbm>>
    %dma_wait3A_160 = tpu.memref_squeeze %dma_wait3A_159 : memref<1x16x592xf32, #tpu.memory_space<hbm>> -> memref<16x592xf32, #tpu.memory_space<hbm>>
    %dma_wait3A_161 = arith.constant 0 : i32
    %dma_wait3A_162 = arith.constant 0 : i32
    %dma_wait3A_163 = tpu.memref_slice %arg9[%dma_wait3A_161, %dma_wait3A_162] : memref<16x592xf32, #tpu.memory_space<vmem>> -> memref<16x592xf32, #tpu.memory_space<vmem>>
    tpu.wait_dma2 semaphore(%arg13 : memref<!tpu.dma_semaphore, #tpu.memory_space<semaphore_mem>>) src(%dma_wait3A_163 : memref<16x592xf32, #tpu.memory_space<vmem>>) dst(%dma_wait3A_160 : memref<16x592xf32, #tpu.memory_space<hbm>>)
    %broadcast_in_dim3A_164 = arith.constant 13272 : i32
    %broadcast_in_dim3A_165 = vector.broadcast %broadcast_in_dim3A_164 : i32 to vector<16xi32>
    %scan3A_166 = arith.constant 0 : i32
    %scan3A_167 = arith.constant 0 : i32
    %scan3A_168 = arith.constant 16 : i32
    %scan3A_169 = arith.addi %scan3A_167, %scan3A_168 : i32
    %scan3A_170 = arith.constant 1 : i32
    scf.for %scan3A_409 = %scan3A_167 to %scan3A_169 step %scan3A_170  : i32 {
      %scan3A_410 = arith.constant 0 : i32
      %scan3A_411 = arith.constant 37 : i32
      %scan3A_412 = arith.addi %scan3A_410, %scan3A_411 : i32
      %scan3A_413 = arith.constant 1 : i32
      scf.for %scan3A_415 = %scan3A_410 to %scan3A_412 step %scan3A_413  : i32 {
        %mul3A_416 = arith.constant 16 : i32
        %mul3A_417 = arith.muli %scan3A_415, %mul3A_416 : i32
        %get3A = arith.index_cast %scan3A_409 : i32 to index
        %get3A_418 = arith.index_cast %mul3A_417 : i32 to index
        %get3A_419 = tpu.vector_load %arg5[%get3A, %get3A_418] {strides = array<i32>} : memref<16x592xi32, #tpu.memory_space<vmem>>, vector<16xi32>,
        %add3A_420 = arith.addi %get3A_419, %broadcast_in_dim3A_165 : vector<16xi32>
        %gather3A = tpu.vector_load_idx %arg6[%add3A_420] : memref<26544xf32, #tpu.memory_space<vmem>>[vector<16xi32>], vector<16xf32>,
        %swap3A = arith.index_cast %scan3A_409 : i32 to index
        %swap3A_421 = arith.index_cast %mul3A_417 : i32 to index
        %swap3A_422 = tpu.vector_load %arg9[%swap3A, %swap3A_421] {strides = array<i32>} : memref<16x592xf32, #tpu.memory_space<vmem>>, vector<16xf32>,
        tpu.vector_store %arg9[%swap3A, %swap3A_421], %gather3A {strides = array<i32>} : memref<16x592xf32, #tpu.memory_space<vmem>>, vector<16xf32>,
      }
      %scan3A_414 = arith.constant 37 : i32
    }
    %scan3A_171 = arith.constant 16 : i32
    %dma_start3A_172 = arith.constant 6 : i32
    %dma_start3A_173 = arith.constant 0 : i32
    %dma_start3A_174 = arith.constant 0 : i32
    %dma_start3A_175 = tpu.memref_slice %arg9[%dma_start3A_173, %dma_start3A_174] : memref<16x592xf32, #tpu.memory_space<vmem>> -> memref<16x592xf32, #tpu.memory_space<vmem>>
    %dma_start3A_176 = arith.constant 0 : i32
    %dma_start3A_177 = tpu.memref_slice %arg4[%dma_start3A_172, %mul3A_2, %dma_start3A_176] : memref<12x584x592xf32, #tpu.memory_space<hbm>> -> memref<1x16x592xf32, #tpu.memory_space<hbm>>
    %dma_start3A_178 = tpu.memref_squeeze %dma_start3A_177 : memref<1x16x592xf32, #tpu.memory_space<hbm>> -> memref<16x592xf32, #tpu.memory_space<hbm>>
    %dma_start3A_179 = arith.constant 0 : i32
    %dma_start3A_180 = tpu.memref_slice %arg4[%dma_start3A_172, %mul3A_2, %dma_start3A_179] : memref<12x584x592xf32, #tpu.memory_space<hbm>> -> memref<1x16x592xf32, #tpu.memory_space<hbm>>
    %dma_start3A_181 = tpu.memref_squeeze %dma_start3A_180 : memref<1x16x592xf32, #tpu.memory_space<hbm>> -> memref<16x592xf32, #tpu.memory_space<hbm>>
    %dma_start3A_182 = arith.constant 0 : i32
    %dma_start3A_183 = arith.constant 0 : i32
    %dma_start3A_184 = tpu.memref_slice %arg9[%dma_start3A_182, %dma_start3A_183] : memref<16x592xf32, #tpu.memory_space<vmem>> -> memref<16x592xf32, #tpu.memory_space<vmem>>
    tpu.enqueue_dma source(%dma_start3A_184 : memref<16x592xf32, #tpu.memory_space<vmem>>) target(%dma_start3A_181 : memref<16x592xf32, #tpu.memory_space<hbm>>) target_semaphore(%arg13 : memref<!tpu.dma_semaphore, #tpu.memory_space<semaphore_mem>>)
    %dma_wait3A_185 = arith.constant 3 : i32
    %dma_wait3A_186 = arith.constant 0 : i32
    %dma_wait3A_187 = arith.constant 0 : i32
    %dma_wait3A_188 = tpu.memref_slice %arg10[%dma_wait3A_186, %dma_wait3A_187] : memref<16x592xf32, #tpu.memory_space<vmem>> -> memref<16x592xf32, #tpu.memory_space<vmem>>
    %dma_wait3A_189 = arith.constant 0 : i32
    %dma_wait3A_190 = tpu.memref_slice %arg4[%dma_wait3A_185, %mul3A_2, %dma_wait3A_189] : memref<12x584x592xf32, #tpu.memory_space<hbm>> -> memref<1x16x592xf32, #tpu.memory_space<hbm>>
    %dma_wait3A_191 = tpu.memref_squeeze %dma_wait3A_190 : memref<1x16x592xf32, #tpu.memory_space<hbm>> -> memref<16x592xf32, #tpu.memory_space<hbm>>
    %dma_wait3A_192 = arith.constant 0 : i32
    %dma_wait3A_193 = tpu.memref_slice %arg4[%dma_wait3A_185, %mul3A_2, %dma_wait3A_192] : memref<12x584x592xf32, #tpu.memory_space<hbm>> -> memref<1x16x592xf32, #tpu.memory_space<hbm>>
    %dma_wait3A_194 = tpu.memref_squeeze %dma_wait3A_193 : memref<1x16x592xf32, #tpu.memory_space<hbm>> -> memref<16x592xf32, #tpu.memory_space<hbm>>
    %dma_wait3A_195 = arith.constant 0 : i32
    %dma_wait3A_196 = arith.constant 0 : i32
    %dma_wait3A_197 = tpu.memref_slice %arg10[%dma_wait3A_195, %dma_wait3A_196] : memref<16x592xf32, #tpu.memory_space<vmem>> -> memref<16x592xf32, #tpu.memory_space<vmem>>
    tpu.wait_dma2 semaphore(%arg14 : memref<!tpu.dma_semaphore, #tpu.memory_space<semaphore_mem>>) src(%dma_wait3A_197 : memref<16x592xf32, #tpu.memory_space<vmem>>) dst(%dma_wait3A_194 : memref<16x592xf32, #tpu.memory_space<hbm>>)
    %broadcast_in_dim3A_198 = arith.constant 15484 : i32
    %broadcast_in_dim3A_199 = vector.broadcast %broadcast_in_dim3A_198 : i32 to vector<16xi32>
    %scan3A_200 = arith.constant 0 : i32
    %scan3A_201 = arith.constant 0 : i32
    %scan3A_202 = arith.constant 16 : i32
    %scan3A_203 = arith.addi %scan3A_201, %scan3A_202 : i32
    %scan3A_204 = arith.constant 1 : i32
    scf.for %scan3A_409 = %scan3A_201 to %scan3A_203 step %scan3A_204  : i32 {
      %scan3A_410 = arith.constant 0 : i32
      %scan3A_411 = arith.constant 37 : i32
      %scan3A_412 = arith.addi %scan3A_410, %scan3A_411 : i32
      %scan3A_413 = arith.constant 1 : i32
      scf.for %scan3A_415 = %scan3A_410 to %scan3A_412 step %scan3A_413  : i32 {
        %mul3A_416 = arith.constant 16 : i32
        %mul3A_417 = arith.muli %scan3A_415, %mul3A_416 : i32
        %get3A = arith.index_cast %scan3A_409 : i32 to index
        %get3A_418 = arith.index_cast %mul3A_417 : i32 to index
        %get3A_419 = tpu.vector_load %arg5[%get3A, %get3A_418] {strides = array<i32>} : memref<16x592xi32, #tpu.memory_space<vmem>>, vector<16xi32>,
        %add3A_420 = arith.addi %get3A_419, %broadcast_in_dim3A_199 : vector<16xi32>
        %gather3A = tpu.vector_load_idx %arg6[%add3A_420] : memref<26544xf32, #tpu.memory_space<vmem>>[vector<16xi32>], vector<16xf32>,
        %swap3A = arith.index_cast %scan3A_409 : i32 to index
        %swap3A_421 = arith.index_cast %mul3A_417 : i32 to index
        %swap3A_422 = tpu.vector_load %arg10[%swap3A, %swap3A_421] {strides = array<i32>} : memref<16x592xf32, #tpu.memory_space<vmem>>, vector<16xf32>,
        tpu.vector_store %arg10[%swap3A, %swap3A_421], %gather3A {strides = array<i32>} : memref<16x592xf32, #tpu.memory_space<vmem>>, vector<16xf32>,
      }
      %scan3A_414 = arith.constant 37 : i32
    }
    %scan3A_205 = arith.constant 16 : i32
    %dma_start3A_206 = arith.constant 7 : i32
    %dma_start3A_207 = arith.constant 0 : i32
    %dma_start3A_208 = arith.constant 0 : i32
    %dma_start3A_209 = tpu.memref_slice %arg10[%dma_start3A_207, %dma_start3A_208] : memref<16x592xf32, #tpu.memory_space<vmem>> -> memref<16x592xf32, #tpu.memory_space<vmem>>
    %dma_start3A_210 = arith.constant 0 : i32
    %dma_start3A_211 = tpu.memref_slice %arg4[%dma_start3A_206, %mul3A_2, %dma_start3A_210] : memref<12x584x592xf32, #tpu.memory_space<hbm>> -> memref<1x16x592xf32, #tpu.memory_space<hbm>>
    %dma_start3A_212 = tpu.memref_squeeze %dma_start3A_211 : memref<1x16x592xf32, #tpu.memory_space<hbm>> -> memref<16x592xf32, #tpu.memory_space<hbm>>
    %dma_start3A_213 = arith.constant 0 : i32
    %dma_start3A_214 = tpu.memref_slice %arg4[%dma_start3A_206, %mul3A_2, %dma_start3A_213] : memref<12x584x592xf32, #tpu.memory_space<hbm>> -> memref<1x16x592xf32, #tpu.memory_space<hbm>>
    %dma_start3A_215 = tpu.memref_squeeze %dma_start3A_214 : memref<1x16x592xf32, #tpu.memory_space<hbm>> -> memref<16x592xf32, #tpu.memory_space<hbm>>
    %dma_start3A_216 = arith.constant 0 : i32
    %dma_start3A_217 = arith.constant 0 : i32
    %dma_start3A_218 = tpu.memref_slice %arg10[%dma_start3A_216, %dma_start3A_217] : memref<16x592xf32, #tpu.memory_space<vmem>> -> memref<16x592xf32, #tpu.memory_space<vmem>>
    tpu.enqueue_dma source(%dma_start3A_218 : memref<16x592xf32, #tpu.memory_space<vmem>>) target(%dma_start3A_215 : memref<16x592xf32, #tpu.memory_space<hbm>>) target_semaphore(%arg14 : memref<!tpu.dma_semaphore, #tpu.memory_space<semaphore_mem>>)
    %dma_wait3A_219 = arith.constant 4 : i32
    %dma_wait3A_220 = arith.constant 0 : i32
    %dma_wait3A_221 = arith.constant 0 : i32
    %dma_wait3A_222 = tpu.memref_slice %arg7[%dma_wait3A_220, %dma_wait3A_221] : memref<16x592xf32, #tpu.memory_space<vmem>> -> memref<16x592xf32, #tpu.memory_space<vmem>>
    %dma_wait3A_223 = arith.constant 0 : i32
    %dma_wait3A_224 = tpu.memref_slice %arg4[%dma_wait3A_219, %mul3A_2, %dma_wait3A_223] : memref<12x584x592xf32, #tpu.memory_space<hbm>> -> memref<1x16x592xf32, #tpu.memory_space<hbm>>
    %dma_wait3A_225 = tpu.memref_squeeze %dma_wait3A_224 : memref<1x16x592xf32, #tpu.memory_space<hbm>> -> memref<16x592xf32, #tpu.memory_space<hbm>>
    %dma_wait3A_226 = arith.constant 0 : i32
    %dma_wait3A_227 = tpu.memref_slice %arg4[%dma_wait3A_219, %mul3A_2, %dma_wait3A_226] : memref<12x584x592xf32, #tpu.memory_space<hbm>> -> memref<1x16x592xf32, #tpu.memory_space<hbm>>
    %dma_wait3A_228 = tpu.memref_squeeze %dma_wait3A_227 : memref<1x16x592xf32, #tpu.memory_space<hbm>> -> memref<16x592xf32, #tpu.memory_space<hbm>>
    %dma_wait3A_229 = arith.constant 0 : i32
    %dma_wait3A_230 = arith.constant 0 : i32
    %dma_wait3A_231 = tpu.memref_slice %arg7[%dma_wait3A_229, %dma_wait3A_230] : memref<16x592xf32, #tpu.memory_space<vmem>> -> memref<16x592xf32, #tpu.memory_space<vmem>>
    tpu.wait_dma2 semaphore(%arg11 : memref<!tpu.dma_semaphore, #tpu.memory_space<semaphore_mem>>) src(%dma_wait3A_231 : memref<16x592xf32, #tpu.memory_space<vmem>>) dst(%dma_wait3A_228 : memref<16x592xf32, #tpu.memory_space<hbm>>)
    %broadcast_in_dim3A_232 = arith.constant 17696 : i32
    %broadcast_in_dim3A_233 = vector.broadcast %broadcast_in_dim3A_232 : i32 to vector<16xi32>
    %scan3A_234 = arith.constant 0 : i32
    %scan3A_235 = arith.constant 0 : i32
    %scan3A_236 = arith.constant 16 : i32
    %scan3A_237 = arith.addi %scan3A_235, %scan3A_236 : i32
    %scan3A_238 = arith.constant 1 : i32
    scf.for %scan3A_409 = %scan3A_235 to %scan3A_237 step %scan3A_238  : i32 {
      %scan3A_410 = arith.constant 0 : i32
      %scan3A_411 = arith.constant 37 : i32
      %scan3A_412 = arith.addi %scan3A_410, %scan3A_411 : i32
      %scan3A_413 = arith.constant 1 : i32
      scf.for %scan3A_415 = %scan3A_410 to %scan3A_412 step %scan3A_413  : i32 {
        %mul3A_416 = arith.constant 16 : i32
        %mul3A_417 = arith.muli %scan3A_415, %mul3A_416 : i32
        %get3A = arith.index_cast %scan3A_409 : i32 to index
        %get3A_418 = arith.index_cast %mul3A_417 : i32 to index
        %get3A_419 = tpu.vector_load %arg5[%get3A, %get3A_418] {strides = array<i32>} : memref<16x592xi32, #tpu.memory_space<vmem>>, vector<16xi32>,
        %add3A_420 = arith.addi %get3A_419, %broadcast_in_dim3A_233 : vector<16xi32>
        %gather3A = tpu.vector_load_idx %arg6[%add3A_420] : memref<26544xf32, #tpu.memory_space<vmem>>[vector<16xi32>], vector<16xf32>,
        %swap3A = arith.index_cast %scan3A_409 : i32 to index
        %swap3A_421 = arith.index_cast %mul3A_417 : i32 to index
        %swap3A_422 = tpu.vector_load %arg7[%swap3A, %swap3A_421] {strides = array<i32>} : memref<16x592xf32, #tpu.memory_space<vmem>>, vector<16xf32>,
        tpu.vector_store %arg7[%swap3A, %swap3A_421], %gather3A {strides = array<i32>} : memref<16x592xf32, #tpu.memory_space<vmem>>, vector<16xf32>,
      }
      %scan3A_414 = arith.constant 37 : i32
    }
    %scan3A_239 = arith.constant 16 : i32
    %dma_start3A_240 = arith.constant 8 : i32
    %dma_start3A_241 = arith.constant 0 : i32
    %dma_start3A_242 = arith.constant 0 : i32
    %dma_start3A_243 = tpu.memref_slice %arg7[%dma_start3A_241, %dma_start3A_242] : memref<16x592xf32, #tpu.memory_space<vmem>> -> memref<16x592xf32, #tpu.memory_space<vmem>>
    %dma_start3A_244 = arith.constant 0 : i32
    %dma_start3A_245 = tpu.memref_slice %arg4[%dma_start3A_240, %mul3A_2, %dma_start3A_244] : memref<12x584x592xf32, #tpu.memory_space<hbm>> -> memref<1x16x592xf32, #tpu.memory_space<hbm>>
    %dma_start3A_246 = tpu.memref_squeeze %dma_start3A_245 : memref<1x16x592xf32, #tpu.memory_space<hbm>> -> memref<16x592xf32, #tpu.memory_space<hbm>>
    %dma_start3A_247 = arith.constant 0 : i32
    %dma_start3A_248 = tpu.memref_slice %arg4[%dma_start3A_240, %mul3A_2, %dma_start3A_247] : memref<12x584x592xf32, #tpu.memory_space<hbm>> -> memref<1x16x592xf32, #tpu.memory_space<hbm>>
    %dma_start3A_249 = tpu.memref_squeeze %dma_start3A_248 : memref<1x16x592xf32, #tpu.memory_space<hbm>> -> memref<16x592xf32, #tpu.memory_space<hbm>>
    %dma_start3A_250 = arith.constant 0 : i32
    %dma_start3A_251 = arith.constant 0 : i32
    %dma_start3A_252 = tpu.memref_slice %arg7[%dma_start3A_250, %dma_start3A_251] : memref<16x592xf32, #tpu.memory_space<vmem>> -> memref<16x592xf32, #tpu.memory_space<vmem>>
    tpu.enqueue_dma source(%dma_start3A_252 : memref<16x592xf32, #tpu.memory_space<vmem>>) target(%dma_start3A_249 : memref<16x592xf32, #tpu.memory_space<hbm>>) target_semaphore(%arg11 : memref<!tpu.dma_semaphore, #tpu.memory_space<semaphore_mem>>)
    %dma_wait3A_253 = arith.constant 5 : i32
    %dma_wait3A_254 = arith.constant 0 : i32
    %dma_wait3A_255 = arith.constant 0 : i32
    %dma_wait3A_256 = tpu.memref_slice %arg8[%dma_wait3A_254, %dma_wait3A_255] : memref<16x592xf32, #tpu.memory_space<vmem>> -> memref<16x592xf32, #tpu.memory_space<vmem>>
    %dma_wait3A_257 = arith.constant 0 : i32
    %dma_wait3A_258 = tpu.memref_slice %arg4[%dma_wait3A_253, %mul3A_2, %dma_wait3A_257] : memref<12x584x592xf32, #tpu.memory_space<hbm>> -> memref<1x16x592xf32, #tpu.memory_space<hbm>>
    %dma_wait3A_259 = tpu.memref_squeeze %dma_wait3A_258 : memref<1x16x592xf32, #tpu.memory_space<hbm>> -> memref<16x592xf32, #tpu.memory_space<hbm>>
    %dma_wait3A_260 = arith.constant 0 : i32
    %dma_wait3A_261 = tpu.memref_slice %arg4[%dma_wait3A_253, %mul3A_2, %dma_wait3A_260] : memref<12x584x592xf32, #tpu.memory_space<hbm>> -> memref<1x16x592xf32, #tpu.memory_space<hbm>>
    %dma_wait3A_262 = tpu.memref_squeeze %dma_wait3A_261 : memref<1x16x592xf32, #tpu.memory_space<hbm>> -> memref<16x592xf32, #tpu.memory_space<hbm>>
    %dma_wait3A_263 = arith.constant 0 : i32
    %dma_wait3A_264 = arith.constant 0 : i32
    %dma_wait3A_265 = tpu.memref_slice %arg8[%dma_wait3A_263, %dma_wait3A_264] : memref<16x592xf32, #tpu.memory_space<vmem>> -> memref<16x592xf32, #tpu.memory_space<vmem>>
    tpu.wait_dma2 semaphore(%arg12 : memref<!tpu.dma_semaphore, #tpu.memory_space<semaphore_mem>>) src(%dma_wait3A_265 : memref<16x592xf32, #tpu.memory_space<vmem>>) dst(%dma_wait3A_262 : memref<16x592xf32, #tpu.memory_space<hbm>>)
    %broadcast_in_dim3A_266 = arith.constant 19908 : i32
    %broadcast_in_dim3A_267 = vector.broadcast %broadcast_in_dim3A_266 : i32 to vector<16xi32>
    %scan3A_268 = arith.constant 0 : i32
    %scan3A_269 = arith.constant 0 : i32
    %scan3A_270 = arith.constant 16 : i32
    %scan3A_271 = arith.addi %scan3A_269, %scan3A_270 : i32
    %scan3A_272 = arith.constant 1 : i32
    scf.for %scan3A_409 = %scan3A_269 to %scan3A_271 step %scan3A_272  : i32 {
      %scan3A_410 = arith.constant 0 : i32
      %scan3A_411 = arith.constant 37 : i32
      %scan3A_412 = arith.addi %scan3A_410, %scan3A_411 : i32
      %scan3A_413 = arith.constant 1 : i32
      scf.for %scan3A_415 = %scan3A_410 to %scan3A_412 step %scan3A_413  : i32 {
        %mul3A_416 = arith.constant 16 : i32
        %mul3A_417 = arith.muli %scan3A_415, %mul3A_416 : i32
        %get3A = arith.index_cast %scan3A_409 : i32 to index
        %get3A_418 = arith.index_cast %mul3A_417 : i32 to index
        %get3A_419 = tpu.vector_load %arg5[%get3A, %get3A_418] {strides = array<i32>} : memref<16x592xi32, #tpu.memory_space<vmem>>, vector<16xi32>,
        %add3A_420 = arith.addi %get3A_419, %broadcast_in_dim3A_267 : vector<16xi32>
        %gather3A = tpu.vector_load_idx %arg6[%add3A_420] : memref<26544xf32, #tpu.memory_space<vmem>>[vector<16xi32>], vector<16xf32>,
        %swap3A = arith.index_cast %scan3A_409 : i32 to index
        %swap3A_421 = arith.index_cast %mul3A_417 : i32 to index
        %swap3A_422 = tpu.vector_load %arg8[%swap3A, %swap3A_421] {strides = array<i32>} : memref<16x592xf32, #tpu.memory_space<vmem>>, vector<16xf32>,
        tpu.vector_store %arg8[%swap3A, %swap3A_421], %gather3A {strides = array<i32>} : memref<16x592xf32, #tpu.memory_space<vmem>>, vector<16xf32>,
      }
      %scan3A_414 = arith.constant 37 : i32
    }
    %scan3A_273 = arith.constant 16 : i32
    %dma_start3A_274 = arith.constant 9 : i32
    %dma_start3A_275 = arith.constant 0 : i32
    %dma_start3A_276 = arith.constant 0 : i32
    %dma_start3A_277 = tpu.memref_slice %arg8[%dma_start3A_275, %dma_start3A_276] : memref<16x592xf32, #tpu.memory_space<vmem>> -> memref<16x592xf32, #tpu.memory_space<vmem>>
    %dma_start3A_278 = arith.constant 0 : i32
    %dma_start3A_279 = tpu.memref_slice %arg4[%dma_start3A_274, %mul3A_2, %dma_start3A_278] : memref<12x584x592xf32, #tpu.memory_space<hbm>> -> memref<1x16x592xf32, #tpu.memory_space<hbm>>
    %dma_start3A_280 = tpu.memref_squeeze %dma_start3A_279 : memref<1x16x592xf32, #tpu.memory_space<hbm>> -> memref<16x592xf32, #tpu.memory_space<hbm>>
    %dma_start3A_281 = arith.constant 0 : i32
    %dma_start3A_282 = tpu.memref_slice %arg4[%dma_start3A_274, %mul3A_2, %dma_start3A_281] : memref<12x584x592xf32, #tpu.memory_space<hbm>> -> memref<1x16x592xf32, #tpu.memory_space<hbm>>
    %dma_start3A_283 = tpu.memref_squeeze %dma_start3A_282 : memref<1x16x592xf32, #tpu.memory_space<hbm>> -> memref<16x592xf32, #tpu.memory_space<hbm>>
    %dma_start3A_284 = arith.constant 0 : i32
    %dma_start3A_285 = arith.constant 0 : i32
    %dma_start3A_286 = tpu.memref_slice %arg8[%dma_start3A_284, %dma_start3A_285] : memref<16x592xf32, #tpu.memory_space<vmem>> -> memref<16x592xf32, #tpu.memory_space<vmem>>
    tpu.enqueue_dma source(%dma_start3A_286 : memref<16x592xf32, #tpu.memory_space<vmem>>) target(%dma_start3A_283 : memref<16x592xf32, #tpu.memory_space<hbm>>) target_semaphore(%arg12 : memref<!tpu.dma_semaphore, #tpu.memory_space<semaphore_mem>>)
    %dma_wait3A_287 = arith.constant 6 : i32
    %dma_wait3A_288 = arith.constant 0 : i32
    %dma_wait3A_289 = arith.constant 0 : i32
    %dma_wait3A_290 = tpu.memref_slice %arg9[%dma_wait3A_288, %dma_wait3A_289] : memref<16x592xf32, #tpu.memory_space<vmem>> -> memref<16x592xf32, #tpu.memory_space<vmem>>
    %dma_wait3A_291 = arith.constant 0 : i32
    %dma_wait3A_292 = tpu.memref_slice %arg4[%dma_wait3A_287, %mul3A_2, %dma_wait3A_291] : memref<12x584x592xf32, #tpu.memory_space<hbm>> -> memref<1x16x592xf32, #tpu.memory_space<hbm>>
    %dma_wait3A_293 = tpu.memref_squeeze %dma_wait3A_292 : memref<1x16x592xf32, #tpu.memory_space<hbm>> -> memref<16x592xf32, #tpu.memory_space<hbm>>
    %dma_wait3A_294 = arith.constant 0 : i32
    %dma_wait3A_295 = tpu.memref_slice %arg4[%dma_wait3A_287, %mul3A_2, %dma_wait3A_294] : memref<12x584x592xf32, #tpu.memory_space<hbm>> -> memref<1x16x592xf32, #tpu.memory_space<hbm>>
    %dma_wait3A_296 = tpu.memref_squeeze %dma_wait3A_295 : memref<1x16x592xf32, #tpu.memory_space<hbm>> -> memref<16x592xf32, #tpu.memory_space<hbm>>
    %dma_wait3A_297 = arith.constant 0 : i32
    %dma_wait3A_298 = arith.constant 0 : i32
    %dma_wait3A_299 = tpu.memref_slice %arg9[%dma_wait3A_297, %dma_wait3A_298] : memref<16x592xf32, #tpu.memory_space<vmem>> -> memref<16x592xf32, #tpu.memory_space<vmem>>
    tpu.wait_dma2 semaphore(%arg13 : memref<!tpu.dma_semaphore, #tpu.memory_space<semaphore_mem>>) src(%dma_wait3A_299 : memref<16x592xf32, #tpu.memory_space<vmem>>) dst(%dma_wait3A_296 : memref<16x592xf32, #tpu.memory_space<hbm>>)
    %broadcast_in_dim3A_300 = arith.constant 22120 : i32
    %broadcast_in_dim3A_301 = vector.broadcast %broadcast_in_dim3A_300 : i32 to vector<16xi32>
    %scan3A_302 = arith.constant 0 : i32
    %scan3A_303 = arith.constant 0 : i32
    %scan3A_304 = arith.constant 16 : i32
    %scan3A_305 = arith.addi %scan3A_303, %scan3A_304 : i32
    %scan3A_306 = arith.constant 1 : i32
    scf.for %scan3A_409 = %scan3A_303 to %scan3A_305 step %scan3A_306  : i32 {
      %scan3A_410 = arith.constant 0 : i32
      %scan3A_411 = arith.constant 37 : i32
      %scan3A_412 = arith.addi %scan3A_410, %scan3A_411 : i32
      %scan3A_413 = arith.constant 1 : i32
      scf.for %scan3A_415 = %scan3A_410 to %scan3A_412 step %scan3A_413  : i32 {
        %mul3A_416 = arith.constant 16 : i32
        %mul3A_417 = arith.muli %scan3A_415, %mul3A_416 : i32
        %get3A = arith.index_cast %scan3A_409 : i32 to index
        %get3A_418 = arith.index_cast %mul3A_417 : i32 to index
        %get3A_419 = tpu.vector_load %arg5[%get3A, %get3A_418] {strides = array<i32>} : memref<16x592xi32, #tpu.memory_space<vmem>>, vector<16xi32>,
        %add3A_420 = arith.addi %get3A_419, %broadcast_in_dim3A_301 : vector<16xi32>
        %gather3A = tpu.vector_load_idx %arg6[%add3A_420] : memref<26544xf32, #tpu.memory_space<vmem>>[vector<16xi32>], vector<16xf32>,
        %swap3A = arith.index_cast %scan3A_409 : i32 to index
        %swap3A_421 = arith.index_cast %mul3A_417 : i32 to index
        %swap3A_422 = tpu.vector_load %arg9[%swap3A, %swap3A_421] {strides = array<i32>} : memref<16x592xf32, #tpu.memory_space<vmem>>, vector<16xf32>,
        tpu.vector_store %arg9[%swap3A, %swap3A_421], %gather3A {strides = array<i32>} : memref<16x592xf32, #tpu.memory_space<vmem>>, vector<16xf32>,
      }
      %scan3A_414 = arith.constant 37 : i32
    }
    %scan3A_307 = arith.constant 16 : i32
    %dma_start3A_308 = arith.constant 10 : i32
    %dma_start3A_309 = arith.constant 0 : i32
    %dma_start3A_310 = arith.constant 0 : i32
    %dma_start3A_311 = tpu.memref_slice %arg9[%dma_start3A_309, %dma_start3A_310] : memref<16x592xf32, #tpu.memory_space<vmem>> -> memref<16x592xf32, #tpu.memory_space<vmem>>
    %dma_start3A_312 = arith.constant 0 : i32
    %dma_start3A_313 = tpu.memref_slice %arg4[%dma_start3A_308, %mul3A_2, %dma_start3A_312] : memref<12x584x592xf32, #tpu.memory_space<hbm>> -> memref<1x16x592xf32, #tpu.memory_space<hbm>>
    %dma_start3A_314 = tpu.memref_squeeze %dma_start3A_313 : memref<1x16x592xf32, #tpu.memory_space<hbm>> -> memref<16x592xf32, #tpu.memory_space<hbm>>
    %dma_start3A_315 = arith.constant 0 : i32
    %dma_start3A_316 = tpu.memref_slice %arg4[%dma_start3A_308, %mul3A_2, %dma_start3A_315] : memref<12x584x592xf32, #tpu.memory_space<hbm>> -> memref<1x16x592xf32, #tpu.memory_space<hbm>>
    %dma_start3A_317 = tpu.memref_squeeze %dma_start3A_316 : memref<1x16x592xf32, #tpu.memory_space<hbm>> -> memref<16x592xf32, #tpu.memory_space<hbm>>
    %dma_start3A_318 = arith.constant 0 : i32
    %dma_start3A_319 = arith.constant 0 : i32
    %dma_start3A_320 = tpu.memref_slice %arg9[%dma_start3A_318, %dma_start3A_319] : memref<16x592xf32, #tpu.memory_space<vmem>> -> memref<16x592xf32, #tpu.memory_space<vmem>>
    tpu.enqueue_dma source(%dma_start3A_320 : memref<16x592xf32, #tpu.memory_space<vmem>>) target(%dma_start3A_317 : memref<16x592xf32, #tpu.memory_space<hbm>>) target_semaphore(%arg13 : memref<!tpu.dma_semaphore, #tpu.memory_space<semaphore_mem>>)
    %dma_wait3A_321 = arith.constant 7 : i32
    %dma_wait3A_322 = arith.constant 0 : i32
    %dma_wait3A_323 = arith.constant 0 : i32
    %dma_wait3A_324 = tpu.memref_slice %arg10[%dma_wait3A_322, %dma_wait3A_323] : memref<16x592xf32, #tpu.memory_space<vmem>> -> memref<16x592xf32, #tpu.memory_space<vmem>>
    %dma_wait3A_325 = arith.constant 0 : i32
    %dma_wait3A_326 = tpu.memref_slice %arg4[%dma_wait3A_321, %mul3A_2, %dma_wait3A_325] : memref<12x584x592xf32, #tpu.memory_space<hbm>> -> memref<1x16x592xf32, #tpu.memory_space<hbm>>
    %dma_wait3A_327 = tpu.memref_squeeze %dma_wait3A_326 : memref<1x16x592xf32, #tpu.memory_space<hbm>> -> memref<16x592xf32, #tpu.memory_space<hbm>>
    %dma_wait3A_328 = arith.constant 0 : i32
    %dma_wait3A_329 = tpu.memref_slice %arg4[%dma_wait3A_321, %mul3A_2, %dma_wait3A_328] : memref<12x584x592xf32, #tpu.memory_space<hbm>> -> memref<1x16x592xf32, #tpu.memory_space<hbm>>
    %dma_wait3A_330 = tpu.memref_squeeze %dma_wait3A_329 : memref<1x16x592xf32, #tpu.memory_space<hbm>> -> memref<16x592xf32, #tpu.memory_space<hbm>>
    %dma_wait3A_331 = arith.constant 0 : i32
    %dma_wait3A_332 = arith.constant 0 : i32
    %dma_wait3A_333 = tpu.memref_slice %arg10[%dma_wait3A_331, %dma_wait3A_332] : memref<16x592xf32, #tpu.memory_space<vmem>> -> memref<16x592xf32, #tpu.memory_space<vmem>>
    tpu.wait_dma2 semaphore(%arg14 : memref<!tpu.dma_semaphore, #tpu.memory_space<semaphore_mem>>) src(%dma_wait3A_333 : memref<16x592xf32, #tpu.memory_space<vmem>>) dst(%dma_wait3A_330 : memref<16x592xf32, #tpu.memory_space<hbm>>)
    %broadcast_in_dim3A_334 = arith.constant 24332 : i32
    %broadcast_in_dim3A_335 = vector.broadcast %broadcast_in_dim3A_334 : i32 to vector<16xi32>
    %scan3A_336 = arith.constant 0 : i32
    %scan3A_337 = arith.constant 0 : i32
    %scan3A_338 = arith.constant 16 : i32
    %scan3A_339 = arith.addi %scan3A_337, %scan3A_338 : i32
    %scan3A_340 = arith.constant 1 : i32
    scf.for %scan3A_409 = %scan3A_337 to %scan3A_339 step %scan3A_340  : i32 {
      %scan3A_410 = arith.constant 0 : i32
      %scan3A_411 = arith.constant 37 : i32
      %scan3A_412 = arith.addi %scan3A_410, %scan3A_411 : i32
      %scan3A_413 = arith.constant 1 : i32
      scf.for %scan3A_415 = %scan3A_410 to %scan3A_412 step %scan3A_413  : i32 {
        %mul3A_416 = arith.constant 16 : i32
        %mul3A_417 = arith.muli %scan3A_415, %mul3A_416 : i32
        %get3A = arith.index_cast %scan3A_409 : i32 to index
        %get3A_418 = arith.index_cast %mul3A_417 : i32 to index
        %get3A_419 = tpu.vector_load %arg5[%get3A, %get3A_418] {strides = array<i32>} : memref<16x592xi32, #tpu.memory_space<vmem>>, vector<16xi32>,
        %add3A_420 = arith.addi %get3A_419, %broadcast_in_dim3A_335 : vector<16xi32>
        %gather3A = tpu.vector_load_idx %arg6[%add3A_420] : memref<26544xf32, #tpu.memory_space<vmem>>[vector<16xi32>], vector<16xf32>,
        %swap3A = arith.index_cast %scan3A_409 : i32 to index
        %swap3A_421 = arith.index_cast %mul3A_417 : i32 to index
        %swap3A_422 = tpu.vector_load %arg10[%swap3A, %swap3A_421] {strides = array<i32>} : memref<16x592xf32, #tpu.memory_space<vmem>>, vector<16xf32>,
        tpu.vector_store %arg10[%swap3A, %swap3A_421], %gather3A {strides = array<i32>} : memref<16x592xf32, #tpu.memory_space<vmem>>, vector<16xf32>,
      }
      %scan3A_414 = arith.constant 37 : i32
    }
    %scan3A_341 = arith.constant 16 : i32
    %dma_start3A_342 = arith.constant 11 : i32
    %dma_start3A_343 = arith.constant 0 : i32
    %dma_start3A_344 = arith.constant 0 : i32
    %dma_start3A_345 = tpu.memref_slice %arg10[%dma_start3A_343, %dma_start3A_344] : memref<16x592xf32, #tpu.memory_space<vmem>> -> memref<16x592xf32, #tpu.memory_space<vmem>>
    %dma_start3A_346 = arith.constant 0 : i32
    %dma_start3A_347 = tpu.memref_slice %arg4[%dma_start3A_342, %mul3A_2, %dma_start3A_346] : memref<12x584x592xf32, #tpu.memory_space<hbm>> -> memref<1x16x592xf32, #tpu.memory_space<hbm>>
    %dma_start3A_348 = tpu.memref_squeeze %dma_start3A_347 : memref<1x16x592xf32, #tpu.memory_space<hbm>> -> memref<16x592xf32, #tpu.memory_space<hbm>>
    %dma_start3A_349 = arith.constant 0 : i32
    %dma_start3A_350 = tpu.memref_slice %arg4[%dma_start3A_342, %mul3A_2, %dma_start3A_349] : memref<12x584x592xf32, #tpu.memory_space<hbm>> -> memref<1x16x592xf32, #tpu.memory_space<hbm>>
    %dma_start3A_351 = tpu.memref_squeeze %dma_start3A_350 : memref<1x16x592xf32, #tpu.memory_space<hbm>> -> memref<16x592xf32, #tpu.memory_space<hbm>>
    %dma_start3A_352 = arith.constant 0 : i32
    %dma_start3A_353 = arith.constant 0 : i32
    %dma_start3A_354 = tpu.memref_slice %arg10[%dma_start3A_352, %dma_start3A_353] : memref<16x592xf32, #tpu.memory_space<vmem>> -> memref<16x592xf32, #tpu.memory_space<vmem>>
    tpu.enqueue_dma source(%dma_start3A_354 : memref<16x592xf32, #tpu.memory_space<vmem>>) target(%dma_start3A_351 : memref<16x592xf32, #tpu.memory_space<hbm>>) target_semaphore(%arg14 : memref<!tpu.dma_semaphore, #tpu.memory_space<semaphore_mem>>)
    %dma_wait3A_355 = arith.constant 8 : i32
    %dma_wait3A_356 = arith.constant 0 : i32
    %dma_wait3A_357 = arith.constant 0 : i32
    %dma_wait3A_358 = tpu.memref_slice %arg7[%dma_wait3A_356, %dma_wait3A_357] : memref<16x592xf32, #tpu.memory_space<vmem>> -> memref<16x592xf32, #tpu.memory_space<vmem>>
    %dma_wait3A_359 = arith.constant 0 : i32
    %dma_wait3A_360 = tpu.memref_slice %arg4[%dma_wait3A_355, %mul3A_2, %dma_wait3A_359] : memref<12x584x592xf32, #tpu.memory_space<hbm>> -> memref<1x16x592xf32, #tpu.memory_space<hbm>>
    %dma_wait3A_361 = tpu.memref_squeeze %dma_wait3A_360 : memref<1x16x592xf32, #tpu.memory_space<hbm>> -> memref<16x592xf32, #tpu.memory_space<hbm>>
    %dma_wait3A_362 = arith.constant 0 : i32
    %dma_wait3A_363 = tpu.memref_slice %arg4[%dma_wait3A_355, %mul3A_2, %dma_wait3A_362] : memref<12x584x592xf32, #tpu.memory_space<hbm>> -> memref<1x16x592xf32, #tpu.memory_space<hbm>>
    %dma_wait3A_364 = tpu.memref_squeeze %dma_wait3A_363 : memref<1x16x592xf32, #tpu.memory_space<hbm>> -> memref<16x592xf32, #tpu.memory_space<hbm>>
    %dma_wait3A_365 = arith.constant 0 : i32
    %dma_wait3A_366 = arith.constant 0 : i32
    %dma_wait3A_367 = tpu.memref_slice %arg7[%dma_wait3A_365, %dma_wait3A_366] : memref<16x592xf32, #tpu.memory_space<vmem>> -> memref<16x592xf32, #tpu.memory_space<vmem>>
    tpu.wait_dma2 semaphore(%arg11 : memref<!tpu.dma_semaphore, #tpu.memory_space<semaphore_mem>>) src(%dma_wait3A_367 : memref<16x592xf32, #tpu.memory_space<vmem>>) dst(%dma_wait3A_364 : memref<16x592xf32, #tpu.memory_space<hbm>>)
    %dma_wait3A_368 = arith.constant 9 : i32
    %dma_wait3A_369 = arith.constant 0 : i32
    %dma_wait3A_370 = arith.constant 0 : i32
    %dma_wait3A_371 = tpu.memref_slice %arg8[%dma_wait3A_369, %dma_wait3A_370] : memref<16x592xf32, #tpu.memory_space<vmem>> -> memref<16x592xf32, #tpu.memory_space<vmem>>
    %dma_wait3A_372 = arith.constant 0 : i32
    %dma_wait3A_373 = tpu.memref_slice %arg4[%dma_wait3A_368, %mul3A_2, %dma_wait3A_372] : memref<12x584x592xf32, #tpu.memory_space<hbm>> -> memref<1x16x592xf32, #tpu.memory_space<hbm>>
    %dma_wait3A_374 = tpu.memref_squeeze %dma_wait3A_373 : memref<1x16x592xf32, #tpu.memory_space<hbm>> -> memref<16x592xf32, #tpu.memory_space<hbm>>
    %dma_wait3A_375 = arith.constant 0 : i32
    %dma_wait3A_376 = tpu.memref_slice %arg4[%dma_wait3A_368, %mul3A_2, %dma_wait3A_375] : memref<12x584x592xf32, #tpu.memory_space<hbm>> -> memref<1x16x592xf32, #tpu.memory_space<hbm>>
    %dma_wait3A_377 = tpu.memref_squeeze %dma_wait3A_376 : memref<1x16x592xf32, #tpu.memory_space<hbm>> -> memref<16x592xf32, #tpu.memory_space<hbm>>
    %dma_wait3A_378 = arith.constant 0 : i32
    %dma_wait3A_379 = arith.constant 0 : i32
    %dma_wait3A_380 = tpu.memref_slice %arg8[%dma_wait3A_378, %dma_wait3A_379] : memref<16x592xf32, #tpu.memory_space<vmem>> -> memref<16x592xf32, #tpu.memory_space<vmem>>
    tpu.wait_dma2 semaphore(%arg12 : memref<!tpu.dma_semaphore, #tpu.memory_space<semaphore_mem>>) src(%dma_wait3A_380 : memref<16x592xf32, #tpu.memory_space<vmem>>) dst(%dma_wait3A_377 : memref<16x592xf32, #tpu.memory_space<hbm>>)
    %dma_wait3A_381 = arith.constant 10 : i32
    %dma_wait3A_382 = arith.constant 0 : i32
    %dma_wait3A_383 = arith.constant 0 : i32
    %dma_wait3A_384 = tpu.memref_slice %arg9[%dma_wait3A_382, %dma_wait3A_383] : memref<16x592xf32, #tpu.memory_space<vmem>> -> memref<16x592xf32, #tpu.memory_space<vmem>>
    %dma_wait3A_385 = arith.constant 0 : i32
    %dma_wait3A_386 = tpu.memref_slice %arg4[%dma_wait3A_381, %mul3A_2, %dma_wait3A_385] : memref<12x584x592xf32, #tpu.memory_space<hbm>> -> memref<1x16x592xf32, #tpu.memory_space<hbm>>
    %dma_wait3A_387 = tpu.memref_squeeze %dma_wait3A_386 : memref<1x16x592xf32, #tpu.memory_space<hbm>> -> memref<16x592xf32, #tpu.memory_space<hbm>>
    %dma_wait3A_388 = arith.constant 0 : i32
    %dma_wait3A_389 = tpu.memref_slice %arg4[%dma_wait3A_381, %mul3A_2, %dma_wait3A_388] : memref<12x584x592xf32, #tpu.memory_space<hbm>> -> memref<1x16x592xf32, #tpu.memory_space<hbm>>
    %dma_wait3A_390 = tpu.memref_squeeze %dma_wait3A_389 : memref<1x16x592xf32, #tpu.memory_space<hbm>> -> memref<16x592xf32, #tpu.memory_space<hbm>>
    %dma_wait3A_391 = arith.constant 0 : i32
    %dma_wait3A_392 = arith.constant 0 : i32
    %dma_wait3A_393 = tpu.memref_slice %arg9[%dma_wait3A_391, %dma_wait3A_392] : memref<16x592xf32, #tpu.memory_space<vmem>> -> memref<16x592xf32, #tpu.memory_space<vmem>>
    tpu.wait_dma2 semaphore(%arg13 : memref<!tpu.dma_semaphore, #tpu.memory_space<semaphore_mem>>) src(%dma_wait3A_393 : memref<16x592xf32, #tpu.memory_space<vmem>>) dst(%dma_wait3A_390 : memref<16x592xf32, #tpu.memory_space<hbm>>)
    %dma_wait3A_394 = arith.constant 11 : i32
    %dma_wait3A_395 = arith.constant 0 : i32
    %dma_wait3A_396 = arith.constant 0 : i32
    %dma_wait3A_397 = tpu.memref_slice %arg10[%dma_wait3A_395, %dma_wait3A_396] : memref<16x592xf32, #tpu.memory_space<vmem>> -> memref<16x592xf32, #tpu.memory_space<vmem>>
    %dma_wait3A_398 = arith.constant 0 : i32
    %dma_wait3A_399 = tpu.memref_slice %arg4[%dma_wait3A_394, %mul3A_2, %dma_wait3A_398] : memref<12x584x592xf32, #tpu.memory_space<hbm>> -> memref<1x16x592xf32, #tpu.memory_space<hbm>>
    %dma_wait3A_400 = tpu.memref_squeeze %dma_wait3A_399 : memref<1x16x592xf32, #tpu.memory_space<hbm>> -> memref<16x592xf32, #tpu.memory_space<hbm>>
    %dma_wait3A_401 = arith.constant 0 : i32
    %dma_wait3A_402 = tpu.memref_slice %arg4[%dma_wait3A_394, %mul3A_2, %dma_wait3A_401] : memref<12x584x592xf32, #tpu.memory_space<hbm>> -> memref<1x16x592xf32, #tpu.memory_space<hbm>>
    %dma_wait3A_403 = tpu.memref_squeeze %dma_wait3A_402 : memref<1x16x592xf32, #tpu.memory_space<hbm>> -> memref<16x592xf32, #tpu.memory_space<hbm>>
    %dma_wait3A_404 = arith.constant 0 : i32
    %dma_wait3A_405 = arith.constant 0 : i32
    %dma_wait3A_406 = tpu.memref_slice %arg10[%dma_wait3A_404, %dma_wait3A_405] : memref<16x592xf32, #tpu.memory_space<vmem>> -> memref<16x592xf32, #tpu.memory_space<vmem>>
    tpu.wait_dma2 semaphore(%arg14 : memref<!tpu.dma_semaphore, #tpu.memory_space<semaphore_mem>>) src(%dma_wait3A_406 : memref<16x592xf32, #tpu.memory_space<vmem>>) dst(%dma_wait3A_403 : memref<16x592xf32, #tpu.memory_space<hbm>>)
    %lt3A = arith.constant 9 : i32
    %lt3A_407 = arith.cmpi slt, %add3A, %lt3A : i32
    %convert_element_type3A = arith.extui %lt3A_407 : i1 to i32
    %cond3A = arith.constant 0 : i32
    %cond3A_408 = arith.cmpi ne, %convert_element_type3A, %cond3A : i32
    scf.if %cond3A_408 {
      %mul3A_409 = arith.constant 8 : i32
      %mul3A_410 = arith.muli %add3A, %mul3A_409 : i32
      %add3A_411 = arith.constant 512 : i32
      %add3A_412 = arith.addi %add3A_411, %mul3A_410 : i32
      "tpu.region"() ({
        %run_scoped3A = tpu.sem_alloc : memref<!tpu.dma_semaphore, #tpu.memory_space<semaphore_mem>>
        %dma_start3A_821 = arith.constant 0 : i32
        %dma_start3A_822 = arith.constant 0 : i32
        %dma_start3A_823 = tpu.memref_slice %arg5[%dma_start3A_821, %dma_start3A_822] : memref<16x592xi32, #tpu.memory_space<vmem>> -> memref<8x592xi32, #tpu.memory_space<vmem>>
        %dma_start3A_824 = arith.constant 0 : i32
        %dma_start3A_825 = tpu.memref_slice %arg3[%add3A_412, %dma_start3A_824] : memref<584x592xi32, #tpu.memory_space<hbm>> -> memref<8x592xi32, #tpu.memory_space<hbm>>
        %dma_start3A_826 = arith.constant 0 : i32
        %dma_start3A_827 = arith.constant 0 : i32
        %dma_start3A_828 = tpu.memref_slice %arg5[%dma_start3A_826, %dma_start3A_827] : memref<16x592xi32, #tpu.memory_space<vmem>> -> memref<8x592xi32, #tpu.memory_space<vmem>>
        %dma_start3A_829 = arith.constant 0 : i32
        %dma_start3A_830 = tpu.memref_slice %arg3[%add3A_412, %dma_start3A_829] : memref<584x592xi32, #tpu.memory_space<hbm>> -> memref<8x592xi32, #tpu.memory_space<hbm>>
        tpu.enqueue_dma source(%dma_start3A_830 : memref<8x592xi32, #tpu.memory_space<hbm>>) target(%dma_start3A_828 : memref<8x592xi32, #tpu.memory_space<vmem>>) target_semaphore(%run_scoped3A : memref<!tpu.dma_semaphore, #tpu.memory_space<semaphore_mem>>)
        %dma_wait3A_831 = arith.constant 0 : i32
        %dma_wait3A_832 = arith.constant 0 : i32
        %dma_wait3A_833 = tpu.memref_slice %arg5[%dma_wait3A_831, %dma_wait3A_832] : memref<16x592xi32, #tpu.memory_space<vmem>> -> memref<8x592xi32, #tpu.memory_space<vmem>>
        %dma_wait3A_834 = arith.constant 0 : i32
        %dma_wait3A_835 = tpu.memref_slice %arg3[%add3A_412, %dma_wait3A_834] : memref<584x592xi32, #tpu.memory_space<hbm>> -> memref<8x592xi32, #tpu.memory_space<hbm>>
        %dma_wait3A_836 = arith.constant 0 : i32
        %dma_wait3A_837 = arith.constant 0 : i32
        %dma_wait3A_838 = tpu.memref_slice %arg5[%dma_wait3A_836, %dma_wait3A_837] : memref<16x592xi32, #tpu.memory_space<vmem>> -> memref<8x592xi32, #tpu.memory_space<vmem>>
        %dma_wait3A_839 = arith.constant 0 : i32
        %dma_wait3A_840 = tpu.memref_slice %arg3[%add3A_412, %dma_wait3A_839] : memref<584x592xi32, #tpu.memory_space<hbm>> -> memref<8x592xi32, #tpu.memory_space<hbm>>
        tpu.wait_dma2 semaphore(%run_scoped3A : memref<!tpu.dma_semaphore, #tpu.memory_space<semaphore_mem>>) src(%dma_wait3A_840 : memref<8x592xi32, #tpu.memory_space<hbm>>) dst(%dma_wait3A_838 : memref<8x592xi32, #tpu.memory_space<vmem>>)
        tpu.yield
      }) : () -> ()
      %broadcast_in_dim3A_413 = arith.constant 0 : i32
      %broadcast_in_dim3A_414 = vector.broadcast %broadcast_in_dim3A_413 : i32 to vector<16xi32>
      %scan3A_415 = arith.constant 0 : i32
      %scan3A_416 = arith.constant 0 : i32
      %scan3A_417 = arith.constant 8 : i32
      %scan3A_418 = arith.addi %scan3A_416, %scan3A_417 : i32
      %scan3A_419 = arith.constant 1 : i32
      scf.for %scan3A_821 = %scan3A_416 to %scan3A_418 step %scan3A_419  : i32 {
        %scan3A_822 = arith.constant 0 : i32
        %scan3A_823 = arith.constant 37 : i32
        %scan3A_824 = arith.addi %scan3A_822, %scan3A_823 : i32
        %scan3A_825 = arith.constant 1 : i32
        scf.for %scan3A_827 = %scan3A_822 to %scan3A_824 step %scan3A_825  : i32 {
          %mul3A_828 = arith.constant 16 : i32
          %mul3A_829 = arith.muli %scan3A_827, %mul3A_828 : i32
          %get3A = arith.index_cast %scan3A_821 : i32 to index
          %get3A_830 = arith.index_cast %mul3A_829 : i32 to index
          %get3A_831 = tpu.vector_load %arg5[%get3A, %get3A_830] {strides = array<i32>} : memref<16x592xi32, #tpu.memory_space<vmem>>, vector<16xi32>,
          %add3A_832 = arith.addi %get3A_831, %broadcast_in_dim3A_414 : vector<16xi32>
          %gather3A = tpu.vector_load_idx %arg6[%add3A_832] : memref<26544xf32, #tpu.memory_space<vmem>>[vector<16xi32>], vector<16xf32>,
          %swap3A = arith.index_cast %scan3A_821 : i32 to index
          %swap3A_833 = arith.index_cast %mul3A_829 : i32 to index
          %swap3A_834 = tpu.vector_load %arg7[%swap3A, %swap3A_833] {strides = array<i32>} : memref<16x592xf32, #tpu.memory_space<vmem>>, vector<16xf32>,
          tpu.vector_store %arg7[%swap3A, %swap3A_833], %gather3A {strides = array<i32>} : memref<16x592xf32, #tpu.memory_space<vmem>>, vector<16xf32>,
        }
        %scan3A_826 = arith.constant 37 : i32
      }
      %scan3A_420 = arith.constant 8 : i32
      %dma_start3A_421 = arith.constant 0 : i32
      %dma_start3A_422 = arith.constant 0 : i32
      %dma_start3A_423 = arith.constant 0 : i32
      %dma_start3A_424 = tpu.memref_slice %arg7[%dma_start3A_422, %dma_start3A_423] : memref<16x592xf32, #tpu.memory_space<vmem>> -> memref<8x592xf32, #tpu.memory_space<vmem>>
      %dma_start3A_425 = arith.constant 0 : i32
      %dma_start3A_426 = tpu.memref_slice %arg4[%dma_start3A_421, %add3A_412, %dma_start3A_425] : memref<12x584x592xf32, #tpu.memory_space<hbm>> -> memref<1x8x592xf32, #tpu.memory_space<hbm>>
      %dma_start3A_427 = tpu.memref_squeeze %dma_start3A_426 : memref<1x8x592xf32, #tpu.memory_space<hbm>> -> memref<8x592xf32, #tpu.memory_space<hbm>>
      %dma_start3A_428 = arith.constant 0 : i32
      %dma_start3A_429 = tpu.memref_slice %arg4[%dma_start3A_421, %add3A_412, %dma_start3A_428] : memref<12x584x592xf32, #tpu.memory_space<hbm>> -> memref<1x8x592xf32, #tpu.memory_space<hbm>>
      %dma_start3A_430 = tpu.memref_squeeze %dma_start3A_429 : memref<1x8x592xf32, #tpu.memory_space<hbm>> -> memref<8x592xf32, #tpu.memory_space<hbm>>
      %dma_start3A_431 = arith.constant 0 : i32
      %dma_start3A_432 = arith.constant 0 : i32
      %dma_start3A_433 = tpu.memref_slice %arg7[%dma_start3A_431, %dma_start3A_432] : memref<16x592xf32, #tpu.memory_space<vmem>> -> memref<8x592xf32, #tpu.memory_space<vmem>>
      tpu.enqueue_dma source(%dma_start3A_433 : memref<8x592xf32, #tpu.memory_space<vmem>>) target(%dma_start3A_430 : memref<8x592xf32, #tpu.memory_space<hbm>>) target_semaphore(%arg11 : memref<!tpu.dma_semaphore, #tpu.memory_space<semaphore_mem>>)
      %broadcast_in_dim3A_434 = arith.constant 2212 : i32
      %broadcast_in_dim3A_435 = vector.broadcast %broadcast_in_dim3A_434 : i32 to vector<16xi32>
      %scan3A_436 = arith.constant 0 : i32
      %scan3A_437 = arith.constant 0 : i32
      %scan3A_438 = arith.constant 8 : i32
      %scan3A_439 = arith.addi %scan3A_437, %scan3A_438 : i32
      %scan3A_440 = arith.constant 1 : i32
      scf.for %scan3A_821 = %scan3A_437 to %scan3A_439 step %scan3A_440  : i32 {
        %scan3A_822 = arith.constant 0 : i32
        %scan3A_823 = arith.constant 37 : i32
        %scan3A_824 = arith.addi %scan3A_822, %scan3A_823 : i32
        %scan3A_825 = arith.constant 1 : i32
        scf.for %scan3A_827 = %scan3A_822 to %scan3A_824 step %scan3A_825  : i32 {
          %mul3A_828 = arith.constant 16 : i32
          %mul3A_829 = arith.muli %scan3A_827, %mul3A_828 : i32
          %get3A = arith.index_cast %scan3A_821 : i32 to index
          %get3A_830 = arith.index_cast %mul3A_829 : i32 to index
          %get3A_831 = tpu.vector_load %arg5[%get3A, %get3A_830] {strides = array<i32>} : memref<16x592xi32, #tpu.memory_space<vmem>>, vector<16xi32>,
          %add3A_832 = arith.addi %get3A_831, %broadcast_in_dim3A_435 : vector<16xi32>
          %gather3A = tpu.vector_load_idx %arg6[%add3A_832] : memref<26544xf32, #tpu.memory_space<vmem>>[vector<16xi32>], vector<16xf32>,
          %swap3A = arith.index_cast %scan3A_821 : i32 to index
          %swap3A_833 = arith.index_cast %mul3A_829 : i32 to index
          %swap3A_834 = tpu.vector_load %arg8[%swap3A, %swap3A_833] {strides = array<i32>} : memref<16x592xf32, #tpu.memory_space<vmem>>, vector<16xf32>,
          tpu.vector_store %arg8[%swap3A, %swap3A_833], %gather3A {strides = array<i32>} : memref<16x592xf32, #tpu.memory_space<vmem>>, vector<16xf32>,
        }
        %scan3A_826 = arith.constant 37 : i32
      }
      %scan3A_441 = arith.constant 8 : i32
      %dma_start3A_442 = arith.constant 1 : i32
      %dma_start3A_443 = arith.constant 0 : i32
      %dma_start3A_444 = arith.constant 0 : i32
      %dma_start3A_445 = tpu.memref_slice %arg8[%dma_start3A_443, %dma_start3A_444] : memref<16x592xf32, #tpu.memory_space<vmem>> -> memref<8x592xf32, #tpu.memory_space<vmem>>
      %dma_start3A_446 = arith.constant 0 : i32
      %dma_start3A_447 = tpu.memref_slice %arg4[%dma_start3A_442, %add3A_412, %dma_start3A_446] : memref<12x584x592xf32, #tpu.memory_space<hbm>> -> memref<1x8x592xf32, #tpu.memory_space<hbm>>
      %dma_start3A_448 = tpu.memref_squeeze %dma_start3A_447 : memref<1x8x592xf32, #tpu.memory_space<hbm>> -> memref<8x592xf32, #tpu.memory_space<hbm>>
      %dma_start3A_449 = arith.constant 0 : i32
      %dma_start3A_450 = tpu.memref_slice %arg4[%dma_start3A_442, %add3A_412, %dma_start3A_449] : memref<12x584x592xf32, #tpu.memory_space<hbm>> -> memref<1x8x592xf32, #tpu.memory_space<hbm>>
      %dma_start3A_451 = tpu.memref_squeeze %dma_start3A_450 : memref<1x8x592xf32, #tpu.memory_space<hbm>> -> memref<8x592xf32, #tpu.memory_space<hbm>>
      %dma_start3A_452 = arith.constant 0 : i32
      %dma_start3A_453 = arith.constant 0 : i32
      %dma_start3A_454 = tpu.memref_slice %arg8[%dma_start3A_452, %dma_start3A_453] : memref<16x592xf32, #tpu.memory_space<vmem>> -> memref<8x592xf32, #tpu.memory_space<vmem>>
      tpu.enqueue_dma source(%dma_start3A_454 : memref<8x592xf32, #tpu.memory_space<vmem>>) target(%dma_start3A_451 : memref<8x592xf32, #tpu.memory_space<hbm>>) target_semaphore(%arg12 : memref<!tpu.dma_semaphore, #tpu.memory_space<semaphore_mem>>)
      %broadcast_in_dim3A_455 = arith.constant 4424 : i32
      %broadcast_in_dim3A_456 = vector.broadcast %broadcast_in_dim3A_455 : i32 to vector<16xi32>
      %scan3A_457 = arith.constant 0 : i32
      %scan3A_458 = arith.constant 0 : i32
      %scan3A_459 = arith.constant 8 : i32
      %scan3A_460 = arith.addi %scan3A_458, %scan3A_459 : i32
      %scan3A_461 = arith.constant 1 : i32
      scf.for %scan3A_821 = %scan3A_458 to %scan3A_460 step %scan3A_461  : i32 {
        %scan3A_822 = arith.constant 0 : i32
        %scan3A_823 = arith.constant 37 : i32
        %scan3A_824 = arith.addi %scan3A_822, %scan3A_823 : i32
        %scan3A_825 = arith.constant 1 : i32
        scf.for %scan3A_827 = %scan3A_822 to %scan3A_824 step %scan3A_825  : i32 {
          %mul3A_828 = arith.constant 16 : i32
          %mul3A_829 = arith.muli %scan3A_827, %mul3A_828 : i32
          %get3A = arith.index_cast %scan3A_821 : i32 to index
          %get3A_830 = arith.index_cast %mul3A_829 : i32 to index
          %get3A_831 = tpu.vector_load %arg5[%get3A, %get3A_830] {strides = array<i32>} : memref<16x592xi32, #tpu.memory_space<vmem>>, vector<16xi32>,
          %add3A_832 = arith.addi %get3A_831, %broadcast_in_dim3A_456 : vector<16xi32>
          %gather3A = tpu.vector_load_idx %arg6[%add3A_832] : memref<26544xf32, #tpu.memory_space<vmem>>[vector<16xi32>], vector<16xf32>,
          %swap3A = arith.index_cast %scan3A_821 : i32 to index
          %swap3A_833 = arith.index_cast %mul3A_829 : i32 to index
          %swap3A_834 = tpu.vector_load %arg9[%swap3A, %swap3A_833] {strides = array<i32>} : memref<16x592xf32, #tpu.memory_space<vmem>>, vector<16xf32>,
          tpu.vector_store %arg9[%swap3A, %swap3A_833], %gather3A {strides = array<i32>} : memref<16x592xf32, #tpu.memory_space<vmem>>, vector<16xf32>,
        }
        %scan3A_826 = arith.constant 37 : i32
      }
      %scan3A_462 = arith.constant 8 : i32
      %dma_start3A_463 = arith.constant 2 : i32
      %dma_start3A_464 = arith.constant 0 : i32
      %dma_start3A_465 = arith.constant 0 : i32
      %dma_start3A_466 = tpu.memref_slice %arg9[%dma_start3A_464, %dma_start3A_465] : memref<16x592xf32, #tpu.memory_space<vmem>> -> memref<8x592xf32, #tpu.memory_space<vmem>>
      %dma_start3A_467 = arith.constant 0 : i32
      %dma_start3A_468 = tpu.memref_slice %arg4[%dma_start3A_463, %add3A_412, %dma_start3A_467] : memref<12x584x592xf32, #tpu.memory_space<hbm>> -> memref<1x8x592xf32, #tpu.memory_space<hbm>>
      %dma_start3A_469 = tpu.memref_squeeze %dma_start3A_468 : memref<1x8x592xf32, #tpu.memory_space<hbm>> -> memref<8x592xf32, #tpu.memory_space<hbm>>
      %dma_start3A_470 = arith.constant 0 : i32
      %dma_start3A_471 = tpu.memref_slice %arg4[%dma_start3A_463, %add3A_412, %dma_start3A_470] : memref<12x584x592xf32, #tpu.memory_space<hbm>> -> memref<1x8x592xf32, #tpu.memory_space<hbm>>
      %dma_start3A_472 = tpu.memref_squeeze %dma_start3A_471 : memref<1x8x592xf32, #tpu.memory_space<hbm>> -> memref<8x592xf32, #tpu.memory_space<hbm>>
      %dma_start3A_473 = arith.constant 0 : i32
      %dma_start3A_474 = arith.constant 0 : i32
      %dma_start3A_475 = tpu.memref_slice %arg9[%dma_start3A_473, %dma_start3A_474] : memref<16x592xf32, #tpu.memory_space<vmem>> -> memref<8x592xf32, #tpu.memory_space<vmem>>
      tpu.enqueue_dma source(%dma_start3A_475 : memref<8x592xf32, #tpu.memory_space<vmem>>) target(%dma_start3A_472 : memref<8x592xf32, #tpu.memory_space<hbm>>) target_semaphore(%arg13 : memref<!tpu.dma_semaphore, #tpu.memory_space<semaphore_mem>>)
      %broadcast_in_dim3A_476 = arith.constant 6636 : i32
      %broadcast_in_dim3A_477 = vector.broadcast %broadcast_in_dim3A_476 : i32 to vector<16xi32>
      %scan3A_478 = arith.constant 0 : i32
      %scan3A_479 = arith.constant 0 : i32
      %scan3A_480 = arith.constant 8 : i32
      %scan3A_481 = arith.addi %scan3A_479, %scan3A_480 : i32
      %scan3A_482 = arith.constant 1 : i32
      scf.for %scan3A_821 = %scan3A_479 to %scan3A_481 step %scan3A_482  : i32 {
        %scan3A_822 = arith.constant 0 : i32
        %scan3A_823 = arith.constant 37 : i32
        %scan3A_824 = arith.addi %scan3A_822, %scan3A_823 : i32
        %scan3A_825 = arith.constant 1 : i32
        scf.for %scan3A_827 = %scan3A_822 to %scan3A_824 step %scan3A_825  : i32 {
          %mul3A_828 = arith.constant 16 : i32
          %mul3A_829 = arith.muli %scan3A_827, %mul3A_828 : i32
          %get3A = arith.index_cast %scan3A_821 : i32 to index
          %get3A_830 = arith.index_cast %mul3A_829 : i32 to index
          %get3A_831 = tpu.vector_load %arg5[%get3A, %get3A_830] {strides = array<i32>} : memref<16x592xi32, #tpu.memory_space<vmem>>, vector<16xi32>,
          %add3A_832 = arith.addi %get3A_831, %broadcast_in_dim3A_477 : vector<16xi32>
          %gather3A = tpu.vector_load_idx %arg6[%add3A_832] : memref<26544xf32, #tpu.memory_space<vmem>>[vector<16xi32>], vector<16xf32>,
          %swap3A = arith.index_cast %scan3A_821 : i32 to index
          %swap3A_833 = arith.index_cast %mul3A_829 : i32 to index
          %swap3A_834 = tpu.vector_load %arg10[%swap3A, %swap3A_833] {strides = array<i32>} : memref<16x592xf32, #tpu.memory_space<vmem>>, vector<16xf32>,
          tpu.vector_store %arg10[%swap3A, %swap3A_833], %gather3A {strides = array<i32>} : memref<16x592xf32, #tpu.memory_space<vmem>>, vector<16xf32>,
        }
        %scan3A_826 = arith.constant 37 : i32
      }
      %scan3A_483 = arith.constant 8 : i32
      %dma_start3A_484 = arith.constant 3 : i32
      %dma_start3A_485 = arith.constant 0 : i32
      %dma_start3A_486 = arith.constant 0 : i32
      %dma_start3A_487 = tpu.memref_slice %arg10[%dma_start3A_485, %dma_start3A_486] : memref<16x592xf32, #tpu.memory_space<vmem>> -> memref<8x592xf32, #tpu.memory_space<vmem>>
      %dma_start3A_488 = arith.constant 0 : i32
      %dma_start3A_489 = tpu.memref_slice %arg4[%dma_start3A_484, %add3A_412, %dma_start3A_488] : memref<12x584x592xf32, #tpu.memory_space<hbm>> -> memref<1x8x592xf32, #tpu.memory_space<hbm>>
      %dma_start3A_490 = tpu.memref_squeeze %dma_start3A_489 : memref<1x8x592xf32, #tpu.memory_space<hbm>> -> memref<8x592xf32, #tpu.memory_space<hbm>>
      %dma_start3A_491 = arith.constant 0 : i32
      %dma_start3A_492 = tpu.memref_slice %arg4[%dma_start3A_484, %add3A_412, %dma_start3A_491] : memref<12x584x592xf32, #tpu.memory_space<hbm>> -> memref<1x8x592xf32, #tpu.memory_space<hbm>>
      %dma_start3A_493 = tpu.memref_squeeze %dma_start3A_492 : memref<1x8x592xf32, #tpu.memory_space<hbm>> -> memref<8x592xf32, #tpu.memory_space<hbm>>
      %dma_start3A_494 = arith.constant 0 : i32
      %dma_start3A_495 = arith.constant 0 : i32
      %dma_start3A_496 = tpu.memref_slice %arg10[%dma_start3A_494, %dma_start3A_495] : memref<16x592xf32, #tpu.memory_space<vmem>> -> memref<8x592xf32, #tpu.memory_space<vmem>>
      tpu.enqueue_dma source(%dma_start3A_496 : memref<8x592xf32, #tpu.memory_space<vmem>>) target(%dma_start3A_493 : memref<8x592xf32, #tpu.memory_space<hbm>>) target_semaphore(%arg14 : memref<!tpu.dma_semaphore, #tpu.memory_space<semaphore_mem>>)
      %dma_wait3A_497 = arith.constant 0 : i32
      %dma_wait3A_498 = arith.constant 0 : i32
      %dma_wait3A_499 = arith.constant 0 : i32
      %dma_wait3A_500 = tpu.memref_slice %arg7[%dma_wait3A_498, %dma_wait3A_499] : memref<16x592xf32, #tpu.memory_space<vmem>> -> memref<8x592xf32, #tpu.memory_space<vmem>>
      %dma_wait3A_501 = arith.constant 0 : i32
      %dma_wait3A_502 = tpu.memref_slice %arg4[%dma_wait3A_497, %add3A_412, %dma_wait3A_501] : memref<12x584x592xf32, #tpu.memory_space<hbm>> -> memref<1x8x592xf32, #tpu.memory_space<hbm>>
      %dma_wait3A_503 = tpu.memref_squeeze %dma_wait3A_502 : memref<1x8x592xf32, #tpu.memory_space<hbm>> -> memref<8x592xf32, #tpu.memory_space<hbm>>
      %dma_wait3A_504 = arith.constant 0 : i32
      %dma_wait3A_505 = tpu.memref_slice %arg4[%dma_wait3A_497, %add3A_412, %dma_wait3A_504] : memref<12x584x592xf32, #tpu.memory_space<hbm>> -> memref<1x8x592xf32, #tpu.memory_space<hbm>>
      %dma_wait3A_506 = tpu.memref_squeeze %dma_wait3A_505 : memref<1x8x592xf32, #tpu.memory_space<hbm>> -> memref<8x592xf32, #tpu.memory_space<hbm>>
      %dma_wait3A_507 = arith.constant 0 : i32
      %dma_wait3A_508 = arith.constant 0 : i32
      %dma_wait3A_509 = tpu.memref_slice %arg7[%dma_wait3A_507, %dma_wait3A_508] : memref<16x592xf32, #tpu.memory_space<vmem>> -> memref<8x592xf32, #tpu.memory_space<vmem>>
      tpu.wait_dma2 semaphore(%arg11 : memref<!tpu.dma_semaphore, #tpu.memory_space<semaphore_mem>>) src(%dma_wait3A_509 : memref<8x592xf32, #tpu.memory_space<vmem>>) dst(%dma_wait3A_506 : memref<8x592xf32, #tpu.memory_space<hbm>>)
      %broadcast_in_dim3A_510 = arith.constant 8848 : i32
      %broadcast_in_dim3A_511 = vector.broadcast %broadcast_in_dim3A_510 : i32 to vector<16xi32>
      %scan3A_512 = arith.constant 0 : i32
      %scan3A_513 = arith.constant 0 : i32
      %scan3A_514 = arith.constant 8 : i32
      %scan3A_515 = arith.addi %scan3A_513, %scan3A_514 : i32
      %scan3A_516 = arith.constant 1 : i32
      scf.for %scan3A_821 = %scan3A_513 to %scan3A_515 step %scan3A_516  : i32 {
        %scan3A_822 = arith.constant 0 : i32
        %scan3A_823 = arith.constant 37 : i32
        %scan3A_824 = arith.addi %scan3A_822, %scan3A_823 : i32
        %scan3A_825 = arith.constant 1 : i32
        scf.for %scan3A_827 = %scan3A_822 to %scan3A_824 step %scan3A_825  : i32 {
          %mul3A_828 = arith.constant 16 : i32
          %mul3A_829 = arith.muli %scan3A_827, %mul3A_828 : i32
          %get3A = arith.index_cast %scan3A_821 : i32 to index
          %get3A_830 = arith.index_cast %mul3A_829 : i32 to index
          %get3A_831 = tpu.vector_load %arg5[%get3A, %get3A_830] {strides = array<i32>} : memref<16x592xi32, #tpu.memory_space<vmem>>, vector<16xi32>,
          %add3A_832 = arith.addi %get3A_831, %broadcast_in_dim3A_511 : vector<16xi32>
          %gather3A = tpu.vector_load_idx %arg6[%add3A_832] : memref<26544xf32, #tpu.memory_space<vmem>>[vector<16xi32>], vector<16xf32>,
          %swap3A = arith.index_cast %scan3A_821 : i32 to index
          %swap3A_833 = arith.index_cast %mul3A_829 : i32 to index
          %swap3A_834 = tpu.vector_load %arg7[%swap3A, %swap3A_833] {strides = array<i32>} : memref<16x592xf32, #tpu.memory_space<vmem>>, vector<16xf32>,
          tpu.vector_store %arg7[%swap3A, %swap3A_833], %gather3A {strides = array<i32>} : memref<16x592xf32, #tpu.memory_space<vmem>>, vector<16xf32>,
        }
        %scan3A_826 = arith.constant 37 : i32
      }
      %scan3A_517 = arith.constant 8 : i32
      %dma_start3A_518 = arith.constant 4 : i32
      %dma_start3A_519 = arith.constant 0 : i32
      %dma_start3A_520 = arith.constant 0 : i32
      %dma_start3A_521 = tpu.memref_slice %arg7[%dma_start3A_519, %dma_start3A_520] : memref<16x592xf32, #tpu.memory_space<vmem>> -> memref<8x592xf32, #tpu.memory_space<vmem>>
      %dma_start3A_522 = arith.constant 0 : i32
      %dma_start3A_523 = tpu.memref_slice %arg4[%dma_start3A_518, %add3A_412, %dma_start3A_522] : memref<12x584x592xf32, #tpu.memory_space<hbm>> -> memref<1x8x592xf32, #tpu.memory_space<hbm>>
      %dma_start3A_524 = tpu.memref_squeeze %dma_start3A_523 : memref<1x8x592xf32, #tpu.memory_space<hbm>> -> memref<8x592xf32, #tpu.memory_space<hbm>>
      %dma_start3A_525 = arith.constant 0 : i32
      %dma_start3A_526 = tpu.memref_slice %arg4[%dma_start3A_518, %add3A_412, %dma_start3A_525] : memref<12x584x592xf32, #tpu.memory_space<hbm>> -> memref<1x8x592xf32, #tpu.memory_space<hbm>>
      %dma_start3A_527 = tpu.memref_squeeze %dma_start3A_526 : memref<1x8x592xf32, #tpu.memory_space<hbm>> -> memref<8x592xf32, #tpu.memory_space<hbm>>
      %dma_start3A_528 = arith.constant 0 : i32
      %dma_start3A_529 = arith.constant 0 : i32
      %dma_start3A_530 = tpu.memref_slice %arg7[%dma_start3A_528, %dma_start3A_529] : memref<16x592xf32, #tpu.memory_space<vmem>> -> memref<8x592xf32, #tpu.memory_space<vmem>>
      tpu.enqueue_dma source(%dma_start3A_530 : memref<8x592xf32, #tpu.memory_space<vmem>>) target(%dma_start3A_527 : memref<8x592xf32, #tpu.memory_space<hbm>>) target_semaphore(%arg11 : memref<!tpu.dma_semaphore, #tpu.memory_space<semaphore_mem>>)
      %dma_wait3A_531 = arith.constant 1 : i32
      %dma_wait3A_532 = arith.constant 0 : i32
      %dma_wait3A_533 = arith.constant 0 : i32
      %dma_wait3A_534 = tpu.memref_slice %arg8[%dma_wait3A_532, %dma_wait3A_533] : memref<16x592xf32, #tpu.memory_space<vmem>> -> memref<8x592xf32, #tpu.memory_space<vmem>>
      %dma_wait3A_535 = arith.constant 0 : i32
      %dma_wait3A_536 = tpu.memref_slice %arg4[%dma_wait3A_531, %add3A_412, %dma_wait3A_535] : memref<12x584x592xf32, #tpu.memory_space<hbm>> -> memref<1x8x592xf32, #tpu.memory_space<hbm>>
      %dma_wait3A_537 = tpu.memref_squeeze %dma_wait3A_536 : memref<1x8x592xf32, #tpu.memory_space<hbm>> -> memref<8x592xf32, #tpu.memory_space<hbm>>
      %dma_wait3A_538 = arith.constant 0 : i32
      %dma_wait3A_539 = tpu.memref_slice %arg4[%dma_wait3A_531, %add3A_412, %dma_wait3A_538] : memref<12x584x592xf32, #tpu.memory_space<hbm>> -> memref<1x8x592xf32, #tpu.memory_space<hbm>>
      %dma_wait3A_540 = tpu.memref_squeeze %dma_wait3A_539 : memref<1x8x592xf32, #tpu.memory_space<hbm>> -> memref<8x592xf32, #tpu.memory_space<hbm>>
      %dma_wait3A_541 = arith.constant 0 : i32
      %dma_wait3A_542 = arith.constant 0 : i32
      %dma_wait3A_543 = tpu.memref_slice %arg8[%dma_wait3A_541, %dma_wait3A_542] : memref<16x592xf32, #tpu.memory_space<vmem>> -> memref<8x592xf32, #tpu.memory_space<vmem>>
      tpu.wait_dma2 semaphore(%arg12 : memref<!tpu.dma_semaphore, #tpu.memory_space<semaphore_mem>>) src(%dma_wait3A_543 : memref<8x592xf32, #tpu.memory_space<vmem>>) dst(%dma_wait3A_540 : memref<8x592xf32, #tpu.memory_space<hbm>>)
      %broadcast_in_dim3A_544 = arith.constant 11060 : i32
      %broadcast_in_dim3A_545 = vector.broadcast %broadcast_in_dim3A_544 : i32 to vector<16xi32>
      %scan3A_546 = arith.constant 0 : i32
      %scan3A_547 = arith.constant 0 : i32
      %scan3A_548 = arith.constant 8 : i32
      %scan3A_549 = arith.addi %scan3A_547, %scan3A_548 : i32
      %scan3A_550 = arith.constant 1 : i32
      scf.for %scan3A_821 = %scan3A_547 to %scan3A_549 step %scan3A_550  : i32 {
        %scan3A_822 = arith.constant 0 : i32
        %scan3A_823 = arith.constant 37 : i32
        %scan3A_824 = arith.addi %scan3A_822, %scan3A_823 : i32
        %scan3A_825 = arith.constant 1 : i32
        scf.for %scan3A_827 = %scan3A_822 to %scan3A_824 step %scan3A_825  : i32 {
          %mul3A_828 = arith.constant 16 : i32
          %mul3A_829 = arith.muli %scan3A_827, %mul3A_828 : i32
          %get3A = arith.index_cast %scan3A_821 : i32 to index
          %get3A_830 = arith.index_cast %mul3A_829 : i32 to index
          %get3A_831 = tpu.vector_load %arg5[%get3A, %get3A_830] {strides = array<i32>} : memref<16x592xi32, #tpu.memory_space<vmem>>, vector<16xi32>,
          %add3A_832 = arith.addi %get3A_831, %broadcast_in_dim3A_545 : vector<16xi32>
          %gather3A = tpu.vector_load_idx %arg6[%add3A_832] : memref<26544xf32, #tpu.memory_space<vmem>>[vector<16xi32>], vector<16xf32>,
          %swap3A = arith.index_cast %scan3A_821 : i32 to index
          %swap3A_833 = arith.index_cast %mul3A_829 : i32 to index
          %swap3A_834 = tpu.vector_load %arg8[%swap3A, %swap3A_833] {strides = array<i32>} : memref<16x592xf32, #tpu.memory_space<vmem>>, vector<16xf32>,
          tpu.vector_store %arg8[%swap3A, %swap3A_833], %gather3A {strides = array<i32>} : memref<16x592xf32, #tpu.memory_space<vmem>>, vector<16xf32>,
        }
        %scan3A_826 = arith.constant 37 : i32
      }
      %scan3A_551 = arith.constant 8 : i32
      %dma_start3A_552 = arith.constant 5 : i32
      %dma_start3A_553 = arith.constant 0 : i32
      %dma_start3A_554 = arith.constant 0 : i32
      %dma_start3A_555 = tpu.memref_slice %arg8[%dma_start3A_553, %dma_start3A_554] : memref<16x592xf32, #tpu.memory_space<vmem>> -> memref<8x592xf32, #tpu.memory_space<vmem>>
      %dma_start3A_556 = arith.constant 0 : i32
      %dma_start3A_557 = tpu.memref_slice %arg4[%dma_start3A_552, %add3A_412, %dma_start3A_556] : memref<12x584x592xf32, #tpu.memory_space<hbm>> -> memref<1x8x592xf32, #tpu.memory_space<hbm>>
      %dma_start3A_558 = tpu.memref_squeeze %dma_start3A_557 : memref<1x8x592xf32, #tpu.memory_space<hbm>> -> memref<8x592xf32, #tpu.memory_space<hbm>>
      %dma_start3A_559 = arith.constant 0 : i32
      %dma_start3A_560 = tpu.memref_slice %arg4[%dma_start3A_552, %add3A_412, %dma_start3A_559] : memref<12x584x592xf32, #tpu.memory_space<hbm>> -> memref<1x8x592xf32, #tpu.memory_space<hbm>>
      %dma_start3A_561 = tpu.memref_squeeze %dma_start3A_560 : memref<1x8x592xf32, #tpu.memory_space<hbm>> -> memref<8x592xf32, #tpu.memory_space<hbm>>
      %dma_start3A_562 = arith.constant 0 : i32
      %dma_start3A_563 = arith.constant 0 : i32
      %dma_start3A_564 = tpu.memref_slice %arg8[%dma_start3A_562, %dma_start3A_563] : memref<16x592xf32, #tpu.memory_space<vmem>> -> memref<8x592xf32, #tpu.memory_space<vmem>>
      tpu.enqueue_dma source(%dma_start3A_564 : memref<8x592xf32, #tpu.memory_space<vmem>>) target(%dma_start3A_561 : memref<8x592xf32, #tpu.memory_space<hbm>>) target_semaphore(%arg12 : memref<!tpu.dma_semaphore, #tpu.memory_space<semaphore_mem>>)
      %dma_wait3A_565 = arith.constant 2 : i32
      %dma_wait3A_566 = arith.constant 0 : i32
      %dma_wait3A_567 = arith.constant 0 : i32
      %dma_wait3A_568 = tpu.memref_slice %arg9[%dma_wait3A_566, %dma_wait3A_567] : memref<16x592xf32, #tpu.memory_space<vmem>> -> memref<8x592xf32, #tpu.memory_space<vmem>>
      %dma_wait3A_569 = arith.constant 0 : i32
      %dma_wait3A_570 = tpu.memref_slice %arg4[%dma_wait3A_565, %add3A_412, %dma_wait3A_569] : memref<12x584x592xf32, #tpu.memory_space<hbm>> -> memref<1x8x592xf32, #tpu.memory_space<hbm>>
      %dma_wait3A_571 = tpu.memref_squeeze %dma_wait3A_570 : memref<1x8x592xf32, #tpu.memory_space<hbm>> -> memref<8x592xf32, #tpu.memory_space<hbm>>
      %dma_wait3A_572 = arith.constant 0 : i32
      %dma_wait3A_573 = tpu.memref_slice %arg4[%dma_wait3A_565, %add3A_412, %dma_wait3A_572] : memref<12x584x592xf32, #tpu.memory_space<hbm>> -> memref<1x8x592xf32, #tpu.memory_space<hbm>>
      %dma_wait3A_574 = tpu.memref_squeeze %dma_wait3A_573 : memref<1x8x592xf32, #tpu.memory_space<hbm>> -> memref<8x592xf32, #tpu.memory_space<hbm>>
      %dma_wait3A_575 = arith.constant 0 : i32
      %dma_wait3A_576 = arith.constant 0 : i32
      %dma_wait3A_577 = tpu.memref_slice %arg9[%dma_wait3A_575, %dma_wait3A_576] : memref<16x592xf32, #tpu.memory_space<vmem>> -> memref<8x592xf32, #tpu.memory_space<vmem>>
      tpu.wait_dma2 semaphore(%arg13 : memref<!tpu.dma_semaphore, #tpu.memory_space<semaphore_mem>>) src(%dma_wait3A_577 : memref<8x592xf32, #tpu.memory_space<vmem>>) dst(%dma_wait3A_574 : memref<8x592xf32, #tpu.memory_space<hbm>>)
      %broadcast_in_dim3A_578 = arith.constant 13272 : i32
      %broadcast_in_dim3A_579 = vector.broadcast %broadcast_in_dim3A_578 : i32 to vector<16xi32>
      %scan3A_580 = arith.constant 0 : i32
      %scan3A_581 = arith.constant 0 : i32
      %scan3A_582 = arith.constant 8 : i32
      %scan3A_583 = arith.addi %scan3A_581, %scan3A_582 : i32
      %scan3A_584 = arith.constant 1 : i32
      scf.for %scan3A_821 = %scan3A_581 to %scan3A_583 step %scan3A_584  : i32 {
        %scan3A_822 = arith.constant 0 : i32
        %scan3A_823 = arith.constant 37 : i32
        %scan3A_824 = arith.addi %scan3A_822, %scan3A_823 : i32
        %scan3A_825 = arith.constant 1 : i32
        scf.for %scan3A_827 = %scan3A_822 to %scan3A_824 step %scan3A_825  : i32 {
          %mul3A_828 = arith.constant 16 : i32
          %mul3A_829 = arith.muli %scan3A_827, %mul3A_828 : i32
          %get3A = arith.index_cast %scan3A_821 : i32 to index
          %get3A_830 = arith.index_cast %mul3A_829 : i32 to index
          %get3A_831 = tpu.vector_load %arg5[%get3A, %get3A_830] {strides = array<i32>} : memref<16x592xi32, #tpu.memory_space<vmem>>, vector<16xi32>,
          %add3A_832 = arith.addi %get3A_831, %broadcast_in_dim3A_579 : vector<16xi32>
          %gather3A = tpu.vector_load_idx %arg6[%add3A_832] : memref<26544xf32, #tpu.memory_space<vmem>>[vector<16xi32>], vector<16xf32>,
          %swap3A = arith.index_cast %scan3A_821 : i32 to index
          %swap3A_833 = arith.index_cast %mul3A_829 : i32 to index
          %swap3A_834 = tpu.vector_load %arg9[%swap3A, %swap3A_833] {strides = array<i32>} : memref<16x592xf32, #tpu.memory_space<vmem>>, vector<16xf32>,
          tpu.vector_store %arg9[%swap3A, %swap3A_833], %gather3A {strides = array<i32>} : memref<16x592xf32, #tpu.memory_space<vmem>>, vector<16xf32>,
        }
        %scan3A_826 = arith.constant 37 : i32
      }
      %scan3A_585 = arith.constant 8 : i32
      %dma_start3A_586 = arith.constant 6 : i32
      %dma_start3A_587 = arith.constant 0 : i32
      %dma_start3A_588 = arith.constant 0 : i32
      %dma_start3A_589 = tpu.memref_slice %arg9[%dma_start3A_587, %dma_start3A_588] : memref<16x592xf32, #tpu.memory_space<vmem>> -> memref<8x592xf32, #tpu.memory_space<vmem>>
      %dma_start3A_590 = arith.constant 0 : i32
      %dma_start3A_591 = tpu.memref_slice %arg4[%dma_start3A_586, %add3A_412, %dma_start3A_590] : memref<12x584x592xf32, #tpu.memory_space<hbm>> -> memref<1x8x592xf32, #tpu.memory_space<hbm>>
      %dma_start3A_592 = tpu.memref_squeeze %dma_start3A_591 : memref<1x8x592xf32, #tpu.memory_space<hbm>> -> memref<8x592xf32, #tpu.memory_space<hbm>>
      %dma_start3A_593 = arith.constant 0 : i32
      %dma_start3A_594 = tpu.memref_slice %arg4[%dma_start3A_586, %add3A_412, %dma_start3A_593] : memref<12x584x592xf32, #tpu.memory_space<hbm>> -> memref<1x8x592xf32, #tpu.memory_space<hbm>>
      %dma_start3A_595 = tpu.memref_squeeze %dma_start3A_594 : memref<1x8x592xf32, #tpu.memory_space<hbm>> -> memref<8x592xf32, #tpu.memory_space<hbm>>
      %dma_start3A_596 = arith.constant 0 : i32
      %dma_start3A_597 = arith.constant 0 : i32
      %dma_start3A_598 = tpu.memref_slice %arg9[%dma_start3A_596, %dma_start3A_597] : memref<16x592xf32, #tpu.memory_space<vmem>> -> memref<8x592xf32, #tpu.memory_space<vmem>>
      tpu.enqueue_dma source(%dma_start3A_598 : memref<8x592xf32, #tpu.memory_space<vmem>>) target(%dma_start3A_595 : memref<8x592xf32, #tpu.memory_space<hbm>>) target_semaphore(%arg13 : memref<!tpu.dma_semaphore, #tpu.memory_space<semaphore_mem>>)
      %dma_wait3A_599 = arith.constant 3 : i32
      %dma_wait3A_600 = arith.constant 0 : i32
      %dma_wait3A_601 = arith.constant 0 : i32
      %dma_wait3A_602 = tpu.memref_slice %arg10[%dma_wait3A_600, %dma_wait3A_601] : memref<16x592xf32, #tpu.memory_space<vmem>> -> memref<8x592xf32, #tpu.memory_space<vmem>>
      %dma_wait3A_603 = arith.constant 0 : i32
      %dma_wait3A_604 = tpu.memref_slice %arg4[%dma_wait3A_599, %add3A_412, %dma_wait3A_603] : memref<12x584x592xf32, #tpu.memory_space<hbm>> -> memref<1x8x592xf32, #tpu.memory_space<hbm>>
      %dma_wait3A_605 = tpu.memref_squeeze %dma_wait3A_604 : memref<1x8x592xf32, #tpu.memory_space<hbm>> -> memref<8x592xf32, #tpu.memory_space<hbm>>
      %dma_wait3A_606 = arith.constant 0 : i32
      %dma_wait3A_607 = tpu.memref_slice %arg4[%dma_wait3A_599, %add3A_412, %dma_wait3A_606] : memref<12x584x592xf32, #tpu.memory_space<hbm>> -> memref<1x8x592xf32, #tpu.memory_space<hbm>>
      %dma_wait3A_608 = tpu.memref_squeeze %dma_wait3A_607 : memref<1x8x592xf32, #tpu.memory_space<hbm>> -> memref<8x592xf32, #tpu.memory_space<hbm>>
      %dma_wait3A_609 = arith.constant 0 : i32
      %dma_wait3A_610 = arith.constant 0 : i32
      %dma_wait3A_611 = tpu.memref_slice %arg10[%dma_wait3A_609, %dma_wait3A_610] : memref<16x592xf32, #tpu.memory_space<vmem>> -> memref<8x592xf32, #tpu.memory_space<vmem>>
      tpu.wait_dma2 semaphore(%arg14 : memref<!tpu.dma_semaphore, #tpu.memory_space<semaphore_mem>>) src(%dma_wait3A_611 : memref<8x592xf32, #tpu.memory_space<vmem>>) dst(%dma_wait3A_608 : memref<8x592xf32, #tpu.memory_space<hbm>>)
      %broadcast_in_dim3A_612 = arith.constant 15484 : i32
      %broadcast_in_dim3A_613 = vector.broadcast %broadcast_in_dim3A_612 : i32 to vector<16xi32>
      %scan3A_614 = arith.constant 0 : i32
      %scan3A_615 = arith.constant 0 : i32
      %scan3A_616 = arith.constant 8 : i32
      %scan3A_617 = arith.addi %scan3A_615, %scan3A_616 : i32
      %scan3A_618 = arith.constant 1 : i32
      scf.for %scan3A_821 = %scan3A_615 to %scan3A_617 step %scan3A_618  : i32 {
        %scan3A_822 = arith.constant 0 : i32
        %scan3A_823 = arith.constant 37 : i32
        %scan3A_824 = arith.addi %scan3A_822, %scan3A_823 : i32
        %scan3A_825 = arith.constant 1 : i32
        scf.for %scan3A_827 = %scan3A_822 to %scan3A_824 step %scan3A_825  : i32 {
          %mul3A_828 = arith.constant 16 : i32
          %mul3A_829 = arith.muli %scan3A_827, %mul3A_828 : i32
          %get3A = arith.index_cast %scan3A_821 : i32 to index
          %get3A_830 = arith.index_cast %mul3A_829 : i32 to index
          %get3A_831 = tpu.vector_load %arg5[%get3A, %get3A_830] {strides = array<i32>} : memref<16x592xi32, #tpu.memory_space<vmem>>, vector<16xi32>,
          %add3A_832 = arith.addi %get3A_831, %broadcast_in_dim3A_613 : vector<16xi32>
          %gather3A = tpu.vector_load_idx %arg6[%add3A_832] : memref<26544xf32, #tpu.memory_space<vmem>>[vector<16xi32>], vector<16xf32>,
          %swap3A = arith.index_cast %scan3A_821 : i32 to index
          %swap3A_833 = arith.index_cast %mul3A_829 : i32 to index
          %swap3A_834 = tpu.vector_load %arg10[%swap3A, %swap3A_833] {strides = array<i32>} : memref<16x592xf32, #tpu.memory_space<vmem>>, vector<16xf32>,
          tpu.vector_store %arg10[%swap3A, %swap3A_833], %gather3A {strides = array<i32>} : memref<16x592xf32, #tpu.memory_space<vmem>>, vector<16xf32>,
        }
        %scan3A_826 = arith.constant 37 : i32
      }
      %scan3A_619 = arith.constant 8 : i32
      %dma_start3A_620 = arith.constant 7 : i32
      %dma_start3A_621 = arith.constant 0 : i32
      %dma_start3A_622 = arith.constant 0 : i32
      %dma_start3A_623 = tpu.memref_slice %arg10[%dma_start3A_621, %dma_start3A_622] : memref<16x592xf32, #tpu.memory_space<vmem>> -> memref<8x592xf32, #tpu.memory_space<vmem>>
      %dma_start3A_624 = arith.constant 0 : i32
      %dma_start3A_625 = tpu.memref_slice %arg4[%dma_start3A_620, %add3A_412, %dma_start3A_624] : memref<12x584x592xf32, #tpu.memory_space<hbm>> -> memref<1x8x592xf32, #tpu.memory_space<hbm>>
      %dma_start3A_626 = tpu.memref_squeeze %dma_start3A_625 : memref<1x8x592xf32, #tpu.memory_space<hbm>> -> memref<8x592xf32, #tpu.memory_space<hbm>>
      %dma_start3A_627 = arith.constant 0 : i32
      %dma_start3A_628 = tpu.memref_slice %arg4[%dma_start3A_620, %add3A_412, %dma_start3A_627] : memref<12x584x592xf32, #tpu.memory_space<hbm>> -> memref<1x8x592xf32, #tpu.memory_space<hbm>>
      %dma_start3A_629 = tpu.memref_squeeze %dma_start3A_628 : memref<1x8x592xf32, #tpu.memory_space<hbm>> -> memref<8x592xf32, #tpu.memory_space<hbm>>
      %dma_start3A_630 = arith.constant 0 : i32
      %dma_start3A_631 = arith.constant 0 : i32
      %dma_start3A_632 = tpu.memref_slice %arg10[%dma_start3A_630, %dma_start3A_631] : memref<16x592xf32, #tpu.memory_space<vmem>> -> memref<8x592xf32, #tpu.memory_space<vmem>>
      tpu.enqueue_dma source(%dma_start3A_632 : memref<8x592xf32, #tpu.memory_space<vmem>>) target(%dma_start3A_629 : memref<8x592xf32, #tpu.memory_space<hbm>>) target_semaphore(%arg14 : memref<!tpu.dma_semaphore, #tpu.memory_space<semaphore_mem>>)
      %dma_wait3A_633 = arith.constant 4 : i32
      %dma_wait3A_634 = arith.constant 0 : i32
      %dma_wait3A_635 = arith.constant 0 : i32
      %dma_wait3A_636 = tpu.memref_slice %arg7[%dma_wait3A_634, %dma_wait3A_635] : memref<16x592xf32, #tpu.memory_space<vmem>> -> memref<8x592xf32, #tpu.memory_space<vmem>>
      %dma_wait3A_637 = arith.constant 0 : i32
      %dma_wait3A_638 = tpu.memref_slice %arg4[%dma_wait3A_633, %add3A_412, %dma_wait3A_637] : memref<12x584x592xf32, #tpu.memory_space<hbm>> -> memref<1x8x592xf32, #tpu.memory_space<hbm>>
      %dma_wait3A_639 = tpu.memref_squeeze %dma_wait3A_638 : memref<1x8x592xf32, #tpu.memory_space<hbm>> -> memref<8x592xf32, #tpu.memory_space<hbm>>
      %dma_wait3A_640 = arith.constant 0 : i32
      %dma_wait3A_641 = tpu.memref_slice %arg4[%dma_wait3A_633, %add3A_412, %dma_wait3A_640] : memref<12x584x592xf32, #tpu.memory_space<hbm>> -> memref<1x8x592xf32, #tpu.memory_space<hbm>>
      %dma_wait3A_642 = tpu.memref_squeeze %dma_wait3A_641 : memref<1x8x592xf32, #tpu.memory_space<hbm>> -> memref<8x592xf32, #tpu.memory_space<hbm>>
      %dma_wait3A_643 = arith.constant 0 : i32
      %dma_wait3A_644 = arith.constant 0 : i32
      %dma_wait3A_645 = tpu.memref_slice %arg7[%dma_wait3A_643, %dma_wait3A_644] : memref<16x592xf32, #tpu.memory_space<vmem>> -> memref<8x592xf32, #tpu.memory_space<vmem>>
      tpu.wait_dma2 semaphore(%arg11 : memref<!tpu.dma_semaphore, #tpu.memory_space<semaphore_mem>>) src(%dma_wait3A_645 : memref<8x592xf32, #tpu.memory_space<vmem>>) dst(%dma_wait3A_642 : memref<8x592xf32, #tpu.memory_space<hbm>>)
      %broadcast_in_dim3A_646 = arith.constant 17696 : i32
      %broadcast_in_dim3A_647 = vector.broadcast %broadcast_in_dim3A_646 : i32 to vector<16xi32>
      %scan3A_648 = arith.constant 0 : i32
      %scan3A_649 = arith.constant 0 : i32
      %scan3A_650 = arith.constant 8 : i32
      %scan3A_651 = arith.addi %scan3A_649, %scan3A_650 : i32
      %scan3A_652 = arith.constant 1 : i32
      scf.for %scan3A_821 = %scan3A_649 to %scan3A_651 step %scan3A_652  : i32 {
        %scan3A_822 = arith.constant 0 : i32
        %scan3A_823 = arith.constant 37 : i32
        %scan3A_824 = arith.addi %scan3A_822, %scan3A_823 : i32
        %scan3A_825 = arith.constant 1 : i32
        scf.for %scan3A_827 = %scan3A_822 to %scan3A_824 step %scan3A_825  : i32 {
          %mul3A_828 = arith.constant 16 : i32
          %mul3A_829 = arith.muli %scan3A_827, %mul3A_828 : i32
          %get3A = arith.index_cast %scan3A_821 : i32 to index
          %get3A_830 = arith.index_cast %mul3A_829 : i32 to index
          %get3A_831 = tpu.vector_load %arg5[%get3A, %get3A_830] {strides = array<i32>} : memref<16x592xi32, #tpu.memory_space<vmem>>, vector<16xi32>,
          %add3A_832 = arith.addi %get3A_831, %broadcast_in_dim3A_647 : vector<16xi32>
          %gather3A = tpu.vector_load_idx %arg6[%add3A_832] : memref<26544xf32, #tpu.memory_space<vmem>>[vector<16xi32>], vector<16xf32>,
          %swap3A = arith.index_cast %scan3A_821 : i32 to index
          %swap3A_833 = arith.index_cast %mul3A_829 : i32 to index
          %swap3A_834 = tpu.vector_load %arg7[%swap3A, %swap3A_833] {strides = array<i32>} : memref<16x592xf32, #tpu.memory_space<vmem>>, vector<16xf32>,
          tpu.vector_store %arg7[%swap3A, %swap3A_833], %gather3A {strides = array<i32>} : memref<16x592xf32, #tpu.memory_space<vmem>>, vector<16xf32>,
        }
        %scan3A_826 = arith.constant 37 : i32
      }
      %scan3A_653 = arith.constant 8 : i32
      %dma_start3A_654 = arith.constant 8 : i32
      %dma_start3A_655 = arith.constant 0 : i32
      %dma_start3A_656 = arith.constant 0 : i32
      %dma_start3A_657 = tpu.memref_slice %arg7[%dma_start3A_655, %dma_start3A_656] : memref<16x592xf32, #tpu.memory_space<vmem>> -> memref<8x592xf32, #tpu.memory_space<vmem>>
      %dma_start3A_658 = arith.constant 0 : i32
      %dma_start3A_659 = tpu.memref_slice %arg4[%dma_start3A_654, %add3A_412, %dma_start3A_658] : memref<12x584x592xf32, #tpu.memory_space<hbm>> -> memref<1x8x592xf32, #tpu.memory_space<hbm>>
      %dma_start3A_660 = tpu.memref_squeeze %dma_start3A_659 : memref<1x8x592xf32, #tpu.memory_space<hbm>> -> memref<8x592xf32, #tpu.memory_space<hbm>>
      %dma_start3A_661 = arith.constant 0 : i32
      %dma_start3A_662 = tpu.memref_slice %arg4[%dma_start3A_654, %add3A_412, %dma_start3A_661] : memref<12x584x592xf32, #tpu.memory_space<hbm>> -> memref<1x8x592xf32, #tpu.memory_space<hbm>>
      %dma_start3A_663 = tpu.memref_squeeze %dma_start3A_662 : memref<1x8x592xf32, #tpu.memory_space<hbm>> -> memref<8x592xf32, #tpu.memory_space<hbm>>
      %dma_start3A_664 = arith.constant 0 : i32
      %dma_start3A_665 = arith.constant 0 : i32
      %dma_start3A_666 = tpu.memref_slice %arg7[%dma_start3A_664, %dma_start3A_665] : memref<16x592xf32, #tpu.memory_space<vmem>> -> memref<8x592xf32, #tpu.memory_space<vmem>>
      tpu.enqueue_dma source(%dma_start3A_666 : memref<8x592xf32, #tpu.memory_space<vmem>>) target(%dma_start3A_663 : memref<8x592xf32, #tpu.memory_space<hbm>>) target_semaphore(%arg11 : memref<!tpu.dma_semaphore, #tpu.memory_space<semaphore_mem>>)
      %dma_wait3A_667 = arith.constant 5 : i32
      %dma_wait3A_668 = arith.constant 0 : i32
      %dma_wait3A_669 = arith.constant 0 : i32
      %dma_wait3A_670 = tpu.memref_slice %arg8[%dma_wait3A_668, %dma_wait3A_669] : memref<16x592xf32, #tpu.memory_space<vmem>> -> memref<8x592xf32, #tpu.memory_space<vmem>>
      %dma_wait3A_671 = arith.constant 0 : i32
      %dma_wait3A_672 = tpu.memref_slice %arg4[%dma_wait3A_667, %add3A_412, %dma_wait3A_671] : memref<12x584x592xf32, #tpu.memory_space<hbm>> -> memref<1x8x592xf32, #tpu.memory_space<hbm>>
      %dma_wait3A_673 = tpu.memref_squeeze %dma_wait3A_672 : memref<1x8x592xf32, #tpu.memory_space<hbm>> -> memref<8x592xf32, #tpu.memory_space<hbm>>
      %dma_wait3A_674 = arith.constant 0 : i32
      %dma_wait3A_675 = tpu.memref_slice %arg4[%dma_wait3A_667, %add3A_412, %dma_wait3A_674] : memref<12x584x592xf32, #tpu.memory_space<hbm>> -> memref<1x8x592xf32, #tpu.memory_space<hbm>>
      %dma_wait3A_676 = tpu.memref_squeeze %dma_wait3A_675 : memref<1x8x592xf32, #tpu.memory_space<hbm>> -> memref<8x592xf32, #tpu.memory_space<hbm>>
      %dma_wait3A_677 = arith.constant 0 : i32
      %dma_wait3A_678 = arith.constant 0 : i32
      %dma_wait3A_679 = tpu.memref_slice %arg8[%dma_wait3A_677, %dma_wait3A_678] : memref<16x592xf32, #tpu.memory_space<vmem>> -> memref<8x592xf32, #tpu.memory_space<vmem>>
      tpu.wait_dma2 semaphore(%arg12 : memref<!tpu.dma_semaphore, #tpu.memory_space<semaphore_mem>>) src(%dma_wait3A_679 : memref<8x592xf32, #tpu.memory_space<vmem>>) dst(%dma_wait3A_676 : memref<8x592xf32, #tpu.memory_space<hbm>>)
      %broadcast_in_dim3A_680 = arith.constant 19908 : i32
      %broadcast_in_dim3A_681 = vector.broadcast %broadcast_in_dim3A_680 : i32 to vector<16xi32>
      %scan3A_682 = arith.constant 0 : i32
      %scan3A_683 = arith.constant 0 : i32
      %scan3A_684 = arith.constant 8 : i32
      %scan3A_685 = arith.addi %scan3A_683, %scan3A_684 : i32
      %scan3A_686 = arith.constant 1 : i32
      scf.for %scan3A_821 = %scan3A_683 to %scan3A_685 step %scan3A_686  : i32 {
        %scan3A_822 = arith.constant 0 : i32
        %scan3A_823 = arith.constant 37 : i32
        %scan3A_824 = arith.addi %scan3A_822, %scan3A_823 : i32
        %scan3A_825 = arith.constant 1 : i32
        scf.for %scan3A_827 = %scan3A_822 to %scan3A_824 step %scan3A_825  : i32 {
          %mul3A_828 = arith.constant 16 : i32
          %mul3A_829 = arith.muli %scan3A_827, %mul3A_828 : i32
          %get3A = arith.index_cast %scan3A_821 : i32 to index
          %get3A_830 = arith.index_cast %mul3A_829 : i32 to index
          %get3A_831 = tpu.vector_load %arg5[%get3A, %get3A_830] {strides = array<i32>} : memref<16x592xi32, #tpu.memory_space<vmem>>, vector<16xi32>,
          %add3A_832 = arith.addi %get3A_831, %broadcast_in_dim3A_681 : vector<16xi32>
          %gather3A = tpu.vector_load_idx %arg6[%add3A_832] : memref<26544xf32, #tpu.memory_space<vmem>>[vector<16xi32>], vector<16xf32>,
          %swap3A = arith.index_cast %scan3A_821 : i32 to index
          %swap3A_833 = arith.index_cast %mul3A_829 : i32 to index
          %swap3A_834 = tpu.vector_load %arg8[%swap3A, %swap3A_833] {strides = array<i32>} : memref<16x592xf32, #tpu.memory_space<vmem>>, vector<16xf32>,
          tpu.vector_store %arg8[%swap3A, %swap3A_833], %gather3A {strides = array<i32>} : memref<16x592xf32, #tpu.memory_space<vmem>>, vector<16xf32>,
        }
        %scan3A_826 = arith.constant 37 : i32
      }
      %scan3A_687 = arith.constant 8 : i32
      %dma_start3A_688 = arith.constant 9 : i32
      %dma_start3A_689 = arith.constant 0 : i32
      %dma_start3A_690 = arith.constant 0 : i32
      %dma_start3A_691 = tpu.memref_slice %arg8[%dma_start3A_689, %dma_start3A_690] : memref<16x592xf32, #tpu.memory_space<vmem>> -> memref<8x592xf32, #tpu.memory_space<vmem>>
      %dma_start3A_692 = arith.constant 0 : i32
      %dma_start3A_693 = tpu.memref_slice %arg4[%dma_start3A_688, %add3A_412, %dma_start3A_692] : memref<12x584x592xf32, #tpu.memory_space<hbm>> -> memref<1x8x592xf32, #tpu.memory_space<hbm>>
      %dma_start3A_694 = tpu.memref_squeeze %dma_start3A_693 : memref<1x8x592xf32, #tpu.memory_space<hbm>> -> memref<8x592xf32, #tpu.memory_space<hbm>>
      %dma_start3A_695 = arith.constant 0 : i32
      %dma_start3A_696 = tpu.memref_slice %arg4[%dma_start3A_688, %add3A_412, %dma_start3A_695] : memref<12x584x592xf32, #tpu.memory_space<hbm>> -> memref<1x8x592xf32, #tpu.memory_space<hbm>>
      %dma_start3A_697 = tpu.memref_squeeze %dma_start3A_696 : memref<1x8x592xf32, #tpu.memory_space<hbm>> -> memref<8x592xf32, #tpu.memory_space<hbm>>
      %dma_start3A_698 = arith.constant 0 : i32
      %dma_start3A_699 = arith.constant 0 : i32
      %dma_start3A_700 = tpu.memref_slice %arg8[%dma_start3A_698, %dma_start3A_699] : memref<16x592xf32, #tpu.memory_space<vmem>> -> memref<8x592xf32, #tpu.memory_space<vmem>>
      tpu.enqueue_dma source(%dma_start3A_700 : memref<8x592xf32, #tpu.memory_space<vmem>>) target(%dma_start3A_697 : memref<8x592xf32, #tpu.memory_space<hbm>>) target_semaphore(%arg12 : memref<!tpu.dma_semaphore, #tpu.memory_space<semaphore_mem>>)
      %dma_wait3A_701 = arith.constant 6 : i32
      %dma_wait3A_702 = arith.constant 0 : i32
      %dma_wait3A_703 = arith.constant 0 : i32
      %dma_wait3A_704 = tpu.memref_slice %arg9[%dma_wait3A_702, %dma_wait3A_703] : memref<16x592xf32, #tpu.memory_space<vmem>> -> memref<8x592xf32, #tpu.memory_space<vmem>>
      %dma_wait3A_705 = arith.constant 0 : i32
      %dma_wait3A_706 = tpu.memref_slice %arg4[%dma_wait3A_701, %add3A_412, %dma_wait3A_705] : memref<12x584x592xf32, #tpu.memory_space<hbm>> -> memref<1x8x592xf32, #tpu.memory_space<hbm>>
      %dma_wait3A_707 = tpu.memref_squeeze %dma_wait3A_706 : memref<1x8x592xf32, #tpu.memory_space<hbm>> -> memref<8x592xf32, #tpu.memory_space<hbm>>
      %dma_wait3A_708 = arith.constant 0 : i32
      %dma_wait3A_709 = tpu.memref_slice %arg4[%dma_wait3A_701, %add3A_412, %dma_wait3A_708] : memref<12x584x592xf32, #tpu.memory_space<hbm>> -> memref<1x8x592xf32, #tpu.memory_space<hbm>>
      %dma_wait3A_710 = tpu.memref_squeeze %dma_wait3A_709 : memref<1x8x592xf32, #tpu.memory_space<hbm>> -> memref<8x592xf32, #tpu.memory_space<hbm>>
      %dma_wait3A_711 = arith.constant 0 : i32
      %dma_wait3A_712 = arith.constant 0 : i32
      %dma_wait3A_713 = tpu.memref_slice %arg9[%dma_wait3A_711, %dma_wait3A_712] : memref<16x592xf32, #tpu.memory_space<vmem>> -> memref<8x592xf32, #tpu.memory_space<vmem>>
      tpu.wait_dma2 semaphore(%arg13 : memref<!tpu.dma_semaphore, #tpu.memory_space<semaphore_mem>>) src(%dma_wait3A_713 : memref<8x592xf32, #tpu.memory_space<vmem>>) dst(%dma_wait3A_710 : memref<8x592xf32, #tpu.memory_space<hbm>>)
      %broadcast_in_dim3A_714 = arith.constant 22120 : i32
      %broadcast_in_dim3A_715 = vector.broadcast %broadcast_in_dim3A_714 : i32 to vector<16xi32>
      %scan3A_716 = arith.constant 0 : i32
      %scan3A_717 = arith.constant 0 : i32
      %scan3A_718 = arith.constant 8 : i32
      %scan3A_719 = arith.addi %scan3A_717, %scan3A_718 : i32
      %scan3A_720 = arith.constant 1 : i32
      scf.for %scan3A_821 = %scan3A_717 to %scan3A_719 step %scan3A_720  : i32 {
        %scan3A_822 = arith.constant 0 : i32
        %scan3A_823 = arith.constant 37 : i32
        %scan3A_824 = arith.addi %scan3A_822, %scan3A_823 : i32
        %scan3A_825 = arith.constant 1 : i32
        scf.for %scan3A_827 = %scan3A_822 to %scan3A_824 step %scan3A_825  : i32 {
          %mul3A_828 = arith.constant 16 : i32
          %mul3A_829 = arith.muli %scan3A_827, %mul3A_828 : i32
          %get3A = arith.index_cast %scan3A_821 : i32 to index
          %get3A_830 = arith.index_cast %mul3A_829 : i32 to index
          %get3A_831 = tpu.vector_load %arg5[%get3A, %get3A_830] {strides = array<i32>} : memref<16x592xi32, #tpu.memory_space<vmem>>, vector<16xi32>,
          %add3A_832 = arith.addi %get3A_831, %broadcast_in_dim3A_715 : vector<16xi32>
          %gather3A = tpu.vector_load_idx %arg6[%add3A_832] : memref<26544xf32, #tpu.memory_space<vmem>>[vector<16xi32>], vector<16xf32>,
          %swap3A = arith.index_cast %scan3A_821 : i32 to index
          %swap3A_833 = arith.index_cast %mul3A_829 : i32 to index
          %swap3A_834 = tpu.vector_load %arg9[%swap3A, %swap3A_833] {strides = array<i32>} : memref<16x592xf32, #tpu.memory_space<vmem>>, vector<16xf32>,
          tpu.vector_store %arg9[%swap3A, %swap3A_833], %gather3A {strides = array<i32>} : memref<16x592xf32, #tpu.memory_space<vmem>>, vector<16xf32>,
        }
        %scan3A_826 = arith.constant 37 : i32
      }
      %scan3A_721 = arith.constant 8 : i32
      %dma_start3A_722 = arith.constant 10 : i32
      %dma_start3A_723 = arith.constant 0 : i32
      %dma_start3A_724 = arith.constant 0 : i32
      %dma_start3A_725 = tpu.memref_slice %arg9[%dma_start3A_723, %dma_start3A_724] : memref<16x592xf32, #tpu.memory_space<vmem>> -> memref<8x592xf32, #tpu.memory_space<vmem>>
      %dma_start3A_726 = arith.constant 0 : i32
      %dma_start3A_727 = tpu.memref_slice %arg4[%dma_start3A_722, %add3A_412, %dma_start3A_726] : memref<12x584x592xf32, #tpu.memory_space<hbm>> -> memref<1x8x592xf32, #tpu.memory_space<hbm>>
      %dma_start3A_728 = tpu.memref_squeeze %dma_start3A_727 : memref<1x8x592xf32, #tpu.memory_space<hbm>> -> memref<8x592xf32, #tpu.memory_space<hbm>>
      %dma_start3A_729 = arith.constant 0 : i32
      %dma_start3A_730 = tpu.memref_slice %arg4[%dma_start3A_722, %add3A_412, %dma_start3A_729] : memref<12x584x592xf32, #tpu.memory_space<hbm>> -> memref<1x8x592xf32, #tpu.memory_space<hbm>>
      %dma_start3A_731 = tpu.memref_squeeze %dma_start3A_730 : memref<1x8x592xf32, #tpu.memory_space<hbm>> -> memref<8x592xf32, #tpu.memory_space<hbm>>
      %dma_start3A_732 = arith.constant 0 : i32
      %dma_start3A_733 = arith.constant 0 : i32
      %dma_start3A_734 = tpu.memref_slice %arg9[%dma_start3A_732, %dma_start3A_733] : memref<16x592xf32, #tpu.memory_space<vmem>> -> memref<8x592xf32, #tpu.memory_space<vmem>>
      tpu.enqueue_dma source(%dma_start3A_734 : memref<8x592xf32, #tpu.memory_space<vmem>>) target(%dma_start3A_731 : memref<8x592xf32, #tpu.memory_space<hbm>>) target_semaphore(%arg13 : memref<!tpu.dma_semaphore, #tpu.memory_space<semaphore_mem>>)
      %dma_wait3A_735 = arith.constant 7 : i32
      %dma_wait3A_736 = arith.constant 0 : i32
      %dma_wait3A_737 = arith.constant 0 : i32
      %dma_wait3A_738 = tpu.memref_slice %arg10[%dma_wait3A_736, %dma_wait3A_737] : memref<16x592xf32, #tpu.memory_space<vmem>> -> memref<8x592xf32, #tpu.memory_space<vmem>>
      %dma_wait3A_739 = arith.constant 0 : i32
      %dma_wait3A_740 = tpu.memref_slice %arg4[%dma_wait3A_735, %add3A_412, %dma_wait3A_739] : memref<12x584x592xf32, #tpu.memory_space<hbm>> -> memref<1x8x592xf32, #tpu.memory_space<hbm>>
      %dma_wait3A_741 = tpu.memref_squeeze %dma_wait3A_740 : memref<1x8x592xf32, #tpu.memory_space<hbm>> -> memref<8x592xf32, #tpu.memory_space<hbm>>
      %dma_wait3A_742 = arith.constant 0 : i32
      %dma_wait3A_743 = tpu.memref_slice %arg4[%dma_wait3A_735, %add3A_412, %dma_wait3A_742] : memref<12x584x592xf32, #tpu.memory_space<hbm>> -> memref<1x8x592xf32, #tpu.memory_space<hbm>>
      %dma_wait3A_744 = tpu.memref_squeeze %dma_wait3A_743 : memref<1x8x592xf32, #tpu.memory_space<hbm>> -> memref<8x592xf32, #tpu.memory_space<hbm>>
      %dma_wait3A_745 = arith.constant 0 : i32
      %dma_wait3A_746 = arith.constant 0 : i32
      %dma_wait3A_747 = tpu.memref_slice %arg10[%dma_wait3A_745, %dma_wait3A_746] : memref<16x592xf32, #tpu.memory_space<vmem>> -> memref<8x592xf32, #tpu.memory_space<vmem>>
      tpu.wait_dma2 semaphore(%arg14 : memref<!tpu.dma_semaphore, #tpu.memory_space<semaphore_mem>>) src(%dma_wait3A_747 : memref<8x592xf32, #tpu.memory_space<vmem>>) dst(%dma_wait3A_744 : memref<8x592xf32, #tpu.memory_space<hbm>>)
      %broadcast_in_dim3A_748 = arith.constant 24332 : i32
      %broadcast_in_dim3A_749 = vector.broadcast %broadcast_in_dim3A_748 : i32 to vector<16xi32>
      %scan3A_750 = arith.constant 0 : i32
      %scan3A_751 = arith.constant 0 : i32
      %scan3A_752 = arith.constant 8 : i32
      %scan3A_753 = arith.addi %scan3A_751, %scan3A_752 : i32
      %scan3A_754 = arith.constant 1 : i32
      scf.for %scan3A_821 = %scan3A_751 to %scan3A_753 step %scan3A_754  : i32 {
        %scan3A_822 = arith.constant 0 : i32
        %scan3A_823 = arith.constant 37 : i32
        %scan3A_824 = arith.addi %scan3A_822, %scan3A_823 : i32
        %scan3A_825 = arith.constant 1 : i32
        scf.for %scan3A_827 = %scan3A_822 to %scan3A_824 step %scan3A_825  : i32 {
          %mul3A_828 = arith.constant 16 : i32
          %mul3A_829 = arith.muli %scan3A_827, %mul3A_828 : i32
          %get3A = arith.index_cast %scan3A_821 : i32 to index
          %get3A_830 = arith.index_cast %mul3A_829 : i32 to index
          %get3A_831 = tpu.vector_load %arg5[%get3A, %get3A_830] {strides = array<i32>} : memref<16x592xi32, #tpu.memory_space<vmem>>, vector<16xi32>,
          %add3A_832 = arith.addi %get3A_831, %broadcast_in_dim3A_749 : vector<16xi32>
          %gather3A = tpu.vector_load_idx %arg6[%add3A_832] : memref<26544xf32, #tpu.memory_space<vmem>>[vector<16xi32>], vector<16xf32>,
          %swap3A = arith.index_cast %scan3A_821 : i32 to index
          %swap3A_833 = arith.index_cast %mul3A_829 : i32 to index
          %swap3A_834 = tpu.vector_load %arg10[%swap3A, %swap3A_833] {strides = array<i32>} : memref<16x592xf32, #tpu.memory_space<vmem>>, vector<16xf32>,
          tpu.vector_store %arg10[%swap3A, %swap3A_833], %gather3A {strides = array<i32>} : memref<16x592xf32, #tpu.memory_space<vmem>>, vector<16xf32>,
        }
        %scan3A_826 = arith.constant 37 : i32
      }
      %scan3A_755 = arith.constant 8 : i32
      %dma_start3A_756 = arith.constant 11 : i32
      %dma_start3A_757 = arith.constant 0 : i32
      %dma_start3A_758 = arith.constant 0 : i32
      %dma_start3A_759 = tpu.memref_slice %arg10[%dma_start3A_757, %dma_start3A_758] : memref<16x592xf32, #tpu.memory_space<vmem>> -> memref<8x592xf32, #tpu.memory_space<vmem>>
      %dma_start3A_760 = arith.constant 0 : i32
      %dma_start3A_761 = tpu.memref_slice %arg4[%dma_start3A_756, %add3A_412, %dma_start3A_760] : memref<12x584x592xf32, #tpu.memory_space<hbm>> -> memref<1x8x592xf32, #tpu.memory_space<hbm>>
      %dma_start3A_762 = tpu.memref_squeeze %dma_start3A_761 : memref<1x8x592xf32, #tpu.memory_space<hbm>> -> memref<8x592xf32, #tpu.memory_space<hbm>>
      %dma_start3A_763 = arith.constant 0 : i32
      %dma_start3A_764 = tpu.memref_slice %arg4[%dma_start3A_756, %add3A_412, %dma_start3A_763] : memref<12x584x592xf32, #tpu.memory_space<hbm>> -> memref<1x8x592xf32, #tpu.memory_space<hbm>>
      %dma_start3A_765 = tpu.memref_squeeze %dma_start3A_764 : memref<1x8x592xf32, #tpu.memory_space<hbm>> -> memref<8x592xf32, #tpu.memory_space<hbm>>
      %dma_start3A_766 = arith.constant 0 : i32
      %dma_start3A_767 = arith.constant 0 : i32
      %dma_start3A_768 = tpu.memref_slice %arg10[%dma_start3A_766, %dma_start3A_767] : memref<16x592xf32, #tpu.memory_space<vmem>> -> memref<8x592xf32, #tpu.memory_space<vmem>>
      tpu.enqueue_dma source(%dma_start3A_768 : memref<8x592xf32, #tpu.memory_space<vmem>>) target(%dma_start3A_765 : memref<8x592xf32, #tpu.memory_space<hbm>>) target_semaphore(%arg14 : memref<!tpu.dma_semaphore, #tpu.memory_space<semaphore_mem>>)
      %dma_wait3A_769 = arith.constant 8 : i32
      %dma_wait3A_770 = arith.constant 0 : i32
      %dma_wait3A_771 = arith.constant 0 : i32
      %dma_wait3A_772 = tpu.memref_slice %arg7[%dma_wait3A_770, %dma_wait3A_771] : memref<16x592xf32, #tpu.memory_space<vmem>> -> memref<8x592xf32, #tpu.memory_space<vmem>>
      %dma_wait3A_773 = arith.constant 0 : i32
      %dma_wait3A_774 = tpu.memref_slice %arg4[%dma_wait3A_769, %add3A_412, %dma_wait3A_773] : memref<12x584x592xf32, #tpu.memory_space<hbm>> -> memref<1x8x592xf32, #tpu.memory_space<hbm>>
      %dma_wait3A_775 = tpu.memref_squeeze %dma_wait3A_774 : memref<1x8x592xf32, #tpu.memory_space<hbm>> -> memref<8x592xf32, #tpu.memory_space<hbm>>
      %dma_wait3A_776 = arith.constant 0 : i32
      %dma_wait3A_777 = tpu.memref_slice %arg4[%dma_wait3A_769, %add3A_412, %dma_wait3A_776] : memref<12x584x592xf32, #tpu.memory_space<hbm>> -> memref<1x8x592xf32, #tpu.memory_space<hbm>>
      %dma_wait3A_778 = tpu.memref_squeeze %dma_wait3A_777 : memref<1x8x592xf32, #tpu.memory_space<hbm>> -> memref<8x592xf32, #tpu.memory_space<hbm>>
      %dma_wait3A_779 = arith.constant 0 : i32
      %dma_wait3A_780 = arith.constant 0 : i32
      %dma_wait3A_781 = tpu.memref_slice %arg7[%dma_wait3A_779, %dma_wait3A_780] : memref<16x592xf32, #tpu.memory_space<vmem>> -> memref<8x592xf32, #tpu.memory_space<vmem>>
      tpu.wait_dma2 semaphore(%arg11 : memref<!tpu.dma_semaphore, #tpu.memory_space<semaphore_mem>>) src(%dma_wait3A_781 : memref<8x592xf32, #tpu.memory_space<vmem>>) dst(%dma_wait3A_778 : memref<8x592xf32, #tpu.memory_space<hbm>>)
      %dma_wait3A_782 = arith.constant 9 : i32
      %dma_wait3A_783 = arith.constant 0 : i32
      %dma_wait3A_784 = arith.constant 0 : i32
      %dma_wait3A_785 = tpu.memref_slice %arg8[%dma_wait3A_783, %dma_wait3A_784] : memref<16x592xf32, #tpu.memory_space<vmem>> -> memref<8x592xf32, #tpu.memory_space<vmem>>
      %dma_wait3A_786 = arith.constant 0 : i32
      %dma_wait3A_787 = tpu.memref_slice %arg4[%dma_wait3A_782, %add3A_412, %dma_wait3A_786] : memref<12x584x592xf32, #tpu.memory_space<hbm>> -> memref<1x8x592xf32, #tpu.memory_space<hbm>>
      %dma_wait3A_788 = tpu.memref_squeeze %dma_wait3A_787 : memref<1x8x592xf32, #tpu.memory_space<hbm>> -> memref<8x592xf32, #tpu.memory_space<hbm>>
      %dma_wait3A_789 = arith.constant 0 : i32
      %dma_wait3A_790 = tpu.memref_slice %arg4[%dma_wait3A_782, %add3A_412, %dma_wait3A_789] : memref<12x584x592xf32, #tpu.memory_space<hbm>> -> memref<1x8x592xf32, #tpu.memory_space<hbm>>
      %dma_wait3A_791 = tpu.memref_squeeze %dma_wait3A_790 : memref<1x8x592xf32, #tpu.memory_space<hbm>> -> memref<8x592xf32, #tpu.memory_space<hbm>>
      %dma_wait3A_792 = arith.constant 0 : i32
      %dma_wait3A_793 = arith.constant 0 : i32
      %dma_wait3A_794 = tpu.memref_slice %arg8[%dma_wait3A_792, %dma_wait3A_793] : memref<16x592xf32, #tpu.memory_space<vmem>> -> memref<8x592xf32, #tpu.memory_space<vmem>>
      tpu.wait_dma2 semaphore(%arg12 : memref<!tpu.dma_semaphore, #tpu.memory_space<semaphore_mem>>) src(%dma_wait3A_794 : memref<8x592xf32, #tpu.memory_space<vmem>>) dst(%dma_wait3A_791 : memref<8x592xf32, #tpu.memory_space<hbm>>)
      %dma_wait3A_795 = arith.constant 10 : i32
      %dma_wait3A_796 = arith.constant 0 : i32
      %dma_wait3A_797 = arith.constant 0 : i32
      %dma_wait3A_798 = tpu.memref_slice %arg9[%dma_wait3A_796, %dma_wait3A_797] : memref<16x592xf32, #tpu.memory_space<vmem>> -> memref<8x592xf32, #tpu.memory_space<vmem>>
      %dma_wait3A_799 = arith.constant 0 : i32
      %dma_wait3A_800 = tpu.memref_slice %arg4[%dma_wait3A_795, %add3A_412, %dma_wait3A_799] : memref<12x584x592xf32, #tpu.memory_space<hbm>> -> memref<1x8x592xf32, #tpu.memory_space<hbm>>
      %dma_wait3A_801 = tpu.memref_squeeze %dma_wait3A_800 : memref<1x8x592xf32, #tpu.memory_space<hbm>> -> memref<8x592xf32, #tpu.memory_space<hbm>>
      %dma_wait3A_802 = arith.constant 0 : i32
      %dma_wait3A_803 = tpu.memref_slice %arg4[%dma_wait3A_795, %add3A_412, %dma_wait3A_802] : memref<12x584x592xf32, #tpu.memory_space<hbm>> -> memref<1x8x592xf32, #tpu.memory_space<hbm>>
      %dma_wait3A_804 = tpu.memref_squeeze %dma_wait3A_803 : memref<1x8x592xf32, #tpu.memory_space<hbm>> -> memref<8x592xf32, #tpu.memory_space<hbm>>
      %dma_wait3A_805 = arith.constant 0 : i32
      %dma_wait3A_806 = arith.constant 0 : i32
      %dma_wait3A_807 = tpu.memref_slice %arg9[%dma_wait3A_805, %dma_wait3A_806] : memref<16x592xf32, #tpu.memory_space<vmem>> -> memref<8x592xf32, #tpu.memory_space<vmem>>
      tpu.wait_dma2 semaphore(%arg13 : memref<!tpu.dma_semaphore, #tpu.memory_space<semaphore_mem>>) src(%dma_wait3A_807 : memref<8x592xf32, #tpu.memory_space<vmem>>) dst(%dma_wait3A_804 : memref<8x592xf32, #tpu.memory_space<hbm>>)
      %dma_wait3A_808 = arith.constant 11 : i32
      %dma_wait3A_809 = arith.constant 0 : i32
      %dma_wait3A_810 = arith.constant 0 : i32
      %dma_wait3A_811 = tpu.memref_slice %arg10[%dma_wait3A_809, %dma_wait3A_810] : memref<16x592xf32, #tpu.memory_space<vmem>> -> memref<8x592xf32, #tpu.memory_space<vmem>>
      %dma_wait3A_812 = arith.constant 0 : i32
      %dma_wait3A_813 = tpu.memref_slice %arg4[%dma_wait3A_808, %add3A_412, %dma_wait3A_812] : memref<12x584x592xf32, #tpu.memory_space<hbm>> -> memref<1x8x592xf32, #tpu.memory_space<hbm>>
      %dma_wait3A_814 = tpu.memref_squeeze %dma_wait3A_813 : memref<1x8x592xf32, #tpu.memory_space<hbm>> -> memref<8x592xf32, #tpu.memory_space<hbm>>
      %dma_wait3A_815 = arith.constant 0 : i32
      %dma_wait3A_816 = tpu.memref_slice %arg4[%dma_wait3A_808, %add3A_412, %dma_wait3A_815] : memref<12x584x592xf32, #tpu.memory_space<hbm>> -> memref<1x8x592xf32, #tpu.memory_space<hbm>>
      %dma_wait3A_817 = tpu.memref_squeeze %dma_wait3A_816 : memref<1x8x592xf32, #tpu.memory_space<hbm>> -> memref<8x592xf32, #tpu.memory_space<hbm>>
      %dma_wait3A_818 = arith.constant 0 : i32
      %dma_wait3A_819 = arith.constant 0 : i32
      %dma_wait3A_820 = tpu.memref_slice %arg10[%dma_wait3A_818, %dma_wait3A_819] : memref<16x592xf32, #tpu.memory_space<vmem>> -> memref<8x592xf32, #tpu.memory_space<vmem>>
      tpu.wait_dma2 semaphore(%arg14 : memref<!tpu.dma_semaphore, #tpu.memory_space<semaphore_mem>>) src(%dma_wait3A_820 : memref<8x592xf32, #tpu.memory_space<vmem>>) dst(%dma_wait3A_817 : memref<8x592xf32, #tpu.memory_space<hbm>>)
    } else {
    }
    return
  }
}

module attributes {stable_mosaic.version = 14 : i64} {
  func.func @body(%arg0: i32, %arg1: memref<4x1x577x577xf32, #tpu.memory_space<vmem>>, %arg2: memref<1x584x592xf32, #tpu.memory_space<vmem>>, %arg3: memref<4x1x577x577xf32, #tpu.memory_space<vmem>>) attributes {dimension_semantics = [#tpu.dimension_semantics<arbitrary>], iteration_bounds = array<i64: 12>, scalar_prefetch = 0 : i64, scratch_operands = 0 : i64, tpu.core_type = #tpu.core_type<tc>, window_params = [{transform_indices = @transform_0, window_bounds = array<i64: 4, 1, 577, 577>}, {transform_indices = @transform_1, window_bounds = array<i64: 1, 584, 592>}, {transform_indices = @transform_2, window_bounds = array<i64: 4, 1, 577, 577>}]} {
    %get3A = arith.constant 0 : index
    %get3A_0 = arith.constant 0 : index
    %get3A_1 = arith.constant 0 : index
    %get3A_2 = arith.constant 0 : index
    %get3A_3 = vector.load %arg1[%get3A, %get3A_0, %get3A_1, %get3A_2] : memref<4x1x577x577xf32, #tpu.memory_space<vmem>>, vector<4x1x577x577xf32>
    %get3A_4 = vector.shape_cast %get3A_3 : vector<4x1x577x577xf32> to vector<4x577x577xf32>
    %get3A_5 = arith.constant 0 : index
    %get3A_6 = arith.constant 0 : index
    %get3A_7 = arith.constant 0 : index
    %get3A_8 = vector.load %arg2[%get3A_5, %get3A_6, %get3A_7] : memref<1x584x592xf32, #tpu.memory_space<vmem>>, vector<1x577x577xf32>
    %add3A = vector.broadcast %get3A_8 : vector<1x577x577xf32> to vector<4x577x577xf32>
    %add3A_9 = arith.addf %get3A_4, %add3A : vector<4x577x577xf32>
    %swap3A = arith.constant 0 : index
    %swap3A_10 = arith.constant 0 : index
    %swap3A_11 = arith.constant 0 : index
    %swap3A_12 = arith.constant 0 : index
    %swap3A_13 = vector.load %arg3[%swap3A, %swap3A_10, %swap3A_11, %swap3A_12] : memref<4x1x577x577xf32, #tpu.memory_space<vmem>>, vector<4x1x577x577xf32>
    %swap3A_14 = vector.shape_cast %swap3A_13 : vector<4x1x577x577xf32> to vector<4x577x577xf32>
    %swap3A_15 = vector.shape_cast %add3A_9 : vector<4x577x577xf32> to vector<4x1x577x577xf32>
    tpu.vector_store %arg3[%swap3A, %swap3A_10, %swap3A_11, %swap3A_12], %swap3A_15 {strides = array<i32>} : memref<4x1x577x577xf32, #tpu.memory_space<vmem>>, vector<4x1x577x577xf32>,
    return
  }
  func.func @transform_0(%arg0: i32) -> (i32, i32, i32, i32) {
    %c0_i32 = arith.constant 0 : i32
    %c0_i32_0 = arith.constant 0 : i32
    %c0_i32_1 = arith.constant 0 : i32
    %c0_i32_2 = arith.constant 0 : i32
    return %c0_i32, %arg0, %c0_i32_0, %c0_i32_1 : i32, i32, i32, i32
  }
  func.func @transform_1(%arg0: i32) -> (i32, i32, i32) {
    %c0_i32 = arith.constant 0 : i32
    %c0_i32_0 = arith.constant 0 : i32
    %c0_i32_1 = arith.constant 0 : i32
    return %arg0, %c0_i32, %c0_i32_0 : i32, i32, i32
  }
  func.func @transform_2(%arg0: i32) -> (i32, i32, i32, i32) {
    %c0_i32 = arith.constant 0 : i32
    %c0_i32_0 = arith.constant 0 : i32
    %c0_i32_1 = arith.constant 0 : i32
    %c0_i32_2 = arith.constant 0 : i32
    return %c0_i32, %arg0, %c0_i32_0, %c0_i32_1 : i32, i32, i32, i32
  }
}

</mosaic_0001>

<sc_bundles>
// kernel: kernel.4.cloned.1.call-start
scs
__scs_entry_jumppad:
0x0: {  	(pc) =	sbr.rel $0x88, $3  }
0x1: {  	(tag) =	ssettag $0x0;
	lr =	simm.s32 $0x1  }
0x2: {  	[smem:$0x3F9E] =	sst lr;
	_ =	strace $0xD0000000  }
0x3: {  	_ = 	snop  }
0x4: {  	_ = 	snop  }
0x5: {  	_ = 	snop  }
0x6: {  	_ = 	snop  }
0x7: {  	_ = 	snop  }
__scs_overlays_trampoline_lowered:
0x8: {  	[smem:$0x3FAD] =	sst s0  }
0x9: {  	[smem:$0x3FAE] =	sst s1  }
0xa: {  	[smem:$0x3FAF] =	sst s2  }
0xb: {  	[smem:$0x3FB0] =	sst s3  }
0xc: {  	[smem:$0x3FB1] =	sst s4  }
0xd: {  	[smem:$0x3FB2] =	sst s5  }
0xe: {  	[smem:$0x3FB3] =	sst s6  }
0xf: {  	[smem:$0x3FB4] =	sst s7  }
0x10: {  	[smem:$0x3FB5] =	sst s8  }
0x11: {  	[smem:$0x3FB6] =	sst s9;
	s0 =	simm.s32 @!p0 $0x0  }
0x12: {  	s1 =	sld [smem:$0x3F9C];
	s0 =	simm.s32 @p0 $0x1  }
0x13: {  	[smem:$0x3FB7] =	sst s0;
	s0 =	simm.s32 @!p1 $0x0  }
0x14: {  	s2 =	sld [smem:$0x3F9B];
	s0 =	simm.s32 @p1 $0x1  }
0x15: {  	[smem:$0x3FB8] =	sst s0;
	s0 =	simm.s32 @!p2 $0x0  }
0x16: {  	s3 =	sld [smem:$0x3FDB];
	s0 =	simm.s32 @p2 $0x1  }
0x17: {  	s4 =	simm.s32 $0x1BF5;
	[smem:$0x3FBA] =	sst s0  }
0x18: {  	s0 =	sld [smem:$0x3F9D];
	_ =	swait.ge [sflag:s4], $0x0  }
0x19: {  	s7 =	sld [smem:$0x3F9E]  }
0x1a: {  	s8 =	sadd.s32 $0xFFFFE003, lr  }
0x1b: {  	s9 =	sadd.s32 $0xFFFFFEF7, lr;
	s5 =	simm.s32 $0xFFFFFFFF;
	p2 =	slt.u32 s8, $0xFFFFF086  }
0x1c: {  	p1 =	slt.u32 s9, $0xF7A;
	s5 =	simm.s32 @!p2 $0x0  }
0x1d: {  	s5 =	simm.s32 @p1 $0x1;
	p0 =	seq.s32 s7, s2  }
0x1e: {  	s7 =	smul.u32 @!p0 $0xF7A, s2;
	p2 =	seq.s32 @!p0 s5, $0x0  }
0x1f: {  	s9 =	smul.u32 $0xF7A, s1;
	s8 =	simm.s32 @!p0 $0x1BF5;
	p2 =	por !p2, p0  }
0x20: {  	[sflag:s8] =	ssyncset.s32 @!p0 $0xFFFFF086;
	s6 =	sadd.s32 @!p0 s3, s7;
	s7 =	simm.s32 @!p0 $0x108  }
0x21: {  	s3 =	sadd.s32 s3, s9;
	s6 =	sadd.s32 @!p0 $0x88, s6;
	s7 =	simm.s32 @p2 $0x1082  }
0x22: {  	[simem:s7], [sflag:s8] =	dma.local @!p0 [hbm:s6], $0xF7A  }
0x23: {  	s9 =	sor.u32 $0xD0000000, s2;
	s6 =	simm.s32 $0x108;
	_ =	swait.ge @!p0 [sflag:s8], $0x0  }
0x24: {  	s3 =	sadd.s32 $0x88, s3;
	s6 =	simm.s32 @!p1 $0x1082;
	[sflag:s4] =	ssyncset.s32 $0xFFFFF086  }
0x25: {  	[simem:s6], [sflag:s4] =	dma.local [hbm:s3], $0xF7A  }
0x26: {  	[smem:$0x3F9E] =	sst s1;
	(tag) =	ssettag s2;
	_ =	strace s9  }
0x27: {  	s1 =	sld [smem:$0x3FAE]  }
0x28: {  	s2 =	sld [smem:$0x3FAF]  }
0x29: {  	s4 =	sld [smem:$0x3FB1]  }
0x2a: {  	p0 =	seq.s32 s5, $0x0;
	s5 =	sld [smem:$0x3FB2]  }
0x2b: {  	s6 =	sld [smem:$0x3FB3]  }
0x2c: {  	s7 =	sld [smem:$0x3FB4]  }
0x2d: {  	s3 =	simm.s32 $0x108;
	s8 =	sld [smem:$0x3FB5]  }
0x2e: {  	s3 =	simm.s32 @!p0 $0x1082;
	s9 =	sld [smem:$0x3FB6]  }
0x2f: {  	lr =	sadd.s32 s0, s3;
	s0 =	sld [smem:$0x3FAD]  }
0x30: {  	s3 =	sld [smem:$0x3FB0]  }
0x31: {  	[smem:$0x3FB9] =	sst s10  }
0x32: {  	s10 =	sld [smem:$0x3FB7];
	_ =	sdelay $0x3  }
0x33: {  	p0 =	seq.s32 s10, $0x1;
	s10 =	sld [smem:$0x3FB9];
	_ =	sdelay $0x3  }
0x34: {  	[smem:$0x3FB9] =	sst s10  }
0x35: {  	s10 =	sld [smem:$0x3FB8];
	_ =	sdelay $0x3  }
0x36: {  	p1 =	seq.s32 s10, $0x1;
	s10 =	sld [smem:$0x3FB9];
	_ =	sdelay $0x3  }
0x37: {  	[smem:$0x3FB9] =	sst s10  }
0x38: {  	s10 =	sld [smem:$0x3FBA]  }
0x39: {  	_ = 	snop;
	(pc) =	sbr.ind lr, $3  }
0x3a: {  	_ = 	snop  }
0x3b: {  	_ = 	snop  }
0x3c: {  	p2 =	seq.s32 s10, $0x1;
	s10 =	sld [smem:$0x3FB9]  }
0x3d: {  	_ =	shalt  }
0x3e: {  	_ =	shalt  }
0x3f: {  	_ =	shalt  }
0x40: {  	_ =	shalt  }
0x41: {  	_ =	shalt  }
0x42: {  	_ =	shalt  }
0x43: {  	_ =	shalt  }
0x44: {  	_ =	shalt  }
0x45: {  	_ =	shalt  }
0x46: {  	_ =	shalt  }
0x47: {  	_ =	shalt  }
0x48: {  	_ =	shalt  }
0x49: {  	_ =	shalt  }
0x4a: {  	_ =	shalt  }
0x4b: {  	_ =	shalt  }
0x4c: {  	_ =	shalt  }
0x4d: {  	_ =	shalt  }
0x4e: {  	_ =	shalt  }
0x4f: {  	_ =	shalt  }
0x50: {  	_ =	shalt  }
0x51: {  	_ =	shalt  }
0x52: {  	_ =	shalt  }
0x53: {  	_ =	shalt  }
0x54: {  	_ =	shalt  }
0x55: {  	_ =	shalt  }
0x56: {  	_ =	shalt  }
0x57: {  	_ =	shalt  }
0x58: {  	_ =	shalt  }
0x59: {  	_ =	shalt  }
0x5a: {  	_ =	shalt  }
0x5b: {  	_ =	shalt  }
0x5c: {  	_ =	shalt  }
0x5d: {  	_ =	shalt  }
0x5e: {  	_ =	shalt  }
0x5f: {  	_ =	shalt  }
0x60: {  	_ =	shalt  }
0x61: {  	_ =	shalt  }
0x62: {  	_ =	shalt  }
0x63: {  	_ =	shalt  }
0x64: {  	_ =	shalt  }
0x65: {  	_ =	shalt  }
0x66: {  	_ =	shalt  }
0x67: {  	_ =	shalt  }
0x68: {  	_ =	shalt  }
0x69: {  	_ =	shalt  }
0x6a: {  	_ =	shalt  }
0x6b: {  	_ =	shalt  }
0x6c: {  	_ =	shalt  }
0x6d: {  	_ =	shalt  }
0x6e: {  	_ =	shalt  }
0x6f: {  	_ =	shalt  }
0x70: {  	_ =	shalt  }
0x71: {  	_ =	shalt  }
0x72: {  	_ =	shalt  }
0x73: {  	_ =	shalt  }
0x74: {  	_ =	shalt  }
0x75: {  	_ =	shalt  }
0x76: {  	_ =	shalt  }
0x77: {  	_ =	shalt  }
0x78: {  	_ =	shalt  }
0x79: {  	_ =	shalt  }
0x7a: {  	_ =	shalt  }
0x7b: {  	_ =	shalt  }
0x7c: {  	_ =	shalt  }
0x7d: {  	_ =	shalt  }
0x7e: {  	_ =	shalt  }
0x7f: {  	_ =	shalt  }
0x80: {  	_ =	shalt  }
0x81: {  	_ =	shalt  }
0x82: {  	_ =	shalt  }
0x83: {  	_ =	shalt  }
0x84: {  	_ =	shalt  }
0x85: {  	_ =	shalt  }
0x86: {  	_ =	shalt  }
0x87: {  	_ =	shalt  }
.Lfunc_end0:
.L_simem_size_0:
called_computation_lowered:
.L_overlay_start_0:
0x88: {  	s2 =	sld [smem:$0x3FD9]  }
0x89: {  	s3 =	sld [smem:$0x3FFE];
	_ =	sdelay $0x1  }
0x8a: {  	s1 =	srdreg.scid  }
0x8b: {  	s0 =	sand.u32 $0x1, s1  }
0x8c: {  	s17 =	sshll.u32 s0, $0xA;
	s2 =	sadd.s32 s3, s2  }
0x8d: {  	s2 =	sadd.s32 s2, s17  }
0x8e: {  	[smem:$0x3FC5] =	sst s2  }
0x8f: {  	_ = 	snop  }
0x90: {  	s2 =	sld [smem:$0x3FD0];
	(tm) =	ssettm $0x1  }
0x91: {  	s18 =	sld [smem:$0x3FFB];
	_ =	sdelay $0x3  }
0x92: {  	_ =	strace s18  }
0x93: {  	s3 =	sld [smem:$0x3FFC];
	_ =	sdelay $0x3  }
0x94: {  	_ =	strace s3  }
0x95: {  	s3 =	sld [smem:$0x3FFD];
	_ =	sdelay $0x3  }
0x96: {  	_ =	strace s3  }
0x97: {  	_ =	strace $0x8FFFFFFF  }
0x98: {  	s19 =	sld [smem:$0x3FDB];
	_ =	sdelay $0x1  }
0x99: {  	s4 =	simm.s32 $_scs_section_size  }
0x9a: {  	s5 =	simm.s32 $_size__tile_overlayer_lowered;
	s6 =	simm.s32 $_tile_overlayer_lowered  }
0x9b: {  	s22 =	simm.s32 $0x1BFF;
	s21 =	sshll.u32 s6, $0x1;
	s3 =	sadd.s32 s4, s19  }
0x9c: {  	s7 =	simm.s32 $0x0;
	s20 =	sshll.u32 s5, $0x1;
	s5 =	sadd.s32 s21, s3  }
0x9d: {  	[timem:s7], [sflag:s22] =	dma.local [hbm:s5], s20  }
0x9e: {  	_ =	swait.ge [sflag:s22], s20  }
0x9f: {  	s4 =	ssub.s32 $0x0, s20;
	[sflag:s22] =	ssyncset.done $0x0  }
0xa0: {  	[sflag:s22] =	ssyncadd.s32 s4;
	_ =	sdelay $0x1  }
0xa1: {  	s23 =	simm.s32 $0x1B8B  }
0xa2: {  	_ =	swait.ge [sflag:s23], $0x1  }
0xa3: {  	[sflag:s23] =	ssyncset.done $0x0  }
0xa4: {  	s25 =	simm.s32 $0x1B8E;
	s24 =	sld [smem:$0x3FFE];
	[sflag:s23] =	ssyncadd.s32 $0xFFFFFFFF  }
0xa5: {  	s26 =	simm.s32 $execute0_lowered;
	[smem:$0x3FD2] =	sst s25  }
0xa6: {  	s5 =	sshll.u32 s26, $0x1;
	_ =	strace $0x80000046;
	[dreg:$0x1] =	wrdreg $0xFFFFFFFF  }
0xa7: {  	s28 =	simm.s32 $_size_execute0_lowered;
	s3 =	sadd.s32 s3, s5;
	[dreg:$0x0] =	wrdreg $0x0  }
0xa8: {  	s5 =	sshll.u32 s28, $0x1;
	[dreg:$0x2] =	wrdreg s3  }
0xa9: {  	[dreg:$0x3] =	wrdreg s5  }
0xaa: {  	[dreg:$0x4] =	wrdreg $0xC0  }
0xab: {  	_ =	task [dreg:s7], $0x5FFFF  }
0xac: {  	[dreg:$0x1] =	wrdreg $0xFFFFFFFF  }
0xad: {  	[dreg:$0x0] =	wrdreg $0x60  }
0xae: {  	[dreg:$0x2] =	wrdreg s24  }
0xaf: {  	[dreg:$0x3] =	wrdreg s2  }
0xb0: {  	[dreg:$0x4] =	wrdreg $0x9  }
0xb1: {  	_ =	task.clear_ibuf [dreg:s7], $0x5FFFF;
	_ =	strace $0x90000046  }
0xb2: {  	s29 =	simm.s32 $0x9;
	_ =	strace $0x80000048  }
0xb3: {  	_ =	swait.ge [sflag:s29], $0x1  }
0xb4: {  	[sflag:s29] =	ssyncadd.s32 $0xFFFFFFFF  }
0xb5: {  	_ =	strace $0x90000048  }
0xb6: {  	_ =	sfence  }
0xb7: {  	s30 =	sld [smem:$0x0];
	_ =	sdelay $0x2  }
0xb8: {  	s31 =	sshll.u32 s1, $0xD;
	s1 =	sshrl.u32 s1, $0x2  }
0xb9: {  	s3 =	sand.u32 $0x4000, s31;
	s1 =	sadd.s32 s1, s30  }
0xba: {  	s0 =	sor.u32 s3, s0;
	s1 =	sshll.u32 s1, $0x11  }
0xbb: {  	s0 =	sor.u32 s1, s0  }
0xbc: {  	s0 =	sadd.s32 $0x8F2B, s0  }
0xbd: {  	[sflag:s0] =	ssyncadd.remote.s32 $0x1  }
0xbe: {  	_ =	sfence.sel $0xFFFF  }
0xbf: {  	[dreg:$0x0] =	wrdreg $0xFFFFFFFF;
	(pc) =	sbr.abs _section_cstart, $3  }
0xc0: {  	[dreg:$0x1] =	wrdreg $0xFFFFFFFF  }
0xc1: {  	_ =	task.clear_ibuf [dreg:s7], $0x2FFFF;
	_ =	strace $0x9FFFFFFF  }
0xc2: {  	(tm) =	ssettm $0x7FFFFFFF  }
0xc3: {  	_ =	shalt  }
tec
execute0_lowered:
.L_overlay_start_1:
0x0: {  	(tag) =	ssettag $0x1  }
0x1: {  	s1 =	srdreg.scid;
	s2 =	stileid.u32  }
0x2: {  	s0 =	rddreg [dreg:$0x0];
	s1 =	sand.u32 $0x1, s1;
	s4 =	sshll.u32 s2, $0x1  }
0x3: {  	s3 =	rddreg [dreg:$0x1];
	s5 =	sor.u32 s1, s4  }
0x4: {  	s2 =	simm.s32 $0x0;
	s6 =	sadd.s32 $0x600, s0;
	s4 =	smul.u32 $0x2800, s5  }
0x5: {  	s0 =	sadd.s32 $0x1400, s0;
	[smem:$0x7FF] =	sst s2;
	s1 =	ssub.s32 $0x2, s1  }
0x6: {  	_ =	strace $0x80000047;
	[dreg:$0x3] =	wrdreg s6;
	s10 =	sshrl.u32 s4, $0x3  }
0x7: {  	s8 =	smul.u32 $0x1400, s5;
	s4 =	sadd.s32 s3, s10;
	s6 =	sadd.s32 s0, s10  }
0x8: {  	s7 =	sshrl.u32 s1, $0x1;
	[dreg:$0x4] =	wrdreg s6;
	s11 =	sadd.s32 $0xB680, s4  }
0x9: {  	s14 =	sshrl.u32 s8, $0x3;
	s12 =	sadd.s32 $0x16D00, s4;
	[dreg:$0x5] =	wrdreg s11  }
0xa: {  	s15 =	sadd.s32 $0xA000, s14;
	s13 =	sadd.s32 $0x22380, s4;
	[dreg:$0x6] =	wrdreg s12  }
0xb: {  	p0 =	sgt.u32 s5, $0x8;
	s0 =	sadd.s32 s0, s15;
	[dreg:$0x7] =	wrdreg s13  }
0xc: {  	s16 =	sadd.s32 s3, s14;
	s3 =	sadd.s32 s3, s15;
	[dreg:$0x8] =	wrdreg s0  }
0xd: {  	s1 =	ssub.s32 s1, s7;
	s17 =	sadd.s32 $0x15680, s16;
	[dreg:$0x9] =	wrdreg s3  }
0xe: {  	s14 =	simm.s32 $0xE000;
	s18 =	sadd.s32 $0x20D00, s16;
	[dreg:$0xa] =	wrdreg s17  }
0xf: {  	s9 =	sadd.s32 $0x2DA00, s4;
	s19 =	sadd.s32 $0x2C380, s16;
	[dreg:$0xb] =	wrdreg s18  }
0x10: {  	s10 =	sadd.s32 $0x39080, s4;
	s20 =	sadd.s32 $0x37A00, s16;
	[dreg:$0xc] =	wrdreg s19  }
0x11: {  	s21 =	sadd.s32 $0x43080, s16;
	s22 =	sadd.s32 $0x4E700, s16;
	[dreg:$0xd] =	wrdreg s20  }
0x12: {  	s23 =	sadd.s32 $0x59D80, s16;
	s24 =	sadd.s32 $0x65400, s16;
	[dreg:$0xe] =	wrdreg s21  }
0x13: {  	s25 =	sadd.s32 $0x70A80, s16;
	s26 =	sadd.s32 $0x7C100, s16;
	[dreg:$0xf] =	wrdreg s22  }
0x14: {  	s28 =	sadd.s32 $0x5B400, s4;
	s29 =	sadd.s32 $0x66A80, s4;
	[dreg:$0x10] =	wrdreg s23  }
0x15: {  	s30 =	sadd.s32 $0x72100, s4;
	s31 =	sadd.s32 $0x7D780, s4;
	[dreg:$0x11] =	wrdreg s24  }
0x16: {  	s15 =	simm.s32 $0x10800;
	s11 =	sadd.s32 $0x44700, s4;
	[dreg:$0x12] =	wrdreg s25  }
.Ltmp0:
0x17: {  	[dreg:$0x13] =	wrdreg s26;
	s0 =	sadd.s32 $0x87780, s16;
	(pc) =	sbr.rel .LBB2_1-.Ltmp0, $4  }
0x18: {  	s25 =	smax.u32 s1, $0x1;
	s26 =	sadd.s32 $0x4FD80, s4;
	s1 =	simm.s32 $0x2800  }
0x19: {  	s12 =	simm.s32 $0x9000;
	s13 =	simm.s32 $0xB800;
	s16 =	simm.s32 $0x1  }
0x1a: {  	s17 =	simm.s32 $0x2;
	s18 =	simm.s32 $0x3;
	s19 =	simm.s32 $0x4  }
0x1b: {  	s20 =	simm.s32 $0x0;
	[dreg:$0x14] =	wrdreg s0;
	s0 =	simm.s32 $0x5  }
.LBB2_243:
0x1c: {  	s20 =	sadd.s32 $0x1, s20  }
0x1d: {  	p1 =	sne.s32 s20, s25  }
.Ltmp1:
0x1e: {  	_ = 	snop;
	(pc) =	sbr.rel @!p1 .LBB2_244-.Ltmp1, $1  }
0x1f: {  	_ =	sdelay $0x3  }
.LBB2_1:
0x20: {  	s3 =	rddreg [dreg:$0x3]  }
0x21: {  	[tilespmem:s1], [sflag:$0x5] =	stream.linear.gather [hbm4b:s3+s2], $0x6800, $0x38;
	[tilespmem:$0x13000] =	vst v63  }
0x22: {  	_ =	swait.ge [sflag:s0], $0x6800  }
0x23: {  	[sflag:s0] =	ssyncset.done $0x0  }
0x24: {  	s24 =	rddreg [dreg:$0x4];
	[sflag:s0] =	ssyncadd.s32 $0xFFFF9800  }
0x25: {  	[tilespmem:s2], [sflag:$0x5] =	stream.linear.gather [hbm4b:s24+s2], $0x2800, $0x38;
	[tilespmem:$0x13000] =	vst v63  }
0x26: {  	_ =	swait.ge [sflag:s0], $0x2800  }
0x27: {  	[sflag:s0] =	ssyncset.done $0x0  }
0x28: {  	s21 =	simm.s32 $0x0;
	[sflag:s0] =	ssyncadd.s32 $0xFFFFD800  }
.LBB2_2:
0x29: {  	s3 =	sshrl.u32 s21, $0x3  }
0x2a: {  	s5 =	sshll.u32 s21, $0x7;
	s3 =	smul.u32 $0x1400, s3  }
0x2b: {  	s6 =	simm.s32 $0x0;
	s5 =	sand.u32 $0x380, s5  }
0x2c: {  	s24 =	sand.u32 $0x1C00, s6;
	s3 =	sor.u32 s5, s3  }
0x2d: {  	s6 =	sand.u32 $0x70, s6;
	s5 =	sadd.s32 s3, s24  }
0x2e: {  	s22 =	sor.u32 s6, s5  }
0x2f: {  	v0 =	vld [tilespmem:s22+$0x0];
	_ =	sdelay $0x4  }
0x30: {  	s23 =	simm.s32 $0x80  }
0x31: {  	s7 =	sand.u32 $0x1C00, s23;
	s6 =	simm.s32 $0x10;
	s5 =	simm.s32 $0x20  }
.LBB2_3:
0x32: {  	p1 =	sne.s32 s5, $0x240;
	s6 =	sand.u32 $0x70, s6;
	s7 =	sadd.s32 s3, s7  }
0x33: {  	s7 =	sor.u32 s6, s7;
	v1 =	vld.idx.msk [tilespmem:v0+s1+$0x0], $0xffff;
	s6 =	smov.u32 s5  }
0x34: {  	v0 =	vld [tilespmem:s7+$0x0];
	_ =	sdelay $0x1  }
.Ltmp2:
0x35: {  	(pc) =	sbr.rel @p1 .LBB2_3-.Ltmp2, $3  }
0x36: {  	_ =	sdelay $0x1  }
0x37: {  	s23 =	sadd.s32 $0x80, s23;
	[tilespmem:s22+$0x9000] =	vst v1;
	s22 =	smov.u32 s7  }
0x38: {  	s5 =	sadd.s32 $0x10, s5;
	s7 =	sand.u32 $0x1C00, s23  }
0x39: {  	s5 =	sand.u32 $0x70, s6;
	s3 =	sadd.s32 s3, s7  }
0x3a: {  	s3 =	sor.u32 s5, s3  }
0x3b: {  	v1 =	vld [tilespmem:s3+$0x0];
	_ =	sdelay $0x1  }
0x3c: {  	v0 =	vld.idx.msk [tilespmem:v0+s1+$0x0], $0xffff;
	_ =	sdelay $0x4  }
0x3d: {  	s21 =	sadd.s32 $0x1, s21;
	[tilespmem:s22+$0x9000] =	vst v0  }
0x3e: {  	p1 =	sne.s32 s21, $0x10;
	v0 =	vld.idx.msk [tilespmem:v1+s1+$0x0], $0xffff  }
.Ltmp3:
0x3f: {  	_ = 	snop;
	(pc) =	sbr.rel @p1 .LBB2_2-.Ltmp3, $2  }
0x40: {  	_ =	sdelay $0x2  }
0x41: {  	[tilespmem:s3+$0x9000] =	vst v0  }
0x42: {  	s21 =	simm.s32 $0x0;
	s22 =	simm.s32 $0x0  }
0x43: {  	[hbm4b:s4+s21] =	stream.linear.scatter [tilespmem:s12], [sflag:$0x1], $0x2800, $0x38;
	[tilespmem:$0x13000] =	vst v63  }
.LBB2_6:
0x44: {  	s3 =	sshrl.u32 s22, $0x3  }
0x45: {  	s5 =	sshll.u32 s22, $0x7;
	s3 =	smul.u32 $0x1400, s3  }
0x46: {  	s5 =	sand.u32 $0x380, s5  }
0x47: {  	s23 =	sor.u32 s5, s3;
	s5 =	sand.u32 $0x1C00, s21  }
0x48: {  	s6 =	sand.u32 $0x70, s21;
	s3 =	sadd.s32 s23, s5  }
0x49: {  	s24 =	sor.u32 s6, s3  }
0x4a: {  	v0 =	vld [tilespmem:s24+$0x0];
	_ =	sdelay $0x1  }
0x4b: {  	s7 =	simm.s32 $0x80  }
0x4c: {  	s8 =	simm.s32 $0x10;
	s3 =	sand.u32 $0x1C00, s7  }
0x4d: {  	s5 =	sand.u32 $0x70, s8;
	s3 =	sadd.s32 s23, s3  }
0x4e: {  	s3 =	sor.u32 s5, s3;
	v1 =	vadd.s32 $0x8A4, v0  }
0x4f: {  	v0 =	vld [tilespmem:s3+$0x0];
	_ =	sdelay $0x2  }
0x50: {  	s5 =	simm.s32 $0x100  }
0x51: {  	s7 =	simm.s32 $0x20;
	s6 =	simm.s32 $0x30;
	s8 =	sand.u32 $0x1C00, s5;
	v1 =	vld.idx.msk [tilespmem:v1+s1+$0x0], $0xffff  }
.LBB2_7:
0x52: {  	p1 =	sne.s32 s6, $0x240;
	s7 =	sand.u32 $0x70, s7;
	s8 =	sadd.s32 s23, s8;
	v2 =	vadd.s32 $0x8A4, v0  }
0x53: {  	s8 =	sor.u32 s7, s8;
	s7 =	smov.u32 s6  }
.Ltmp4:
0x54: {  	v0 =	vld [tilespmem:s8+$0x0];
	(pc) =	sbr.rel @p1 .LBB2_7-.Ltmp4, $4  }
0x55: {  	_ = 	snop  }
0x56: {  	[tilespmem:s24+$0xB800] =	vst v1;
	s24 =	smov.u32 s3;
	s3 =	smov.u32 s8  }
0x57: {  	s5 =	sadd.s32 $0x80, s5;
	v1 =	vld.idx.msk [tilespmem:v2+s1+$0x0], $0xffff  }
0x58: {  	s6 =	sadd.s32 $0x10, s6;
	s8 =	sand.u32 $0x1C00, s5  }
0x59: {  	s5 =	sand.u32 $0x70, s7;
	s6 =	sadd.s32 s23, s8  }
0x5a: {  	v0 =	vadd.s32 $0x8A4, v0;
	s5 =	sor.u32 s5, s6  }
0x5b: {  	v2 =	vld [tilespmem:s5+$0x0];
	_ =	sdelay $0x2  }
0x5c: {  	[tilespmem:s24+$0xB800] =	vst v1  }
0x5d: {  	v0 =	vld.idx.msk [tilespmem:v0+s1+$0x0], $0xffff  }
0x5e: {  	v63 =	vadd.s32 $0x8A4, v2;
	_ =	sdelay $0x3  }
0x5f: {  	s22 =	sadd.s32 $0x1, s22;
	[tilespmem:s3+$0xB800] =	vst v0  }
0x60: {  	p1 =	sne.s32 s22, $0x10;
	v0 =	vld.idx.msk [tilespmem:v63+s1+$0x0], $0xffff  }
.Ltmp5:
0x61: {  	_ = 	snop;
	(pc) =	sbr.rel @p1 .LBB2_6-.Ltmp5, $2  }
0x62: {  	_ =	sdelay $0x2  }
0x63: {  	[tilespmem:s5+$0xB800] =	vst v0  }
0x64: {  	s21 =	simm.s32 $0x0;
	s3 =	rddreg [dreg:$0x5];
	s22 =	simm.s32 $0x0  }
0x65: {  	[hbm4b:s3+s21] =	stream.linear.scatter [tilespmem:s13], [sflag:$0x2], $0x2800, $0x38;
	[tilespmem:$0x13000] =	vst v63  }
.LBB2_10:
0x66: {  	s3 =	sshrl.u32 s22, $0x3  }
0x67: {  	s5 =	sshll.u32 s22, $0x7;
	s3 =	smul.u32 $0x1400, s3  }
0x68: {  	s5 =	sand.u32 $0x380, s5  }
0x69: {  	s23 =	sor.u32 s5, s3;
	s5 =	sand.u32 $0x1C00, s21  }
0x6a: {  	s6 =	sand.u32 $0x70, s21;
	s3 =	sadd.s32 s23, s5  }
0x6b: {  	s24 =	sor.u32 s6, s3  }
0x6c: {  	v0 =	vld [tilespmem:s24+$0x0];
	_ =	sdelay $0x1  }
0x6d: {  	s7 =	simm.s32 $0x80  }
0x6e: {  	s8 =	simm.s32 $0x10;
	s3 =	sand.u32 $0x1C00, s7  }
0x6f: {  	s5 =	sand.u32 $0x70, s8;
	s3 =	sadd.s32 s23, s3  }
0x70: {  	s3 =	sor.u32 s5, s3;
	v1 =	vadd.s32 $0x1148, v0  }
0x71: {  	v0 =	vld [tilespmem:s3+$0x0];
	_ =	sdelay $0x2  }
0x72: {  	s5 =	simm.s32 $0x100  }
0x73: {  	s7 =	simm.s32 $0x20;
	s6 =	simm.s32 $0x30;
	s8 =	sand.u32 $0x1C00, s5;
	v1 =	vld.idx.msk [tilespmem:v1+s1+$0x0], $0xffff  }
.LBB2_11:
0x74: {  	p1 =	sne.s32 s6, $0x240;
	s7 =	sand.u32 $0x70, s7;
	s8 =	sadd.s32 s23, s8;
	v2 =	vadd.s32 $0x1148, v0  }
0x75: {  	s8 =	sor.u32 s7, s8;
	s7 =	smov.u32 s6  }
.Ltmp6:
0x76: {  	v0 =	vld [tilespmem:s8+$0x0];
	(pc) =	sbr.rel @p1 .LBB2_11-.Ltmp6, $4  }
0x77: {  	_ = 	snop  }
0x78: {  	[tilespmem:s24+$0xE000] =	vst v1;
	s24 =	smov.u32 s3;
	s3 =	smov.u32 s8  }
0x79: {  	s5 =	sadd.s32 $0x80, s5;
	v1 =	vld.idx.msk [tilespmem:v2+s1+$0x0], $0xffff  }
0x7a: {  	s6 =	sadd.s32 $0x10, s6;
	s8 =	sand.u32 $0x1C00, s5  }
0x7b: {  	s5 =	sand.u32 $0x70, s7;
	s6 =	sadd.s32 s23, s8  }
0x7c: {  	v0 =	vadd.s32 $0x1148, v0;
	s5 =	sor.u32 s5, s6  }
0x7d: {  	v2 =	vld [tilespmem:s5+$0x0];
	_ =	sdelay $0x2  }
0x7e: {  	[tilespmem:s24+$0xE000] =	vst v1  }
0x7f: {  	v0 =	vld.idx.msk [tilespmem:v0+s1+$0x0], $0xffff  }
0x80: {  	v63 =	vadd.s32 $0x1148, v2;
	_ =	sdelay $0x3  }
0x81: {  	s22 =	sadd.s32 $0x1, s22;
	[tilespmem:s3+$0xE000] =	vst v0  }
0x82: {  	p1 =	sne.s32 s22, $0x10;
	v0 =	vld.idx.msk [tilespmem:v63+s1+$0x0], $0xffff  }
.Ltmp7:
0x83: {  	_ = 	snop;
	(pc) =	sbr.rel @p1 .LBB2_10-.Ltmp7, $2  }
0x84: {  	_ =	sdelay $0x2  }
0x85: {  	[tilespmem:s5+$0xE000] =	vst v0  }
0x86: {  	s21 =	simm.s32 $0x0;
	s3 =	rddreg [dreg:$0x6];
	s22 =	simm.s32 $0x0  }
0x87: {  	[hbm4b:s3+s21] =	stream.linear.scatter [tilespmem:s14], [sflag:$0x3], $0x2800, $0x38;
	[tilespmem:$0x13000] =	vst v63  }
.LBB2_14:
0x88: {  	s3 =	sshrl.u32 s22, $0x3  }
0x89: {  	s5 =	sshll.u32 s22, $0x7;
	s3 =	smul.u32 $0x1400, s3  }
0x8a: {  	s5 =	sand.u32 $0x380, s5  }
0x8b: {  	s23 =	sor.u32 s5, s3;
	s5 =	sand.u32 $0x1C00, s21  }
0x8c: {  	s6 =	sand.u32 $0x70, s21;
	s3 =	sadd.s32 s23, s5  }
0x8d: {  	s24 =	sor.u32 s6, s3  }
0x8e: {  	v0 =	vld [tilespmem:s24+$0x0];
	_ =	sdelay $0x1  }
0x8f: {  	s7 =	simm.s32 $0x80  }
0x90: {  	s8 =	simm.s32 $0x10;
	s3 =	sand.u32 $0x1C00, s7  }
0x91: {  	s5 =	sand.u32 $0x70, s8;
	s3 =	sadd.s32 s23, s3  }
0x92: {  	s3 =	sor.u32 s5, s3;
	v1 =	vadd.s32 $0x19EC, v0  }
0x93: {  	v0 =	vld [tilespmem:s3+$0x0];
	_ =	sdelay $0x2  }
0x94: {  	s5 =	simm.s32 $0x100  }
0x95: {  	s7 =	simm.s32 $0x20;
	s6 =	simm.s32 $0x30;
	s8 =	sand.u32 $0x1C00, s5;
	v1 =	vld.idx.msk [tilespmem:v1+s1+$0x0], $0xffff  }
.LBB2_15:
0x96: {  	p1 =	sne.s32 s6, $0x240;
	s7 =	sand.u32 $0x70, s7;
	s8 =	sadd.s32 s23, s8;
	v2 =	vadd.s32 $0x19EC, v0  }
0x97: {  	s8 =	sor.u32 s7, s8;
	s7 =	smov.u32 s6  }
.Ltmp8:
0x98: {  	v0 =	vld [tilespmem:s8+$0x0];
	(pc) =	sbr.rel @p1 .LBB2_15-.Ltmp8, $4  }
0x99: {  	_ = 	snop  }
0x9a: {  	[tilespmem:s24+$0x10800] =	vst v1;
	s24 =	smov.u32 s3;
	s3 =	smov.u32 s8  }
0x9b: {  	s5 =	sadd.s32 $0x80, s5;
	v1 =	vld.idx.msk [tilespmem:v2+s1+$0x0], $0xffff  }
0x9c: {  	s6 =	sadd.s32 $0x10, s6;
	s8 =	sand.u32 $0x1C00, s5  }
0x9d: {  	s5 =	sand.u32 $0x70, s7;
	s6 =	sadd.s32 s23, s8  }
0x9e: {  	v0 =	vadd.s32 $0x19EC, v0;
	s5 =	sor.u32 s5, s6  }
0x9f: {  	v2 =	vld [tilespmem:s5+$0x0];
	_ =	sdelay $0x2  }
0xa0: {  	[tilespmem:s24+$0x10800] =	vst v1  }
0xa1: {  	v0 =	vld.idx.msk [tilespmem:v0+s1+$0x0], $0xffff  }
0xa2: {  	v63 =	vadd.s32 $0x19EC, v2;
	_ =	sdelay $0x3  }
0xa3: {  	s22 =	sadd.s32 $0x1, s22;
	[tilespmem:s3+$0x10800] =	vst v0  }
0xa4: {  	p1 =	sne.s32 s22, $0x10;
	v0 =	vld.idx.msk [tilespmem:v63+s1+$0x0], $0xffff  }
.Ltmp9:
0xa5: {  	_ = 	snop;
	(pc) =	sbr.rel @p1 .LBB2_14-.Ltmp9, $2  }
0xa6: {  	_ =	sdelay $0x2  }
0xa7: {  	[tilespmem:s5+$0x10800] =	vst v0  }
0xa8: {  	s21 =	simm.s32 $0x0;
	s3 =	rddreg [dreg:$0x7]  }
0xa9: {  	[hbm4b:s3+s21] =	stream.linear.scatter [tilespmem:s15], [sflag:$0x4], $0x2800, $0x38;
	[tilespmem:$0x13000] =	vst v63  }
0xaa: {  	_ =	swait.ge [sflag:s16], $0x2800  }
0xab: {  	[sflag:s16] =	ssyncset.done $0x0  }
0xac: {  	s22 =	simm.s32 $0x0;
	[sflag:s16] =	ssyncadd.s32 $0xFFFFD800  }
.LBB2_18:
0xad: {  	s3 =	sshrl.u32 s22, $0x3  }
0xae: {  	s5 =	sshll.u32 s22, $0x7;
	s3 =	smul.u32 $0x1400, s3  }
0xaf: {  	s5 =	sand.u32 $0x380, s5  }
0xb0: {  	s23 =	sor.u32 s5, s3;
	s5 =	sand.u32 $0x1C00, s21  }
0xb1: {  	s6 =	sand.u32 $0x70, s21;
	s3 =	sadd.s32 s23, s5  }
0xb2: {  	s24 =	sor.u32 s6, s3  }
0xb3: {  	v0 =	vld [tilespmem:s24+$0x0];
	_ =	sdelay $0x1  }
0xb4: {  	s7 =	simm.s32 $0x80  }
0xb5: {  	s8 =	simm.s32 $0x10;
	s3 =	sand.u32 $0x1C00, s7  }
0xb6: {  	s5 =	sand.u32 $0x70, s8;
	s3 =	sadd.s32 s23, s3  }
0xb7: {  	s3 =	sor.u32 s5, s3;
	v1 =	vadd.s32 $0x2290, v0  }
0xb8: {  	v0 =	vld [tilespmem:s3+$0x0];
	_ =	sdelay $0x2  }
0xb9: {  	s5 =	simm.s32 $0x100  }
0xba: {  	s7 =	simm.s32 $0x20;
	s6 =	simm.s32 $0x30;
	s8 =	sand.u32 $0x1C00, s5;
	v1 =	vld.idx.msk [tilespmem:v1+s1+$0x0], $0xffff  }
.LBB2_19:
0xbb: {  	p1 =	sne.s32 s6, $0x240;
	s7 =	sand.u32 $0x70, s7;
	s8 =	sadd.s32 s23, s8;
	v2 =	vadd.s32 $0x2290, v0  }
0xbc: {  	s8 =	sor.u32 s7, s8;
	s7 =	smov.u32 s6  }
.Ltmp10:
0xbd: {  	v0 =	vld [tilespmem:s8+$0x0];
	(pc) =	sbr.rel @p1 .LBB2_19-.Ltmp10, $4  }
0xbe: {  	_ = 	snop  }
0xbf: {  	[tilespmem:s24+$0x9000] =	vst v1;
	s24 =	smov.u32 s3;
	s3 =	smov.u32 s8  }
0xc0: {  	s5 =	sadd.s32 $0x80, s5;
	v1 =	vld.idx.msk [tilespmem:v2+s1+$0x0], $0xffff  }
0xc1: {  	s6 =	sadd.s32 $0x10, s6;
	s8 =	sand.u32 $0x1C00, s5  }
0xc2: {  	s5 =	sand.u32 $0x70, s7;
	s6 =	sadd.s32 s23, s8  }
0xc3: {  	v0 =	vadd.s32 $0x2290, v0;
	s5 =	sor.u32 s5, s6  }
0xc4: {  	v2 =	vld [tilespmem:s5+$0x0];
	_ =	sdelay $0x2  }
0xc5: {  	[tilespmem:s24+$0x9000] =	vst v1  }
0xc6: {  	v0 =	vld.idx.msk [tilespmem:v0+s1+$0x0], $0xffff  }
0xc7: {  	v63 =	vadd.s32 $0x2290, v2;
	_ =	sdelay $0x3  }
0xc8: {  	s22 =	sadd.s32 $0x1, s22;
	[tilespmem:s3+$0x9000] =	vst v0  }
0xc9: {  	p1 =	sne.s32 s22, $0x10;
	v0 =	vld.idx.msk [tilespmem:v63+s1+$0x0], $0xffff  }
.Ltmp11:
0xca: {  	_ = 	snop;
	(pc) =	sbr.rel @p1 .LBB2_18-.Ltmp11, $2  }
0xcb: {  	_ =	sdelay $0x2  }
0xcc: {  	[tilespmem:s5+$0x9000] =	vst v0  }
0xcd: {  	s21 =	simm.s32 $0x0  }
0xce: {  	[hbm4b:s9+s21] =	stream.linear.scatter [tilespmem:s12], [sflag:$0x1], $0x2800, $0x38;
	[tilespmem:$0x13000] =	vst v63  }
0xcf: {  	_ =	swait.ge [sflag:s17], $0x2800  }
0xd0: {  	[sflag:s17] =	ssyncset.done $0x0  }
0xd1: {  	s22 =	simm.s32 $0x0;
	[sflag:s17] =	ssyncadd.s32 $0xFFFFD800  }
.LBB2_22:
0xd2: {  	s3 =	sshrl.u32 s22, $0x3  }
0xd3: {  	s5 =	sshll.u32 s22, $0x7;
	s3 =	smul.u32 $0x1400, s3  }
0xd4: {  	s5 =	sand.u32 $0x380, s5  }
0xd5: {  	s23 =	sor.u32 s5, s3;
	s5 =	sand.u32 $0x1C00, s21  }
0xd6: {  	s6 =	sand.u32 $0x70, s21;
	s3 =	sadd.s32 s23, s5  }
0xd7: {  	s24 =	sor.u32 s6, s3  }
0xd8: {  	v0 =	vld [tilespmem:s24+$0x0];
	_ =	sdelay $0x1  }
0xd9: {  	s7 =	simm.s32 $0x80  }
0xda: {  	s8 =	simm.s32 $0x10;
	s3 =	sand.u32 $0x1C00, s7  }
0xdb: {  	s5 =	sand.u32 $0x70, s8;
	s3 =	sadd.s32 s23, s3  }
0xdc: {  	s3 =	sor.u32 s5, s3;
	v1 =	vadd.s32 $0x2B34, v0  }
0xdd: {  	v0 =	vld [tilespmem:s3+$0x0];
	_ =	sdelay $0x2  }
0xde: {  	s5 =	simm.s32 $0x100  }
0xdf: {  	s7 =	simm.s32 $0x20;
	s6 =	simm.s32 $0x30;
	s8 =	sand.u32 $0x1C00, s5;
	v1 =	vld.idx.msk [tilespmem:v1+s1+$0x0], $0xffff  }
.LBB2_23:
0xe0: {  	p1 =	sne.s32 s6, $0x240;
	s7 =	sand.u32 $0x70, s7;
	s8 =	sadd.s32 s23, s8;
	v2 =	vadd.s32 $0x2B34, v0  }
0xe1: {  	s8 =	sor.u32 s7, s8;
	s7 =	smov.u32 s6  }
.Ltmp12:
0xe2: {  	v0 =	vld [tilespmem:s8+$0x0];
	(pc) =	sbr.rel @p1 .LBB2_23-.Ltmp12, $4  }
0xe3: {  	_ = 	snop  }
0xe4: {  	[tilespmem:s24+$0xB800] =	vst v1;
	s24 =	smov.u32 s3;
	s3 =	smov.u32 s8  }
0xe5: {  	s5 =	sadd.s32 $0x80, s5;
	v1 =	vld.idx.msk [tilespmem:v2+s1+$0x0], $0xffff  }
0xe6: {  	s6 =	sadd.s32 $0x10, s6;
	s8 =	sand.u32 $0x1C00, s5  }
0xe7: {  	s5 =	sand.u32 $0x70, s7;
	s6 =	sadd.s32 s23, s8  }
0xe8: {  	v0 =	vadd.s32 $0x2B34, v0;
	s5 =	sor.u32 s5, s6  }
0xe9: {  	v2 =	vld [tilespmem:s5+$0x0];
	_ =	sdelay $0x2  }
0xea: {  	[tilespmem:s24+$0xB800] =	vst v1  }
0xeb: {  	v0 =	vld.idx.msk [tilespmem:v0+s1+$0x0], $0xffff  }
0xec: {  	v63 =	vadd.s32 $0x2B34, v2;
	_ =	sdelay $0x3  }
0xed: {  	s22 =	sadd.s32 $0x1, s22;
	[tilespmem:s3+$0xB800] =	vst v0  }
0xee: {  	p1 =	sne.s32 s22, $0x10;
	v0 =	vld.idx.msk [tilespmem:v63+s1+$0x0], $0xffff  }
.Ltmp13:
0xef: {  	_ = 	snop;
	(pc) =	sbr.rel @p1 .LBB2_22-.Ltmp13, $2  }
0xf0: {  	_ =	sdelay $0x2  }
0xf1: {  	[tilespmem:s5+$0xB800] =	vst v0  }
0xf2: {  	s21 =	simm.s32 $0x0  }
0xf3: {  	[hbm4b:s10+s21] =	stream.linear.scatter [tilespmem:s13], [sflag:$0x2], $0x2800, $0x38;
	[tilespmem:$0x13000] =	vst v63  }
0xf4: {  	_ =	swait.ge [sflag:s18], $0x2800  }
0xf5: {  	[sflag:s18] =	ssyncset.done $0x0  }
0xf6: {  	s22 =	simm.s32 $0x0;
	[sflag:s18] =	ssyncadd.s32 $0xFFFFD800  }
.LBB2_26:
0xf7: {  	s3 =	sshrl.u32 s22, $0x3  }
0xf8: {  	s5 =	sshll.u32 s22, $0x7;
	s3 =	smul.u32 $0x1400, s3  }
0xf9: {  	s5 =	sand.u32 $0x380, s5  }
0xfa: {  	s23 =	sor.u32 s5, s3;
	s5 =	sand.u32 $0x1C00, s21  }
0xfb: {  	s6 =	sand.u32 $0x70, s21;
	s3 =	sadd.s32 s23, s5  }
0xfc: {  	s24 =	sor.u32 s6, s3  }
0xfd: {  	v0 =	vld [tilespmem:s24+$0x0];
	_ =	sdelay $0x1  }
0xfe: {  	s7 =	simm.s32 $0x80  }
0xff: {  	s8 =	simm.s32 $0x10;
	s3 =	sand.u32 $0x1C00, s7  }
0x100: {  	s5 =	sand.u32 $0x70, s8;
	s3 =	sadd.s32 s23, s3  }
0x101: {  	s3 =	sor.u32 s5, s3;
	v1 =	vadd.s32 $0x33D8, v0  }
0x102: {  	v0 =	vld [tilespmem:s3+$0x0];
	_ =	sdelay $0x2  }
0x103: {  	s5 =	simm.s32 $0x100  }
0x104: {  	s7 =	simm.s32 $0x20;
	s6 =	simm.s32 $0x30;
	s8 =	sand.u32 $0x1C00, s5;
	v1 =	vld.idx.msk [tilespmem:v1+s1+$0x0], $0xffff  }
.LBB2_27:
0x105: {  	p1 =	sne.s32 s6, $0x240;
	s7 =	sand.u32 $0x70, s7;
	s8 =	sadd.s32 s23, s8;
	v2 =	vadd.s32 $0x33D8, v0  }
0x106: {  	s8 =	sor.u32 s7, s8;
	s7 =	smov.u32 s6  }
.Ltmp14:
0x107: {  	v0 =	vld [tilespmem:s8+$0x0];
	(pc) =	sbr.rel @p1 .LBB2_27-.Ltmp14, $4  }
0x108: {  	_ = 	snop  }
0x109: {  	[tilespmem:s24+$0xE000] =	vst v1;
	s24 =	smov.u32 s3;
	s3 =	smov.u32 s8  }
0x10a: {  	s5 =	sadd.s32 $0x80, s5;
	v1 =	vld.idx.msk [tilespmem:v2+s1+$0x0], $0xffff  }
0x10b: {  	s6 =	sadd.s32 $0x10, s6;
	s8 =	sand.u32 $0x1C00, s5  }
0x10c: {  	s5 =	sand.u32 $0x70, s7;
	s6 =	sadd.s32 s23, s8  }
0x10d: {  	v0 =	vadd.s32 $0x33D8, v0;
	s5 =	sor.u32 s5, s6  }
0x10e: {  	v2 =	vld [tilespmem:s5+$0x0];
	_ =	sdelay $0x2  }
0x10f: {  	[tilespmem:s24+$0xE000] =	vst v1  }
0x110: {  	v0 =	vld.idx.msk [tilespmem:v0+s1+$0x0], $0xffff  }
0x111: {  	v63 =	vadd.s32 $0x33D8, v2;
	_ =	sdelay $0x3  }
0x112: {  	s22 =	sadd.s32 $0x1, s22;
	[tilespmem:s3+$0xE000] =	vst v0  }
0x113: {  	p1 =	sne.s32 s22, $0x10;
	v0 =	vld.idx.msk [tilespmem:v63+s1+$0x0], $0xffff  }
.Ltmp15:
0x114: {  	_ = 	snop;
	(pc) =	sbr.rel @p1 .LBB2_26-.Ltmp15, $2  }
0x115: {  	_ =	sdelay $0x2  }
0x116: {  	[tilespmem:s5+$0xE000] =	vst v0  }
0x117: {  	s21 =	simm.s32 $0x0  }
0x118: {  	[hbm4b:s11+s21] =	stream.linear.scatter [tilespmem:s14], [sflag:$0x3], $0x2800, $0x38;
	[tilespmem:$0x13000] =	vst v63  }
0x119: {  	_ =	swait.ge [sflag:s19], $0x2800  }
0x11a: {  	[sflag:s19] =	ssyncset.done $0x0  }
0x11b: {  	s22 =	simm.s32 $0x0;
	[sflag:s19] =	ssyncadd.s32 $0xFFFFD800  }
.LBB2_30:
0x11c: {  	s3 =	sshrl.u32 s22, $0x3  }
0x11d: {  	s5 =	sshll.u32 s22, $0x7;
	s3 =	smul.u32 $0x1400, s3  }
0x11e: {  	s5 =	sand.u32 $0x380, s5  }
0x11f: {  	s23 =	sor.u32 s5, s3;
	s5 =	sand.u32 $0x1C00, s21  }
0x120: {  	s6 =	sand.u32 $0x70, s21;
	s3 =	sadd.s32 s23, s5  }
0x121: {  	s24 =	sor.u32 s6, s3  }
0x122: {  	v0 =	vld [tilespmem:s24+$0x0];
	_ =	sdelay $0x1  }
0x123: {  	s7 =	simm.s32 $0x80  }
0x124: {  	s8 =	simm.s32 $0x10;
	s3 =	sand.u32 $0x1C00, s7  }
0x125: {  	s5 =	sand.u32 $0x70, s8;
	s3 =	sadd.s32 s23, s3  }
0x126: {  	s3 =	sor.u32 s5, s3;
	v1 =	vadd.s32 $0x3C7C, v0  }
0x127: {  	v0 =	vld [tilespmem:s3+$0x0];
	_ =	sdelay $0x2  }
0x128: {  	s5 =	simm.s32 $0x100  }
0x129: {  	s7 =	simm.s32 $0x20;
	s6 =	simm.s32 $0x30;
	s8 =	sand.u32 $0x1C00, s5;
	v1 =	vld.idx.msk [tilespmem:v1+s1+$0x0], $0xffff  }
.LBB2_31:
0x12a: {  	p1 =	sne.s32 s6, $0x240;
	s7 =	sand.u32 $0x70, s7;
	s8 =	sadd.s32 s23, s8;
	v2 =	vadd.s32 $0x3C7C, v0  }
0x12b: {  	s8 =	sor.u32 s7, s8;
	s7 =	smov.u32 s6  }
.Ltmp16:
0x12c: {  	v0 =	vld [tilespmem:s8+$0x0];
	(pc) =	sbr.rel @p1 .LBB2_31-.Ltmp16, $4  }
0x12d: {  	_ = 	snop  }
0x12e: {  	[tilespmem:s24+$0x10800] =	vst v1;
	s24 =	smov.u32 s3;
	s3 =	smov.u32 s8  }
0x12f: {  	s5 =	sadd.s32 $0x80, s5;
	v1 =	vld.idx.msk [tilespmem:v2+s1+$0x0], $0xffff  }
0x130: {  	s6 =	sadd.s32 $0x10, s6;
	s8 =	sand.u32 $0x1C00, s5  }
0x131: {  	s5 =	sand.u32 $0x70, s7;
	s6 =	sadd.s32 s23, s8  }
0x132: {  	v0 =	vadd.s32 $0x3C7C, v0;
	s5 =	sor.u32 s5, s6  }
0x133: {  	v2 =	vld [tilespmem:s5+$0x0];
	_ =	sdelay $0x2  }
0x134: {  	[tilespmem:s24+$0x10800] =	vst v1  }
0x135: {  	v0 =	vld.idx.msk [tilespmem:v0+s1+$0x0], $0xffff  }
0x136: {  	v63 =	vadd.s32 $0x3C7C, v2;
	_ =	sdelay $0x3  }
0x137: {  	s22 =	sadd.s32 $0x1, s22;
	[tilespmem:s3+$0x10800] =	vst v0  }
0x138: {  	p1 =	sne.s32 s22, $0x10;
	v0 =	vld.idx.msk [tilespmem:v63+s1+$0x0], $0xffff  }
.Ltmp17:
0x139: {  	_ = 	snop;
	(pc) =	sbr.rel @p1 .LBB2_30-.Ltmp17, $2  }
0x13a: {  	_ =	sdelay $0x2  }
0x13b: {  	[tilespmem:s5+$0x10800] =	vst v0  }
0x13c: {  	s21 =	simm.s32 $0x0  }
0x13d: {  	[hbm4b:s26+s21] =	stream.linear.scatter [tilespmem:s15], [sflag:$0x4], $0x2800, $0x38;
	[tilespmem:$0x13000] =	vst v63  }
0x13e: {  	_ =	swait.ge [sflag:s16], $0x2800  }
0x13f: {  	[sflag:s16] =	ssyncset.done $0x0  }
0x140: {  	s22 =	simm.s32 $0x0;
	[sflag:s16] =	ssyncadd.s32 $0xFFFFD800  }
.LBB2_34:
0x141: {  	s3 =	sshrl.u32 s22, $0x3  }
0x142: {  	s5 =	sshll.u32 s22, $0x7;
	s3 =	smul.u32 $0x1400, s3  }
0x143: {  	s5 =	sand.u32 $0x380, s5  }
0x144: {  	s23 =	sor.u32 s5, s3;
	s5 =	sand.u32 $0x1C00, s21  }
0x145: {  	s6 =	sand.u32 $0x70, s21;
	s3 =	sadd.s32 s23, s5  }
0x146: {  	s24 =	sor.u32 s6, s3  }
0x147: {  	v0 =	vld [tilespmem:s24+$0x0];
	_ =	sdelay $0x1  }
0x148: {  	s7 =	simm.s32 $0x80  }
0x149: {  	s8 =	simm.s32 $0x10;
	s3 =	sand.u32 $0x1C00, s7  }
0x14a: {  	s5 =	sand.u32 $0x70, s8;
	s3 =	sadd.s32 s23, s3  }
0x14b: {  	s3 =	sor.u32 s5, s3;
	v1 =	vadd.s32 $0x4520, v0  }
0x14c: {  	v0 =	vld [tilespmem:s3+$0x0];
	_ =	sdelay $0x2  }
0x14d: {  	s5 =	simm.s32 $0x100  }
0x14e: {  	s7 =	simm.s32 $0x20;
	s6 =	simm.s32 $0x30;
	s8 =	sand.u32 $0x1C00, s5;
	v1 =	vld.idx.msk [tilespmem:v1+s1+$0x0], $0xffff  }
.LBB2_35:
0x14f: {  	p1 =	sne.s32 s6, $0x240;
	s7 =	sand.u32 $0x70, s7;
	s8 =	sadd.s32 s23, s8;
	v2 =	vadd.s32 $0x4520, v0  }
0x150: {  	s8 =	sor.u32 s7, s8;
	s7 =	smov.u32 s6  }
.Ltmp18:
0x151: {  	v0 =	vld [tilespmem:s8+$0x0];
	(pc) =	sbr.rel @p1 .LBB2_35-.Ltmp18, $4  }
0x152: {  	_ = 	snop  }
0x153: {  	[tilespmem:s24+$0x9000] =	vst v1;
	s24 =	smov.u32 s3;
	s3 =	smov.u32 s8  }
0x154: {  	s5 =	sadd.s32 $0x80, s5;
	v1 =	vld.idx.msk [tilespmem:v2+s1+$0x0], $0xffff  }
0x155: {  	s6 =	sadd.s32 $0x10, s6;
	s8 =	sand.u32 $0x1C00, s5  }
0x156: {  	s5 =	sand.u32 $0x70, s7;
	s6 =	sadd.s32 s23, s8  }
0x157: {  	v0 =	vadd.s32 $0x4520, v0;
	s5 =	sor.u32 s5, s6  }
0x158: {  	v2 =	vld [tilespmem:s5+$0x0];
	_ =	sdelay $0x2  }
0x159: {  	[tilespmem:s24+$0x9000] =	vst v1  }
0x15a: {  	v0 =	vld.idx.msk [tilespmem:v0+s1+$0x0], $0xffff  }
0x15b: {  	v63 =	vadd.s32 $0x4520, v2;
	_ =	sdelay $0x3  }
0x15c: {  	s22 =	sadd.s32 $0x1, s22;
	[tilespmem:s3+$0x9000] =	vst v0  }
0x15d: {  	p1 =	sne.s32 s22, $0x10;
	v0 =	vld.idx.msk [tilespmem:v63+s1+$0x0], $0xffff  }
.Ltmp19:
0x15e: {  	_ = 	snop;
	(pc) =	sbr.rel @p1 .LBB2_34-.Ltmp19, $2  }
0x15f: {  	_ =	sdelay $0x2  }
0x160: {  	[tilespmem:s5+$0x9000] =	vst v0  }
0x161: {  	s21 =	simm.s32 $0x0  }
0x162: {  	[hbm4b:s28+s21] =	stream.linear.scatter [tilespmem:s12], [sflag:$0x1], $0x2800, $0x38;
	[tilespmem:$0x13000] =	vst v63  }
0x163: {  	_ =	swait.ge [sflag:s17], $0x2800  }
0x164: {  	[sflag:s17] =	ssyncset.done $0x0  }
0x165: {  	s22 =	simm.s32 $0x0;
	[sflag:s17] =	ssyncadd.s32 $0xFFFFD800  }
.LBB2_38:
0x166: {  	s3 =	sshrl.u32 s22, $0x3  }
0x167: {  	s5 =	sshll.u32 s22, $0x7;
	s3 =	smul.u32 $0x1400, s3  }
0x168: {  	s5 =	sand.u32 $0x380, s5  }
0x169: {  	s23 =	sor.u32 s5, s3;
	s5 =	sand.u32 $0x1C00, s21  }
0x16a: {  	s6 =	sand.u32 $0x70, s21;
	s3 =	sadd.s32 s23, s5  }
0x16b: {  	s24 =	sor.u32 s6, s3  }
0x16c: {  	v0 =	vld [tilespmem:s24+$0x0];
	_ =	sdelay $0x1  }
0x16d: {  	s7 =	simm.s32 $0x80  }
0x16e: {  	s8 =	simm.s32 $0x10;
	s3 =	sand.u32 $0x1C00, s7  }
0x16f: {  	s5 =	sand.u32 $0x70, s8;
	s3 =	sadd.s32 s23, s3  }
0x170: {  	s3 =	sor.u32 s5, s3;
	v1 =	vadd.s32 $0x4DC4, v0  }
0x171: {  	v0 =	vld [tilespmem:s3+$0x0];
	_ =	sdelay $0x2  }
0x172: {  	s5 =	simm.s32 $0x100  }
0x173: {  	s7 =	simm.s32 $0x20;
	s6 =	simm.s32 $0x30;
	s8 =	sand.u32 $0x1C00, s5;
	v1 =	vld.idx.msk [tilespmem:v1+s1+$0x0], $0xffff  }
.LBB2_39:
0x174: {  	p1 =	sne.s32 s6, $0x240;
	s7 =	sand.u32 $0x70, s7;
	s8 =	sadd.s32 s23, s8;
	v2 =	vadd.s32 $0x4DC4, v0  }
0x175: {  	s8 =	sor.u32 s7, s8;
	s7 =	smov.u32 s6  }
.Ltmp20:
0x176: {  	v0 =	vld [tilespmem:s8+$0x0];
	(pc) =	sbr.rel @p1 .LBB2_39-.Ltmp20, $4  }
0x177: {  	_ = 	snop  }
0x178: {  	[tilespmem:s24+$0xB800] =	vst v1;
	s24 =	smov.u32 s3;
	s3 =	smov.u32 s8  }
0x179: {  	s5 =	sadd.s32 $0x80, s5;
	v1 =	vld.idx.msk [tilespmem:v2+s1+$0x0], $0xffff  }
0x17a: {  	s6 =	sadd.s32 $0x10, s6;
	s8 =	sand.u32 $0x1C00, s5  }
0x17b: {  	s5 =	sand.u32 $0x70, s7;
	s6 =	sadd.s32 s23, s8  }
0x17c: {  	v0 =	vadd.s32 $0x4DC4, v0;
	s5 =	sor.u32 s5, s6  }
0x17d: {  	v2 =	vld [tilespmem:s5+$0x0];
	_ =	sdelay $0x2  }
0x17e: {  	[tilespmem:s24+$0xB800] =	vst v1  }
0x17f: {  	v0 =	vld.idx.msk [tilespmem:v0+s1+$0x0], $0xffff  }
0x180: {  	v63 =	vadd.s32 $0x4DC4, v2;
	_ =	sdelay $0x3  }
0x181: {  	s22 =	sadd.s32 $0x1, s22;
	[tilespmem:s3+$0xB800] =	vst v0  }
0x182: {  	p1 =	sne.s32 s22, $0x10;
	v0 =	vld.idx.msk [tilespmem:v63+s1+$0x0], $0xffff  }
.Ltmp21:
0x183: {  	_ = 	snop;
	(pc) =	sbr.rel @p1 .LBB2_38-.Ltmp21, $2  }
0x184: {  	_ =	sdelay $0x2  }
0x185: {  	[tilespmem:s5+$0xB800] =	vst v0  }
0x186: {  	s21 =	simm.s32 $0x0  }
0x187: {  	[hbm4b:s29+s21] =	stream.linear.scatter [tilespmem:s13], [sflag:$0x2], $0x2800, $0x38;
	[tilespmem:$0x13000] =	vst v63  }
0x188: {  	_ =	swait.ge [sflag:s18], $0x2800  }
0x189: {  	[sflag:s18] =	ssyncset.done $0x0  }
0x18a: {  	s22 =	simm.s32 $0x0;
	[sflag:s18] =	ssyncadd.s32 $0xFFFFD800  }
.LBB2_42:
0x18b: {  	s3 =	sshrl.u32 s22, $0x3  }
0x18c: {  	s5 =	sshll.u32 s22, $0x7;
	s3 =	smul.u32 $0x1400, s3  }
0x18d: {  	s5 =	sand.u32 $0x380, s5  }
0x18e: {  	s23 =	sor.u32 s5, s3;
	s5 =	sand.u32 $0x1C00, s21  }
0x18f: {  	s6 =	sand.u32 $0x70, s21;
	s3 =	sadd.s32 s23, s5  }
0x190: {  	s24 =	sor.u32 s6, s3  }
0x191: {  	v0 =	vld [tilespmem:s24+$0x0];
	_ =	sdelay $0x1  }
0x192: {  	s7 =	simm.s32 $0x80  }
0x193: {  	s8 =	simm.s32 $0x10;
	s3 =	sand.u32 $0x1C00, s7  }
0x194: {  	s5 =	sand.u32 $0x70, s8;
	s3 =	sadd.s32 s23, s3  }
0x195: {  	s3 =	sor.u32 s5, s3;
	v1 =	vadd.s32 $0x5668, v0  }
0x196: {  	v0 =	vld [tilespmem:s3+$0x0];
	_ =	sdelay $0x2  }
0x197: {  	s5 =	simm.s32 $0x100  }
0x198: {  	s7 =	simm.s32 $0x20;
	s6 =	simm.s32 $0x30;
	s8 =	sand.u32 $0x1C00, s5;
	v1 =	vld.idx.msk [tilespmem:v1+s1+$0x0], $0xffff  }
.LBB2_43:
0x199: {  	p1 =	sne.s32 s6, $0x240;
	s7 =	sand.u32 $0x70, s7;
	s8 =	sadd.s32 s23, s8;
	v2 =	vadd.s32 $0x5668, v0  }
0x19a: {  	s8 =	sor.u32 s7, s8;
	s7 =	smov.u32 s6  }
.Ltmp22:
0x19b: {  	v0 =	vld [tilespmem:s8+$0x0];
	(pc) =	sbr.rel @p1 .LBB2_43-.Ltmp22, $4  }
0x19c: {  	_ = 	snop  }
0x19d: {  	[tilespmem:s24+$0xE000] =	vst v1;
	s24 =	smov.u32 s3;
	s3 =	smov.u32 s8  }
0x19e: {  	s5 =	sadd.s32 $0x80, s5;
	v1 =	vld.idx.msk [tilespmem:v2+s1+$0x0], $0xffff  }
0x19f: {  	s6 =	sadd.s32 $0x10, s6;
	s8 =	sand.u32 $0x1C00, s5  }
0x1a0: {  	s5 =	sand.u32 $0x70, s7;
	s6 =	sadd.s32 s23, s8  }
0x1a1: {  	v0 =	vadd.s32 $0x5668, v0;
	s5 =	sor.u32 s5, s6  }
0x1a2: {  	v2 =	vld [tilespmem:s5+$0x0];
	_ =	sdelay $0x2  }
0x1a3: {  	[tilespmem:s24+$0xE000] =	vst v1  }
0x1a4: {  	v0 =	vld.idx.msk [tilespmem:v0+s1+$0x0], $0xffff  }
0x1a5: {  	v63 =	vadd.s32 $0x5668, v2;
	_ =	sdelay $0x3  }
0x1a6: {  	s22 =	sadd.s32 $0x1, s22;
	[tilespmem:s3+$0xE000] =	vst v0  }
0x1a7: {  	p1 =	sne.s32 s22, $0x10;
	v0 =	vld.idx.msk [tilespmem:v63+s1+$0x0], $0xffff  }
.Ltmp23:
0x1a8: {  	_ = 	snop;
	(pc) =	sbr.rel @p1 .LBB2_42-.Ltmp23, $2  }
0x1a9: {  	_ =	sdelay $0x2  }
0x1aa: {  	[tilespmem:s5+$0xE000] =	vst v0  }
0x1ab: {  	s21 =	simm.s32 $0x0  }
0x1ac: {  	[hbm4b:s30+s21] =	stream.linear.scatter [tilespmem:s14], [sflag:$0x3], $0x2800, $0x38;
	[tilespmem:$0x13000] =	vst v63  }
0x1ad: {  	_ =	swait.ge [sflag:s19], $0x2800  }
0x1ae: {  	[sflag:s19] =	ssyncset.done $0x0  }
0x1af: {  	s22 =	simm.s32 $0x0;
	[sflag:s19] =	ssyncadd.s32 $0xFFFFD800  }
.LBB2_46:
0x1b0: {  	s3 =	sshrl.u32 s22, $0x3  }
0x1b1: {  	s5 =	sshll.u32 s22, $0x7;
	s3 =	smul.u32 $0x1400, s3  }
0x1b2: {  	s5 =	sand.u32 $0x380, s5  }
0x1b3: {  	s23 =	sor.u32 s5, s3;
	s5 =	sand.u32 $0x1C00, s21  }
0x1b4: {  	s6 =	sand.u32 $0x70, s21;
	s3 =	sadd.s32 s23, s5  }
0x1b5: {  	s24 =	sor.u32 s6, s3  }
0x1b6: {  	v0 =	vld [tilespmem:s24+$0x0];
	_ =	sdelay $0x1  }
0x1b7: {  	s7 =	simm.s32 $0x80  }
0x1b8: {  	s8 =	simm.s32 $0x10;
	s3 =	sand.u32 $0x1C00, s7  }
0x1b9: {  	s5 =	sand.u32 $0x70, s8;
	s3 =	sadd.s32 s23, s3  }
0x1ba: {  	s3 =	sor.u32 s5, s3;
	v1 =	vadd.s32 $0x5F0C, v0  }
0x1bb: {  	v0 =	vld [tilespmem:s3+$0x0];
	_ =	sdelay $0x2  }
0x1bc: {  	s5 =	simm.s32 $0x100  }
0x1bd: {  	s7 =	simm.s32 $0x20;
	s6 =	simm.s32 $0x30;
	s8 =	sand.u32 $0x1C00, s5;
	v1 =	vld.idx.msk [tilespmem:v1+s1+$0x0], $0xffff  }
.LBB2_47:
0x1be: {  	p1 =	sne.s32 s6, $0x240;
	s7 =	sand.u32 $0x70, s7;
	s8 =	sadd.s32 s23, s8;
	v2 =	vadd.s32 $0x5F0C, v0  }
0x1bf: {  	s8 =	sor.u32 s7, s8;
	s7 =	smov.u32 s6  }
.Ltmp24:
0x1c0: {  	v0 =	vld [tilespmem:s8+$0x0];
	(pc) =	sbr.rel @p1 .LBB2_47-.Ltmp24, $4  }
0x1c1: {  	_ = 	snop  }
0x1c2: {  	[tilespmem:s24+$0x10800] =	vst v1;
	s24 =	smov.u32 s3;
	s3 =	smov.u32 s8  }
0x1c3: {  	s5 =	sadd.s32 $0x80, s5;
	v1 =	vld.idx.msk [tilespmem:v2+s1+$0x0], $0xffff  }
0x1c4: {  	s6 =	sadd.s32 $0x10, s6;
	s8 =	sand.u32 $0x1C00, s5  }
0x1c5: {  	s5 =	sand.u32 $0x70, s7;
	s6 =	sadd.s32 s23, s8  }
0x1c6: {  	v0 =	vadd.s32 $0x5F0C, v0;
	s5 =	sor.u32 s5, s6  }
0x1c7: {  	v2 =	vld [tilespmem:s5+$0x0];
	_ =	sdelay $0x2  }
0x1c8: {  	[tilespmem:s24+$0x10800] =	vst v1  }
0x1c9: {  	v0 =	vld.idx.msk [tilespmem:v0+s1+$0x0], $0xffff  }
0x1ca: {  	v63 =	vadd.s32 $0x5F0C, v2;
	_ =	sdelay $0x3  }
0x1cb: {  	s22 =	sadd.s32 $0x1, s22;
	[tilespmem:s3+$0x10800] =	vst v0  }
0x1cc: {  	p1 =	sne.s32 s22, $0x10;
	v0 =	vld.idx.msk [tilespmem:v63+s1+$0x0], $0xffff  }
.Ltmp25:
0x1cd: {  	_ = 	snop;
	(pc) =	sbr.rel @p1 .LBB2_46-.Ltmp25, $2  }
0x1ce: {  	_ =	sdelay $0x2  }
0x1cf: {  	[tilespmem:s5+$0x10800] =	vst v0  }
0x1d0: {  	[hbm4b:s31+s2] =	stream.linear.scatter [tilespmem:s15], [sflag:$0x4], $0x2800, $0x38;
	[tilespmem:$0x13000] =	vst v63  }
0x1d1: {  	_ =	swait.ge [sflag:s16], $0x2800  }
0x1d2: {  	[sflag:s16] =	ssyncset.done $0x0  }
0x1d3: {  	[sflag:s16] =	ssyncadd.s32 $0xFFFFD800  }
0x1d4: {  	_ =	swait.ge [sflag:s17], $0x2800  }
0x1d5: {  	[sflag:s17] =	ssyncset.done $0x0  }
0x1d6: {  	[sflag:s17] =	ssyncadd.s32 $0xFFFFD800  }
0x1d7: {  	_ =	swait.ge [sflag:s18], $0x2800  }
.Ltmp26:
0x1d8: {  	[sflag:s18] =	ssyncset.done $0x0;
	(pc) =	sbr.rel @p0 .LBB2_243-.Ltmp26, $4  }
0x1d9: {  	[sflag:s18] =	ssyncadd.s32 $0xFFFFD800  }
0x1da: {  	_ =	swait.ge [sflag:s19], $0x2800  }
0x1db: {  	[sflag:s19] =	ssyncset.done $0x0  }
0x1dc: {  	[sflag:s19] =	ssyncadd.s32 $0xFFFFD800  }
0x1dd: {  	s3 =	simm.s32 $0x0;
	s5 =	rddreg [dreg:$0x8]  }
0x1de: {  	[tilespmem:s3], [sflag:$0x5] =	stream.linear.gather [hbm4b:s5+s3], $0x1400, $0x38;
	[tilespmem:$0x13000] =	vst v63  }
0x1df: {  	_ =	swait.ge [sflag:s0], $0x1400  }
0x1e0: {  	s24 =	sand.u32 $0x70, s3;
	s3 =	sand.u32 $0x1C00, s3;
	[sflag:s0] =	ssyncset.done $0x0  }
0x1e1: {  	s21 =	sor.u32 s24, s3;
	[sflag:s0] =	ssyncadd.s32 $0xFFFFEC00  }
0x1e2: {  	v0 =	vld [tilespmem:s21+$0x0];
	_ =	sdelay $0x5  }
0x1e3: {  	s22 =	simm.s32 $0x80;
	s6 =	simm.s32 $0x100;
	s3 =	simm.s32 $0x10  }
0x1e4: {  	s8 =	sand.u32 $0x1C00, s22;
	s7 =	sand.u32 $0x70, s3;
	s5 =	smov.u32 s21  }
.LBB2_51:
0x1e5: {  	p1 =	sne.s32 s6, $0x1200;
	s7 =	sor.u32 s7, s8;
	v1 =	vld.idx.msk [tilespmem:v0+s1+$0x0], $0xffff  }
0x1e6: {  	v0 =	vld [tilespmem:s7+$0x0];
	_ =	sdelay $0x2  }
.Ltmp27:
0x1e7: {  	(pc) =	sbr.rel @p1 .LBB2_51-.Ltmp27, $4  }
0x1e8: {  	_ = 	snop  }
0x1e9: {  	[tilespmem:s5+$0x9000] =	vst v1;
	s5 =	smov.u32 s7  }
0x1ea: {  	s3 =	sadd.s32 $0x10, s3  }
0x1eb: {  	s8 =	sand.u32 $0x1C00, s6;
	s6 =	sadd.s32 $0x80, s6;
	s7 =	sand.u32 $0x70, s3  }
0x1ec: {  	_ = 	snop  }
0x1ed: {  	s3 =	sor.u32 s7, s8  }
0x1ee: {  	v1 =	vld [tilespmem:s3+$0x0];
	_ =	sdelay $0x1  }
0x1ef: {  	v0 =	vld.idx.msk [tilespmem:v0+s1+$0x0], $0xffff;
	_ =	sdelay $0x4  }
0x1f0: {  	[tilespmem:s5+$0x9000] =	vst v0  }
0x1f1: {  	v0 =	vld.idx.msk [tilespmem:v1+s1+$0x0], $0xffff;
	_ =	sdelay $0x4  }
0x1f2: {  	[tilespmem:s3+$0x9000] =	vst v0  }
0x1f3: {  	v0 =	vld [tilespmem:s21+$0x80];
	_ =	sdelay $0x5  }
0x1f4: {  	s3 =	simm.s32 $0x10  }
0x1f5: {  	s7 =	sand.u32 $0x1C00, s22;
	s5 =	simm.s32 $0x100;
	s6 =	sand.u32 $0x70, s3  }
.LBB2_53:
0x1f6: {  	p1 =	sne.s32 s5, $0x1200;
	s6 =	sor.u32 s6, s7;
	v1 =	vld.idx.msk [tilespmem:v0+s1+$0x0], $0xffff  }
0x1f7: {  	v0 =	vld [tilespmem:s6+$0x80];
	_ =	sdelay $0x2  }
.Ltmp28:
0x1f8: {  	(pc) =	sbr.rel @p1 .LBB2_53-.Ltmp28, $4  }
0x1f9: {  	_ = 	snop  }
0x1fa: {  	[tilespmem:s21+$0x9080] =	vst v1;
	s21 =	smov.u32 s6  }
0x1fb: {  	s3 =	sadd.s32 $0x10, s3  }
0x1fc: {  	s7 =	sand.u32 $0x1C00, s5;
	s5 =	sadd.s32 $0x80, s5;
	s6 =	sand.u32 $0x70, s3  }
0x1fd: {  	_ = 	snop  }
0x1fe: {  	s3 =	sor.u32 s6, s7  }
0x1ff: {  	v1 =	vld [tilespmem:s3+$0x80];
	_ =	sdelay $0x1  }
0x200: {  	v0 =	vld.idx.msk [tilespmem:v0+s1+$0x0], $0xffff;
	_ =	sdelay $0x4  }
0x201: {  	[tilespmem:s21+$0x9080] =	vst v0  }
0x202: {  	v0 =	vld.idx.msk [tilespmem:v1+s1+$0x0], $0xffff;
	_ =	sdelay $0x2  }
0x203: {  	s5 =	simm.s32 $0x0  }
0x204: {  	s24 =	sand.u32 $0x70, s5;
	s5 =	sand.u32 $0x1C00, s5  }
0x205: {  	s21 =	sor.u32 s24, s5;
	[tilespmem:s3+$0x9080] =	vst v0  }
0x206: {  	v0 =	vld [tilespmem:s21+$0x100];
	_ =	sdelay $0x5  }
0x207: {  	s22 =	simm.s32 $0x80;
	s6 =	simm.s32 $0x100;
	s3 =	simm.s32 $0x10  }
0x208: {  	s8 =	sand.u32 $0x1C00, s22;
	s5 =	smov.u32 s21;
	s7 =	sand.u32 $0x70, s3  }
.LBB2_55:
0x209: {  	p1 =	sne.s32 s6, $0x1200;
	s7 =	sor.u32 s7, s8;
	v1 =	vld.idx.msk [tilespmem:v0+s1+$0x0], $0xffff  }
0x20a: {  	v0 =	vld [tilespmem:s7+$0x100];
	_ =	sdelay $0x2  }
.Ltmp29:
0x20b: {  	(pc) =	sbr.rel @p1 .LBB2_55-.Ltmp29, $4  }
0x20c: {  	_ = 	snop  }
0x20d: {  	[tilespmem:s5+$0x9100] =	vst v1;
	s5 =	smov.u32 s7  }
0x20e: {  	s3 =	sadd.s32 $0x10, s3  }
0x20f: {  	s8 =	sand.u32 $0x1C00, s6;
	s6 =	sadd.s32 $0x80, s6;
	s7 =	sand.u32 $0x70, s3  }
0x210: {  	_ = 	snop  }
0x211: {  	s3 =	sor.u32 s7, s8  }
0x212: {  	v1 =	vld [tilespmem:s3+$0x100];
	_ =	sdelay $0x1  }
0x213: {  	v0 =	vld.idx.msk [tilespmem:v0+s1+$0x0], $0xffff;
	_ =	sdelay $0x4  }
0x214: {  	[tilespmem:s5+$0x9100] =	vst v0  }
0x215: {  	v0 =	vld.idx.msk [tilespmem:v1+s1+$0x0], $0xffff;
	_ =	sdelay $0x4  }
0x216: {  	[tilespmem:s3+$0x9100] =	vst v0  }
0x217: {  	v0 =	vld [tilespmem:s21+$0x180];
	_ =	sdelay $0x5  }
0x218: {  	s3 =	simm.s32 $0x10  }
0x219: {  	s7 =	sand.u32 $0x1C00, s22;
	s5 =	simm.s32 $0x100;
	s6 =	sand.u32 $0x70, s3  }
.LBB2_57:
0x21a: {  	p1 =	sne.s32 s5, $0x1200;
	s6 =	sor.u32 s6, s7;
	v1 =	vld.idx.msk [tilespmem:v0+s1+$0x0], $0xffff  }
0x21b: {  	v0 =	vld [tilespmem:s6+$0x180];
	_ =	sdelay $0x2  }
.Ltmp30:
0x21c: {  	(pc) =	sbr.rel @p1 .LBB2_57-.Ltmp30, $4  }
0x21d: {  	_ = 	snop  }
0x21e: {  	[tilespmem:s21+$0x9180] =	vst v1;
	s21 =	smov.u32 s6  }
0x21f: {  	s3 =	sadd.s32 $0x10, s3  }
0x220: {  	s7 =	sand.u32 $0x1C00, s5;
	s5 =	sadd.s32 $0x80, s5;
	s6 =	sand.u32 $0x70, s3  }
0x221: {  	_ = 	snop  }
0x222: {  	s3 =	sor.u32 s6, s7  }
0x223: {  	v1 =	vld [tilespmem:s3+$0x180];
	_ =	sdelay $0x1  }
0x224: {  	v0 =	vld.idx.msk [tilespmem:v0+s1+$0x0], $0xffff;
	_ =	sdelay $0x4  }
0x225: {  	[tilespmem:s21+$0x9180] =	vst v0  }
0x226: {  	v0 =	vld.idx.msk [tilespmem:v1+s1+$0x0], $0xffff;
	_ =	sdelay $0x2  }
0x227: {  	s5 =	simm.s32 $0x0  }
0x228: {  	s24 =	sand.u32 $0x70, s5;
	s5 =	sand.u32 $0x1C00, s5  }
0x229: {  	s21 =	sor.u32 s24, s5;
	[tilespmem:s3+$0x9180] =	vst v0  }
0x22a: {  	v0 =	vld [tilespmem:s21+$0x200];
	_ =	sdelay $0x5  }
0x22b: {  	s22 =	simm.s32 $0x80;
	s6 =	simm.s32 $0x100;
	s3 =	simm.s32 $0x10  }
0x22c: {  	s8 =	sand.u32 $0x1C00, s22;
	s5 =	smov.u32 s21;
	s7 =	sand.u32 $0x70, s3  }
.LBB2_59:
0x22d: {  	p1 =	sne.s32 s6, $0x1200;
	s7 =	sor.u32 s7, s8;
	v1 =	vld.idx.msk [tilespmem:v0+s1+$0x0], $0xffff  }
0x22e: {  	v0 =	vld [tilespmem:s7+$0x200];
	_ =	sdelay $0x2  }
.Ltmp31:
0x22f: {  	(pc) =	sbr.rel @p1 .LBB2_59-.Ltmp31, $4  }
0x230: {  	_ = 	snop  }
0x231: {  	[tilespmem:s5+$0x9200] =	vst v1;
	s5 =	smov.u32 s7  }
0x232: {  	s3 =	sadd.s32 $0x10, s3  }
0x233: {  	s8 =	sand.u32 $0x1C00, s6;
	s6 =	sadd.s32 $0x80, s6;
	s7 =	sand.u32 $0x70, s3  }
0x234: {  	_ = 	snop  }
0x235: {  	s3 =	sor.u32 s7, s8  }
0x236: {  	v1 =	vld [tilespmem:s3+$0x200];
	_ =	sdelay $0x1  }
0x237: {  	v0 =	vld.idx.msk [tilespmem:v0+s1+$0x0], $0xffff;
	_ =	sdelay $0x4  }
0x238: {  	[tilespmem:s5+$0x9200] =	vst v0  }
0x239: {  	v0 =	vld.idx.msk [tilespmem:v1+s1+$0x0], $0xffff;
	_ =	sdelay $0x4  }
0x23a: {  	[tilespmem:s3+$0x9200] =	vst v0  }
0x23b: {  	v0 =	vld [tilespmem:s21+$0x280];
	_ =	sdelay $0x5  }
0x23c: {  	s3 =	simm.s32 $0x10  }
0x23d: {  	s7 =	sand.u32 $0x1C00, s22;
	s5 =	simm.s32 $0x100;
	s6 =	sand.u32 $0x70, s3  }
.LBB2_61:
0x23e: {  	p1 =	sne.s32 s5, $0x1200;
	s6 =	sor.u32 s6, s7;
	v1 =	vld.idx.msk [tilespmem:v0+s1+$0x0], $0xffff  }
0x23f: {  	v0 =	vld [tilespmem:s6+$0x280];
	_ =	sdelay $0x2  }
.Ltmp32:
0x240: {  	(pc) =	sbr.rel @p1 .LBB2_61-.Ltmp32, $4  }
0x241: {  	_ = 	snop  }
0x242: {  	[tilespmem:s21+$0x9280] =	vst v1;
	s21 =	smov.u32 s6  }
0x243: {  	s3 =	sadd.s32 $0x10, s3  }
0x244: {  	s7 =	sand.u32 $0x1C00, s5;
	s5 =	sadd.s32 $0x80, s5;
	s6 =	sand.u32 $0x70, s3  }
0x245: {  	_ = 	snop  }
0x246: {  	s3 =	sor.u32 s6, s7  }
0x247: {  	v1 =	vld [tilespmem:s3+$0x280];
	_ =	sdelay $0x1  }
0x248: {  	v0 =	vld.idx.msk [tilespmem:v0+s1+$0x0], $0xffff;
	_ =	sdelay $0x4  }
0x249: {  	[tilespmem:s21+$0x9280] =	vst v0  }
0x24a: {  	v0 =	vld.idx.msk [tilespmem:v1+s1+$0x0], $0xffff;
	_ =	sdelay $0x2  }
0x24b: {  	s5 =	simm.s32 $0x0  }
0x24c: {  	s24 =	sand.u32 $0x70, s5;
	s5 =	sand.u32 $0x1C00, s5  }
0x24d: {  	s21 =	sor.u32 s24, s5;
	[tilespmem:s3+$0x9280] =	vst v0  }
0x24e: {  	v0 =	vld [tilespmem:s21+$0x300];
	_ =	sdelay $0x5  }
0x24f: {  	s22 =	simm.s32 $0x80;
	s6 =	simm.s32 $0x100;
	s3 =	simm.s32 $0x10  }
0x250: {  	s8 =	sand.u32 $0x1C00, s22;
	s5 =	smov.u32 s21;
	s7 =	sand.u32 $0x70, s3  }
.LBB2_63:
0x251: {  	p1 =	sne.s32 s6, $0x1200;
	s7 =	sor.u32 s7, s8;
	v1 =	vld.idx.msk [tilespmem:v0+s1+$0x0], $0xffff  }
0x252: {  	v0 =	vld [tilespmem:s7+$0x300];
	_ =	sdelay $0x2  }
.Ltmp33:
0x253: {  	(pc) =	sbr.rel @p1 .LBB2_63-.Ltmp33, $4  }
0x254: {  	_ = 	snop  }
0x255: {  	[tilespmem:s5+$0x9300] =	vst v1;
	s5 =	smov.u32 s7  }
0x256: {  	s3 =	sadd.s32 $0x10, s3  }
0x257: {  	s8 =	sand.u32 $0x1C00, s6;
	s6 =	sadd.s32 $0x80, s6;
	s7 =	sand.u32 $0x70, s3  }
0x258: {  	_ = 	snop  }
0x259: {  	s3 =	sor.u32 s7, s8  }
0x25a: {  	v1 =	vld [tilespmem:s3+$0x300];
	_ =	sdelay $0x1  }
0x25b: {  	v0 =	vld.idx.msk [tilespmem:v0+s1+$0x0], $0xffff;
	_ =	sdelay $0x4  }
0x25c: {  	[tilespmem:s5+$0x9300] =	vst v0  }
0x25d: {  	v0 =	vld.idx.msk [tilespmem:v1+s1+$0x0], $0xffff;
	_ =	sdelay $0x4  }
0x25e: {  	[tilespmem:s3+$0x9300] =	vst v0  }
0x25f: {  	v0 =	vld [tilespmem:s21+$0x380];
	_ =	sdelay $0x5  }
0x260: {  	s3 =	simm.s32 $0x10  }
0x261: {  	s7 =	sand.u32 $0x1C00, s22;
	s5 =	simm.s32 $0x100;
	s6 =	sand.u32 $0x70, s3  }
.LBB2_65:
0x262: {  	p1 =	sne.s32 s5, $0x1200;
	s6 =	sor.u32 s6, s7;
	v1 =	vld.idx.msk [tilespmem:v0+s1+$0x0], $0xffff  }
0x263: {  	v0 =	vld [tilespmem:s6+$0x380];
	_ =	sdelay $0x2  }
.Ltmp34:
0x264: {  	(pc) =	sbr.rel @p1 .LBB2_65-.Ltmp34, $4  }
0x265: {  	_ = 	snop  }
0x266: {  	[tilespmem:s21+$0x9380] =	vst v1;
	s21 =	smov.u32 s6  }
0x267: {  	s3 =	sadd.s32 $0x10, s3  }
0x268: {  	s7 =	sand.u32 $0x1C00, s5;
	s5 =	sadd.s32 $0x80, s5;
	s6 =	sand.u32 $0x70, s3  }
0x269: {  	_ = 	snop  }
0x26a: {  	s3 =	sor.u32 s6, s7  }
0x26b: {  	v1 =	vld [tilespmem:s3+$0x380];
	_ =	sdelay $0x1  }
0x26c: {  	v0 =	vld.idx.msk [tilespmem:v0+s1+$0x0], $0xffff;
	_ =	sdelay $0x4  }
0x26d: {  	[tilespmem:s21+$0x9380] =	vst v0  }
0x26e: {  	v0 =	vld.idx.msk [tilespmem:v1+s1+$0x0], $0xffff;
	_ =	sdelay $0x3  }
0x26f: {  	s21 =	simm.s32 $0x0  }
0x270: {  	s5 =	rddreg [dreg:$0x9];
	s22 =	sand.u32 $0x70, s21;
	[tilespmem:s3+$0x9380] =	vst v0;
	s3 =	sand.u32 $0x1C00, s21  }
0x271: {  	[hbm4b:s5+s21] =	stream.linear.scatter [tilespmem:s12], [sflag:$0x1], $0x1400, $0x38;
	[tilespmem:$0x13000] =	vst v63  }
0x272: {  	s21 =	sor.u32 s22, s3  }
0x273: {  	v0 =	vld [tilespmem:s21+$0x0];
	_ =	sdelay $0x2  }
0x274: {  	s23 =	simm.s32 $0x80;
	s24 =	simm.s32 $0x10  }
0x275: {  	s5 =	sand.u32 $0x70, s24;
	s3 =	sand.u32 $0x1C00, s23  }
0x276: {  	s22 =	sor.u32 s5, s3;
	v0 =	vadd.s32 $0x8A4, v0  }
0x277: {  	v1 =	vld [tilespmem:s22+$0x0];
	_ =	sdelay $0x2  }
0x278: {  	s23 =	simm.s32 $0x100  }
0x279: {  	s6 =	simm.s32 $0x180;
	s3 =	simm.s32 $0x20;
	s8 =	sand.u32 $0x1C00, s23;
	v0 =	vld.idx.msk [tilespmem:v0+s1+$0x0], $0xffff  }
0x27a: {  	s24 =	smov.u32 s21;
	s7 =	sand.u32 $0x70, s3;
	s5 =	smov.u32 s22;
	v1 =	vadd.s32 $0x8A4, v1  }
.LBB2_67:
0x27b: {  	p1 =	sne.s32 s6, $0x1200;
	s7 =	sor.u32 s7, s8  }
0x27c: {  	v2 =	vld [tilespmem:s7+$0x0]  }
.Ltmp35:
0x27d: {  	(pc) =	sbr.rel @p1 .LBB2_67-.Ltmp35, $4  }
0x27e: {  	[tilespmem:s24+$0xB800] =	vst v0;
	s24 =	smov.u32 s5;
	s5 =	smov.u32 s7  }
0x27f: {  	v0 =	vld.idx.msk [tilespmem:v1+s1+$0x0], $0xffff  }
0x280: {  	s3 =	sadd.s32 $0x10, s3  }
0x281: {  	s8 =	sand.u32 $0x1C00, s6;
	s6 =	sadd.s32 $0x80, s6;
	s7 =	sand.u32 $0x70, s3;
	v1 =	vadd.s32 $0x8A4, v2  }
0x282: {  	s3 =	sor.u32 s7, s8  }
0x283: {  	v2 =	vld [tilespmem:s3+$0x0];
	_ =	sdelay $0x2  }
0x284: {  	[tilespmem:s24+$0xB800] =	vst v0  }
0x285: {  	v0 =	vld.idx.msk [tilespmem:v1+s1+$0x0], $0xffff  }
0x286: {  	v1 =	vadd.s32 $0x8A4, v2;
	_ =	sdelay $0x3  }
0x287: {  	[tilespmem:s5+$0xB800] =	vst v0  }
0x288: {  	v0 =	vld.idx.msk [tilespmem:v1+s1+$0x0], $0xffff;
	_ =	sdelay $0x4  }
0x289: {  	[tilespmem:s3+$0xB800] =	vst v0  }
0x28a: {  	v0 =	vld [tilespmem:s21+$0x80];
	_ =	sdelay $0x4  }
0x28b: {  	v0 =	vadd.s32 $0x8A4, v0  }
0x28c: {  	v1 =	vld [tilespmem:s22+$0x80];
	_ =	sdelay $0x3  }
0x28d: {  	s3 =	simm.s32 $0x20;
	v0 =	vld.idx.msk [tilespmem:v0+s1+$0x0], $0xffff  }
0x28e: {  	s7 =	sand.u32 $0x1C00, s23;
	s5 =	simm.s32 $0x180;
	s6 =	sand.u32 $0x70, s3;
	v1 =	vadd.s32 $0x8A4, v1  }
.LBB2_69:
0x28f: {  	p1 =	sne.s32 s5, $0x1200;
	s6 =	sor.u32 s6, s7  }
0x290: {  	v2 =	vld [tilespmem:s6+$0x80]  }
.Ltmp36:
0x291: {  	(pc) =	sbr.rel @p1 .LBB2_69-.Ltmp36, $4  }
0x292: {  	[tilespmem:s21+$0xB880] =	vst v0;
	s21 =	smov.u32 s22;
	s22 =	smov.u32 s6  }
0x293: {  	v0 =	vld.idx.msk [tilespmem:v1+s1+$0x0], $0xffff  }
0x294: {  	s3 =	sadd.s32 $0x10, s3  }
0x295: {  	s7 =	sand.u32 $0x1C00, s5;
	s5 =	sadd.s32 $0x80, s5;
	s6 =	sand.u32 $0x70, s3;
	v1 =	vadd.s32 $0x8A4, v2  }
0x296: {  	s3 =	sor.u32 s6, s7  }
0x297: {  	v2 =	vld [tilespmem:s3+$0x80];
	_ =	sdelay $0x2  }
0x298: {  	[tilespmem:s21+$0xB880] =	vst v0  }
0x299: {  	v0 =	vld.idx.msk [tilespmem:v1+s1+$0x0], $0xffff  }
0x29a: {  	v1 =	vadd.s32 $0x8A4, v2;
	_ =	sdelay $0x3  }
0x29b: {  	[tilespmem:s22+$0xB880] =	vst v0  }
0x29c: {  	v0 =	vld.idx.msk [tilespmem:v1+s1+$0x0], $0xffff;
	_ =	sdelay $0x2  }
0x29d: {  	s5 =	simm.s32 $0x0  }
0x29e: {  	s22 =	sand.u32 $0x70, s5;
	s5 =	sand.u32 $0x1C00, s5  }
0x29f: {  	s21 =	sor.u32 s22, s5;
	[tilespmem:s3+$0xB880] =	vst v0  }
0x2a0: {  	v0 =	vld [tilespmem:s21+$0x100];
	_ =	sdelay $0x2  }
0x2a1: {  	s23 =	simm.s32 $0x80;
	s24 =	simm.s32 $0x10  }
0x2a2: {  	s5 =	sand.u32 $0x70, s24;
	s3 =	sand.u32 $0x1C00, s23  }
0x2a3: {  	s22 =	sor.u32 s5, s3;
	v0 =	vadd.s32 $0x8A4, v0  }
0x2a4: {  	v1 =	vld [tilespmem:s22+$0x100];
	_ =	sdelay $0x2  }
0x2a5: {  	s6 =	simm.s32 $0x180  }
0x2a6: {  	s24 =	smov.u32 s21;
	s23 =	simm.s32 $0x100;
	s3 =	simm.s32 $0x20;
	v0 =	vld.idx.msk [tilespmem:v0+s1+$0x0], $0xffff  }
0x2a7: {  	s8 =	sand.u32 $0x1C00, s23;
	s7 =	sand.u32 $0x70, s3;
	s5 =	smov.u32 s22;
	v1 =	vadd.s32 $0x8A4, v1  }
.LBB2_71:
0x2a8: {  	p1 =	sne.s32 s6, $0x1200;
	s7 =	sor.u32 s7, s8  }
0x2a9: {  	v2 =	vld [tilespmem:s7+$0x100]  }
.Ltmp37:
0x2aa: {  	(pc) =	sbr.rel @p1 .LBB2_71-.Ltmp37, $4  }
0x2ab: {  	[tilespmem:s24+$0xB900] =	vst v0;
	s24 =	smov.u32 s5;
	s5 =	smov.u32 s7  }
0x2ac: {  	v0 =	vld.idx.msk [tilespmem:v1+s1+$0x0], $0xffff  }
0x2ad: {  	s3 =	sadd.s32 $0x10, s3  }
0x2ae: {  	s8 =	sand.u32 $0x1C00, s6;
	s6 =	sadd.s32 $0x80, s6;
	s7 =	sand.u32 $0x70, s3;
	v1 =	vadd.s32 $0x8A4, v2  }
0x2af: {  	s3 =	sor.u32 s7, s8  }
0x2b0: {  	v2 =	vld [tilespmem:s3+$0x100];
	_ =	sdelay $0x2  }
0x2b1: {  	[tilespmem:s24+$0xB900] =	vst v0  }
0x2b2: {  	v0 =	vld.idx.msk [tilespmem:v1+s1+$0x0], $0xffff  }
0x2b3: {  	v1 =	vadd.s32 $0x8A4, v2;
	_ =	sdelay $0x3  }
0x2b4: {  	[tilespmem:s5+$0xB900] =	vst v0  }
0x2b5: {  	v0 =	vld.idx.msk [tilespmem:v1+s1+$0x0], $0xffff;
	_ =	sdelay $0x4  }
0x2b6: {  	[tilespmem:s3+$0xB900] =	vst v0  }
0x2b7: {  	v0 =	vld [tilespmem:s21+$0x180];
	_ =	sdelay $0x4  }
0x2b8: {  	v0 =	vadd.s32 $0x8A4, v0  }
0x2b9: {  	v1 =	vld [tilespmem:s22+$0x180];
	_ =	sdelay $0x3  }
0x2ba: {  	s3 =	simm.s32 $0x20;
	v0 =	vld.idx.msk [tilespmem:v0+s1+$0x0], $0xffff  }
0x2bb: {  	s7 =	sand.u32 $0x1C00, s23;
	s5 =	simm.s32 $0x180;
	s6 =	sand.u32 $0x70, s3;
	v1 =	vadd.s32 $0x8A4, v1  }
.LBB2_73:
0x2bc: {  	p1 =	sne.s32 s5, $0x1200;
	s6 =	sor.u32 s6, s7  }
0x2bd: {  	v2 =	vld [tilespmem:s6+$0x180]  }
.Ltmp38:
0x2be: {  	(pc) =	sbr.rel @p1 .LBB2_73-.Ltmp38, $4  }
0x2bf: {  	[tilespmem:s21+$0xB980] =	vst v0;
	s21 =	smov.u32 s22;
	s22 =	smov.u32 s6  }
0x2c0: {  	v0 =	vld.idx.msk [tilespmem:v1+s1+$0x0], $0xffff  }
0x2c1: {  	s3 =	sadd.s32 $0x10, s3  }
0x2c2: {  	s7 =	sand.u32 $0x1C00, s5;
	s5 =	sadd.s32 $0x80, s5;
	s6 =	sand.u32 $0x70, s3;
	v1 =	vadd.s32 $0x8A4, v2  }
0x2c3: {  	s3 =	sor.u32 s6, s7  }
0x2c4: {  	v2 =	vld [tilespmem:s3+$0x180];
	_ =	sdelay $0x2  }
0x2c5: {  	[tilespmem:s21+$0xB980] =	vst v0  }
0x2c6: {  	v0 =	vld.idx.msk [tilespmem:v1+s1+$0x0], $0xffff  }
0x2c7: {  	v1 =	vadd.s32 $0x8A4, v2;
	_ =	sdelay $0x3  }
0x2c8: {  	[tilespmem:s22+$0xB980] =	vst v0  }
0x2c9: {  	v0 =	vld.idx.msk [tilespmem:v1+s1+$0x0], $0xffff;
	_ =	sdelay $0x2  }
0x2ca: {  	s5 =	simm.s32 $0x0  }
0x2cb: {  	s22 =	sand.u32 $0x70, s5;
	s5 =	sand.u32 $0x1C00, s5  }
0x2cc: {  	s21 =	sor.u32 s22, s5;
	[tilespmem:s3+$0xB980] =	vst v0  }
0x2cd: {  	v0 =	vld [tilespmem:s21+$0x200];
	_ =	sdelay $0x2  }
0x2ce: {  	s23 =	simm.s32 $0x80;
	s24 =	simm.s32 $0x10  }
0x2cf: {  	s5 =	sand.u32 $0x70, s24;
	s3 =	sand.u32 $0x1C00, s23  }
0x2d0: {  	s22 =	sor.u32 s5, s3;
	v0 =	vadd.s32 $0x8A4, v0  }
0x2d1: {  	v1 =	vld [tilespmem:s22+$0x200];
	_ =	sdelay $0x2  }
0x2d2: {  	s6 =	simm.s32 $0x180  }
0x2d3: {  	s24 =	smov.u32 s21;
	s23 =	simm.s32 $0x100;
	s3 =	simm.s32 $0x20;
	v0 =	vld.idx.msk [tilespmem:v0+s1+$0x0], $0xffff  }
0x2d4: {  	s8 =	sand.u32 $0x1C00, s23;
	s7 =	sand.u32 $0x70, s3;
	s5 =	smov.u32 s22;
	v1 =	vadd.s32 $0x8A4, v1  }
.LBB2_75:
0x2d5: {  	p1 =	sne.s32 s6, $0x1200;
	s7 =	sor.u32 s7, s8  }
0x2d6: {  	v2 =	vld [tilespmem:s7+$0x200]  }
.Ltmp39:
0x2d7: {  	(pc) =	sbr.rel @p1 .LBB2_75-.Ltmp39, $4  }
0x2d8: {  	[tilespmem:s24+$0xBA00] =	vst v0;
	s24 =	smov.u32 s5;
	s5 =	smov.u32 s7  }
0x2d9: {  	v0 =	vld.idx.msk [tilespmem:v1+s1+$0x0], $0xffff  }
0x2da: {  	s3 =	sadd.s32 $0x10, s3  }
0x2db: {  	s8 =	sand.u32 $0x1C00, s6;
	s6 =	sadd.s32 $0x80, s6;
	s7 =	sand.u32 $0x70, s3;
	v1 =	vadd.s32 $0x8A4, v2  }
0x2dc: {  	s3 =	sor.u32 s7, s8  }
0x2dd: {  	v2 =	vld [tilespmem:s3+$0x200];
	_ =	sdelay $0x2  }
0x2de: {  	[tilespmem:s24+$0xBA00] =	vst v0  }
0x2df: {  	v0 =	vld.idx.msk [tilespmem:v1+s1+$0x0], $0xffff  }
0x2e0: {  	v1 =	vadd.s32 $0x8A4, v2;
	_ =	sdelay $0x3  }
0x2e1: {  	[tilespmem:s5+$0xBA00] =	vst v0  }
0x2e2: {  	v0 =	vld.idx.msk [tilespmem:v1+s1+$0x0], $0xffff;
	_ =	sdelay $0x4  }
0x2e3: {  	[tilespmem:s3+$0xBA00] =	vst v0  }
0x2e4: {  	v0 =	vld [tilespmem:s21+$0x280];
	_ =	sdelay $0x4  }
0x2e5: {  	v0 =	vadd.s32 $0x8A4, v0  }
0x2e6: {  	v1 =	vld [tilespmem:s22+$0x280];
	_ =	sdelay $0x3  }
0x2e7: {  	s3 =	simm.s32 $0x20;
	v0 =	vld.idx.msk [tilespmem:v0+s1+$0x0], $0xffff  }
0x2e8: {  	s7 =	sand.u32 $0x1C00, s23;
	s5 =	simm.s32 $0x180;
	s6 =	sand.u32 $0x70, s3;
	v1 =	vadd.s32 $0x8A4, v1  }
.LBB2_77:
0x2e9: {  	p1 =	sne.s32 s5, $0x1200;
	s6 =	sor.u32 s6, s7  }
0x2ea: {  	v2 =	vld [tilespmem:s6+$0x280]  }
.Ltmp40:
0x2eb: {  	(pc) =	sbr.rel @p1 .LBB2_77-.Ltmp40, $4  }
0x2ec: {  	[tilespmem:s21+$0xBA80] =	vst v0;
	s21 =	smov.u32 s22;
	s22 =	smov.u32 s6  }
0x2ed: {  	v0 =	vld.idx.msk [tilespmem:v1+s1+$0x0], $0xffff  }
0x2ee: {  	s3 =	sadd.s32 $0x10, s3  }
0x2ef: {  	s7 =	sand.u32 $0x1C00, s5;
	s5 =	sadd.s32 $0x80, s5;
	s6 =	sand.u32 $0x70, s3;
	v1 =	vadd.s32 $0x8A4, v2  }
0x2f0: {  	s3 =	sor.u32 s6, s7  }
0x2f1: {  	v2 =	vld [tilespmem:s3+$0x280];
	_ =	sdelay $0x2  }
0x2f2: {  	[tilespmem:s21+$0xBA80] =	vst v0  }
0x2f3: {  	v0 =	vld.idx.msk [tilespmem:v1+s1+$0x0], $0xffff  }
0x2f4: {  	v1 =	vadd.s32 $0x8A4, v2;
	_ =	sdelay $0x3  }
0x2f5: {  	[tilespmem:s22+$0xBA80] =	vst v0  }
0x2f6: {  	v0 =	vld.idx.msk [tilespmem:v1+s1+$0x0], $0xffff;
	_ =	sdelay $0x2  }
0x2f7: {  	s5 =	simm.s32 $0x0  }
0x2f8: {  	s22 =	sand.u32 $0x70, s5;
	s5 =	sand.u32 $0x1C00, s5  }
0x2f9: {  	s21 =	sor.u32 s22, s5;
	[tilespmem:s3+$0xBA80] =	vst v0  }
0x2fa: {  	v0 =	vld [tilespmem:s21+$0x300];
	_ =	sdelay $0x2  }
0x2fb: {  	s23 =	simm.s32 $0x80;
	s24 =	simm.s32 $0x10  }
0x2fc: {  	s5 =	sand.u32 $0x70, s24;
	s3 =	sand.u32 $0x1C00, s23  }
0x2fd: {  	s22 =	sor.u32 s5, s3;
	v0 =	vadd.s32 $0x8A4, v0  }
0x2fe: {  	v1 =	vld [tilespmem:s22+$0x300];
	_ =	sdelay $0x2  }
0x2ff: {  	s6 =	simm.s32 $0x180  }
0x300: {  	s24 =	smov.u32 s21;
	s23 =	simm.s32 $0x100;
	s3 =	simm.s32 $0x20;
	v0 =	vld.idx.msk [tilespmem:v0+s1+$0x0], $0xffff  }
0x301: {  	s8 =	sand.u32 $0x1C00, s23;
	s7 =	sand.u32 $0x70, s3;
	s5 =	smov.u32 s22;
	v1 =	vadd.s32 $0x8A4, v1  }
.LBB2_79:
0x302: {  	p1 =	sne.s32 s6, $0x1200;
	s7 =	sor.u32 s7, s8  }
0x303: {  	v2 =	vld [tilespmem:s7+$0x300]  }
.Ltmp41:
0x304: {  	(pc) =	sbr.rel @p1 .LBB2_79-.Ltmp41, $4  }
0x305: {  	[tilespmem:s24+$0xBB00] =	vst v0;
	s24 =	smov.u32 s5;
	s5 =	smov.u32 s7  }
0x306: {  	v0 =	vld.idx.msk [tilespmem:v1+s1+$0x0], $0xffff  }
0x307: {  	s3 =	sadd.s32 $0x10, s3  }
0x308: {  	s8 =	sand.u32 $0x1C00, s6;
	s6 =	sadd.s32 $0x80, s6;
	s7 =	sand.u32 $0x70, s3;
	v1 =	vadd.s32 $0x8A4, v2  }
0x309: {  	s3 =	sor.u32 s7, s8  }
0x30a: {  	v2 =	vld [tilespmem:s3+$0x300];
	_ =	sdelay $0x2  }
0x30b: {  	[tilespmem:s24+$0xBB00] =	vst v0  }
0x30c: {  	v0 =	vld.idx.msk [tilespmem:v1+s1+$0x0], $0xffff  }
0x30d: {  	v1 =	vadd.s32 $0x8A4, v2;
	_ =	sdelay $0x3  }
0x30e: {  	[tilespmem:s5+$0xBB00] =	vst v0  }
0x30f: {  	v0 =	vld.idx.msk [tilespmem:v1+s1+$0x0], $0xffff;
	_ =	sdelay $0x4  }
0x310: {  	[tilespmem:s3+$0xBB00] =	vst v0  }
0x311: {  	v0 =	vld [tilespmem:s21+$0x380];
	_ =	sdelay $0x4  }
0x312: {  	v0 =	vadd.s32 $0x8A4, v0  }
0x313: {  	v1 =	vld [tilespmem:s22+$0x380];
	_ =	sdelay $0x3  }
0x314: {  	s3 =	simm.s32 $0x20;
	v0 =	vld.idx.msk [tilespmem:v0+s1+$0x0], $0xffff  }
0x315: {  	s7 =	sand.u32 $0x1C00, s23;
	s5 =	simm.s32 $0x180;
	s6 =	sand.u32 $0x70, s3;
	v1 =	vadd.s32 $0x8A4, v1  }
.LBB2_81:
0x316: {  	p1 =	sne.s32 s5, $0x1200;
	s6 =	sor.u32 s6, s7  }
0x317: {  	v2 =	vld [tilespmem:s6+$0x380]  }
.Ltmp42:
0x318: {  	(pc) =	sbr.rel @p1 .LBB2_81-.Ltmp42, $4  }
0x319: {  	[tilespmem:s21+$0xBB80] =	vst v0;
	s21 =	smov.u32 s22;
	s22 =	smov.u32 s6  }
0x31a: {  	v0 =	vld.idx.msk [tilespmem:v1+s1+$0x0], $0xffff  }
0x31b: {  	s3 =	sadd.s32 $0x10, s3  }
0x31c: {  	s7 =	sand.u32 $0x1C00, s5;
	s5 =	sadd.s32 $0x80, s5;
	s6 =	sand.u32 $0x70, s3;
	v1 =	vadd.s32 $0x8A4, v2  }
0x31d: {  	s3 =	sor.u32 s6, s7  }
0x31e: {  	v2 =	vld [tilespmem:s3+$0x380];
	_ =	sdelay $0x2  }
0x31f: {  	[tilespmem:s21+$0xBB80] =	vst v0  }
0x320: {  	v0 =	vld.idx.msk [tilespmem:v1+s1+$0x0], $0xffff  }
0x321: {  	v1 =	vadd.s32 $0x8A4, v2;
	_ =	sdelay $0x3  }
0x322: {  	[tilespmem:s22+$0xBB80] =	vst v0  }
0x323: {  	v0 =	vld.idx.msk [tilespmem:v1+s1+$0x0], $0xffff;
	_ =	sdelay $0x3  }
0x324: {  	s21 =	simm.s32 $0x0  }
0x325: {  	s5 =	rddreg [dreg:$0xa];
	s22 =	sand.u32 $0x70, s21;
	[tilespmem:s3+$0xBB80] =	vst v0;
	s3 =	sand.u32 $0x1C00, s21  }
0x326: {  	[hbm4b:s5+s21] =	stream.linear.scatter [tilespmem:s13], [sflag:$0x2], $0x1400, $0x38;
	[tilespmem:$0x13000] =	vst v63  }
0x327: {  	s21 =	sor.u32 s22, s3  }
0x328: {  	v0 =	vld [tilespmem:s21+$0x0];
	_ =	sdelay $0x2  }
0x329: {  	s23 =	simm.s32 $0x80;
	s24 =	simm.s32 $0x10  }
0x32a: {  	s5 =	sand.u32 $0x70, s24;
	s3 =	sand.u32 $0x1C00, s23  }
0x32b: {  	s22 =	sor.u32 s5, s3;
	v0 =	vadd.s32 $0x1148, v0  }
0x32c: {  	v1 =	vld [tilespmem:s22+$0x0];
	_ =	sdelay $0x2  }
0x32d: {  	s23 =	simm.s32 $0x100  }
0x32e: {  	s6 =	simm.s32 $0x180;
	s3 =	simm.s32 $0x20;
	s8 =	sand.u32 $0x1C00, s23;
	v0 =	vld.idx.msk [tilespmem:v0+s1+$0x0], $0xffff  }
0x32f: {  	s24 =	smov.u32 s21;
	s7 =	sand.u32 $0x70, s3;
	s5 =	smov.u32 s22;
	v1 =	vadd.s32 $0x1148, v1  }
.LBB2_83:
0x330: {  	p1 =	sne.s32 s6, $0x1200;
	s7 =	sor.u32 s7, s8  }
0x331: {  	v2 =	vld [tilespmem:s7+$0x0]  }
.Ltmp43:
0x332: {  	(pc) =	sbr.rel @p1 .LBB2_83-.Ltmp43, $4  }
0x333: {  	[tilespmem:s24+$0xE000] =	vst v0;
	s24 =	smov.u32 s5;
	s5 =	smov.u32 s7  }
0x334: {  	v0 =	vld.idx.msk [tilespmem:v1+s1+$0x0], $0xffff  }
0x335: {  	s3 =	sadd.s32 $0x10, s3  }
0x336: {  	s8 =	sand.u32 $0x1C00, s6;
	s6 =	sadd.s32 $0x80, s6;
	s7 =	sand.u32 $0x70, s3;
	v1 =	vadd.s32 $0x1148, v2  }
0x337: {  	s3 =	sor.u32 s7, s8  }
0x338: {  	v2 =	vld [tilespmem:s3+$0x0];
	_ =	sdelay $0x2  }
0x339: {  	[tilespmem:s24+$0xE000] =	vst v0  }
0x33a: {  	v0 =	vld.idx.msk [tilespmem:v1+s1+$0x0], $0xffff  }
0x33b: {  	v1 =	vadd.s32 $0x1148, v2;
	_ =	sdelay $0x3  }
0x33c: {  	[tilespmem:s5+$0xE000] =	vst v0  }
0x33d: {  	v0 =	vld.idx.msk [tilespmem:v1+s1+$0x0], $0xffff;
	_ =	sdelay $0x4  }
0x33e: {  	[tilespmem:s3+$0xE000] =	vst v0  }
0x33f: {  	v0 =	vld [tilespmem:s21+$0x80];
	_ =	sdelay $0x4  }
0x340: {  	v0 =	vadd.s32 $0x1148, v0  }
0x341: {  	v1 =	vld [tilespmem:s22+$0x80];
	_ =	sdelay $0x3  }
0x342: {  	s3 =	simm.s32 $0x20;
	v0 =	vld.idx.msk [tilespmem:v0+s1+$0x0], $0xffff  }
0x343: {  	s7 =	sand.u32 $0x1C00, s23;
	s5 =	simm.s32 $0x180;
	s6 =	sand.u32 $0x70, s3;
	v1 =	vadd.s32 $0x1148, v1  }
.LBB2_85:
0x344: {  	p1 =	sne.s32 s5, $0x1200;
	s6 =	sor.u32 s6, s7  }
0x345: {  	v2 =	vld [tilespmem:s6+$0x80]  }
.Ltmp44:
0x346: {  	(pc) =	sbr.rel @p1 .LBB2_85-.Ltmp44, $4  }
0x347: {  	[tilespmem:s21+$0xE080] =	vst v0;
	s21 =	smov.u32 s22;
	s22 =	smov.u32 s6  }
0x348: {  	v0 =	vld.idx.msk [tilespmem:v1+s1+$0x0], $0xffff  }
0x349: {  	s3 =	sadd.s32 $0x10, s3  }
0x34a: {  	s7 =	sand.u32 $0x1C00, s5;
	s5 =	sadd.s32 $0x80, s5;
	s6 =	sand.u32 $0x70, s3;
	v1 =	vadd.s32 $0x1148, v2  }
0x34b: {  	s3 =	sor.u32 s6, s7  }
0x34c: {  	v2 =	vld [tilespmem:s3+$0x80];
	_ =	sdelay $0x2  }
0x34d: {  	[tilespmem:s21+$0xE080] =	vst v0  }
0x34e: {  	v0 =	vld.idx.msk [tilespmem:v1+s1+$0x0], $0xffff  }
0x34f: {  	v1 =	vadd.s32 $0x1148, v2;
	_ =	sdelay $0x3  }
0x350: {  	[tilespmem:s22+$0xE080] =	vst v0  }
0x351: {  	v0 =	vld.idx.msk [tilespmem:v1+s1+$0x0], $0xffff;
	_ =	sdelay $0x2  }
0x352: {  	s5 =	simm.s32 $0x0  }
0x353: {  	s22 =	sand.u32 $0x70, s5;
	s5 =	sand.u32 $0x1C00, s5  }
0x354: {  	s21 =	sor.u32 s22, s5;
	[tilespmem:s3+$0xE080] =	vst v0  }
0x355: {  	v0 =	vld [tilespmem:s21+$0x100];
	_ =	sdelay $0x2  }
0x356: {  	s23 =	simm.s32 $0x80;
	s24 =	simm.s32 $0x10  }
0x357: {  	s5 =	sand.u32 $0x70, s24;
	s3 =	sand.u32 $0x1C00, s23  }
0x358: {  	s22 =	sor.u32 s5, s3;
	v0 =	vadd.s32 $0x1148, v0  }
0x359: {  	v1 =	vld [tilespmem:s22+$0x100];
	_ =	sdelay $0x2  }
0x35a: {  	s6 =	simm.s32 $0x180  }
0x35b: {  	s24 =	smov.u32 s21;
	s23 =	simm.s32 $0x100;
	s3 =	simm.s32 $0x20;
	v0 =	vld.idx.msk [tilespmem:v0+s1+$0x0], $0xffff  }
0x35c: {  	s8 =	sand.u32 $0x1C00, s23;
	s7 =	sand.u32 $0x70, s3;
	s5 =	smov.u32 s22;
	v1 =	vadd.s32 $0x1148, v1  }
.LBB2_87:
0x35d: {  	p1 =	sne.s32 s6, $0x1200;
	s7 =	sor.u32 s7, s8  }
0x35e: {  	v2 =	vld [tilespmem:s7+$0x100]  }
.Ltmp45:
0x35f: {  	(pc) =	sbr.rel @p1 .LBB2_87-.Ltmp45, $4  }
0x360: {  	[tilespmem:s24+$0xE100] =	vst v0;
	s24 =	smov.u32 s5;
	s5 =	smov.u32 s7  }
0x361: {  	v0 =	vld.idx.msk [tilespmem:v1+s1+$0x0], $0xffff  }
0x362: {  	s3 =	sadd.s32 $0x10, s3  }
0x363: {  	s8 =	sand.u32 $0x1C00, s6;
	s6 =	sadd.s32 $0x80, s6;
	s7 =	sand.u32 $0x70, s3;
	v1 =	vadd.s32 $0x1148, v2  }
0x364: {  	s3 =	sor.u32 s7, s8  }
0x365: {  	v2 =	vld [tilespmem:s3+$0x100];
	_ =	sdelay $0x2  }
0x366: {  	[tilespmem:s24+$0xE100] =	vst v0  }
0x367: {  	v0 =	vld.idx.msk [tilespmem:v1+s1+$0x0], $0xffff  }
0x368: {  	v1 =	vadd.s32 $0x1148, v2;
	_ =	sdelay $0x3  }
0x369: {  	[tilespmem:s5+$0xE100] =	vst v0  }
0x36a: {  	v0 =	vld.idx.msk [tilespmem:v1+s1+$0x0], $0xffff;
	_ =	sdelay $0x4  }
0x36b: {  	[tilespmem:s3+$0xE100] =	vst v0  }
0x36c: {  	v0 =	vld [tilespmem:s21+$0x180];
	_ =	sdelay $0x4  }
0x36d: {  	v0 =	vadd.s32 $0x1148, v0  }
0x36e: {  	v1 =	vld [tilespmem:s22+$0x180];
	_ =	sdelay $0x3  }
0x36f: {  	s3 =	simm.s32 $0x20;
	v0 =	vld.idx.msk [tilespmem:v0+s1+$0x0], $0xffff  }
0x370: {  	s7 =	sand.u32 $0x1C00, s23;
	s5 =	simm.s32 $0x180;
	s6 =	sand.u32 $0x70, s3;
	v1 =	vadd.s32 $0x1148, v1  }
.LBB2_89:
0x371: {  	p1 =	sne.s32 s5, $0x1200;
	s6 =	sor.u32 s6, s7  }
0x372: {  	v2 =	vld [tilespmem:s6+$0x180]  }
.Ltmp46:
0x373: {  	(pc) =	sbr.rel @p1 .LBB2_89-.Ltmp46, $4  }
0x374: {  	[tilespmem:s21+$0xE180] =	vst v0;
	s21 =	smov.u32 s22;
	s22 =	smov.u32 s6  }
0x375: {  	v0 =	vld.idx.msk [tilespmem:v1+s1+$0x0], $0xffff  }
0x376: {  	s3 =	sadd.s32 $0x10, s3  }
0x377: {  	s7 =	sand.u32 $0x1C00, s5;
	s5 =	sadd.s32 $0x80, s5;
	s6 =	sand.u32 $0x70, s3;
	v1 =	vadd.s32 $0x1148, v2  }
0x378: {  	s3 =	sor.u32 s6, s7  }
0x379: {  	v2 =	vld [tilespmem:s3+$0x180];
	_ =	sdelay $0x2  }
0x37a: {  	[tilespmem:s21+$0xE180] =	vst v0  }
0x37b: {  	v0 =	vld.idx.msk [tilespmem:v1+s1+$0x0], $0xffff  }
0x37c: {  	v1 =	vadd.s32 $0x1148, v2;
	_ =	sdelay $0x3  }
0x37d: {  	[tilespmem:s22+$0xE180] =	vst v0  }
0x37e: {  	v0 =	vld.idx.msk [tilespmem:v1+s1+$0x0], $0xffff;
	_ =	sdelay $0x2  }
0x37f: {  	s5 =	simm.s32 $0x0  }
0x380: {  	s22 =	sand.u32 $0x70, s5;
	s5 =	sand.u32 $0x1C00, s5  }
0x381: {  	s21 =	sor.u32 s22, s5;
	[tilespmem:s3+$0xE180] =	vst v0  }
0x382: {  	v0 =	vld [tilespmem:s21+$0x200];
	_ =	sdelay $0x2  }
0x383: {  	s23 =	simm.s32 $0x80;
	s24 =	simm.s32 $0x10  }
0x384: {  	s5 =	sand.u32 $0x70, s24;
	s3 =	sand.u32 $0x1C00, s23  }
0x385: {  	s22 =	sor.u32 s5, s3;
	v0 =	vadd.s32 $0x1148, v0  }
0x386: {  	v1 =	vld [tilespmem:s22+$0x200];
	_ =	sdelay $0x2  }
0x387: {  	s6 =	simm.s32 $0x180  }
0x388: {  	s24 =	smov.u32 s21;
	s23 =	simm.s32 $0x100;
	s3 =	simm.s32 $0x20;
	v0 =	vld.idx.msk [tilespmem:v0+s1+$0x0], $0xffff  }
0x389: {  	s8 =	sand.u32 $0x1C00, s23;
	s7 =	sand.u32 $0x70, s3;
	s5 =	smov.u32 s22;
	v1 =	vadd.s32 $0x1148, v1  }
.LBB2_91:
0x38a: {  	p1 =	sne.s32 s6, $0x1200;
	s7 =	sor.u32 s7, s8  }
0x38b: {  	v2 =	vld [tilespmem:s7+$0x200]  }
.Ltmp47:
0x38c: {  	(pc) =	sbr.rel @p1 .LBB2_91-.Ltmp47, $4  }
0x38d: {  	[tilespmem:s24+$0xE200] =	vst v0;
	s24 =	smov.u32 s5;
	s5 =	smov.u32 s7  }
0x38e: {  	v0 =	vld.idx.msk [tilespmem:v1+s1+$0x0], $0xffff  }
0x38f: {  	s3 =	sadd.s32 $0x10, s3  }
0x390: {  	s8 =	sand.u32 $0x1C00, s6;
	s6 =	sadd.s32 $0x80, s6;
	s7 =	sand.u32 $0x70, s3;
	v1 =	vadd.s32 $0x1148, v2  }
0x391: {  	s3 =	sor.u32 s7, s8  }
0x392: {  	v2 =	vld [tilespmem:s3+$0x200];
	_ =	sdelay $0x2  }
0x393: {  	[tilespmem:s24+$0xE200] =	vst v0  }
0x394: {  	v0 =	vld.idx.msk [tilespmem:v1+s1+$0x0], $0xffff  }
0x395: {  	v1 =	vadd.s32 $0x1148, v2;
	_ =	sdelay $0x3  }
0x396: {  	[tilespmem:s5+$0xE200] =	vst v0  }
0x397: {  	v0 =	vld.idx.msk [tilespmem:v1+s1+$0x0], $0xffff;
	_ =	sdelay $0x4  }
0x398: {  	[tilespmem:s3+$0xE200] =	vst v0  }
0x399: {  	v0 =	vld [tilespmem:s21+$0x280];
	_ =	sdelay $0x4  }
0x39a: {  	v0 =	vadd.s32 $0x1148, v0  }
0x39b: {  	v1 =	vld [tilespmem:s22+$0x280];
	_ =	sdelay $0x3  }
0x39c: {  	s3 =	simm.s32 $0x20;
	v0 =	vld.idx.msk [tilespmem:v0+s1+$0x0], $0xffff  }
0x39d: {  	s7 =	sand.u32 $0x1C00, s23;
	s5 =	simm.s32 $0x180;
	s6 =	sand.u32 $0x70, s3;
	v1 =	vadd.s32 $0x1148, v1  }
.LBB2_93:
0x39e: {  	p1 =	sne.s32 s5, $0x1200;
	s6 =	sor.u32 s6, s7  }
0x39f: {  	v2 =	vld [tilespmem:s6+$0x280]  }
.Ltmp48:
0x3a0: {  	(pc) =	sbr.rel @p1 .LBB2_93-.Ltmp48, $4  }
0x3a1: {  	[tilespmem:s21+$0xE280] =	vst v0;
	s21 =	smov.u32 s22;
	s22 =	smov.u32 s6  }
0x3a2: {  	v0 =	vld.idx.msk [tilespmem:v1+s1+$0x0], $0xffff  }
0x3a3: {  	s3 =	sadd.s32 $0x10, s3  }
0x3a4: {  	s7 =	sand.u32 $0x1C00, s5;
	s5 =	sadd.s32 $0x80, s5;
	s6 =	sand.u32 $0x70, s3;
	v1 =	vadd.s32 $0x1148, v2  }
0x3a5: {  	s3 =	sor.u32 s6, s7  }
0x3a6: {  	v2 =	vld [tilespmem:s3+$0x280];
	_ =	sdelay $0x2  }
0x3a7: {  	[tilespmem:s21+$0xE280] =	vst v0  }
0x3a8: {  	v0 =	vld.idx.msk [tilespmem:v1+s1+$0x0], $0xffff  }
0x3a9: {  	v1 =	vadd.s32 $0x1148, v2;
	_ =	sdelay $0x3  }
0x3aa: {  	[tilespmem:s22+$0xE280] =	vst v0  }
0x3ab: {  	v0 =	vld.idx.msk [tilespmem:v1+s1+$0x0], $0xffff;
	_ =	sdelay $0x2  }
0x3ac: {  	s5 =	simm.s32 $0x0  }
0x3ad: {  	s22 =	sand.u32 $0x70, s5;
	s5 =	sand.u32 $0x1C00, s5  }
0x3ae: {  	s21 =	sor.u32 s22, s5;
	[tilespmem:s3+$0xE280] =	vst v0  }
0x3af: {  	v0 =	vld [tilespmem:s21+$0x300];
	_ =	sdelay $0x2  }
0x3b0: {  	s23 =	simm.s32 $0x80;
	s24 =	simm.s32 $0x10  }
0x3b1: {  	s5 =	sand.u32 $0x70, s24;
	s3 =	sand.u32 $0x1C00, s23  }
0x3b2: {  	s22 =	sor.u32 s5, s3;
	v0 =	vadd.s32 $0x1148, v0  }
0x3b3: {  	v1 =	vld [tilespmem:s22+$0x300];
	_ =	sdelay $0x2  }
0x3b4: {  	s6 =	simm.s32 $0x180  }
0x3b5: {  	s24 =	smov.u32 s21;
	s23 =	simm.s32 $0x100;
	s3 =	simm.s32 $0x20;
	v0 =	vld.idx.msk [tilespmem:v0+s1+$0x0], $0xffff  }
0x3b6: {  	s8 =	sand.u32 $0x1C00, s23;
	s7 =	sand.u32 $0x70, s3;
	s5 =	smov.u32 s22;
	v1 =	vadd.s32 $0x1148, v1  }
.LBB2_95:
0x3b7: {  	p1 =	sne.s32 s6, $0x1200;
	s7 =	sor.u32 s7, s8  }
0x3b8: {  	v2 =	vld [tilespmem:s7+$0x300]  }
.Ltmp49:
0x3b9: {  	(pc) =	sbr.rel @p1 .LBB2_95-.Ltmp49, $4  }
0x3ba: {  	[tilespmem:s24+$0xE300] =	vst v0;
	s24 =	smov.u32 s5;
	s5 =	smov.u32 s7  }
0x3bb: {  	v0 =	vld.idx.msk [tilespmem:v1+s1+$0x0], $0xffff  }
0x3bc: {  	s3 =	sadd.s32 $0x10, s3  }
0x3bd: {  	s8 =	sand.u32 $0x1C00, s6;
	s6 =	sadd.s32 $0x80, s6;
	s7 =	sand.u32 $0x70, s3;
	v1 =	vadd.s32 $0x1148, v2  }
0x3be: {  	s3 =	sor.u32 s7, s8  }
0x3bf: {  	v2 =	vld [tilespmem:s3+$0x300];
	_ =	sdelay $0x2  }
0x3c0: {  	[tilespmem:s24+$0xE300] =	vst v0  }
0x3c1: {  	v0 =	vld.idx.msk [tilespmem:v1+s1+$0x0], $0xffff  }
0x3c2: {  	v1 =	vadd.s32 $0x1148, v2;
	_ =	sdelay $0x3  }
0x3c3: {  	[tilespmem:s5+$0xE300] =	vst v0  }
0x3c4: {  	v0 =	vld.idx.msk [tilespmem:v1+s1+$0x0], $0xffff;
	_ =	sdelay $0x4  }
0x3c5: {  	[tilespmem:s3+$0xE300] =	vst v0  }
0x3c6: {  	v0 =	vld [tilespmem:s21+$0x380];
	_ =	sdelay $0x4  }
0x3c7: {  	v0 =	vadd.s32 $0x1148, v0  }
0x3c8: {  	v1 =	vld [tilespmem:s22+$0x380];
	_ =	sdelay $0x3  }
0x3c9: {  	s3 =	simm.s32 $0x20;
	v0 =	vld.idx.msk [tilespmem:v0+s1+$0x0], $0xffff  }
0x3ca: {  	s7 =	sand.u32 $0x1C00, s23;
	s5 =	simm.s32 $0x180;
	s6 =	sand.u32 $0x70, s3;
	v1 =	vadd.s32 $0x1148, v1  }
.LBB2_97:
0x3cb: {  	p1 =	sne.s32 s5, $0x1200;
	s6 =	sor.u32 s6, s7  }
0x3cc: {  	v2 =	vld [tilespmem:s6+$0x380]  }
.Ltmp50:
0x3cd: {  	(pc) =	sbr.rel @p1 .LBB2_97-.Ltmp50, $4  }
0x3ce: {  	[tilespmem:s21+$0xE380] =	vst v0;
	s21 =	smov.u32 s22;
	s22 =	smov.u32 s6  }
0x3cf: {  	v0 =	vld.idx.msk [tilespmem:v1+s1+$0x0], $0xffff  }
0x3d0: {  	s3 =	sadd.s32 $0x10, s3  }
0x3d1: {  	s7 =	sand.u32 $0x1C00, s5;
	s5 =	sadd.s32 $0x80, s5;
	s6 =	sand.u32 $0x70, s3;
	v1 =	vadd.s32 $0x1148, v2  }
0x3d2: {  	s3 =	sor.u32 s6, s7  }
0x3d3: {  	v2 =	vld [tilespmem:s3+$0x380];
	_ =	sdelay $0x2  }
0x3d4: {  	[tilespmem:s21+$0xE380] =	vst v0  }
0x3d5: {  	v0 =	vld.idx.msk [tilespmem:v1+s1+$0x0], $0xffff  }
0x3d6: {  	v1 =	vadd.s32 $0x1148, v2;
	_ =	sdelay $0x3  }
0x3d7: {  	[tilespmem:s22+$0xE380] =	vst v0  }
0x3d8: {  	v0 =	vld.idx.msk [tilespmem:v1+s1+$0x0], $0xffff;
	_ =	sdelay $0x3  }
0x3d9: {  	s21 =	simm.s32 $0x0  }
0x3da: {  	s5 =	rddreg [dreg:$0xb];
	s22 =	sand.u32 $0x70, s21;
	[tilespmem:s3+$0xE380] =	vst v0;
	s3 =	sand.u32 $0x1C00, s21  }
0x3db: {  	[hbm4b:s5+s21] =	stream.linear.scatter [tilespmem:s14], [sflag:$0x3], $0x1400, $0x38;
	[tilespmem:$0x13000] =	vst v63  }
0x3dc: {  	s21 =	sor.u32 s22, s3  }
0x3dd: {  	v0 =	vld [tilespmem:s21+$0x0];
	_ =	sdelay $0x2  }
0x3de: {  	s23 =	simm.s32 $0x80;
	s24 =	simm.s32 $0x10  }
0x3df: {  	s5 =	sand.u32 $0x70, s24;
	s3 =	sand.u32 $0x1C00, s23  }
0x3e0: {  	s22 =	sor.u32 s5, s3;
	v0 =	vadd.s32 $0x19EC, v0  }
0x3e1: {  	v1 =	vld [tilespmem:s22+$0x0];
	_ =	sdelay $0x2  }
0x3e2: {  	s23 =	simm.s32 $0x100  }
0x3e3: {  	s6 =	simm.s32 $0x180;
	s3 =	simm.s32 $0x20;
	s8 =	sand.u32 $0x1C00, s23;
	v0 =	vld.idx.msk [tilespmem:v0+s1+$0x0], $0xffff  }
0x3e4: {  	s24 =	smov.u32 s21;
	s7 =	sand.u32 $0x70, s3;
	s5 =	smov.u32 s22;
	v1 =	vadd.s32 $0x19EC, v1  }
.LBB2_99:
0x3e5: {  	p1 =	sne.s32 s6, $0x1200;
	s7 =	sor.u32 s7, s8  }
0x3e6: {  	v2 =	vld [tilespmem:s7+$0x0]  }
.Ltmp51:
0x3e7: {  	(pc) =	sbr.rel @p1 .LBB2_99-.Ltmp51, $4  }
0x3e8: {  	[tilespmem:s24+$0x10800] =	vst v0;
	s24 =	smov.u32 s5;
	s5 =	smov.u32 s7  }
0x3e9: {  	v0 =	vld.idx.msk [tilespmem:v1+s1+$0x0], $0xffff  }
0x3ea: {  	s3 =	sadd.s32 $0x10, s3  }
0x3eb: {  	s8 =	sand.u32 $0x1C00, s6;
	s6 =	sadd.s32 $0x80, s6;
	s7 =	sand.u32 $0x70, s3;
	v1 =	vadd.s32 $0x19EC, v2  }
0x3ec: {  	s3 =	sor.u32 s7, s8  }
0x3ed: {  	v2 =	vld [tilespmem:s3+$0x0];
	_ =	sdelay $0x2  }
0x3ee: {  	[tilespmem:s24+$0x10800] =	vst v0  }
0x3ef: {  	v0 =	vld.idx.msk [tilespmem:v1+s1+$0x0], $0xffff  }
0x3f0: {  	v1 =	vadd.s32 $0x19EC, v2;
	_ =	sdelay $0x3  }
0x3f1: {  	[tilespmem:s5+$0x10800] =	vst v0  }
0x3f2: {  	v0 =	vld.idx.msk [tilespmem:v1+s1+$0x0], $0xffff;
	_ =	sdelay $0x4  }
0x3f3: {  	[tilespmem:s3+$0x10800] =	vst v0  }
0x3f4: {  	v0 =	vld [tilespmem:s21+$0x80];
	_ =	sdelay $0x4  }
0x3f5: {  	v0 =	vadd.s32 $0x19EC, v0  }
0x3f6: {  	v1 =	vld [tilespmem:s22+$0x80];
	_ =	sdelay $0x3  }
0x3f7: {  	s3 =	simm.s32 $0x20;
	v0 =	vld.idx.msk [tilespmem:v0+s1+$0x0], $0xffff  }
0x3f8: {  	s7 =	sand.u32 $0x1C00, s23;
	s5 =	simm.s32 $0x180;
	s6 =	sand.u32 $0x70, s3;
	v1 =	vadd.s32 $0x19EC, v1  }
.LBB2_101:
0x3f9: {  	p1 =	sne.s32 s5, $0x1200;
	s6 =	sor.u32 s6, s7  }
0x3fa: {  	v2 =	vld [tilespmem:s6+$0x80]  }
.Ltmp52:
0x3fb: {  	(pc) =	sbr.rel @p1 .LBB2_101-.Ltmp52, $4  }
0x3fc: {  	[tilespmem:s21+$0x10880] =	vst v0;
	s21 =	smov.u32 s22;
	s22 =	smov.u32 s6  }
0x3fd: {  	v0 =	vld.idx.msk [tilespmem:v1+s1+$0x0], $0xffff  }
0x3fe: {  	s3 =	sadd.s32 $0x10, s3  }
0x3ff: {  	s7 =	sand.u32 $0x1C00, s5;
	s5 =	sadd.s32 $0x80, s5;
	s6 =	sand.u32 $0x70, s3;
	v1 =	vadd.s32 $0x19EC, v2  }
0x400: {  	s3 =	sor.u32 s6, s7  }
0x401: {  	v2 =	vld [tilespmem:s3+$0x80];
	_ =	sdelay $0x2  }
0x402: {  	[tilespmem:s21+$0x10880] =	vst v0  }
0x403: {  	v0 =	vld.idx.msk [tilespmem:v1+s1+$0x0], $0xffff  }
0x404: {  	v1 =	vadd.s32 $0x19EC, v2;
	_ =	sdelay $0x3  }
0x405: {  	[tilespmem:s22+$0x10880] =	vst v0  }
0x406: {  	v0 =	vld.idx.msk [tilespmem:v1+s1+$0x0], $0xffff;
	_ =	sdelay $0x2  }
0x407: {  	s5 =	simm.s32 $0x0  }
0x408: {  	s22 =	sand.u32 $0x70, s5;
	s5 =	sand.u32 $0x1C00, s5  }
0x409: {  	s21 =	sor.u32 s22, s5;
	[tilespmem:s3+$0x10880] =	vst v0  }
0x40a: {  	v0 =	vld [tilespmem:s21+$0x100];
	_ =	sdelay $0x2  }
0x40b: {  	s23 =	simm.s32 $0x80;
	s24 =	simm.s32 $0x10  }
0x40c: {  	s5 =	sand.u32 $0x70, s24;
	s3 =	sand.u32 $0x1C00, s23  }
0x40d: {  	s22 =	sor.u32 s5, s3;
	v0 =	vadd.s32 $0x19EC, v0  }
0x40e: {  	v1 =	vld [tilespmem:s22+$0x100];
	_ =	sdelay $0x2  }
0x40f: {  	s6 =	simm.s32 $0x180  }
0x410: {  	s24 =	smov.u32 s21;
	s23 =	simm.s32 $0x100;
	s3 =	simm.s32 $0x20;
	v0 =	vld.idx.msk [tilespmem:v0+s1+$0x0], $0xffff  }
0x411: {  	s8 =	sand.u32 $0x1C00, s23;
	s7 =	sand.u32 $0x70, s3;
	s5 =	smov.u32 s22;
	v1 =	vadd.s32 $0x19EC, v1  }
.LBB2_103:
0x412: {  	p1 =	sne.s32 s6, $0x1200;
	s7 =	sor.u32 s7, s8  }
0x413: {  	v2 =	vld [tilespmem:s7+$0x100]  }
.Ltmp53:
0x414: {  	(pc) =	sbr.rel @p1 .LBB2_103-.Ltmp53, $4  }
0x415: {  	[tilespmem:s24+$0x10900] =	vst v0;
	s24 =	smov.u32 s5;
	s5 =	smov.u32 s7  }
0x416: {  	v0 =	vld.idx.msk [tilespmem:v1+s1+$0x0], $0xffff  }
0x417: {  	s3 =	sadd.s32 $0x10, s3  }
0x418: {  	s8 =	sand.u32 $0x1C00, s6;
	s6 =	sadd.s32 $0x80, s6;
	s7 =	sand.u32 $0x70, s3;
	v1 =	vadd.s32 $0x19EC, v2  }
0x419: {  	s3 =	sor.u32 s7, s8  }
0x41a: {  	v2 =	vld [tilespmem:s3+$0x100];
	_ =	sdelay $0x2  }
0x41b: {  	[tilespmem:s24+$0x10900] =	vst v0  }
0x41c: {  	v0 =	vld.idx.msk [tilespmem:v1+s1+$0x0], $0xffff  }
0x41d: {  	v1 =	vadd.s32 $0x19EC, v2;
	_ =	sdelay $0x3  }
0x41e: {  	[tilespmem:s5+$0x10900] =	vst v0  }
0x41f: {  	v0 =	vld.idx.msk [tilespmem:v1+s1+$0x0], $0xffff;
	_ =	sdelay $0x4  }
0x420: {  	[tilespmem:s3+$0x10900] =	vst v0  }
0x421: {  	v0 =	vld [tilespmem:s21+$0x180];
	_ =	sdelay $0x4  }
0x422: {  	v0 =	vadd.s32 $0x19EC, v0  }
0x423: {  	v1 =	vld [tilespmem:s22+$0x180];
	_ =	sdelay $0x3  }
0x424: {  	s3 =	simm.s32 $0x20;
	v0 =	vld.idx.msk [tilespmem:v0+s1+$0x0], $0xffff  }
0x425: {  	s7 =	sand.u32 $0x1C00, s23;
	s5 =	simm.s32 $0x180;
	s6 =	sand.u32 $0x70, s3;
	v1 =	vadd.s32 $0x19EC, v1  }
.LBB2_105:
0x426: {  	p1 =	sne.s32 s5, $0x1200;
	s6 =	sor.u32 s6, s7  }
0x427: {  	v2 =	vld [tilespmem:s6+$0x180]  }
.Ltmp54:
0x428: {  	(pc) =	sbr.rel @p1 .LBB2_105-.Ltmp54, $4  }
0x429: {  	[tilespmem:s21+$0x10980] =	vst v0;
	s21 =	smov.u32 s22;
	s22 =	smov.u32 s6  }
0x42a: {  	v0 =	vld.idx.msk [tilespmem:v1+s1+$0x0], $0xffff  }
0x42b: {  	s3 =	sadd.s32 $0x10, s3  }
0x42c: {  	s7 =	sand.u32 $0x1C00, s5;
	s5 =	sadd.s32 $0x80, s5;
	s6 =	sand.u32 $0x70, s3;
	v1 =	vadd.s32 $0x19EC, v2  }
0x42d: {  	s3 =	sor.u32 s6, s7  }
0x42e: {  	v2 =	vld [tilespmem:s3+$0x180];
	_ =	sdelay $0x2  }
0x42f: {  	[tilespmem:s21+$0x10980] =	vst v0  }
0x430: {  	v0 =	vld.idx.msk [tilespmem:v1+s1+$0x0], $0xffff  }
0x431: {  	v1 =	vadd.s32 $0x19EC, v2;
	_ =	sdelay $0x3  }
0x432: {  	[tilespmem:s22+$0x10980] =	vst v0  }
0x433: {  	v0 =	vld.idx.msk [tilespmem:v1+s1+$0x0], $0xffff;
	_ =	sdelay $0x2  }
0x434: {  	s5 =	simm.s32 $0x0  }
0x435: {  	s22 =	sand.u32 $0x70, s5;
	s5 =	sand.u32 $0x1C00, s5  }
0x436: {  	s21 =	sor.u32 s22, s5;
	[tilespmem:s3+$0x10980] =	vst v0  }
0x437: {  	v0 =	vld [tilespmem:s21+$0x200];
	_ =	sdelay $0x2  }
0x438: {  	s23 =	simm.s32 $0x80;
	s24 =	simm.s32 $0x10  }
0x439: {  	s5 =	sand.u32 $0x70, s24;
	s3 =	sand.u32 $0x1C00, s23  }
0x43a: {  	s22 =	sor.u32 s5, s3;
	v0 =	vadd.s32 $0x19EC, v0  }
0x43b: {  	v1 =	vld [tilespmem:s22+$0x200];
	_ =	sdelay $0x2  }
0x43c: {  	s6 =	simm.s32 $0x180  }
0x43d: {  	s24 =	smov.u32 s21;
	s23 =	simm.s32 $0x100;
	s3 =	simm.s32 $0x20;
	v0 =	vld.idx.msk [tilespmem:v0+s1+$0x0], $0xffff  }
0x43e: {  	s8 =	sand.u32 $0x1C00, s23;
	s7 =	sand.u32 $0x70, s3;
	s5 =	smov.u32 s22;
	v1 =	vadd.s32 $0x19EC, v1  }
.LBB2_107:
0x43f: {  	p1 =	sne.s32 s6, $0x1200;
	s7 =	sor.u32 s7, s8  }
0x440: {  	v2 =	vld [tilespmem:s7+$0x200]  }
.Ltmp55:
0x441: {  	(pc) =	sbr.rel @p1 .LBB2_107-.Ltmp55, $4  }
0x442: {  	[tilespmem:s24+$0x10A00] =	vst v0;
	s24 =	smov.u32 s5;
	s5 =	smov.u32 s7  }
0x443: {  	v0 =	vld.idx.msk [tilespmem:v1+s1+$0x0], $0xffff  }
0x444: {  	s3 =	sadd.s32 $0x10, s3  }
0x445: {  	s8 =	sand.u32 $0x1C00, s6;
	s6 =	sadd.s32 $0x80, s6;
	s7 =	sand.u32 $0x70, s3;
	v1 =	vadd.s32 $0x19EC, v2  }
0x446: {  	s3 =	sor.u32 s7, s8  }
0x447: {  	v2 =	vld [tilespmem:s3+$0x200];
	_ =	sdelay $0x2  }
0x448: {  	[tilespmem:s24+$0x10A00] =	vst v0  }
0x449: {  	v0 =	vld.idx.msk [tilespmem:v1+s1+$0x0], $0xffff  }
0x44a: {  	v1 =	vadd.s32 $0x19EC, v2;
	_ =	sdelay $0x3  }
0x44b: {  	[tilespmem:s5+$0x10A00] =	vst v0  }
0x44c: {  	v0 =	vld.idx.msk [tilespmem:v1+s1+$0x0], $0xffff;
	_ =	sdelay $0x4  }
0x44d: {  	[tilespmem:s3+$0x10A00] =	vst v0  }
0x44e: {  	v0 =	vld [tilespmem:s21+$0x280];
	_ =	sdelay $0x4  }
0x44f: {  	v0 =	vadd.s32 $0x19EC, v0  }
0x450: {  	v1 =	vld [tilespmem:s22+$0x280];
	_ =	sdelay $0x3  }
0x451: {  	s3 =	simm.s32 $0x20;
	v0 =	vld.idx.msk [tilespmem:v0+s1+$0x0], $0xffff  }
0x452: {  	s7 =	sand.u32 $0x1C00, s23;
	s5 =	simm.s32 $0x180;
	s6 =	sand.u32 $0x70, s3;
	v1 =	vadd.s32 $0x19EC, v1  }
.LBB2_109:
0x453: {  	p1 =	sne.s32 s5, $0x1200;
	s6 =	sor.u32 s6, s7  }
0x454: {  	v2 =	vld [tilespmem:s6+$0x280]  }
.Ltmp56:
0x455: {  	(pc) =	sbr.rel @p1 .LBB2_109-.Ltmp56, $4  }
0x456: {  	[tilespmem:s21+$0x10A80] =	vst v0;
	s21 =	smov.u32 s22;
	s22 =	smov.u32 s6  }
0x457: {  	v0 =	vld.idx.msk [tilespmem:v1+s1+$0x0], $0xffff  }
0x458: {  	s3 =	sadd.s32 $0x10, s3  }
0x459: {  	s7 =	sand.u32 $0x1C00, s5;
	s5 =	sadd.s32 $0x80, s5;
	s6 =	sand.u32 $0x70, s3;
	v1 =	vadd.s32 $0x19EC, v2  }
0x45a: {  	s3 =	sor.u32 s6, s7  }
0x45b: {  	v2 =	vld [tilespmem:s3+$0x280];
	_ =	sdelay $0x2  }
0x45c: {  	[tilespmem:s21+$0x10A80] =	vst v0  }
0x45d: {  	v0 =	vld.idx.msk [tilespmem:v1+s1+$0x0], $0xffff  }
0x45e: {  	v1 =	vadd.s32 $0x19EC, v2;
	_ =	sdelay $0x3  }
0x45f: {  	[tilespmem:s22+$0x10A80] =	vst v0  }
0x460: {  	v0 =	vld.idx.msk [tilespmem:v1+s1+$0x0], $0xffff;
	_ =	sdelay $0x2  }
0x461: {  	s5 =	simm.s32 $0x0  }
0x462: {  	s22 =	sand.u32 $0x70, s5;
	s5 =	sand.u32 $0x1C00, s5  }
0x463: {  	s21 =	sor.u32 s22, s5;
	[tilespmem:s3+$0x10A80] =	vst v0  }
0x464: {  	v0 =	vld [tilespmem:s21+$0x300];
	_ =	sdelay $0x2  }
0x465: {  	s23 =	simm.s32 $0x80;
	s24 =	simm.s32 $0x10  }
0x466: {  	s5 =	sand.u32 $0x70, s24;
	s3 =	sand.u32 $0x1C00, s23  }
0x467: {  	s22 =	sor.u32 s5, s3;
	v0 =	vadd.s32 $0x19EC, v0  }
0x468: {  	v1 =	vld [tilespmem:s22+$0x300];
	_ =	sdelay $0x2  }
0x469: {  	s6 =	simm.s32 $0x180  }
0x46a: {  	s24 =	smov.u32 s21;
	s23 =	simm.s32 $0x100;
	s3 =	simm.s32 $0x20;
	v0 =	vld.idx.msk [tilespmem:v0+s1+$0x0], $0xffff  }
0x46b: {  	s8 =	sand.u32 $0x1C00, s23;
	s7 =	sand.u32 $0x70, s3;
	s5 =	smov.u32 s22;
	v1 =	vadd.s32 $0x19EC, v1  }
.LBB2_111:
0x46c: {  	p1 =	sne.s32 s6, $0x1200;
	s7 =	sor.u32 s7, s8  }
0x46d: {  	v2 =	vld [tilespmem:s7+$0x300]  }
.Ltmp57:
0x46e: {  	(pc) =	sbr.rel @p1 .LBB2_111-.Ltmp57, $4  }
0x46f: {  	[tilespmem:s24+$0x10B00] =	vst v0;
	s24 =	smov.u32 s5;
	s5 =	smov.u32 s7  }
0x470: {  	v0 =	vld.idx.msk [tilespmem:v1+s1+$0x0], $0xffff  }
0x471: {  	s3 =	sadd.s32 $0x10, s3  }
0x472: {  	s8 =	sand.u32 $0x1C00, s6;
	s6 =	sadd.s32 $0x80, s6;
	s7 =	sand.u32 $0x70, s3;
	v1 =	vadd.s32 $0x19EC, v2  }
0x473: {  	s3 =	sor.u32 s7, s8  }
0x474: {  	v2 =	vld [tilespmem:s3+$0x300];
	_ =	sdelay $0x2  }
0x475: {  	[tilespmem:s24+$0x10B00] =	vst v0  }
0x476: {  	v0 =	vld.idx.msk [tilespmem:v1+s1+$0x0], $0xffff  }
0x477: {  	v1 =	vadd.s32 $0x19EC, v2;
	_ =	sdelay $0x3  }
0x478: {  	[tilespmem:s5+$0x10B00] =	vst v0  }
0x479: {  	v0 =	vld.idx.msk [tilespmem:v1+s1+$0x0], $0xffff;
	_ =	sdelay $0x4  }
0x47a: {  	[tilespmem:s3+$0x10B00] =	vst v0  }
0x47b: {  	v0 =	vld [tilespmem:s21+$0x380];
	_ =	sdelay $0x4  }
0x47c: {  	v0 =	vadd.s32 $0x19EC, v0  }
0x47d: {  	v1 =	vld [tilespmem:s22+$0x380];
	_ =	sdelay $0x3  }
0x47e: {  	s3 =	simm.s32 $0x20;
	v0 =	vld.idx.msk [tilespmem:v0+s1+$0x0], $0xffff  }
0x47f: {  	s7 =	sand.u32 $0x1C00, s23;
	s5 =	simm.s32 $0x180;
	s6 =	sand.u32 $0x70, s3;
	v1 =	vadd.s32 $0x19EC, v1  }
.LBB2_113:
0x480: {  	p1 =	sne.s32 s5, $0x1200;
	s6 =	sor.u32 s6, s7  }
0x481: {  	v2 =	vld [tilespmem:s6+$0x380]  }
.Ltmp58:
0x482: {  	(pc) =	sbr.rel @p1 .LBB2_113-.Ltmp58, $4  }
0x483: {  	[tilespmem:s21+$0x10B80] =	vst v0;
	s21 =	smov.u32 s22;
	s22 =	smov.u32 s6  }
0x484: {  	v0 =	vld.idx.msk [tilespmem:v1+s1+$0x0], $0xffff  }
0x485: {  	s3 =	sadd.s32 $0x10, s3  }
0x486: {  	s7 =	sand.u32 $0x1C00, s5;
	s5 =	sadd.s32 $0x80, s5;
	s6 =	sand.u32 $0x70, s3;
	v1 =	vadd.s32 $0x19EC, v2  }
0x487: {  	s3 =	sor.u32 s6, s7  }
0x488: {  	v2 =	vld [tilespmem:s3+$0x380];
	_ =	sdelay $0x2  }
0x489: {  	[tilespmem:s21+$0x10B80] =	vst v0  }
0x48a: {  	v0 =	vld.idx.msk [tilespmem:v1+s1+$0x0], $0xffff  }
0x48b: {  	v1 =	vadd.s32 $0x19EC, v2;
	_ =	sdelay $0x3  }
0x48c: {  	[tilespmem:s22+$0x10B80] =	vst v0  }
0x48d: {  	v0 =	vld.idx.msk [tilespmem:v1+s1+$0x0], $0xffff;
	_ =	sdelay $0x4  }
0x48e: {  	s5 =	rddreg [dreg:$0xc];
	s21 =	simm.s32 $0x0;
	[tilespmem:s3+$0x10B80] =	vst v0  }
0x48f: {  	[hbm4b:s5+s21] =	stream.linear.scatter [tilespmem:s15], [sflag:$0x4], $0x1400, $0x38;
	[tilespmem:$0x13000] =	vst v63  }
0x490: {  	_ =	swait.ge [sflag:s16], $0x1400  }
0x491: {  	s22 =	sand.u32 $0x70, s21;
	s3 =	sand.u32 $0x1C00, s21;
	[sflag:s16] =	ssyncset.done $0x0  }
0x492: {  	s21 =	sor.u32 s22, s3;
	[sflag:s16] =	ssyncadd.s32 $0xFFFFEC00  }
0x493: {  	v0 =	vld [tilespmem:s21+$0x0];
	_ =	sdelay $0x2  }
0x494: {  	s23 =	simm.s32 $0x80;
	s24 =	simm.s32 $0x10  }
0x495: {  	s5 =	sand.u32 $0x70, s24;
	s3 =	sand.u32 $0x1C00, s23  }
0x496: {  	s22 =	sor.u32 s5, s3;
	v0 =	vadd.s32 $0x2290, v0  }
0x497: {  	v1 =	vld [tilespmem:s22+$0x0];
	_ =	sdelay $0x2  }
0x498: {  	s23 =	simm.s32 $0x100  }
0x499: {  	s6 =	simm.s32 $0x180;
	s3 =	simm.s32 $0x20;
	s8 =	sand.u32 $0x1C00, s23;
	v0 =	vld.idx.msk [tilespmem:v0+s1+$0x0], $0xffff  }
0x49a: {  	s24 =	smov.u32 s21;
	s7 =	sand.u32 $0x70, s3;
	s5 =	smov.u32 s22;
	v1 =	vadd.s32 $0x2290, v1  }
.LBB2_115:
0x49b: {  	p1 =	sne.s32 s6, $0x1200;
	s7 =	sor.u32 s7, s8  }
0x49c: {  	v2 =	vld [tilespmem:s7+$0x0]  }
.Ltmp59:
0x49d: {  	(pc) =	sbr.rel @p1 .LBB2_115-.Ltmp59, $4  }
0x49e: {  	[tilespmem:s24+$0x9000] =	vst v0;
	s24 =	smov.u32 s5;
	s5 =	smov.u32 s7  }
0x49f: {  	v0 =	vld.idx.msk [tilespmem:v1+s1+$0x0], $0xffff  }
0x4a0: {  	s3 =	sadd.s32 $0x10, s3  }
0x4a1: {  	s8 =	sand.u32 $0x1C00, s6;
	s6 =	sadd.s32 $0x80, s6;
	s7 =	sand.u32 $0x70, s3;
	v1 =	vadd.s32 $0x2290, v2  }
0x4a2: {  	s3 =	sor.u32 s7, s8  }
0x4a3: {  	v2 =	vld [tilespmem:s3+$0x0];
	_ =	sdelay $0x2  }
0x4a4: {  	[tilespmem:s24+$0x9000] =	vst v0  }
0x4a5: {  	v0 =	vld.idx.msk [tilespmem:v1+s1+$0x0], $0xffff  }
0x4a6: {  	v1 =	vadd.s32 $0x2290, v2;
	_ =	sdelay $0x3  }
0x4a7: {  	[tilespmem:s5+$0x9000] =	vst v0  }
0x4a8: {  	v0 =	vld.idx.msk [tilespmem:v1+s1+$0x0], $0xffff;
	_ =	sdelay $0x4  }
0x4a9: {  	[tilespmem:s3+$0x9000] =	vst v0  }
0x4aa: {  	v0 =	vld [tilespmem:s21+$0x80];
	_ =	sdelay $0x4  }
0x4ab: {  	v0 =	vadd.s32 $0x2290, v0  }
0x4ac: {  	v1 =	vld [tilespmem:s22+$0x80];
	_ =	sdelay $0x3  }
0x4ad: {  	s3 =	simm.s32 $0x20;
	v0 =	vld.idx.msk [tilespmem:v0+s1+$0x0], $0xffff  }
0x4ae: {  	s7 =	sand.u32 $0x1C00, s23;
	s5 =	simm.s32 $0x180;
	s6 =	sand.u32 $0x70, s3;
	v1 =	vadd.s32 $0x2290, v1  }
.LBB2_117:
0x4af: {  	p1 =	sne.s32 s5, $0x1200;
	s6 =	sor.u32 s6, s7  }
0x4b0: {  	v2 =	vld [tilespmem:s6+$0x80]  }
.Ltmp60:
0x4b1: {  	(pc) =	sbr.rel @p1 .LBB2_117-.Ltmp60, $4  }
0x4b2: {  	[tilespmem:s21+$0x9080] =	vst v0;
	s21 =	smov.u32 s22;
	s22 =	smov.u32 s6  }
0x4b3: {  	v0 =	vld.idx.msk [tilespmem:v1+s1+$0x0], $0xffff  }
0x4b4: {  	s3 =	sadd.s32 $0x10, s3  }
0x4b5: {  	s7 =	sand.u32 $0x1C00, s5;
	s5 =	sadd.s32 $0x80, s5;
	s6 =	sand.u32 $0x70, s3;
	v1 =	vadd.s32 $0x2290, v2  }
0x4b6: {  	s3 =	sor.u32 s6, s7  }
0x4b7: {  	v2 =	vld [tilespmem:s3+$0x80];
	_ =	sdelay $0x2  }
0x4b8: {  	[tilespmem:s21+$0x9080] =	vst v0  }
0x4b9: {  	v0 =	vld.idx.msk [tilespmem:v1+s1+$0x0], $0xffff  }
0x4ba: {  	v1 =	vadd.s32 $0x2290, v2;
	_ =	sdelay $0x3  }
0x4bb: {  	[tilespmem:s22+$0x9080] =	vst v0  }
0x4bc: {  	v0 =	vld.idx.msk [tilespmem:v1+s1+$0x0], $0xffff;
	_ =	sdelay $0x2  }
0x4bd: {  	s5 =	simm.s32 $0x0  }
0x4be: {  	s22 =	sand.u32 $0x70, s5;
	s5 =	sand.u32 $0x1C00, s5  }
0x4bf: {  	s21 =	sor.u32 s22, s5;
	[tilespmem:s3+$0x9080] =	vst v0  }
0x4c0: {  	v0 =	vld [tilespmem:s21+$0x100];
	_ =	sdelay $0x2  }
0x4c1: {  	s23 =	simm.s32 $0x80;
	s24 =	simm.s32 $0x10  }
0x4c2: {  	s5 =	sand.u32 $0x70, s24;
	s3 =	sand.u32 $0x1C00, s23  }
0x4c3: {  	s22 =	sor.u32 s5, s3;
	v0 =	vadd.s32 $0x2290, v0  }
0x4c4: {  	v1 =	vld [tilespmem:s22+$0x100];
	_ =	sdelay $0x2  }
0x4c5: {  	s6 =	simm.s32 $0x180  }
0x4c6: {  	s24 =	smov.u32 s21;
	s23 =	simm.s32 $0x100;
	s3 =	simm.s32 $0x20;
	v0 =	vld.idx.msk [tilespmem:v0+s1+$0x0], $0xffff  }
0x4c7: {  	s8 =	sand.u32 $0x1C00, s23;
	s7 =	sand.u32 $0x70, s3;
	s5 =	smov.u32 s22;
	v1 =	vadd.s32 $0x2290, v1  }
.LBB2_119:
0x4c8: {  	p1 =	sne.s32 s6, $0x1200;
	s7 =	sor.u32 s7, s8  }
0x4c9: {  	v2 =	vld [tilespmem:s7+$0x100]  }
.Ltmp61:
0x4ca: {  	(pc) =	sbr.rel @p1 .LBB2_119-.Ltmp61, $4  }
0x4cb: {  	[tilespmem:s24+$0x9100] =	vst v0;
	s24 =	smov.u32 s5;
	s5 =	smov.u32 s7  }
0x4cc: {  	v0 =	vld.idx.msk [tilespmem:v1+s1+$0x0], $0xffff  }
0x4cd: {  	s3 =	sadd.s32 $0x10, s3  }
0x4ce: {  	s8 =	sand.u32 $0x1C00, s6;
	s6 =	sadd.s32 $0x80, s6;
	s7 =	sand.u32 $0x70, s3;
	v1 =	vadd.s32 $0x2290, v2  }
0x4cf: {  	s3 =	sor.u32 s7, s8  }
0x4d0: {  	v2 =	vld [tilespmem:s3+$0x100];
	_ =	sdelay $0x2  }
0x4d1: {  	[tilespmem:s24+$0x9100] =	vst v0  }
0x4d2: {  	v0 =	vld.idx.msk [tilespmem:v1+s1+$0x0], $0xffff  }
0x4d3: {  	v1 =	vadd.s32 $0x2290, v2;
	_ =	sdelay $0x3  }
0x4d4: {  	[tilespmem:s5+$0x9100] =	vst v0  }
0x4d5: {  	v0 =	vld.idx.msk [tilespmem:v1+s1+$0x0], $0xffff;
	_ =	sdelay $0x4  }
0x4d6: {  	[tilespmem:s3+$0x9100] =	vst v0  }
0x4d7: {  	v0 =	vld [tilespmem:s21+$0x180];
	_ =	sdelay $0x4  }
0x4d8: {  	v0 =	vadd.s32 $0x2290, v0  }
0x4d9: {  	v1 =	vld [tilespmem:s22+$0x180];
	_ =	sdelay $0x3  }
0x4da: {  	s3 =	simm.s32 $0x20;
	v0 =	vld.idx.msk [tilespmem:v0+s1+$0x0], $0xffff  }
0x4db: {  	s7 =	sand.u32 $0x1C00, s23;
	s5 =	simm.s32 $0x180;
	s6 =	sand.u32 $0x70, s3;
	v1 =	vadd.s32 $0x2290, v1  }
.LBB2_121:
0x4dc: {  	p1 =	sne.s32 s5, $0x1200;
	s6 =	sor.u32 s6, s7  }
0x4dd: {  	v2 =	vld [tilespmem:s6+$0x180]  }
.Ltmp62:
0x4de: {  	(pc) =	sbr.rel @p1 .LBB2_121-.Ltmp62, $4  }
0x4df: {  	[tilespmem:s21+$0x9180] =	vst v0;
	s21 =	smov.u32 s22;
	s22 =	smov.u32 s6  }
0x4e0: {  	v0 =	vld.idx.msk [tilespmem:v1+s1+$0x0], $0xffff  }
0x4e1: {  	s3 =	sadd.s32 $0x10, s3  }
0x4e2: {  	s7 =	sand.u32 $0x1C00, s5;
	s5 =	sadd.s32 $0x80, s5;
	s6 =	sand.u32 $0x70, s3;
	v1 =	vadd.s32 $0x2290, v2  }
0x4e3: {  	s3 =	sor.u32 s6, s7  }
0x4e4: {  	v2 =	vld [tilespmem:s3+$0x180];
	_ =	sdelay $0x2  }
0x4e5: {  	[tilespmem:s21+$0x9180] =	vst v0  }
0x4e6: {  	v0 =	vld.idx.msk [tilespmem:v1+s1+$0x0], $0xffff  }
0x4e7: {  	v1 =	vadd.s32 $0x2290, v2;
	_ =	sdelay $0x3  }
0x4e8: {  	[tilespmem:s22+$0x9180] =	vst v0  }
0x4e9: {  	v0 =	vld.idx.msk [tilespmem:v1+s1+$0x0], $0xffff;
	_ =	sdelay $0x2  }
0x4ea: {  	s5 =	simm.s32 $0x0  }
0x4eb: {  	s22 =	sand.u32 $0x70, s5;
	s5 =	sand.u32 $0x1C00, s5  }
0x4ec: {  	s21 =	sor.u32 s22, s5;
	[tilespmem:s3+$0x9180] =	vst v0  }
0x4ed: {  	v0 =	vld [tilespmem:s21+$0x200];
	_ =	sdelay $0x2  }
0x4ee: {  	s23 =	simm.s32 $0x80;
	s24 =	simm.s32 $0x10  }
0x4ef: {  	s5 =	sand.u32 $0x70, s24;
	s3 =	sand.u32 $0x1C00, s23  }
0x4f0: {  	s22 =	sor.u32 s5, s3;
	v0 =	vadd.s32 $0x2290, v0  }
0x4f1: {  	v1 =	vld [tilespmem:s22+$0x200];
	_ =	sdelay $0x2  }
0x4f2: {  	s6 =	simm.s32 $0x180  }
0x4f3: {  	s24 =	smov.u32 s21;
	s23 =	simm.s32 $0x100;
	s3 =	simm.s32 $0x20;
	v0 =	vld.idx.msk [tilespmem:v0+s1+$0x0], $0xffff  }
0x4f4: {  	s8 =	sand.u32 $0x1C00, s23;
	s7 =	sand.u32 $0x70, s3;
	s5 =	smov.u32 s22;
	v1 =	vadd.s32 $0x2290, v1  }
.LBB2_123:
0x4f5: {  	p1 =	sne.s32 s6, $0x1200;
	s7 =	sor.u32 s7, s8  }
0x4f6: {  	v2 =	vld [tilespmem:s7+$0x200]  }
.Ltmp63:
0x4f7: {  	(pc) =	sbr.rel @p1 .LBB2_123-.Ltmp63, $4  }
0x4f8: {  	[tilespmem:s24+$0x9200] =	vst v0;
	s24 =	smov.u32 s5;
	s5 =	smov.u32 s7  }
0x4f9: {  	v0 =	vld.idx.msk [tilespmem:v1+s1+$0x0], $0xffff  }
0x4fa: {  	s3 =	sadd.s32 $0x10, s3  }
0x4fb: {  	s8 =	sand.u32 $0x1C00, s6;
	s6 =	sadd.s32 $0x80, s6;
	s7 =	sand.u32 $0x70, s3;
	v1 =	vadd.s32 $0x2290, v2  }
0x4fc: {  	s3 =	sor.u32 s7, s8  }
0x4fd: {  	v2 =	vld [tilespmem:s3+$0x200];
	_ =	sdelay $0x2  }
0x4fe: {  	[tilespmem:s24+$0x9200] =	vst v0  }
0x4ff: {  	v0 =	vld.idx.msk [tilespmem:v1+s1+$0x0], $0xffff  }
0x500: {  	v1 =	vadd.s32 $0x2290, v2;
	_ =	sdelay $0x3  }
0x501: {  	[tilespmem:s5+$0x9200] =	vst v0  }
0x502: {  	v0 =	vld.idx.msk [tilespmem:v1+s1+$0x0], $0xffff;
	_ =	sdelay $0x4  }
0x503: {  	[tilespmem:s3+$0x9200] =	vst v0  }
0x504: {  	v0 =	vld [tilespmem:s21+$0x280];
	_ =	sdelay $0x4  }
0x505: {  	v0 =	vadd.s32 $0x2290, v0  }
0x506: {  	v1 =	vld [tilespmem:s22+$0x280];
	_ =	sdelay $0x3  }
0x507: {  	s3 =	simm.s32 $0x20;
	v0 =	vld.idx.msk [tilespmem:v0+s1+$0x0], $0xffff  }
0x508: {  	s7 =	sand.u32 $0x1C00, s23;
	s5 =	simm.s32 $0x180;
	s6 =	sand.u32 $0x70, s3;
	v1 =	vadd.s32 $0x2290, v1  }
.LBB2_125:
0x509: {  	p1 =	sne.s32 s5, $0x1200;
	s6 =	sor.u32 s6, s7  }
0x50a: {  	v2 =	vld [tilespmem:s6+$0x280]  }
.Ltmp64:
0x50b: {  	(pc) =	sbr.rel @p1 .LBB2_125-.Ltmp64, $4  }
0x50c: {  	[tilespmem:s21+$0x9280] =	vst v0;
	s21 =	smov.u32 s22;
	s22 =	smov.u32 s6  }
0x50d: {  	v0 =	vld.idx.msk [tilespmem:v1+s1+$0x0], $0xffff  }
0x50e: {  	s3 =	sadd.s32 $0x10, s3  }
0x50f: {  	s7 =	sand.u32 $0x1C00, s5;
	s5 =	sadd.s32 $0x80, s5;
	s6 =	sand.u32 $0x70, s3;
	v1 =	vadd.s32 $0x2290, v2  }
0x510: {  	s3 =	sor.u32 s6, s7  }
0x511: {  	v2 =	vld [tilespmem:s3+$0x280];
	_ =	sdelay $0x2  }
0x512: {  	[tilespmem:s21+$0x9280] =	vst v0  }
0x513: {  	v0 =	vld.idx.msk [tilespmem:v1+s1+$0x0], $0xffff  }
0x514: {  	v1 =	vadd.s32 $0x2290, v2;
	_ =	sdelay $0x3  }
0x515: {  	[tilespmem:s22+$0x9280] =	vst v0  }
0x516: {  	v0 =	vld.idx.msk [tilespmem:v1+s1+$0x0], $0xffff;
	_ =	sdelay $0x2  }
0x517: {  	s5 =	simm.s32 $0x0  }
0x518: {  	s22 =	sand.u32 $0x70, s5;
	s5 =	sand.u32 $0x1C00, s5  }
0x519: {  	s21 =	sor.u32 s22, s5;
	[tilespmem:s3+$0x9280] =	vst v0  }
0x51a: {  	v0 =	vld [tilespmem:s21+$0x300];
	_ =	sdelay $0x2  }
0x51b: {  	s23 =	simm.s32 $0x80;
	s24 =	simm.s32 $0x10  }
0x51c: {  	s5 =	sand.u32 $0x70, s24;
	s3 =	sand.u32 $0x1C00, s23  }
0x51d: {  	s22 =	sor.u32 s5, s3;
	v0 =	vadd.s32 $0x2290, v0  }
0x51e: {  	v1 =	vld [tilespmem:s22+$0x300];
	_ =	sdelay $0x2  }
0x51f: {  	s6 =	simm.s32 $0x180  }
0x520: {  	s24 =	smov.u32 s21;
	s23 =	simm.s32 $0x100;
	s3 =	simm.s32 $0x20;
	v0 =	vld.idx.msk [tilespmem:v0+s1+$0x0], $0xffff  }
0x521: {  	s8 =	sand.u32 $0x1C00, s23;
	s7 =	sand.u32 $0x70, s3;
	s5 =	smov.u32 s22;
	v1 =	vadd.s32 $0x2290, v1  }
.LBB2_127:
0x522: {  	p1 =	sne.s32 s6, $0x1200;
	s7 =	sor.u32 s7, s8  }
0x523: {  	v2 =	vld [tilespmem:s7+$0x300]  }
.Ltmp65:
0x524: {  	(pc) =	sbr.rel @p1 .LBB2_127-.Ltmp65, $4  }
0x525: {  	[tilespmem:s24+$0x9300] =	vst v0;
	s24 =	smov.u32 s5;
	s5 =	smov.u32 s7  }
0x526: {  	v0 =	vld.idx.msk [tilespmem:v1+s1+$0x0], $0xffff  }
0x527: {  	s3 =	sadd.s32 $0x10, s3  }
0x528: {  	s8 =	sand.u32 $0x1C00, s6;
	s6 =	sadd.s32 $0x80, s6;
	s7 =	sand.u32 $0x70, s3;
	v1 =	vadd.s32 $0x2290, v2  }
0x529: {  	s3 =	sor.u32 s7, s8  }
0x52a: {  	v2 =	vld [tilespmem:s3+$0x300];
	_ =	sdelay $0x2  }
0x52b: {  	[tilespmem:s24+$0x9300] =	vst v0  }
0x52c: {  	v0 =	vld.idx.msk [tilespmem:v1+s1+$0x0], $0xffff  }
0x52d: {  	v1 =	vadd.s32 $0x2290, v2;
	_ =	sdelay $0x3  }
0x52e: {  	[tilespmem:s5+$0x9300] =	vst v0  }
0x52f: {  	v0 =	vld.idx.msk [tilespmem:v1+s1+$0x0], $0xffff;
	_ =	sdelay $0x4  }
0x530: {  	[tilespmem:s3+$0x9300] =	vst v0  }
0x531: {  	v0 =	vld [tilespmem:s21+$0x380];
	_ =	sdelay $0x4  }
0x532: {  	v0 =	vadd.s32 $0x2290, v0  }
0x533: {  	v1 =	vld [tilespmem:s22+$0x380];
	_ =	sdelay $0x3  }
0x534: {  	s3 =	simm.s32 $0x20;
	v0 =	vld.idx.msk [tilespmem:v0+s1+$0x0], $0xffff  }
0x535: {  	s7 =	sand.u32 $0x1C00, s23;
	s5 =	simm.s32 $0x180;
	s6 =	sand.u32 $0x70, s3;
	v1 =	vadd.s32 $0x2290, v1  }
.LBB2_129:
0x536: {  	p1 =	sne.s32 s5, $0x1200;
	s6 =	sor.u32 s6, s7  }
0x537: {  	v2 =	vld [tilespmem:s6+$0x380]  }
.Ltmp66:
0x538: {  	(pc) =	sbr.rel @p1 .LBB2_129-.Ltmp66, $4  }
0x539: {  	[tilespmem:s21+$0x9380] =	vst v0;
	s21 =	smov.u32 s22;
	s22 =	smov.u32 s6  }
0x53a: {  	v0 =	vld.idx.msk [tilespmem:v1+s1+$0x0], $0xffff  }
0x53b: {  	s3 =	sadd.s32 $0x10, s3  }
0x53c: {  	s7 =	sand.u32 $0x1C00, s5;
	s5 =	sadd.s32 $0x80, s5;
	s6 =	sand.u32 $0x70, s3;
	v1 =	vadd.s32 $0x2290, v2  }
0x53d: {  	s3 =	sor.u32 s6, s7  }
0x53e: {  	v2 =	vld [tilespmem:s3+$0x380];
	_ =	sdelay $0x2  }
0x53f: {  	[tilespmem:s21+$0x9380] =	vst v0  }
0x540: {  	v0 =	vld.idx.msk [tilespmem:v1+s1+$0x0], $0xffff  }
0x541: {  	v1 =	vadd.s32 $0x2290, v2;
	_ =	sdelay $0x3  }
0x542: {  	[tilespmem:s22+$0x9380] =	vst v0  }
0x543: {  	v0 =	vld.idx.msk [tilespmem:v1+s1+$0x0], $0xffff;
	_ =	sdelay $0x4  }
0x544: {  	s5 =	rddreg [dreg:$0xd];
	s21 =	simm.s32 $0x0;
	[tilespmem:s3+$0x9380] =	vst v0  }
0x545: {  	[hbm4b:s5+s21] =	stream.linear.scatter [tilespmem:s12], [sflag:$0x1], $0x1400, $0x38;
	[tilespmem:$0x13000] =	vst v63  }
0x546: {  	_ =	swait.ge [sflag:s17], $0x1400  }
0x547: {  	s22 =	sand.u32 $0x70, s21;
	s3 =	sand.u32 $0x1C00, s21;
	[sflag:s17] =	ssyncset.done $0x0  }
0x548: {  	s21 =	sor.u32 s22, s3;
	[sflag:s17] =	ssyncadd.s32 $0xFFFFEC00  }
0x549: {  	v0 =	vld [tilespmem:s21+$0x0];
	_ =	sdelay $0x2  }
0x54a: {  	s23 =	simm.s32 $0x80;
	s24 =	simm.s32 $0x10  }
0x54b: {  	s5 =	sand.u32 $0x70, s24;
	s3 =	sand.u32 $0x1C00, s23  }
0x54c: {  	s22 =	sor.u32 s5, s3;
	v0 =	vadd.s32 $0x2B34, v0  }
0x54d: {  	v1 =	vld [tilespmem:s22+$0x0];
	_ =	sdelay $0x2  }
0x54e: {  	s23 =	simm.s32 $0x100  }
0x54f: {  	s6 =	simm.s32 $0x180;
	s3 =	simm.s32 $0x20;
	s8 =	sand.u32 $0x1C00, s23;
	v0 =	vld.idx.msk [tilespmem:v0+s1+$0x0], $0xffff  }
0x550: {  	s24 =	smov.u32 s21;
	s7 =	sand.u32 $0x70, s3;
	s5 =	smov.u32 s22;
	v1 =	vadd.s32 $0x2B34, v1  }
.LBB2_131:
0x551: {  	p1 =	sne.s32 s6, $0x1200;
	s7 =	sor.u32 s7, s8  }
0x552: {  	v2 =	vld [tilespmem:s7+$0x0]  }
.Ltmp67:
0x553: {  	(pc) =	sbr.rel @p1 .LBB2_131-.Ltmp67, $4  }
0x554: {  	[tilespmem:s24+$0xB800] =	vst v0;
	s24 =	smov.u32 s5;
	s5 =	smov.u32 s7  }
0x555: {  	v0 =	vld.idx.msk [tilespmem:v1+s1+$0x0], $0xffff  }
0x556: {  	s3 =	sadd.s32 $0x10, s3  }
0x557: {  	s8 =	sand.u32 $0x1C00, s6;
	s6 =	sadd.s32 $0x80, s6;
	s7 =	sand.u32 $0x70, s3;
	v1 =	vadd.s32 $0x2B34, v2  }
0x558: {  	s3 =	sor.u32 s7, s8  }
0x559: {  	v2 =	vld [tilespmem:s3+$0x0];
	_ =	sdelay $0x2  }
0x55a: {  	[tilespmem:s24+$0xB800] =	vst v0  }
0x55b: {  	v0 =	vld.idx.msk [tilespmem:v1+s1+$0x0], $0xffff  }
0x55c: {  	v1 =	vadd.s32 $0x2B34, v2;
	_ =	sdelay $0x3  }
0x55d: {  	[tilespmem:s5+$0xB800] =	vst v0  }
0x55e: {  	v0 =	vld.idx.msk [tilespmem:v1+s1+$0x0], $0xffff;
	_ =	sdelay $0x4  }
0x55f: {  	[tilespmem:s3+$0xB800] =	vst v0  }
0x560: {  	v0 =	vld [tilespmem:s21+$0x80];
	_ =	sdelay $0x4  }
0x561: {  	v0 =	vadd.s32 $0x2B34, v0  }
0x562: {  	v1 =	vld [tilespmem:s22+$0x80];
	_ =	sdelay $0x3  }
0x563: {  	s3 =	simm.s32 $0x20;
	v0 =	vld.idx.msk [tilespmem:v0+s1+$0x0], $0xffff  }
0x564: {  	s7 =	sand.u32 $0x1C00, s23;
	s5 =	simm.s32 $0x180;
	s6 =	sand.u32 $0x70, s3;
	v1 =	vadd.s32 $0x2B34, v1  }
.LBB2_133:
0x565: {  	p1 =	sne.s32 s5, $0x1200;
	s6 =	sor.u32 s6, s7  }
0x566: {  	v2 =	vld [tilespmem:s6+$0x80]  }
.Ltmp68:
0x567: {  	(pc) =	sbr.rel @p1 .LBB2_133-.Ltmp68, $4  }
0x568: {  	[tilespmem:s21+$0xB880] =	vst v0;
	s21 =	smov.u32 s22;
	s22 =	smov.u32 s6  }
0x569: {  	v0 =	vld.idx.msk [tilespmem:v1+s1+$0x0], $0xffff  }
0x56a: {  	s3 =	sadd.s32 $0x10, s3  }
0x56b: {  	s7 =	sand.u32 $0x1C00, s5;
	s5 =	sadd.s32 $0x80, s5;
	s6 =	sand.u32 $0x70, s3;
	v1 =	vadd.s32 $0x2B34, v2  }
0x56c: {  	s3 =	sor.u32 s6, s7  }
0x56d: {  	v2 =	vld [tilespmem:s3+$0x80];
	_ =	sdelay $0x2  }
0x56e: {  	[tilespmem:s21+$0xB880] =	vst v0  }
0x56f: {  	v0 =	vld.idx.msk [tilespmem:v1+s1+$0x0], $0xffff  }
0x570: {  	v1 =	vadd.s32 $0x2B34, v2;
	_ =	sdelay $0x3  }
0x571: {  	[tilespmem:s22+$0xB880] =	vst v0  }
0x572: {  	v0 =	vld.idx.msk [tilespmem:v1+s1+$0x0], $0xffff;
	_ =	sdelay $0x2  }
0x573: {  	s5 =	simm.s32 $0x0  }
0x574: {  	s22 =	sand.u32 $0x70, s5;
	s5 =	sand.u32 $0x1C00, s5  }
0x575: {  	s21 =	sor.u32 s22, s5;
	[tilespmem:s3+$0xB880] =	vst v0  }
0x576: {  	v0 =	vld [tilespmem:s21+$0x100];
	_ =	sdelay $0x2  }
0x577: {  	s23 =	simm.s32 $0x80;
	s24 =	simm.s32 $0x10  }
0x578: {  	s5 =	sand.u32 $0x70, s24;
	s3 =	sand.u32 $0x1C00, s23  }
0x579: {  	s22 =	sor.u32 s5, s3;
	v0 =	vadd.s32 $0x2B34, v0  }
0x57a: {  	v1 =	vld [tilespmem:s22+$0x100];
	_ =	sdelay $0x2  }
0x57b: {  	s6 =	simm.s32 $0x180  }
0x57c: {  	s24 =	smov.u32 s21;
	s23 =	simm.s32 $0x100;
	s3 =	simm.s32 $0x20;
	v0 =	vld.idx.msk [tilespmem:v0+s1+$0x0], $0xffff  }
0x57d: {  	s8 =	sand.u32 $0x1C00, s23;
	s7 =	sand.u32 $0x70, s3;
	s5 =	smov.u32 s22;
	v1 =	vadd.s32 $0x2B34, v1  }
.LBB2_135:
0x57e: {  	p1 =	sne.s32 s6, $0x1200;
	s7 =	sor.u32 s7, s8  }
0x57f: {  	v2 =	vld [tilespmem:s7+$0x100]  }
.Ltmp69:
0x580: {  	(pc) =	sbr.rel @p1 .LBB2_135-.Ltmp69, $4  }
0x581: {  	[tilespmem:s24+$0xB900] =	vst v0;
	s24 =	smov.u32 s5;
	s5 =	smov.u32 s7  }
0x582: {  	v0 =	vld.idx.msk [tilespmem:v1+s1+$0x0], $0xffff  }
0x583: {  	s3 =	sadd.s32 $0x10, s3  }
0x584: {  	s8 =	sand.u32 $0x1C00, s6;
	s6 =	sadd.s32 $0x80, s6;
	s7 =	sand.u32 $0x70, s3;
	v1 =	vadd.s32 $0x2B34, v2  }
0x585: {  	s3 =	sor.u32 s7, s8  }
0x586: {  	v2 =	vld [tilespmem:s3+$0x100];
	_ =	sdelay $0x2  }
0x587: {  	[tilespmem:s24+$0xB900] =	vst v0  }
0x588: {  	v0 =	vld.idx.msk [tilespmem:v1+s1+$0x0], $0xffff  }
0x589: {  	v1 =	vadd.s32 $0x2B34, v2;
	_ =	sdelay $0x3  }
0x58a: {  	[tilespmem:s5+$0xB900] =	vst v0  }
0x58b: {  	v0 =	vld.idx.msk [tilespmem:v1+s1+$0x0], $0xffff;
	_ =	sdelay $0x4  }
0x58c: {  	[tilespmem:s3+$0xB900] =	vst v0  }
0x58d: {  	v0 =	vld [tilespmem:s21+$0x180];
	_ =	sdelay $0x4  }
0x58e: {  	v0 =	vadd.s32 $0x2B34, v0  }
0x58f: {  	v1 =	vld [tilespmem:s22+$0x180];
	_ =	sdelay $0x3  }
0x590: {  	s3 =	simm.s32 $0x20;
	v0 =	vld.idx.msk [tilespmem:v0+s1+$0x0], $0xffff  }
0x591: {  	s7 =	sand.u32 $0x1C00, s23;
	s5 =	simm.s32 $0x180;
	s6 =	sand.u32 $0x70, s3;
	v1 =	vadd.s32 $0x2B34, v1  }
.LBB2_137:
0x592: {  	p1 =	sne.s32 s5, $0x1200;
	s6 =	sor.u32 s6, s7  }
0x593: {  	v2 =	vld [tilespmem:s6+$0x180]  }
.Ltmp70:
0x594: {  	(pc) =	sbr.rel @p1 .LBB2_137-.Ltmp70, $4  }
0x595: {  	[tilespmem:s21+$0xB980] =	vst v0;
	s21 =	smov.u32 s22;
	s22 =	smov.u32 s6  }
0x596: {  	v0 =	vld.idx.msk [tilespmem:v1+s1+$0x0], $0xffff  }
0x597: {  	s3 =	sadd.s32 $0x10, s3  }
0x598: {  	s7 =	sand.u32 $0x1C00, s5;
	s5 =	sadd.s32 $0x80, s5;
	s6 =	sand.u32 $0x70, s3;
	v1 =	vadd.s32 $0x2B34, v2  }
0x599: {  	s3 =	sor.u32 s6, s7  }
0x59a: {  	v2 =	vld [tilespmem:s3+$0x180];
	_ =	sdelay $0x2  }
0x59b: {  	[tilespmem:s21+$0xB980] =	vst v0  }
0x59c: {  	v0 =	vld.idx.msk [tilespmem:v1+s1+$0x0], $0xffff  }
0x59d: {  	v1 =	vadd.s32 $0x2B34, v2;
	_ =	sdelay $0x3  }
0x59e: {  	[tilespmem:s22+$0xB980] =	vst v0  }
0x59f: {  	v0 =	vld.idx.msk [tilespmem:v1+s1+$0x0], $0xffff;
	_ =	sdelay $0x2  }
0x5a0: {  	s5 =	simm.s32 $0x0  }
0x5a1: {  	s22 =	sand.u32 $0x70, s5;
	s5 =	sand.u32 $0x1C00, s5  }
0x5a2: {  	s21 =	sor.u32 s22, s5;
	[tilespmem:s3+$0xB980] =	vst v0  }
0x5a3: {  	v0 =	vld [tilespmem:s21+$0x200];
	_ =	sdelay $0x2  }
0x5a4: {  	s23 =	simm.s32 $0x80;
	s24 =	simm.s32 $0x10  }
0x5a5: {  	s5 =	sand.u32 $0x70, s24;
	s3 =	sand.u32 $0x1C00, s23  }
0x5a6: {  	s22 =	sor.u32 s5, s3;
	v0 =	vadd.s32 $0x2B34, v0  }
0x5a7: {  	v1 =	vld [tilespmem:s22+$0x200];
	_ =	sdelay $0x2  }
0x5a8: {  	s6 =	simm.s32 $0x180  }
0x5a9: {  	s24 =	smov.u32 s21;
	s23 =	simm.s32 $0x100;
	s3 =	simm.s32 $0x20;
	v0 =	vld.idx.msk [tilespmem:v0+s1+$0x0], $0xffff  }
0x5aa: {  	s8 =	sand.u32 $0x1C00, s23;
	s7 =	sand.u32 $0x70, s3;
	s5 =	smov.u32 s22;
	v1 =	vadd.s32 $0x2B34, v1  }
.LBB2_139:
0x5ab: {  	p1 =	sne.s32 s6, $0x1200;
	s7 =	sor.u32 s7, s8  }
0x5ac: {  	v2 =	vld [tilespmem:s7+$0x200]  }
.Ltmp71:
0x5ad: {  	(pc) =	sbr.rel @p1 .LBB2_139-.Ltmp71, $4  }
0x5ae: {  	[tilespmem:s24+$0xBA00] =	vst v0;
	s24 =	smov.u32 s5;
	s5 =	smov.u32 s7  }
0x5af: {  	v0 =	vld.idx.msk [tilespmem:v1+s1+$0x0], $0xffff  }
0x5b0: {  	s3 =	sadd.s32 $0x10, s3  }
0x5b1: {  	s8 =	sand.u32 $0x1C00, s6;
	s6 =	sadd.s32 $0x80, s6;
	s7 =	sand.u32 $0x70, s3;
	v1 =	vadd.s32 $0x2B34, v2  }
0x5b2: {  	s3 =	sor.u32 s7, s8  }
0x5b3: {  	v2 =	vld [tilespmem:s3+$0x200];
	_ =	sdelay $0x2  }
0x5b4: {  	[tilespmem:s24+$0xBA00] =	vst v0  }
0x5b5: {  	v0 =	vld.idx.msk [tilespmem:v1+s1+$0x0], $0xffff  }
0x5b6: {  	v1 =	vadd.s32 $0x2B34, v2;
	_ =	sdelay $0x3  }
0x5b7: {  	[tilespmem:s5+$0xBA00] =	vst v0  }
0x5b8: {  	v0 =	vld.idx.msk [tilespmem:v1+s1+$0x0], $0xffff;
	_ =	sdelay $0x4  }
0x5b9: {  	[tilespmem:s3+$0xBA00] =	vst v0  }
0x5ba: {  	v0 =	vld [tilespmem:s21+$0x280];
	_ =	sdelay $0x4  }
0x5bb: {  	v0 =	vadd.s32 $0x2B34, v0  }
0x5bc: {  	v1 =	vld [tilespmem:s22+$0x280];
	_ =	sdelay $0x3  }
0x5bd: {  	s3 =	simm.s32 $0x20;
	v0 =	vld.idx.msk [tilespmem:v0+s1+$0x0], $0xffff  }
0x5be: {  	s7 =	sand.u32 $0x1C00, s23;
	s5 =	simm.s32 $0x180;
	s6 =	sand.u32 $0x70, s3;
	v1 =	vadd.s32 $0x2B34, v1  }
.LBB2_141:
0x5bf: {  	p1 =	sne.s32 s5, $0x1200;
	s6 =	sor.u32 s6, s7  }
0x5c0: {  	v2 =	vld [tilespmem:s6+$0x280]  }
.Ltmp72:
0x5c1: {  	(pc) =	sbr.rel @p1 .LBB2_141-.Ltmp72, $4  }
0x5c2: {  	[tilespmem:s21+$0xBA80] =	vst v0;
	s21 =	smov.u32 s22;
	s22 =	smov.u32 s6  }
0x5c3: {  	v0 =	vld.idx.msk [tilespmem:v1+s1+$0x0], $0xffff  }
0x5c4: {  	s3 =	sadd.s32 $0x10, s3  }
0x5c5: {  	s7 =	sand.u32 $0x1C00, s5;
	s5 =	sadd.s32 $0x80, s5;
	s6 =	sand.u32 $0x70, s3;
	v1 =	vadd.s32 $0x2B34, v2  }
0x5c6: {  	s3 =	sor.u32 s6, s7  }
0x5c7: {  	v2 =	vld [tilespmem:s3+$0x280];
	_ =	sdelay $0x2  }
0x5c8: {  	[tilespmem:s21+$0xBA80] =	vst v0  }
0x5c9: {  	v0 =	vld.idx.msk [tilespmem:v1+s1+$0x0], $0xffff  }
0x5ca: {  	v1 =	vadd.s32 $0x2B34, v2;
	_ =	sdelay $0x3  }
0x5cb: {  	[tilespmem:s22+$0xBA80] =	vst v0  }
0x5cc: {  	v0 =	vld.idx.msk [tilespmem:v1+s1+$0x0], $0xffff;
	_ =	sdelay $0x2  }
0x5cd: {  	s5 =	simm.s32 $0x0  }
0x5ce: {  	s22 =	sand.u32 $0x70, s5;
	s5 =	sand.u32 $0x1C00, s5  }
0x5cf: {  	s21 =	sor.u32 s22, s5;
	[tilespmem:s3+$0xBA80] =	vst v0  }
0x5d0: {  	v0 =	vld [tilespmem:s21+$0x300];
	_ =	sdelay $0x2  }
0x5d1: {  	s23 =	simm.s32 $0x80;
	s24 =	simm.s32 $0x10  }
0x5d2: {  	s5 =	sand.u32 $0x70, s24;
	s3 =	sand.u32 $0x1C00, s23  }
0x5d3: {  	s22 =	sor.u32 s5, s3;
	v0 =	vadd.s32 $0x2B34, v0  }
0x5d4: {  	v1 =	vld [tilespmem:s22+$0x300];
	_ =	sdelay $0x2  }
0x5d5: {  	s6 =	simm.s32 $0x180  }
0x5d6: {  	s24 =	smov.u32 s21;
	s23 =	simm.s32 $0x100;
	s3 =	simm.s32 $0x20;
	v0 =	vld.idx.msk [tilespmem:v0+s1+$0x0], $0xffff  }
0x5d7: {  	s8 =	sand.u32 $0x1C00, s23;
	s7 =	sand.u32 $0x70, s3;
	s5 =	smov.u32 s22;
	v1 =	vadd.s32 $0x2B34, v1  }
.LBB2_143:
0x5d8: {  	p1 =	sne.s32 s6, $0x1200;
	s7 =	sor.u32 s7, s8  }
0x5d9: {  	v2 =	vld [tilespmem:s7+$0x300]  }
.Ltmp73:
0x5da: {  	(pc) =	sbr.rel @p1 .LBB2_143-.Ltmp73, $4  }
0x5db: {  	[tilespmem:s24+$0xBB00] =	vst v0;
	s24 =	smov.u32 s5;
	s5 =	smov.u32 s7  }
0x5dc: {  	v0 =	vld.idx.msk [tilespmem:v1+s1+$0x0], $0xffff  }
0x5dd: {  	s3 =	sadd.s32 $0x10, s3  }
0x5de: {  	s8 =	sand.u32 $0x1C00, s6;
	s6 =	sadd.s32 $0x80, s6;
	s7 =	sand.u32 $0x70, s3;
	v1 =	vadd.s32 $0x2B34, v2  }
0x5df: {  	s3 =	sor.u32 s7, s8  }
0x5e0: {  	v2 =	vld [tilespmem:s3+$0x300];
	_ =	sdelay $0x2  }
0x5e1: {  	[tilespmem:s24+$0xBB00] =	vst v0  }
0x5e2: {  	v0 =	vld.idx.msk [tilespmem:v1+s1+$0x0], $0xffff  }
0x5e3: {  	v1 =	vadd.s32 $0x2B34, v2;
	_ =	sdelay $0x3  }
0x5e4: {  	[tilespmem:s5+$0xBB00] =	vst v0  }
0x5e5: {  	v0 =	vld.idx.msk [tilespmem:v1+s1+$0x0], $0xffff;
	_ =	sdelay $0x4  }
0x5e6: {  	[tilespmem:s3+$0xBB00] =	vst v0  }
0x5e7: {  	v0 =	vld [tilespmem:s21+$0x380];
	_ =	sdelay $0x4  }
0x5e8: {  	v0 =	vadd.s32 $0x2B34, v0  }
0x5e9: {  	v1 =	vld [tilespmem:s22+$0x380];
	_ =	sdelay $0x3  }
0x5ea: {  	s3 =	simm.s32 $0x20;
	v0 =	vld.idx.msk [tilespmem:v0+s1+$0x0], $0xffff  }
0x5eb: {  	s7 =	sand.u32 $0x1C00, s23;
	s5 =	simm.s32 $0x180;
	s6 =	sand.u32 $0x70, s3;
	v1 =	vadd.s32 $0x2B34, v1  }
.LBB2_145:
0x5ec: {  	p1 =	sne.s32 s5, $0x1200;
	s6 =	sor.u32 s6, s7  }
0x5ed: {  	v2 =	vld [tilespmem:s6+$0x380]  }
.Ltmp74:
0x5ee: {  	(pc) =	sbr.rel @p1 .LBB2_145-.Ltmp74, $4  }
0x5ef: {  	[tilespmem:s21+$0xBB80] =	vst v0;
	s21 =	smov.u32 s22;
	s22 =	smov.u32 s6  }
0x5f0: {  	v0 =	vld.idx.msk [tilespmem:v1+s1+$0x0], $0xffff  }
0x5f1: {  	s3 =	sadd.s32 $0x10, s3  }
0x5f2: {  	s7 =	sand.u32 $0x1C00, s5;
	s5 =	sadd.s32 $0x80, s5;
	s6 =	sand.u32 $0x70, s3;
	v1 =	vadd.s32 $0x2B34, v2  }
0x5f3: {  	s3 =	sor.u32 s6, s7  }
0x5f4: {  	v2 =	vld [tilespmem:s3+$0x380];
	_ =	sdelay $0x2  }
0x5f5: {  	[tilespmem:s21+$0xBB80] =	vst v0  }
0x5f6: {  	v0 =	vld.idx.msk [tilespmem:v1+s1+$0x0], $0xffff  }
0x5f7: {  	v1 =	vadd.s32 $0x2B34, v2;
	_ =	sdelay $0x3  }
0x5f8: {  	[tilespmem:s22+$0xBB80] =	vst v0  }
0x5f9: {  	v0 =	vld.idx.msk [tilespmem:v1+s1+$0x0], $0xffff;
	_ =	sdelay $0x4  }
0x5fa: {  	s5 =	rddreg [dreg:$0xe];
	s21 =	simm.s32 $0x0;
	[tilespmem:s3+$0xBB80] =	vst v0  }
0x5fb: {  	[hbm4b:s5+s21] =	stream.linear.scatter [tilespmem:s13], [sflag:$0x2], $0x1400, $0x38;
	[tilespmem:$0x13000] =	vst v63  }
0x5fc: {  	_ =	swait.ge [sflag:s18], $0x1400  }
0x5fd: {  	s22 =	sand.u32 $0x70, s21;
	s3 =	sand.u32 $0x1C00, s21;
	[sflag:s18] =	ssyncset.done $0x0  }
0x5fe: {  	s21 =	sor.u32 s22, s3;
	[sflag:s18] =	ssyncadd.s32 $0xFFFFEC00  }
0x5ff: {  	v0 =	vld [tilespmem:s21+$0x0];
	_ =	sdelay $0x2  }
0x600: {  	s23 =	simm.s32 $0x80;
	s24 =	simm.s32 $0x10  }
0x601: {  	s5 =	sand.u32 $0x70, s24;
	s3 =	sand.u32 $0x1C00, s23  }
0x602: {  	s22 =	sor.u32 s5, s3;
	v0 =	vadd.s32 $0x33D8, v0  }
0x603: {  	v1 =	vld [tilespmem:s22+$0x0];
	_ =	sdelay $0x2  }
0x604: {  	s23 =	simm.s32 $0x100  }
0x605: {  	s6 =	simm.s32 $0x180;
	s3 =	simm.s32 $0x20;
	s8 =	sand.u32 $0x1C00, s23;
	v0 =	vld.idx.msk [tilespmem:v0+s1+$0x0], $0xffff  }
0x606: {  	s24 =	smov.u32 s21;
	s7 =	sand.u32 $0x70, s3;
	s5 =	smov.u32 s22;
	v1 =	vadd.s32 $0x33D8, v1  }
.LBB2_147:
0x607: {  	p1 =	sne.s32 s6, $0x1200;
	s7 =	sor.u32 s7, s8  }
0x608: {  	v2 =	vld [tilespmem:s7+$0x0]  }
.Ltmp75:
0x609: {  	(pc) =	sbr.rel @p1 .LBB2_147-.Ltmp75, $4  }
0x60a: {  	[tilespmem:s24+$0xE000] =	vst v0;
	s24 =	smov.u32 s5;
	s5 =	smov.u32 s7  }
0x60b: {  	v0 =	vld.idx.msk [tilespmem:v1+s1+$0x0], $0xffff  }
0x60c: {  	s3 =	sadd.s32 $0x10, s3  }
0x60d: {  	s8 =	sand.u32 $0x1C00, s6;
	s6 =	sadd.s32 $0x80, s6;
	s7 =	sand.u32 $0x70, s3;
	v1 =	vadd.s32 $0x33D8, v2  }
0x60e: {  	s3 =	sor.u32 s7, s8  }
0x60f: {  	v2 =	vld [tilespmem:s3+$0x0];
	_ =	sdelay $0x2  }
0x610: {  	[tilespmem:s24+$0xE000] =	vst v0  }
0x611: {  	v0 =	vld.idx.msk [tilespmem:v1+s1+$0x0], $0xffff  }
0x612: {  	v1 =	vadd.s32 $0x33D8, v2;
	_ =	sdelay $0x3  }
0x613: {  	[tilespmem:s5+$0xE000] =	vst v0  }
0x614: {  	v0 =	vld.idx.msk [tilespmem:v1+s1+$0x0], $0xffff;
	_ =	sdelay $0x4  }
0x615: {  	[tilespmem:s3+$0xE000] =	vst v0  }
0x616: {  	v0 =	vld [tilespmem:s21+$0x80];
	_ =	sdelay $0x4  }
0x617: {  	v0 =	vadd.s32 $0x33D8, v0  }
0x618: {  	v1 =	vld [tilespmem:s22+$0x80];
	_ =	sdelay $0x3  }
0x619: {  	s3 =	simm.s32 $0x20;
	v0 =	vld.idx.msk [tilespmem:v0+s1+$0x0], $0xffff  }
0x61a: {  	s7 =	sand.u32 $0x1C00, s23;
	s5 =	simm.s32 $0x180;
	s6 =	sand.u32 $0x70, s3;
	v1 =	vadd.s32 $0x33D8, v1  }
.LBB2_149:
0x61b: {  	p1 =	sne.s32 s5, $0x1200;
	s6 =	sor.u32 s6, s7  }
0x61c: {  	v2 =	vld [tilespmem:s6+$0x80]  }
.Ltmp76:
0x61d: {  	(pc) =	sbr.rel @p1 .LBB2_149-.Ltmp76, $4  }
0x61e: {  	[tilespmem:s21+$0xE080] =	vst v0;
	s21 =	smov.u32 s22;
	s22 =	smov.u32 s6  }
0x61f: {  	v0 =	vld.idx.msk [tilespmem:v1+s1+$0x0], $0xffff  }
0x620: {  	s3 =	sadd.s32 $0x10, s3  }
0x621: {  	s7 =	sand.u32 $0x1C00, s5;
	s5 =	sadd.s32 $0x80, s5;
	s6 =	sand.u32 $0x70, s3;
	v1 =	vadd.s32 $0x33D8, v2  }
0x622: {  	s3 =	sor.u32 s6, s7  }
0x623: {  	v2 =	vld [tilespmem:s3+$0x80];
	_ =	sdelay $0x2  }
0x624: {  	[tilespmem:s21+$0xE080] =	vst v0  }
0x625: {  	v0 =	vld.idx.msk [tilespmem:v1+s1+$0x0], $0xffff  }
0x626: {  	v1 =	vadd.s32 $0x33D8, v2;
	_ =	sdelay $0x3  }
0x627: {  	[tilespmem:s22+$0xE080] =	vst v0  }
0x628: {  	v0 =	vld.idx.msk [tilespmem:v1+s1+$0x0], $0xffff;
	_ =	sdelay $0x2  }
0x629: {  	s5 =	simm.s32 $0x0  }
0x62a: {  	s22 =	sand.u32 $0x70, s5;
	s5 =	sand.u32 $0x1C00, s5  }
0x62b: {  	s21 =	sor.u32 s22, s5;
	[tilespmem:s3+$0xE080] =	vst v0  }
0x62c: {  	v0 =	vld [tilespmem:s21+$0x100];
	_ =	sdelay $0x2  }
0x62d: {  	s23 =	simm.s32 $0x80;
	s24 =	simm.s32 $0x10  }
0x62e: {  	s5 =	sand.u32 $0x70, s24;
	s3 =	sand.u32 $0x1C00, s23  }
0x62f: {  	s22 =	sor.u32 s5, s3;
	v0 =	vadd.s32 $0x33D8, v0  }
0x630: {  	v1 =	vld [tilespmem:s22+$0x100];
	_ =	sdelay $0x2  }
0x631: {  	s6 =	simm.s32 $0x180  }
0x632: {  	s24 =	smov.u32 s21;
	s23 =	simm.s32 $0x100;
	s3 =	simm.s32 $0x20;
	v0 =	vld.idx.msk [tilespmem:v0+s1+$0x0], $0xffff  }
0x633: {  	s8 =	sand.u32 $0x1C00, s23;
	s7 =	sand.u32 $0x70, s3;
	s5 =	smov.u32 s22;
	v1 =	vadd.s32 $0x33D8, v1  }
.LBB2_151:
0x634: {  	p1 =	sne.s32 s6, $0x1200;
	s7 =	sor.u32 s7, s8  }
0x635: {  	v2 =	vld [tilespmem:s7+$0x100]  }
.Ltmp77:
0x636: {  	(pc) =	sbr.rel @p1 .LBB2_151-.Ltmp77, $4  }
0x637: {  	[tilespmem:s24+$0xE100] =	vst v0;
	s24 =	smov.u32 s5;
	s5 =	smov.u32 s7  }
0x638: {  	v0 =	vld.idx.msk [tilespmem:v1+s1+$0x0], $0xffff  }
0x639: {  	s3 =	sadd.s32 $0x10, s3  }
0x63a: {  	s8 =	sand.u32 $0x1C00, s6;
	s6 =	sadd.s32 $0x80, s6;
	s7 =	sand.u32 $0x70, s3;
	v1 =	vadd.s32 $0x33D8, v2  }
0x63b: {  	s3 =	sor.u32 s7, s8  }
0x63c: {  	v2 =	vld [tilespmem:s3+$0x100];
	_ =	sdelay $0x2  }
0x63d: {  	[tilespmem:s24+$0xE100] =	vst v0  }
0x63e: {  	v0 =	vld.idx.msk [tilespmem:v1+s1+$0x0], $0xffff  }
0x63f: {  	v1 =	vadd.s32 $0x33D8, v2;
	_ =	sdelay $0x3  }
0x640: {  	[tilespmem:s5+$0xE100] =	vst v0  }
0x641: {  	v0 =	vld.idx.msk [tilespmem:v1+s1+$0x0], $0xffff;
	_ =	sdelay $0x4  }
0x642: {  	[tilespmem:s3+$0xE100] =	vst v0  }
0x643: {  	v0 =	vld [tilespmem:s21+$0x180];
	_ =	sdelay $0x4  }
0x644: {  	v0 =	vadd.s32 $0x33D8, v0  }
0x645: {  	v1 =	vld [tilespmem:s22+$0x180];
	_ =	sdelay $0x3  }
0x646: {  	s3 =	simm.s32 $0x20;
	v0 =	vld.idx.msk [tilespmem:v0+s1+$0x0], $0xffff  }
0x647: {  	s7 =	sand.u32 $0x1C00, s23;
	s5 =	simm.s32 $0x180;
	s6 =	sand.u32 $0x70, s3;
	v1 =	vadd.s32 $0x33D8, v1  }
.LBB2_153:
0x648: {  	p1 =	sne.s32 s5, $0x1200;
	s6 =	sor.u32 s6, s7  }
0x649: {  	v2 =	vld [tilespmem:s6+$0x180]  }
.Ltmp78:
0x64a: {  	(pc) =	sbr.rel @p1 .LBB2_153-.Ltmp78, $4  }
0x64b: {  	[tilespmem:s21+$0xE180] =	vst v0;
	s21 =	smov.u32 s22;
	s22 =	smov.u32 s6  }
0x64c: {  	v0 =	vld.idx.msk [tilespmem:v1+s1+$0x0], $0xffff  }
0x64d: {  	s3 =	sadd.s32 $0x10, s3  }
0x64e: {  	s7 =	sand.u32 $0x1C00, s5;
	s5 =	sadd.s32 $0x80, s5;
	s6 =	sand.u32 $0x70, s3;
	v1 =	vadd.s32 $0x33D8, v2  }
0x64f: {  	s3 =	sor.u32 s6, s7  }
0x650: {  	v2 =	vld [tilespmem:s3+$0x180];
	_ =	sdelay $0x2  }
0x651: {  	[tilespmem:s21+$0xE180] =	vst v0  }
0x652: {  	v0 =	vld.idx.msk [tilespmem:v1+s1+$0x0], $0xffff  }
0x653: {  	v1 =	vadd.s32 $0x33D8, v2;
	_ =	sdelay $0x3  }
0x654: {  	[tilespmem:s22+$0xE180] =	vst v0  }
0x655: {  	v0 =	vld.idx.msk [tilespmem:v1+s1+$0x0], $0xffff;
	_ =	sdelay $0x2  }
0x656: {  	s5 =	simm.s32 $0x0  }
0x657: {  	s22 =	sand.u32 $0x70, s5;
	s5 =	sand.u32 $0x1C00, s5  }
0x658: {  	s21 =	sor.u32 s22, s5;
	[tilespmem:s3+$0xE180] =	vst v0  }
0x659: {  	v0 =	vld [tilespmem:s21+$0x200];
	_ =	sdelay $0x2  }
0x65a: {  	s23 =	simm.s32 $0x80;
	s24 =	simm.s32 $0x10  }
0x65b: {  	s5 =	sand.u32 $0x70, s24;
	s3 =	sand.u32 $0x1C00, s23  }
0x65c: {  	s22 =	sor.u32 s5, s3;
	v0 =	vadd.s32 $0x33D8, v0  }
0x65d: {  	v1 =	vld [tilespmem:s22+$0x200];
	_ =	sdelay $0x2  }
0x65e: {  	s6 =	simm.s32 $0x180  }
0x65f: {  	s24 =	smov.u32 s21;
	s23 =	simm.s32 $0x100;
	s3 =	simm.s32 $0x20;
	v0 =	vld.idx.msk [tilespmem:v0+s1+$0x0], $0xffff  }
0x660: {  	s8 =	sand.u32 $0x1C00, s23;
	s7 =	sand.u32 $0x70, s3;
	s5 =	smov.u32 s22;
	v1 =	vadd.s32 $0x33D8, v1  }
.LBB2_155:
0x661: {  	p1 =	sne.s32 s6, $0x1200;
	s7 =	sor.u32 s7, s8  }
0x662: {  	v2 =	vld [tilespmem:s7+$0x200]  }
.Ltmp79:
0x663: {  	(pc) =	sbr.rel @p1 .LBB2_155-.Ltmp79, $4  }
0x664: {  	[tilespmem:s24+$0xE200] =	vst v0;
	s24 =	smov.u32 s5;
	s5 =	smov.u32 s7  }
0x665: {  	v0 =	vld.idx.msk [tilespmem:v1+s1+$0x0], $0xffff  }
0x666: {  	s3 =	sadd.s32 $0x10, s3  }
0x667: {  	s8 =	sand.u32 $0x1C00, s6;
	s6 =	sadd.s32 $0x80, s6;
	s7 =	sand.u32 $0x70, s3;
	v1 =	vadd.s32 $0x33D8, v2  }
0x668: {  	s3 =	sor.u32 s7, s8  }
0x669: {  	v2 =	vld [tilespmem:s3+$0x200];
	_ =	sdelay $0x2  }
0x66a: {  	[tilespmem:s24+$0xE200] =	vst v0  }
0x66b: {  	v0 =	vld.idx.msk [tilespmem:v1+s1+$0x0], $0xffff  }
0x66c: {  	v1 =	vadd.s32 $0x33D8, v2;
	_ =	sdelay $0x3  }
0x66d: {  	[tilespmem:s5+$0xE200] =	vst v0  }
0x66e: {  	v0 =	vld.idx.msk [tilespmem:v1+s1+$0x0], $0xffff;
	_ =	sdelay $0x4  }
0x66f: {  	[tilespmem:s3+$0xE200] =	vst v0  }
0x670: {  	v0 =	vld [tilespmem:s21+$0x280];
	_ =	sdelay $0x4  }
0x671: {  	v0 =	vadd.s32 $0x33D8, v0  }
0x672: {  	v1 =	vld [tilespmem:s22+$0x280];
	_ =	sdelay $0x3  }
0x673: {  	s3 =	simm.s32 $0x20;
	v0 =	vld.idx.msk [tilespmem:v0+s1+$0x0], $0xffff  }
0x674: {  	s7 =	sand.u32 $0x1C00, s23;
	s5 =	simm.s32 $0x180;
	s6 =	sand.u32 $0x70, s3;
	v1 =	vadd.s32 $0x33D8, v1  }
.LBB2_157:
0x675: {  	p1 =	sne.s32 s5, $0x1200;
	s6 =	sor.u32 s6, s7  }
0x676: {  	v2 =	vld [tilespmem:s6+$0x280]  }
.Ltmp80:
0x677: {  	(pc) =	sbr.rel @p1 .LBB2_157-.Ltmp80, $4  }
0x678: {  	[tilespmem:s21+$0xE280] =	vst v0;
	s21 =	smov.u32 s22;
	s22 =	smov.u32 s6  }
0x679: {  	v0 =	vld.idx.msk [tilespmem:v1+s1+$0x0], $0xffff  }
0x67a: {  	s3 =	sadd.s32 $0x10, s3  }
0x67b: {  	s7 =	sand.u32 $0x1C00, s5;
	s5 =	sadd.s32 $0x80, s5;
	s6 =	sand.u32 $0x70, s3;
	v1 =	vadd.s32 $0x33D8, v2  }
0x67c: {  	s3 =	sor.u32 s6, s7  }
0x67d: {  	v2 =	vld [tilespmem:s3+$0x280];
	_ =	sdelay $0x2  }
0x67e: {  	[tilespmem:s21+$0xE280] =	vst v0  }
0x67f: {  	v0 =	vld.idx.msk [tilespmem:v1+s1+$0x0], $0xffff  }
0x680: {  	v1 =	vadd.s32 $0x33D8, v2;
	_ =	sdelay $0x3  }
0x681: {  	[tilespmem:s22+$0xE280] =	vst v0  }
0x682: {  	v0 =	vld.idx.msk [tilespmem:v1+s1+$0x0], $0xffff;
	_ =	sdelay $0x2  }
0x683: {  	s5 =	simm.s32 $0x0  }
0x684: {  	s22 =	sand.u32 $0x70, s5;
	s5 =	sand.u32 $0x1C00, s5  }
0x685: {  	s21 =	sor.u32 s22, s5;
	[tilespmem:s3+$0xE280] =	vst v0  }
0x686: {  	v0 =	vld [tilespmem:s21+$0x300];
	_ =	sdelay $0x2  }
0x687: {  	s23 =	simm.s32 $0x80;
	s24 =	simm.s32 $0x10  }
0x688: {  	s5 =	sand.u32 $0x70, s24;
	s3 =	sand.u32 $0x1C00, s23  }
0x689: {  	s22 =	sor.u32 s5, s3;
	v0 =	vadd.s32 $0x33D8, v0  }
0x68a: {  	v1 =	vld [tilespmem:s22+$0x300];
	_ =	sdelay $0x2  }
0x68b: {  	s6 =	simm.s32 $0x180  }
0x68c: {  	s24 =	smov.u32 s21;
	s23 =	simm.s32 $0x100;
	s3 =	simm.s32 $0x20;
	v0 =	vld.idx.msk [tilespmem:v0+s1+$0x0], $0xffff  }
0x68d: {  	s8 =	sand.u32 $0x1C00, s23;
	s7 =	sand.u32 $0x70, s3;
	s5 =	smov.u32 s22;
	v1 =	vadd.s32 $0x33D8, v1  }
.LBB2_159:
0x68e: {  	p1 =	sne.s32 s6, $0x1200;
	s7 =	sor.u32 s7, s8  }
0x68f: {  	v2 =	vld [tilespmem:s7+$0x300]  }
.Ltmp81:
0x690: {  	(pc) =	sbr.rel @p1 .LBB2_159-.Ltmp81, $4  }
0x691: {  	[tilespmem:s24+$0xE300] =	vst v0;
	s24 =	smov.u32 s5;
	s5 =	smov.u32 s7  }
0x692: {  	v0 =	vld.idx.msk [tilespmem:v1+s1+$0x0], $0xffff  }
0x693: {  	s3 =	sadd.s32 $0x10, s3  }
0x694: {  	s8 =	sand.u32 $0x1C00, s6;
	s6 =	sadd.s32 $0x80, s6;
	s7 =	sand.u32 $0x70, s3;
	v1 =	vadd.s32 $0x33D8, v2  }
0x695: {  	s3 =	sor.u32 s7, s8  }
0x696: {  	v2 =	vld [tilespmem:s3+$0x300];
	_ =	sdelay $0x2  }
0x697: {  	[tilespmem:s24+$0xE300] =	vst v0  }
0x698: {  	v0 =	vld.idx.msk [tilespmem:v1+s1+$0x0], $0xffff  }
0x699: {  	v1 =	vadd.s32 $0x33D8, v2;
	_ =	sdelay $0x3  }
0x69a: {  	[tilespmem:s5+$0xE300] =	vst v0  }
0x69b: {  	v0 =	vld.idx.msk [tilespmem:v1+s1+$0x0], $0xffff;
	_ =	sdelay $0x4  }
0x69c: {  	[tilespmem:s3+$0xE300] =	vst v0  }
0x69d: {  	v0 =	vld [tilespmem:s21+$0x380];
	_ =	sdelay $0x4  }
0x69e: {  	v0 =	vadd.s32 $0x33D8, v0  }
0x69f: {  	v1 =	vld [tilespmem:s22+$0x380];
	_ =	sdelay $0x3  }
0x6a0: {  	s3 =	simm.s32 $0x20;
	v0 =	vld.idx.msk [tilespmem:v0+s1+$0x0], $0xffff  }
0x6a1: {  	s7 =	sand.u32 $0x1C00, s23;
	s5 =	simm.s32 $0x180;
	s6 =	sand.u32 $0x70, s3;
	v1 =	vadd.s32 $0x33D8, v1  }
.LBB2_161:
0x6a2: {  	p1 =	sne.s32 s5, $0x1200;
	s6 =	sor.u32 s6, s7  }
0x6a3: {  	v2 =	vld [tilespmem:s6+$0x380]  }
.Ltmp82:
0x6a4: {  	(pc) =	sbr.rel @p1 .LBB2_161-.Ltmp82, $4  }
0x6a5: {  	[tilespmem:s21+$0xE380] =	vst v0;
	s21 =	smov.u32 s22;
	s22 =	smov.u32 s6  }
0x6a6: {  	v0 =	vld.idx.msk [tilespmem:v1+s1+$0x0], $0xffff  }
0x6a7: {  	s3 =	sadd.s32 $0x10, s3  }
0x6a8: {  	s7 =	sand.u32 $0x1C00, s5;
	s5 =	sadd.s32 $0x80, s5;
	s6 =	sand.u32 $0x70, s3;
	v1 =	vadd.s32 $0x33D8, v2  }
0x6a9: {  	s3 =	sor.u32 s6, s7  }
0x6aa: {  	v2 =	vld [tilespmem:s3+$0x380];
	_ =	sdelay $0x2  }
0x6ab: {  	[tilespmem:s21+$0xE380] =	vst v0  }
0x6ac: {  	v0 =	vld.idx.msk [tilespmem:v1+s1+$0x0], $0xffff  }
0x6ad: {  	v1 =	vadd.s32 $0x33D8, v2;
	_ =	sdelay $0x3  }
0x6ae: {  	[tilespmem:s22+$0xE380] =	vst v0  }
0x6af: {  	v0 =	vld.idx.msk [tilespmem:v1+s1+$0x0], $0xffff;
	_ =	sdelay $0x4  }
0x6b0: {  	s5 =	rddreg [dreg:$0xf];
	s21 =	simm.s32 $0x0;
	[tilespmem:s3+$0xE380] =	vst v0  }
0x6b1: {  	[hbm4b:s5+s21] =	stream.linear.scatter [tilespmem:s14], [sflag:$0x3], $0x1400, $0x38;
	[tilespmem:$0x13000] =	vst v63  }
0x6b2: {  	_ =	swait.ge [sflag:s19], $0x1400  }
0x6b3: {  	s22 =	sand.u32 $0x70, s21;
	s3 =	sand.u32 $0x1C00, s21;
	[sflag:s19] =	ssyncset.done $0x0  }
0x6b4: {  	s21 =	sor.u32 s22, s3;
	[sflag:s19] =	ssyncadd.s32 $0xFFFFEC00  }
0x6b5: {  	v0 =	vld [tilespmem:s21+$0x0];
	_ =	sdelay $0x2  }
0x6b6: {  	s23 =	simm.s32 $0x80;
	s24 =	simm.s32 $0x10  }
0x6b7: {  	s5 =	sand.u32 $0x70, s24;
	s3 =	sand.u32 $0x1C00, s23  }
0x6b8: {  	s22 =	sor.u32 s5, s3;
	v0 =	vadd.s32 $0x3C7C, v0  }
0x6b9: {  	v1 =	vld [tilespmem:s22+$0x0];
	_ =	sdelay $0x2  }
0x6ba: {  	s23 =	simm.s32 $0x100  }
0x6bb: {  	s6 =	simm.s32 $0x180;
	s3 =	simm.s32 $0x20;
	s8 =	sand.u32 $0x1C00, s23;
	v0 =	vld.idx.msk [tilespmem:v0+s1+$0x0], $0xffff  }
0x6bc: {  	s24 =	smov.u32 s21;
	s7 =	sand.u32 $0x70, s3;
	s5 =	smov.u32 s22;
	v1 =	vadd.s32 $0x3C7C, v1  }
.LBB2_163:
0x6bd: {  	p1 =	sne.s32 s6, $0x1200;
	s7 =	sor.u32 s7, s8  }
0x6be: {  	v2 =	vld [tilespmem:s7+$0x0]  }
.Ltmp83:
0x6bf: {  	(pc) =	sbr.rel @p1 .LBB2_163-.Ltmp83, $4  }
0x6c0: {  	[tilespmem:s24+$0x10800] =	vst v0;
	s24 =	smov.u32 s5;
	s5 =	smov.u32 s7  }
0x6c1: {  	v0 =	vld.idx.msk [tilespmem:v1+s1+$0x0], $0xffff  }
0x6c2: {  	s3 =	sadd.s32 $0x10, s3  }
0x6c3: {  	s8 =	sand.u32 $0x1C00, s6;
	s6 =	sadd.s32 $0x80, s6;
	s7 =	sand.u32 $0x70, s3;
	v1 =	vadd.s32 $0x3C7C, v2  }
0x6c4: {  	s3 =	sor.u32 s7, s8  }
0x6c5: {  	v2 =	vld [tilespmem:s3+$0x0];
	_ =	sdelay $0x2  }
0x6c6: {  	[tilespmem:s24+$0x10800] =	vst v0  }
0x6c7: {  	v0 =	vld.idx.msk [tilespmem:v1+s1+$0x0], $0xffff  }
0x6c8: {  	v1 =	vadd.s32 $0x3C7C, v2;
	_ =	sdelay $0x3  }
0x6c9: {  	[tilespmem:s5+$0x10800] =	vst v0  }
0x6ca: {  	v0 =	vld.idx.msk [tilespmem:v1+s1+$0x0], $0xffff;
	_ =	sdelay $0x4  }
0x6cb: {  	[tilespmem:s3+$0x10800] =	vst v0  }
0x6cc: {  	v0 =	vld [tilespmem:s21+$0x80];
	_ =	sdelay $0x4  }
0x6cd: {  	v0 =	vadd.s32 $0x3C7C, v0  }
0x6ce: {  	v1 =	vld [tilespmem:s22+$0x80];
	_ =	sdelay $0x3  }
0x6cf: {  	s3 =	simm.s32 $0x20;
	v0 =	vld.idx.msk [tilespmem:v0+s1+$0x0], $0xffff  }
0x6d0: {  	s7 =	sand.u32 $0x1C00, s23;
	s5 =	simm.s32 $0x180;
	s6 =	sand.u32 $0x70, s3;
	v1 =	vadd.s32 $0x3C7C, v1  }
.LBB2_165:
0x6d1: {  	p1 =	sne.s32 s5, $0x1200;
	s6 =	sor.u32 s6, s7  }
0x6d2: {  	v2 =	vld [tilespmem:s6+$0x80]  }
.Ltmp84:
0x6d3: {  	(pc) =	sbr.rel @p1 .LBB2_165-.Ltmp84, $4  }
0x6d4: {  	[tilespmem:s21+$0x10880] =	vst v0;
	s21 =	smov.u32 s22;
	s22 =	smov.u32 s6  }
0x6d5: {  	v0 =	vld.idx.msk [tilespmem:v1+s1+$0x0], $0xffff  }
0x6d6: {  	s3 =	sadd.s32 $0x10, s3  }
0x6d7: {  	s7 =	sand.u32 $0x1C00, s5;
	s5 =	sadd.s32 $0x80, s5;
	s6 =	sand.u32 $0x70, s3;
	v1 =	vadd.s32 $0x3C7C, v2  }
0x6d8: {  	s3 =	sor.u32 s6, s7  }
0x6d9: {  	v2 =	vld [tilespmem:s3+$0x80];
	_ =	sdelay $0x2  }
0x6da: {  	[tilespmem:s21+$0x10880] =	vst v0  }
0x6db: {  	v0 =	vld.idx.msk [tilespmem:v1+s1+$0x0], $0xffff  }
0x6dc: {  	v1 =	vadd.s32 $0x3C7C, v2;
	_ =	sdelay $0x3  }
0x6dd: {  	[tilespmem:s22+$0x10880] =	vst v0  }
0x6de: {  	v0 =	vld.idx.msk [tilespmem:v1+s1+$0x0], $0xffff;
	_ =	sdelay $0x2  }
0x6df: {  	s5 =	simm.s32 $0x0  }
0x6e0: {  	s22 =	sand.u32 $0x70, s5;
	s5 =	sand.u32 $0x1C00, s5  }
0x6e1: {  	s21 =	sor.u32 s22, s5;
	[tilespmem:s3+$0x10880] =	vst v0  }
0x6e2: {  	v0 =	vld [tilespmem:s21+$0x100];
	_ =	sdelay $0x2  }
0x6e3: {  	s23 =	simm.s32 $0x80;
	s24 =	simm.s32 $0x10  }
0x6e4: {  	s5 =	sand.u32 $0x70, s24;
	s3 =	sand.u32 $0x1C00, s23  }
0x6e5: {  	s22 =	sor.u32 s5, s3;
	v0 =	vadd.s32 $0x3C7C, v0  }
0x6e6: {  	v1 =	vld [tilespmem:s22+$0x100];
	_ =	sdelay $0x2  }
0x6e7: {  	s6 =	simm.s32 $0x180  }
0x6e8: {  	s24 =	smov.u32 s21;
	s23 =	simm.s32 $0x100;
	s3 =	simm.s32 $0x20;
	v0 =	vld.idx.msk [tilespmem:v0+s1+$0x0], $0xffff  }
0x6e9: {  	s8 =	sand.u32 $0x1C00, s23;
	s7 =	sand.u32 $0x70, s3;
	s5 =	smov.u32 s22;
	v1 =	vadd.s32 $0x3C7C, v1  }
.LBB2_167:
0x6ea: {  	p1 =	sne.s32 s6, $0x1200;
	s7 =	sor.u32 s7, s8  }
0x6eb: {  	v2 =	vld [tilespmem:s7+$0x100]  }
.Ltmp85:
0x6ec: {  	(pc) =	sbr.rel @p1 .LBB2_167-.Ltmp85, $4  }
0x6ed: {  	[tilespmem:s24+$0x10900] =	vst v0;
	s24 =	smov.u32 s5;
	s5 =	smov.u32 s7  }
0x6ee: {  	v0 =	vld.idx.msk [tilespmem:v1+s1+$0x0], $0xffff  }
0x6ef: {  	s3 =	sadd.s32 $0x10, s3  }
0x6f0: {  	s8 =	sand.u32 $0x1C00, s6;
	s6 =	sadd.s32 $0x80, s6;
	s7 =	sand.u32 $0x70, s3;
	v1 =	vadd.s32 $0x3C7C, v2  }
0x6f1: {  	s3 =	sor.u32 s7, s8  }
0x6f2: {  	v2 =	vld [tilespmem:s3+$0x100];
	_ =	sdelay $0x2  }
0x6f3: {  	[tilespmem:s24+$0x10900] =	vst v0  }
0x6f4: {  	v0 =	vld.idx.msk [tilespmem:v1+s1+$0x0], $0xffff  }
0x6f5: {  	v1 =	vadd.s32 $0x3C7C, v2;
	_ =	sdelay $0x3  }
0x6f6: {  	[tilespmem:s5+$0x10900] =	vst v0  }
0x6f7: {  	v0 =	vld.idx.msk [tilespmem:v1+s1+$0x0], $0xffff;
	_ =	sdelay $0x4  }
0x6f8: {  	[tilespmem:s3+$0x10900] =	vst v0  }
0x6f9: {  	v0 =	vld [tilespmem:s21+$0x180];
	_ =	sdelay $0x4  }
0x6fa: {  	v0 =	vadd.s32 $0x3C7C, v0  }
0x6fb: {  	v1 =	vld [tilespmem:s22+$0x180];
	_ =	sdelay $0x3  }
0x6fc: {  	s3 =	simm.s32 $0x20;
	v0 =	vld.idx.msk [tilespmem:v0+s1+$0x0], $0xffff  }
0x6fd: {  	s7 =	sand.u32 $0x1C00, s23;
	s5 =	simm.s32 $0x180;
	s6 =	sand.u32 $0x70, s3;
	v1 =	vadd.s32 $0x3C7C, v1  }
.LBB2_169:
0x6fe: {  	p1 =	sne.s32 s5, $0x1200;
	s6 =	sor.u32 s6, s7  }
0x6ff: {  	v2 =	vld [tilespmem:s6+$0x180]  }
.Ltmp86:
0x700: {  	(pc) =	sbr.rel @p1 .LBB2_169-.Ltmp86, $4  }
0x701: {  	[tilespmem:s21+$0x10980] =	vst v0;
	s21 =	smov.u32 s22;
	s22 =	smov.u32 s6  }
0x702: {  	v0 =	vld.idx.msk [tilespmem:v1+s1+$0x0], $0xffff  }
0x703: {  	s3 =	sadd.s32 $0x10, s3  }
0x704: {  	s7 =	sand.u32 $0x1C00, s5;
	s5 =	sadd.s32 $0x80, s5;
	s6 =	sand.u32 $0x70, s3;
	v1 =	vadd.s32 $0x3C7C, v2  }
0x705: {  	s3 =	sor.u32 s6, s7  }
0x706: {  	v2 =	vld [tilespmem:s3+$0x180];
	_ =	sdelay $0x2  }
0x707: {  	[tilespmem:s21+$0x10980] =	vst v0  }
0x708: {  	v0 =	vld.idx.msk [tilespmem:v1+s1+$0x0], $0xffff  }
0x709: {  	v1 =	vadd.s32 $0x3C7C, v2;
	_ =	sdelay $0x3  }
0x70a: {  	[tilespmem:s22+$0x10980] =	vst v0  }
0x70b: {  	v0 =	vld.idx.msk [tilespmem:v1+s1+$0x0], $0xffff;
	_ =	sdelay $0x2  }
0x70c: {  	s5 =	simm.s32 $0x0  }
0x70d: {  	s22 =	sand.u32 $0x70, s5;
	s5 =	sand.u32 $0x1C00, s5  }
0x70e: {  	s21 =	sor.u32 s22, s5;
	[tilespmem:s3+$0x10980] =	vst v0  }
0x70f: {  	v0 =	vld [tilespmem:s21+$0x200];
	_ =	sdelay $0x2  }
0x710: {  	s23 =	simm.s32 $0x80;
	s24 =	simm.s32 $0x10  }
0x711: {  	s5 =	sand.u32 $0x70, s24;
	s3 =	sand.u32 $0x1C00, s23  }
0x712: {  	s22 =	sor.u32 s5, s3;
	v0 =	vadd.s32 $0x3C7C, v0  }
0x713: {  	v1 =	vld [tilespmem:s22+$0x200];
	_ =	sdelay $0x2  }
0x714: {  	s6 =	simm.s32 $0x180  }
0x715: {  	s24 =	smov.u32 s21;
	s23 =	simm.s32 $0x100;
	s3 =	simm.s32 $0x20;
	v0 =	vld.idx.msk [tilespmem:v0+s1+$0x0], $0xffff  }
0x716: {  	s8 =	sand.u32 $0x1C00, s23;
	s7 =	sand.u32 $0x70, s3;
	s5 =	smov.u32 s22;
	v1 =	vadd.s32 $0x3C7C, v1  }
.LBB2_171:
0x717: {  	p1 =	sne.s32 s6, $0x1200;
	s7 =	sor.u32 s7, s8  }
0x718: {  	v2 =	vld [tilespmem:s7+$0x200]  }
.Ltmp87:
0x719: {  	(pc) =	sbr.rel @p1 .LBB2_171-.Ltmp87, $4  }
0x71a: {  	[tilespmem:s24+$0x10A00] =	vst v0;
	s24 =	smov.u32 s5;
	s5 =	smov.u32 s7  }
0x71b: {  	v0 =	vld.idx.msk [tilespmem:v1+s1+$0x0], $0xffff  }
0x71c: {  	s3 =	sadd.s32 $0x10, s3  }
0x71d: {  	s8 =	sand.u32 $0x1C00, s6;
	s6 =	sadd.s32 $0x80, s6;
	s7 =	sand.u32 $0x70, s3;
	v1 =	vadd.s32 $0x3C7C, v2  }
0x71e: {  	s3 =	sor.u32 s7, s8  }
0x71f: {  	v2 =	vld [tilespmem:s3+$0x200];
	_ =	sdelay $0x2  }
0x720: {  	[tilespmem:s24+$0x10A00] =	vst v0  }
0x721: {  	v0 =	vld.idx.msk [tilespmem:v1+s1+$0x0], $0xffff  }
0x722: {  	v1 =	vadd.s32 $0x3C7C, v2;
	_ =	sdelay $0x3  }
0x723: {  	[tilespmem:s5+$0x10A00] =	vst v0  }
0x724: {  	v0 =	vld.idx.msk [tilespmem:v1+s1+$0x0], $0xffff;
	_ =	sdelay $0x4  }
0x725: {  	[tilespmem:s3+$0x10A00] =	vst v0  }
0x726: {  	v0 =	vld [tilespmem:s21+$0x280];
	_ =	sdelay $0x4  }
0x727: {  	v0 =	vadd.s32 $0x3C7C, v0  }
0x728: {  	v1 =	vld [tilespmem:s22+$0x280];
	_ =	sdelay $0x3  }
0x729: {  	s3 =	simm.s32 $0x20;
	v0 =	vld.idx.msk [tilespmem:v0+s1+$0x0], $0xffff  }
0x72a: {  	s7 =	sand.u32 $0x1C00, s23;
	s5 =	simm.s32 $0x180;
	s6 =	sand.u32 $0x70, s3;
	v1 =	vadd.s32 $0x3C7C, v1  }
.LBB2_173:
0x72b: {  	p1 =	sne.s32 s5, $0x1200;
	s6 =	sor.u32 s6, s7  }
0x72c: {  	v2 =	vld [tilespmem:s6+$0x280]  }
.Ltmp88:
0x72d: {  	(pc) =	sbr.rel @p1 .LBB2_173-.Ltmp88, $4  }
0x72e: {  	[tilespmem:s21+$0x10A80] =	vst v0;
	s21 =	smov.u32 s22;
	s22 =	smov.u32 s6  }
0x72f: {  	v0 =	vld.idx.msk [tilespmem:v1+s1+$0x0], $0xffff  }
0x730: {  	s3 =	sadd.s32 $0x10, s3  }
0x731: {  	s7 =	sand.u32 $0x1C00, s5;
	s5 =	sadd.s32 $0x80, s5;
	s6 =	sand.u32 $0x70, s3;
	v1 =	vadd.s32 $0x3C7C, v2  }
0x732: {  	s3 =	sor.u32 s6, s7  }
0x733: {  	v2 =	vld [tilespmem:s3+$0x280];
	_ =	sdelay $0x2  }
0x734: {  	[tilespmem:s21+$0x10A80] =	vst v0  }
0x735: {  	v0 =	vld.idx.msk [tilespmem:v1+s1+$0x0], $0xffff  }
0x736: {  	v1 =	vadd.s32 $0x3C7C, v2;
	_ =	sdelay $0x3  }
0x737: {  	[tilespmem:s22+$0x10A80] =	vst v0  }
0x738: {  	v0 =	vld.idx.msk [tilespmem:v1+s1+$0x0], $0xffff;
	_ =	sdelay $0x2  }
0x739: {  	s5 =	simm.s32 $0x0  }
0x73a: {  	s22 =	sand.u32 $0x70, s5;
	s5 =	sand.u32 $0x1C00, s5  }
0x73b: {  	s21 =	sor.u32 s22, s5;
	[tilespmem:s3+$0x10A80] =	vst v0  }
0x73c: {  	v0 =	vld [tilespmem:s21+$0x300];
	_ =	sdelay $0x2  }
0x73d: {  	s23 =	simm.s32 $0x80;
	s24 =	simm.s32 $0x10  }
0x73e: {  	s5 =	sand.u32 $0x70, s24;
	s3 =	sand.u32 $0x1C00, s23  }
0x73f: {  	s22 =	sor.u32 s5, s3;
	v0 =	vadd.s32 $0x3C7C, v0  }
0x740: {  	v1 =	vld [tilespmem:s22+$0x300];
	_ =	sdelay $0x2  }
0x741: {  	s6 =	simm.s32 $0x180  }
0x742: {  	s24 =	smov.u32 s21;
	s23 =	simm.s32 $0x100;
	s3 =	simm.s32 $0x20;
	v0 =	vld.idx.msk [tilespmem:v0+s1+$0x0], $0xffff  }
0x743: {  	s8 =	sand.u32 $0x1C00, s23;
	s7 =	sand.u32 $0x70, s3;
	s5 =	smov.u32 s22;
	v1 =	vadd.s32 $0x3C7C, v1  }
.LBB2_175:
0x744: {  	p1 =	sne.s32 s6, $0x1200;
	s7 =	sor.u32 s7, s8  }
0x745: {  	v2 =	vld [tilespmem:s7+$0x300]  }
.Ltmp89:
0x746: {  	(pc) =	sbr.rel @p1 .LBB2_175-.Ltmp89, $4  }
0x747: {  	[tilespmem:s24+$0x10B00] =	vst v0;
	s24 =	smov.u32 s5;
	s5 =	smov.u32 s7  }
0x748: {  	v0 =	vld.idx.msk [tilespmem:v1+s1+$0x0], $0xffff  }
0x749: {  	s3 =	sadd.s32 $0x10, s3  }
0x74a: {  	s8 =	sand.u32 $0x1C00, s6;
	s6 =	sadd.s32 $0x80, s6;
	s7 =	sand.u32 $0x70, s3;
	v1 =	vadd.s32 $0x3C7C, v2  }
0x74b: {  	s3 =	sor.u32 s7, s8  }
0x74c: {  	v2 =	vld [tilespmem:s3+$0x300];
	_ =	sdelay $0x2  }
0x74d: {  	[tilespmem:s24+$0x10B00] =	vst v0  }
0x74e: {  	v0 =	vld.idx.msk [tilespmem:v1+s1+$0x0], $0xffff  }
0x74f: {  	v1 =	vadd.s32 $0x3C7C, v2;
	_ =	sdelay $0x3  }
0x750: {  	[tilespmem:s5+$0x10B00] =	vst v0  }
0x751: {  	v0 =	vld.idx.msk [tilespmem:v1+s1+$0x0], $0xffff;
	_ =	sdelay $0x4  }
0x752: {  	[tilespmem:s3+$0x10B00] =	vst v0  }
0x753: {  	v0 =	vld [tilespmem:s21+$0x380];
	_ =	sdelay $0x4  }
0x754: {  	v0 =	vadd.s32 $0x3C7C, v0  }
0x755: {  	v1 =	vld [tilespmem:s22+$0x380];
	_ =	sdelay $0x3  }
0x756: {  	s3 =	simm.s32 $0x20;
	v0 =	vld.idx.msk [tilespmem:v0+s1+$0x0], $0xffff  }
0x757: {  	s7 =	sand.u32 $0x1C00, s23;
	s5 =	simm.s32 $0x180;
	s6 =	sand.u32 $0x70, s3;
	v1 =	vadd.s32 $0x3C7C, v1  }
.LBB2_177:
0x758: {  	p1 =	sne.s32 s5, $0x1200;
	s6 =	sor.u32 s6, s7  }
0x759: {  	v2 =	vld [tilespmem:s6+$0x380]  }
.Ltmp90:
0x75a: {  	(pc) =	sbr.rel @p1 .LBB2_177-.Ltmp90, $4  }
0x75b: {  	[tilespmem:s21+$0x10B80] =	vst v0;
	s21 =	smov.u32 s22;
	s22 =	smov.u32 s6  }
0x75c: {  	v0 =	vld.idx.msk [tilespmem:v1+s1+$0x0], $0xffff  }
0x75d: {  	s3 =	sadd.s32 $0x10, s3  }
0x75e: {  	s7 =	sand.u32 $0x1C00, s5;
	s5 =	sadd.s32 $0x80, s5;
	s6 =	sand.u32 $0x70, s3;
	v1 =	vadd.s32 $0x3C7C, v2  }
0x75f: {  	s3 =	sor.u32 s6, s7  }
0x760: {  	v2 =	vld [tilespmem:s3+$0x380];
	_ =	sdelay $0x2  }
0x761: {  	[tilespmem:s21+$0x10B80] =	vst v0  }
0x762: {  	v0 =	vld.idx.msk [tilespmem:v1+s1+$0x0], $0xffff  }
0x763: {  	v1 =	vadd.s32 $0x3C7C, v2;
	_ =	sdelay $0x3  }
0x764: {  	[tilespmem:s22+$0x10B80] =	vst v0  }
0x765: {  	v0 =	vld.idx.msk [tilespmem:v1+s1+$0x0], $0xffff;
	_ =	sdelay $0x4  }
0x766: {  	s5 =	rddreg [dreg:$0x10];
	s21 =	simm.s32 $0x0;
	[tilespmem:s3+$0x10B80] =	vst v0  }
0x767: {  	[hbm4b:s5+s21] =	stream.linear.scatter [tilespmem:s15], [sflag:$0x4], $0x1400, $0x38;
	[tilespmem:$0x13000] =	vst v63  }
0x768: {  	_ =	swait.ge [sflag:s16], $0x1400  }
0x769: {  	s22 =	sand.u32 $0x70, s21;
	s3 =	sand.u32 $0x1C00, s21;
	[sflag:s16] =	ssyncset.done $0x0  }
0x76a: {  	s21 =	sor.u32 s22, s3;
	[sflag:s16] =	ssyncadd.s32 $0xFFFFEC00  }
0x76b: {  	v0 =	vld [tilespmem:s21+$0x0];
	_ =	sdelay $0x2  }
0x76c: {  	s23 =	simm.s32 $0x80;
	s24 =	simm.s32 $0x10  }
0x76d: {  	s5 =	sand.u32 $0x70, s24;
	s3 =	sand.u32 $0x1C00, s23  }
0x76e: {  	s22 =	sor.u32 s5, s3;
	v0 =	vadd.s32 $0x4520, v0  }
0x76f: {  	v1 =	vld [tilespmem:s22+$0x0];
	_ =	sdelay $0x2  }
0x770: {  	s23 =	simm.s32 $0x100  }
0x771: {  	s6 =	simm.s32 $0x180;
	s3 =	simm.s32 $0x20;
	s8 =	sand.u32 $0x1C00, s23;
	v0 =	vld.idx.msk [tilespmem:v0+s1+$0x0], $0xffff  }
0x772: {  	s24 =	smov.u32 s21;
	s7 =	sand.u32 $0x70, s3;
	s5 =	smov.u32 s22;
	v1 =	vadd.s32 $0x4520, v1  }
.LBB2_179:
0x773: {  	p1 =	sne.s32 s6, $0x1200;
	s7 =	sor.u32 s7, s8  }
0x774: {  	v2 =	vld [tilespmem:s7+$0x0]  }
.Ltmp91:
0x775: {  	(pc) =	sbr.rel @p1 .LBB2_179-.Ltmp91, $4  }
0x776: {  	[tilespmem:s24+$0x9000] =	vst v0;
	s24 =	smov.u32 s5;
	s5 =	smov.u32 s7  }
0x777: {  	v0 =	vld.idx.msk [tilespmem:v1+s1+$0x0], $0xffff  }
0x778: {  	s3 =	sadd.s32 $0x10, s3  }
0x779: {  	s8 =	sand.u32 $0x1C00, s6;
	s6 =	sadd.s32 $0x80, s6;
	s7 =	sand.u32 $0x70, s3;
	v1 =	vadd.s32 $0x4520, v2  }
0x77a: {  	s3 =	sor.u32 s7, s8  }
0x77b: {  	v2 =	vld [tilespmem:s3+$0x0];
	_ =	sdelay $0x2  }
0x77c: {  	[tilespmem:s24+$0x9000] =	vst v0  }
0x77d: {  	v0 =	vld.idx.msk [tilespmem:v1+s1+$0x0], $0xffff  }
0x77e: {  	v1 =	vadd.s32 $0x4520, v2;
	_ =	sdelay $0x3  }
0x77f: {  	[tilespmem:s5+$0x9000] =	vst v0  }
0x780: {  	v0 =	vld.idx.msk [tilespmem:v1+s1+$0x0], $0xffff;
	_ =	sdelay $0x4  }
0x781: {  	[tilespmem:s3+$0x9000] =	vst v0  }
0x782: {  	v0 =	vld [tilespmem:s21+$0x80];
	_ =	sdelay $0x4  }
0x783: {  	v0 =	vadd.s32 $0x4520, v0  }
0x784: {  	v1 =	vld [tilespmem:s22+$0x80];
	_ =	sdelay $0x3  }
0x785: {  	s3 =	simm.s32 $0x20;
	v0 =	vld.idx.msk [tilespmem:v0+s1+$0x0], $0xffff  }
0x786: {  	s7 =	sand.u32 $0x1C00, s23;
	s5 =	simm.s32 $0x180;
	s6 =	sand.u32 $0x70, s3;
	v1 =	vadd.s32 $0x4520, v1  }
.LBB2_181:
0x787: {  	p1 =	sne.s32 s5, $0x1200;
	s6 =	sor.u32 s6, s7  }
0x788: {  	v2 =	vld [tilespmem:s6+$0x80]  }
.Ltmp92:
0x789: {  	(pc) =	sbr.rel @p1 .LBB2_181-.Ltmp92, $4  }
0x78a: {  	[tilespmem:s21+$0x9080] =	vst v0;
	s21 =	smov.u32 s22;
	s22 =	smov.u32 s6  }
0x78b: {  	v0 =	vld.idx.msk [tilespmem:v1+s1+$0x0], $0xffff  }
0x78c: {  	s3 =	sadd.s32 $0x10, s3  }
0x78d: {  	s7 =	sand.u32 $0x1C00, s5;
	s5 =	sadd.s32 $0x80, s5;
	s6 =	sand.u32 $0x70, s3;
	v1 =	vadd.s32 $0x4520, v2  }
0x78e: {  	s3 =	sor.u32 s6, s7  }
0x78f: {  	v2 =	vld [tilespmem:s3+$0x80];
	_ =	sdelay $0x2  }
0x790: {  	[tilespmem:s21+$0x9080] =	vst v0  }
0x791: {  	v0 =	vld.idx.msk [tilespmem:v1+s1+$0x0], $0xffff  }
0x792: {  	v1 =	vadd.s32 $0x4520, v2;
	_ =	sdelay $0x3  }
0x793: {  	[tilespmem:s22+$0x9080] =	vst v0  }
0x794: {  	v0 =	vld.idx.msk [tilespmem:v1+s1+$0x0], $0xffff;
	_ =	sdelay $0x2  }
0x795: {  	s5 =	simm.s32 $0x0  }
0x796: {  	s22 =	sand.u32 $0x70, s5;
	s5 =	sand.u32 $0x1C00, s5  }
0x797: {  	s21 =	sor.u32 s22, s5;
	[tilespmem:s3+$0x9080] =	vst v0  }
0x798: {  	v0 =	vld [tilespmem:s21+$0x100];
	_ =	sdelay $0x2  }
0x799: {  	s23 =	simm.s32 $0x80;
	s24 =	simm.s32 $0x10  }
0x79a: {  	s5 =	sand.u32 $0x70, s24;
	s3 =	sand.u32 $0x1C00, s23  }
0x79b: {  	s22 =	sor.u32 s5, s3;
	v0 =	vadd.s32 $0x4520, v0  }
0x79c: {  	v1 =	vld [tilespmem:s22+$0x100];
	_ =	sdelay $0x2  }
0x79d: {  	s6 =	simm.s32 $0x180  }
0x79e: {  	s24 =	smov.u32 s21;
	s23 =	simm.s32 $0x100;
	s3 =	simm.s32 $0x20;
	v0 =	vld.idx.msk [tilespmem:v0+s1+$0x0], $0xffff  }
0x79f: {  	s8 =	sand.u32 $0x1C00, s23;
	s7 =	sand.u32 $0x70, s3;
	s5 =	smov.u32 s22;
	v1 =	vadd.s32 $0x4520, v1  }
.LBB2_183:
0x7a0: {  	p1 =	sne.s32 s6, $0x1200;
	s7 =	sor.u32 s7, s8  }
0x7a1: {  	v2 =	vld [tilespmem:s7+$0x100]  }
.Ltmp93:
0x7a2: {  	(pc) =	sbr.rel @p1 .LBB2_183-.Ltmp93, $4  }
0x7a3: {  	[tilespmem:s24+$0x9100] =	vst v0;
	s24 =	smov.u32 s5;
	s5 =	smov.u32 s7  }
0x7a4: {  	v0 =	vld.idx.msk [tilespmem:v1+s1+$0x0], $0xffff  }
0x7a5: {  	s3 =	sadd.s32 $0x10, s3  }
0x7a6: {  	s8 =	sand.u32 $0x1C00, s6;
	s6 =	sadd.s32 $0x80, s6;
	s7 =	sand.u32 $0x70, s3;
	v1 =	vadd.s32 $0x4520, v2  }
0x7a7: {  	s3 =	sor.u32 s7, s8  }
0x7a8: {  	v2 =	vld [tilespmem:s3+$0x100];
	_ =	sdelay $0x2  }
0x7a9: {  	[tilespmem:s24+$0x9100] =	vst v0  }
0x7aa: {  	v0 =	vld.idx.msk [tilespmem:v1+s1+$0x0], $0xffff  }
0x7ab: {  	v1 =	vadd.s32 $0x4520, v2;
	_ =	sdelay $0x3  }
0x7ac: {  	[tilespmem:s5+$0x9100] =	vst v0  }
0x7ad: {  	v0 =	vld.idx.msk [tilespmem:v1+s1+$0x0], $0xffff;
	_ =	sdelay $0x4  }
0x7ae: {  	[tilespmem:s3+$0x9100] =	vst v0  }
0x7af: {  	v0 =	vld [tilespmem:s21+$0x180];
	_ =	sdelay $0x4  }
0x7b0: {  	v0 =	vadd.s32 $0x4520, v0  }
0x7b1: {  	v1 =	vld [tilespmem:s22+$0x180];
	_ =	sdelay $0x3  }
0x7b2: {  	s3 =	simm.s32 $0x20;
	v0 =	vld.idx.msk [tilespmem:v0+s1+$0x0], $0xffff  }
0x7b3: {  	s7 =	sand.u32 $0x1C00, s23;
	s5 =	simm.s32 $0x180;
	s6 =	sand.u32 $0x70, s3;
	v1 =	vadd.s32 $0x4520, v1  }
.LBB2_185:
0x7b4: {  	p1 =	sne.s32 s5, $0x1200;
	s6 =	sor.u32 s6, s7  }
0x7b5: {  	v2 =	vld [tilespmem:s6+$0x180]  }
.Ltmp94:
0x7b6: {  	(pc) =	sbr.rel @p1 .LBB2_185-.Ltmp94, $4  }
0x7b7: {  	[tilespmem:s21+$0x9180] =	vst v0;
	s21 =	smov.u32 s22;
	s22 =	smov.u32 s6  }
0x7b8: {  	v0 =	vld.idx.msk [tilespmem:v1+s1+$0x0], $0xffff  }
0x7b9: {  	s3 =	sadd.s32 $0x10, s3  }
0x7ba: {  	s7 =	sand.u32 $0x1C00, s5;
	s5 =	sadd.s32 $0x80, s5;
	s6 =	sand.u32 $0x70, s3;
	v1 =	vadd.s32 $0x4520, v2  }
0x7bb: {  	s3 =	sor.u32 s6, s7  }
0x7bc: {  	v2 =	vld [tilespmem:s3+$0x180];
	_ =	sdelay $0x2  }
0x7bd: {  	[tilespmem:s21+$0x9180] =	vst v0  }
0x7be: {  	v0 =	vld.idx.msk [tilespmem:v1+s1+$0x0], $0xffff  }
0x7bf: {  	v1 =	vadd.s32 $0x4520, v2;
	_ =	sdelay $0x3  }
0x7c0: {  	[tilespmem:s22+$0x9180] =	vst v0  }
0x7c1: {  	v0 =	vld.idx.msk [tilespmem:v1+s1+$0x0], $0xffff;
	_ =	sdelay $0x2  }
0x7c2: {  	s5 =	simm.s32 $0x0  }
0x7c3: {  	s22 =	sand.u32 $0x70, s5;
	s5 =	sand.u32 $0x1C00, s5  }
0x7c4: {  	s21 =	sor.u32 s22, s5;
	[tilespmem:s3+$0x9180] =	vst v0  }
0x7c5: {  	v0 =	vld [tilespmem:s21+$0x200];
	_ =	sdelay $0x2  }
0x7c6: {  	s23 =	simm.s32 $0x80;
	s24 =	simm.s32 $0x10  }
0x7c7: {  	s5 =	sand.u32 $0x70, s24;
	s3 =	sand.u32 $0x1C00, s23  }
0x7c8: {  	s22 =	sor.u32 s5, s3;
	v0 =	vadd.s32 $0x4520, v0  }
0x7c9: {  	v1 =	vld [tilespmem:s22+$0x200];
	_ =	sdelay $0x2  }
0x7ca: {  	s6 =	simm.s32 $0x180  }
0x7cb: {  	s24 =	smov.u32 s21;
	s23 =	simm.s32 $0x100;
	s3 =	simm.s32 $0x20;
	v0 =	vld.idx.msk [tilespmem:v0+s1+$0x0], $0xffff  }
0x7cc: {  	s8 =	sand.u32 $0x1C00, s23;
	s7 =	sand.u32 $0x70, s3;
	s5 =	smov.u32 s22;
	v1 =	vadd.s32 $0x4520, v1  }
.LBB2_187:
0x7cd: {  	p1 =	sne.s32 s6, $0x1200;
	s7 =	sor.u32 s7, s8  }
0x7ce: {  	v2 =	vld [tilespmem:s7+$0x200]  }
.Ltmp95:
0x7cf: {  	(pc) =	sbr.rel @p1 .LBB2_187-.Ltmp95, $4  }
0x7d0: {  	[tilespmem:s24+$0x9200] =	vst v0;
	s24 =	smov.u32 s5;
	s5 =	smov.u32 s7  }
0x7d1: {  	v0 =	vld.idx.msk [tilespmem:v1+s1+$0x0], $0xffff  }
0x7d2: {  	s3 =	sadd.s32 $0x10, s3  }
0x7d3: {  	s8 =	sand.u32 $0x1C00, s6;
	s6 =	sadd.s32 $0x80, s6;
	s7 =	sand.u32 $0x70, s3;
	v1 =	vadd.s32 $0x4520, v2  }
0x7d4: {  	s3 =	sor.u32 s7, s8  }
0x7d5: {  	v2 =	vld [tilespmem:s3+$0x200];
	_ =	sdelay $0x2  }
0x7d6: {  	[tilespmem:s24+$0x9200] =	vst v0  }
0x7d7: {  	v0 =	vld.idx.msk [tilespmem:v1+s1+$0x0], $0xffff  }
0x7d8: {  	v1 =	vadd.s32 $0x4520, v2;
	_ =	sdelay $0x3  }
0x7d9: {  	[tilespmem:s5+$0x9200] =	vst v0  }
0x7da: {  	v0 =	vld.idx.msk [tilespmem:v1+s1+$0x0], $0xffff;
	_ =	sdelay $0x4  }
0x7db: {  	[tilespmem:s3+$0x9200] =	vst v0  }
0x7dc: {  	v0 =	vld [tilespmem:s21+$0x280];
	_ =	sdelay $0x4  }
0x7dd: {  	v0 =	vadd.s32 $0x4520, v0  }
0x7de: {  	v1 =	vld [tilespmem:s22+$0x280];
	_ =	sdelay $0x3  }
0x7df: {  	s3 =	simm.s32 $0x20;
	v0 =	vld.idx.msk [tilespmem:v0+s1+$0x0], $0xffff  }
0x7e0: {  	s7 =	sand.u32 $0x1C00, s23;
	s5 =	simm.s32 $0x180;
	s6 =	sand.u32 $0x70, s3;
	v1 =	vadd.s32 $0x4520, v1  }
.LBB2_189:
0x7e1: {  	p1 =	sne.s32 s5, $0x1200;
	s6 =	sor.u32 s6, s7  }
0x7e2: {  	v2 =	vld [tilespmem:s6+$0x280]  }
.Ltmp96:
0x7e3: {  	(pc) =	sbr.rel @p1 .LBB2_189-.Ltmp96, $4  }
0x7e4: {  	[tilespmem:s21+$0x9280] =	vst v0;
	s21 =	smov.u32 s22;
	s22 =	smov.u32 s6  }
0x7e5: {  	v0 =	vld.idx.msk [tilespmem:v1+s1+$0x0], $0xffff  }
0x7e6: {  	s3 =	sadd.s32 $0x10, s3  }
0x7e7: {  	s7 =	sand.u32 $0x1C00, s5;
	s5 =	sadd.s32 $0x80, s5;
	s6 =	sand.u32 $0x70, s3;
	v1 =	vadd.s32 $0x4520, v2  }
0x7e8: {  	s3 =	sor.u32 s6, s7  }
0x7e9: {  	v2 =	vld [tilespmem:s3+$0x280];
	_ =	sdelay $0x2  }
0x7ea: {  	[tilespmem:s21+$0x9280] =	vst v0  }
0x7eb: {  	v0 =	vld.idx.msk [tilespmem:v1+s1+$0x0], $0xffff  }
0x7ec: {  	v1 =	vadd.s32 $0x4520, v2;
	_ =	sdelay $0x3  }
0x7ed: {  	[tilespmem:s22+$0x9280] =	vst v0  }
0x7ee: {  	v0 =	vld.idx.msk [tilespmem:v1+s1+$0x0], $0xffff;
	_ =	sdelay $0x2  }
0x7ef: {  	s5 =	simm.s32 $0x0  }
0x7f0: {  	s22 =	sand.u32 $0x70, s5;
	s5 =	sand.u32 $0x1C00, s5  }
0x7f1: {  	s21 =	sor.u32 s22, s5;
	[tilespmem:s3+$0x9280] =	vst v0  }
0x7f2: {  	v0 =	vld [tilespmem:s21+$0x300];
	_ =	sdelay $0x2  }
0x7f3: {  	s23 =	simm.s32 $0x80;
	s24 =	simm.s32 $0x10  }
0x7f4: {  	s5 =	sand.u32 $0x70, s24;
	s3 =	sand.u32 $0x1C00, s23  }
0x7f5: {  	s22 =	sor.u32 s5, s3;
	v0 =	vadd.s32 $0x4520, v0  }
0x7f6: {  	v1 =	vld [tilespmem:s22+$0x300];
	_ =	sdelay $0x2  }
0x7f7: {  	s6 =	simm.s32 $0x180  }
0x7f8: {  	s24 =	smov.u32 s21;
	s23 =	simm.s32 $0x100;
	s3 =	simm.s32 $0x20;
	v0 =	vld.idx.msk [tilespmem:v0+s1+$0x0], $0xffff  }
0x7f9: {  	s8 =	sand.u32 $0x1C00, s23;
	s7 =	sand.u32 $0x70, s3;
	s5 =	smov.u32 s22;
	v1 =	vadd.s32 $0x4520, v1  }
.LBB2_191:
0x7fa: {  	p1 =	sne.s32 s6, $0x1200;
	s7 =	sor.u32 s7, s8  }
0x7fb: {  	v2 =	vld [tilespmem:s7+$0x300]  }
.Ltmp97:
0x7fc: {  	(pc) =	sbr.rel @p1 .LBB2_191-.Ltmp97, $4  }
0x7fd: {  	[tilespmem:s24+$0x9300] =	vst v0;
	s24 =	smov.u32 s5;
	s5 =	smov.u32 s7  }
0x7fe: {  	v0 =	vld.idx.msk [tilespmem:v1+s1+$0x0], $0xffff  }
0x7ff: {  	s3 =	sadd.s32 $0x10, s3  }
0x800: {  	s8 =	sand.u32 $0x1C00, s6;
	s6 =	sadd.s32 $0x80, s6;
	s7 =	sand.u32 $0x70, s3;
	v1 =	vadd.s32 $0x4520, v2  }
0x801: {  	s3 =	sor.u32 s7, s8  }
0x802: {  	v2 =	vld [tilespmem:s3+$0x300];
	_ =	sdelay $0x2  }
0x803: {  	[tilespmem:s24+$0x9300] =	vst v0  }
0x804: {  	v0 =	vld.idx.msk [tilespmem:v1+s1+$0x0], $0xffff  }
0x805: {  	v1 =	vadd.s32 $0x4520, v2;
	_ =	sdelay $0x3  }
0x806: {  	[tilespmem:s5+$0x9300] =	vst v0  }
0x807: {  	v0 =	vld.idx.msk [tilespmem:v1+s1+$0x0], $0xffff;
	_ =	sdelay $0x4  }
0x808: {  	[tilespmem:s3+$0x9300] =	vst v0  }
0x809: {  	v0 =	vld [tilespmem:s21+$0x380];
	_ =	sdelay $0x4  }
0x80a: {  	v0 =	vadd.s32 $0x4520, v0  }
0x80b: {  	v1 =	vld [tilespmem:s22+$0x380];
	_ =	sdelay $0x3  }
0x80c: {  	s3 =	simm.s32 $0x20;
	v0 =	vld.idx.msk [tilespmem:v0+s1+$0x0], $0xffff  }
0x80d: {  	s7 =	sand.u32 $0x1C00, s23;
	s5 =	simm.s32 $0x180;
	s6 =	sand.u32 $0x70, s3;
	v1 =	vadd.s32 $0x4520, v1  }
.LBB2_193:
0x80e: {  	p1 =	sne.s32 s5, $0x1200;
	s6 =	sor.u32 s6, s7  }
0x80f: {  	v2 =	vld [tilespmem:s6+$0x380]  }
.Ltmp98:
0x810: {  	(pc) =	sbr.rel @p1 .LBB2_193-.Ltmp98, $4  }
0x811: {  	[tilespmem:s21+$0x9380] =	vst v0;
	s21 =	smov.u32 s22;
	s22 =	smov.u32 s6  }
0x812: {  	v0 =	vld.idx.msk [tilespmem:v1+s1+$0x0], $0xffff  }
0x813: {  	s3 =	sadd.s32 $0x10, s3  }
0x814: {  	s7 =	sand.u32 $0x1C00, s5;
	s5 =	sadd.s32 $0x80, s5;
	s6 =	sand.u32 $0x70, s3;
	v1 =	vadd.s32 $0x4520, v2  }
0x815: {  	s3 =	sor.u32 s6, s7  }
0x816: {  	v2 =	vld [tilespmem:s3+$0x380];
	_ =	sdelay $0x2  }
0x817: {  	[tilespmem:s21+$0x9380] =	vst v0  }
0x818: {  	v0 =	vld.idx.msk [tilespmem:v1+s1+$0x0], $0xffff  }
0x819: {  	v1 =	vadd.s32 $0x4520, v2;
	_ =	sdelay $0x3  }
0x81a: {  	[tilespmem:s22+$0x9380] =	vst v0  }
0x81b: {  	v0 =	vld.idx.msk [tilespmem:v1+s1+$0x0], $0xffff;
	_ =	sdelay $0x4  }
0x81c: {  	s5 =	rddreg [dreg:$0x11];
	s21 =	simm.s32 $0x0;
	[tilespmem:s3+$0x9380] =	vst v0  }
0x81d: {  	[hbm4b:s5+s21] =	stream.linear.scatter [tilespmem:s12], [sflag:$0x1], $0x1400, $0x38;
	[tilespmem:$0x13000] =	vst v63  }
0x81e: {  	_ =	swait.ge [sflag:s17], $0x1400  }
0x81f: {  	s22 =	sand.u32 $0x70, s21;
	s3 =	sand.u32 $0x1C00, s21;
	[sflag:s17] =	ssyncset.done $0x0  }
0x820: {  	s21 =	sor.u32 s22, s3;
	[sflag:s17] =	ssyncadd.s32 $0xFFFFEC00  }
0x821: {  	v0 =	vld [tilespmem:s21+$0x0];
	_ =	sdelay $0x2  }
0x822: {  	s23 =	simm.s32 $0x80;
	s24 =	simm.s32 $0x10  }
0x823: {  	s5 =	sand.u32 $0x70, s24;
	s3 =	sand.u32 $0x1C00, s23  }
0x824: {  	s22 =	sor.u32 s5, s3;
	v0 =	vadd.s32 $0x4DC4, v0  }
0x825: {  	v1 =	vld [tilespmem:s22+$0x0];
	_ =	sdelay $0x2  }
0x826: {  	s23 =	simm.s32 $0x100  }
0x827: {  	s6 =	simm.s32 $0x180;
	s3 =	simm.s32 $0x20;
	s8 =	sand.u32 $0x1C00, s23;
	v0 =	vld.idx.msk [tilespmem:v0+s1+$0x0], $0xffff  }
0x828: {  	s24 =	smov.u32 s21;
	s7 =	sand.u32 $0x70, s3;
	s5 =	smov.u32 s22;
	v1 =	vadd.s32 $0x4DC4, v1  }
.LBB2_195:
0x829: {  	p1 =	sne.s32 s6, $0x1200;
	s7 =	sor.u32 s7, s8  }
0x82a: {  	v2 =	vld [tilespmem:s7+$0x0]  }
.Ltmp99:
0x82b: {  	(pc) =	sbr.rel @p1 .LBB2_195-.Ltmp99, $4  }
0x82c: {  	[tilespmem:s24+$0xB800] =	vst v0;
	s24 =	smov.u32 s5;
	s5 =	smov.u32 s7  }
0x82d: {  	v0 =	vld.idx.msk [tilespmem:v1+s1+$0x0], $0xffff  }
0x82e: {  	s3 =	sadd.s32 $0x10, s3  }
0x82f: {  	s8 =	sand.u32 $0x1C00, s6;
	s6 =	sadd.s32 $0x80, s6;
	s7 =	sand.u32 $0x70, s3;
	v1 =	vadd.s32 $0x4DC4, v2  }
0x830: {  	s3 =	sor.u32 s7, s8  }
0x831: {  	v2 =	vld [tilespmem:s3+$0x0];
	_ =	sdelay $0x2  }
0x832: {  	[tilespmem:s24+$0xB800] =	vst v0  }
0x833: {  	v0 =	vld.idx.msk [tilespmem:v1+s1+$0x0], $0xffff  }
0x834: {  	v1 =	vadd.s32 $0x4DC4, v2;
	_ =	sdelay $0x3  }
0x835: {  	[tilespmem:s5+$0xB800] =	vst v0  }
0x836: {  	v0 =	vld.idx.msk [tilespmem:v1+s1+$0x0], $0xffff;
	_ =	sdelay $0x4  }
0x837: {  	[tilespmem:s3+$0xB800] =	vst v0  }
0x838: {  	v0 =	vld [tilespmem:s21+$0x80];
	_ =	sdelay $0x4  }
0x839: {  	v0 =	vadd.s32 $0x4DC4, v0  }
0x83a: {  	v1 =	vld [tilespmem:s22+$0x80];
	_ =	sdelay $0x3  }
0x83b: {  	s3 =	simm.s32 $0x20;
	v0 =	vld.idx.msk [tilespmem:v0+s1+$0x0], $0xffff  }
0x83c: {  	s7 =	sand.u32 $0x1C00, s23;
	s5 =	simm.s32 $0x180;
	s6 =	sand.u32 $0x70, s3;
	v1 =	vadd.s32 $0x4DC4, v1  }
.LBB2_197:
0x83d: {  	p1 =	sne.s32 s5, $0x1200;
	s6 =	sor.u32 s6, s7  }
0x83e: {  	v2 =	vld [tilespmem:s6+$0x80]  }
.Ltmp100:
0x83f: {  	(pc) =	sbr.rel @p1 .LBB2_197-.Ltmp100, $4  }
0x840: {  	[tilespmem:s21+$0xB880] =	vst v0;
	s21 =	smov.u32 s22;
	s22 =	smov.u32 s6  }
0x841: {  	v0 =	vld.idx.msk [tilespmem:v1+s1+$0x0], $0xffff  }
0x842: {  	s3 =	sadd.s32 $0x10, s3  }
0x843: {  	s7 =	sand.u32 $0x1C00, s5;
	s5 =	sadd.s32 $0x80, s5;
	s6 =	sand.u32 $0x70, s3;
	v1 =	vadd.s32 $0x4DC4, v2  }
0x844: {  	s3 =	sor.u32 s6, s7  }
0x845: {  	v2 =	vld [tilespmem:s3+$0x80];
	_ =	sdelay $0x2  }
0x846: {  	[tilespmem:s21+$0xB880] =	vst v0  }
0x847: {  	v0 =	vld.idx.msk [tilespmem:v1+s1+$0x0], $0xffff  }
0x848: {  	v1 =	vadd.s32 $0x4DC4, v2;
	_ =	sdelay $0x3  }
0x849: {  	[tilespmem:s22+$0xB880] =	vst v0  }
0x84a: {  	v0 =	vld.idx.msk [tilespmem:v1+s1+$0x0], $0xffff;
	_ =	sdelay $0x2  }
0x84b: {  	s5 =	simm.s32 $0x0  }
0x84c: {  	s22 =	sand.u32 $0x70, s5;
	s5 =	sand.u32 $0x1C00, s5  }
0x84d: {  	s21 =	sor.u32 s22, s5;
	[tilespmem:s3+$0xB880] =	vst v0  }
0x84e: {  	v0 =	vld [tilespmem:s21+$0x100];
	_ =	sdelay $0x2  }
0x84f: {  	s23 =	simm.s32 $0x80;
	s24 =	simm.s32 $0x10  }
0x850: {  	s5 =	sand.u32 $0x70, s24;
	s3 =	sand.u32 $0x1C00, s23  }
0x851: {  	s22 =	sor.u32 s5, s3;
	v0 =	vadd.s32 $0x4DC4, v0  }
0x852: {  	v1 =	vld [tilespmem:s22+$0x100];
	_ =	sdelay $0x2  }
0x853: {  	s6 =	simm.s32 $0x180  }
0x854: {  	s24 =	smov.u32 s21;
	s23 =	simm.s32 $0x100;
	s3 =	simm.s32 $0x20;
	v0 =	vld.idx.msk [tilespmem:v0+s1+$0x0], $0xffff  }
0x855: {  	s8 =	sand.u32 $0x1C00, s23;
	s7 =	sand.u32 $0x70, s3;
	s5 =	smov.u32 s22;
	v1 =	vadd.s32 $0x4DC4, v1  }
.LBB2_199:
0x856: {  	p1 =	sne.s32 s6, $0x1200;
	s7 =	sor.u32 s7, s8  }
0x857: {  	v2 =	vld [tilespmem:s7+$0x100]  }
.Ltmp101:
0x858: {  	(pc) =	sbr.rel @p1 .LBB2_199-.Ltmp101, $4  }
0x859: {  	[tilespmem:s24+$0xB900] =	vst v0;
	s24 =	smov.u32 s5;
	s5 =	smov.u32 s7  }
0x85a: {  	v0 =	vld.idx.msk [tilespmem:v1+s1+$0x0], $0xffff  }
0x85b: {  	s3 =	sadd.s32 $0x10, s3  }
0x85c: {  	s8 =	sand.u32 $0x1C00, s6;
	s6 =	sadd.s32 $0x80, s6;
	s7 =	sand.u32 $0x70, s3;
	v1 =	vadd.s32 $0x4DC4, v2  }
0x85d: {  	s3 =	sor.u32 s7, s8  }
0x85e: {  	v2 =	vld [tilespmem:s3+$0x100];
	_ =	sdelay $0x2  }
0x85f: {  	[tilespmem:s24+$0xB900] =	vst v0  }
0x860: {  	v0 =	vld.idx.msk [tilespmem:v1+s1+$0x0], $0xffff  }
0x861: {  	v1 =	vadd.s32 $0x4DC4, v2;
	_ =	sdelay $0x3  }
0x862: {  	[tilespmem:s5+$0xB900] =	vst v0  }
0x863: {  	v0 =	vld.idx.msk [tilespmem:v1+s1+$0x0], $0xffff;
	_ =	sdelay $0x4  }
0x864: {  	[tilespmem:s3+$0xB900] =	vst v0  }
0x865: {  	v0 =	vld [tilespmem:s21+$0x180];
	_ =	sdelay $0x4  }
0x866: {  	v0 =	vadd.s32 $0x4DC4, v0  }
0x867: {  	v1 =	vld [tilespmem:s22+$0x180];
	_ =	sdelay $0x3  }
0x868: {  	s3 =	simm.s32 $0x20;
	v0 =	vld.idx.msk [tilespmem:v0+s1+$0x0], $0xffff  }
0x869: {  	s7 =	sand.u32 $0x1C00, s23;
	s5 =	simm.s32 $0x180;
	s6 =	sand.u32 $0x70, s3;
	v1 =	vadd.s32 $0x4DC4, v1  }
.LBB2_201:
0x86a: {  	p1 =	sne.s32 s5, $0x1200;
	s6 =	sor.u32 s6, s7  }
0x86b: {  	v2 =	vld [tilespmem:s6+$0x180]  }
.Ltmp102:
0x86c: {  	(pc) =	sbr.rel @p1 .LBB2_201-.Ltmp102, $4  }
0x86d: {  	[tilespmem:s21+$0xB980] =	vst v0;
	s21 =	smov.u32 s22;
	s22 =	smov.u32 s6  }
0x86e: {  	v0 =	vld.idx.msk [tilespmem:v1+s1+$0x0], $0xffff  }
0x86f: {  	s3 =	sadd.s32 $0x10, s3  }
0x870: {  	s7 =	sand.u32 $0x1C00, s5;
	s5 =	sadd.s32 $0x80, s5;
	s6 =	sand.u32 $0x70, s3;
	v1 =	vadd.s32 $0x4DC4, v2  }
0x871: {  	s3 =	sor.u32 s6, s7  }
0x872: {  	v2 =	vld [tilespmem:s3+$0x180];
	_ =	sdelay $0x2  }
0x873: {  	[tilespmem:s21+$0xB980] =	vst v0  }
0x874: {  	v0 =	vld.idx.msk [tilespmem:v1+s1+$0x0], $0xffff  }
0x875: {  	v1 =	vadd.s32 $0x4DC4, v2;
	_ =	sdelay $0x3  }
0x876: {  	[tilespmem:s22+$0xB980] =	vst v0  }
0x877: {  	v0 =	vld.idx.msk [tilespmem:v1+s1+$0x0], $0xffff;
	_ =	sdelay $0x2  }
0x878: {  	s5 =	simm.s32 $0x0  }
0x879: {  	s22 =	sand.u32 $0x70, s5;
	s5 =	sand.u32 $0x1C00, s5  }
0x87a: {  	s21 =	sor.u32 s22, s5;
	[tilespmem:s3+$0xB980] =	vst v0  }
0x87b: {  	v0 =	vld [tilespmem:s21+$0x200];
	_ =	sdelay $0x2  }
0x87c: {  	s23 =	simm.s32 $0x80;
	s24 =	simm.s32 $0x10  }
0x87d: {  	s5 =	sand.u32 $0x70, s24;
	s3 =	sand.u32 $0x1C00, s23  }
0x87e: {  	s22 =	sor.u32 s5, s3;
	v0 =	vadd.s32 $0x4DC4, v0  }
0x87f: {  	v1 =	vld [tilespmem:s22+$0x200];
	_ =	sdelay $0x2  }
0x880: {  	s6 =	simm.s32 $0x180  }
0x881: {  	s24 =	smov.u32 s21;
	s23 =	simm.s32 $0x100;
	s3 =	simm.s32 $0x20;
	v0 =	vld.idx.msk [tilespmem:v0+s1+$0x0], $0xffff  }
0x882: {  	s8 =	sand.u32 $0x1C00, s23;
	s7 =	sand.u32 $0x70, s3;
	s5 =	smov.u32 s22;
	v1 =	vadd.s32 $0x4DC4, v1  }
.LBB2_203:
0x883: {  	p1 =	sne.s32 s6, $0x1200;
	s7 =	sor.u32 s7, s8  }
0x884: {  	v2 =	vld [tilespmem:s7+$0x200]  }
.Ltmp103:
0x885: {  	(pc) =	sbr.rel @p1 .LBB2_203-.Ltmp103, $4  }
0x886: {  	[tilespmem:s24+$0xBA00] =	vst v0;
	s24 =	smov.u32 s5;
	s5 =	smov.u32 s7  }
0x887: {  	v0 =	vld.idx.msk [tilespmem:v1+s1+$0x0], $0xffff  }
0x888: {  	s3 =	sadd.s32 $0x10, s3  }
0x889: {  	s8 =	sand.u32 $0x1C00, s6;
	s6 =	sadd.s32 $0x80, s6;
	s7 =	sand.u32 $0x70, s3;
	v1 =	vadd.s32 $0x4DC4, v2  }
0x88a: {  	s3 =	sor.u32 s7, s8  }
0x88b: {  	v2 =	vld [tilespmem:s3+$0x200];
	_ =	sdelay $0x2  }
0x88c: {  	[tilespmem:s24+$0xBA00] =	vst v0  }
0x88d: {  	v0 =	vld.idx.msk [tilespmem:v1+s1+$0x0], $0xffff  }
0x88e: {  	v1 =	vadd.s32 $0x4DC4, v2;
	_ =	sdelay $0x3  }
0x88f: {  	[tilespmem:s5+$0xBA00] =	vst v0  }
0x890: {  	v0 =	vld.idx.msk [tilespmem:v1+s1+$0x0], $0xffff;
	_ =	sdelay $0x4  }
0x891: {  	[tilespmem:s3+$0xBA00] =	vst v0  }
0x892: {  	v0 =	vld [tilespmem:s21+$0x280];
	_ =	sdelay $0x4  }
0x893: {  	v0 =	vadd.s32 $0x4DC4, v0  }
0x894: {  	v1 =	vld [tilespmem:s22+$0x280];
	_ =	sdelay $0x3  }
0x895: {  	s3 =	simm.s32 $0x20;
	v0 =	vld.idx.msk [tilespmem:v0+s1+$0x0], $0xffff  }
0x896: {  	s7 =	sand.u32 $0x1C00, s23;
	s5 =	simm.s32 $0x180;
	s6 =	sand.u32 $0x70, s3;
	v1 =	vadd.s32 $0x4DC4, v1  }
.LBB2_205:
0x897: {  	p1 =	sne.s32 s5, $0x1200;
	s6 =	sor.u32 s6, s7  }
0x898: {  	v2 =	vld [tilespmem:s6+$0x280]  }
.Ltmp104:
0x899: {  	(pc) =	sbr.rel @p1 .LBB2_205-.Ltmp104, $4  }
0x89a: {  	[tilespmem:s21+$0xBA80] =	vst v0;
	s21 =	smov.u32 s22;
	s22 =	smov.u32 s6  }
0x89b: {  	v0 =	vld.idx.msk [tilespmem:v1+s1+$0x0], $0xffff  }
0x89c: {  	s3 =	sadd.s32 $0x10, s3  }
0x89d: {  	s7 =	sand.u32 $0x1C00, s5;
	s5 =	sadd.s32 $0x80, s5;
	s6 =	sand.u32 $0x70, s3;
	v1 =	vadd.s32 $0x4DC4, v2  }
0x89e: {  	s3 =	sor.u32 s6, s7  }
0x89f: {  	v2 =	vld [tilespmem:s3+$0x280];
	_ =	sdelay $0x2  }
0x8a0: {  	[tilespmem:s21+$0xBA80] =	vst v0  }
0x8a1: {  	v0 =	vld.idx.msk [tilespmem:v1+s1+$0x0], $0xffff  }
0x8a2: {  	v1 =	vadd.s32 $0x4DC4, v2;
	_ =	sdelay $0x3  }
0x8a3: {  	[tilespmem:s22+$0xBA80] =	vst v0  }
0x8a4: {  	v0 =	vld.idx.msk [tilespmem:v1+s1+$0x0], $0xffff;
	_ =	sdelay $0x2  }
0x8a5: {  	s5 =	simm.s32 $0x0  }
0x8a6: {  	s22 =	sand.u32 $0x70, s5;
	s5 =	sand.u32 $0x1C00, s5  }
0x8a7: {  	s21 =	sor.u32 s22, s5;
	[tilespmem:s3+$0xBA80] =	vst v0  }
0x8a8: {  	v0 =	vld [tilespmem:s21+$0x300];
	_ =	sdelay $0x2  }
0x8a9: {  	s23 =	simm.s32 $0x80;
	s24 =	simm.s32 $0x10  }
0x8aa: {  	s5 =	sand.u32 $0x70, s24;
	s3 =	sand.u32 $0x1C00, s23  }
0x8ab: {  	s22 =	sor.u32 s5, s3;
	v0 =	vadd.s32 $0x4DC4, v0  }
0x8ac: {  	v1 =	vld [tilespmem:s22+$0x300];
	_ =	sdelay $0x2  }
0x8ad: {  	s6 =	simm.s32 $0x180  }
0x8ae: {  	s24 =	smov.u32 s21;
	s23 =	simm.s32 $0x100;
	s3 =	simm.s32 $0x20;
	v0 =	vld.idx.msk [tilespmem:v0+s1+$0x0], $0xffff  }
0x8af: {  	s8 =	sand.u32 $0x1C00, s23;
	s7 =	sand.u32 $0x70, s3;
	s5 =	smov.u32 s22;
	v1 =	vadd.s32 $0x4DC4, v1  }
.LBB2_207:
0x8b0: {  	p1 =	sne.s32 s6, $0x1200;
	s7 =	sor.u32 s7, s8  }
0x8b1: {  	v2 =	vld [tilespmem:s7+$0x300]  }
.Ltmp105:
0x8b2: {  	(pc) =	sbr.rel @p1 .LBB2_207-.Ltmp105, $4  }
0x8b3: {  	[tilespmem:s24+$0xBB00] =	vst v0;
	s24 =	smov.u32 s5;
	s5 =	smov.u32 s7  }
0x8b4: {  	v0 =	vld.idx.msk [tilespmem:v1+s1+$0x0], $0xffff  }
0x8b5: {  	s3 =	sadd.s32 $0x10, s3  }
0x8b6: {  	s8 =	sand.u32 $0x1C00, s6;
	s6 =	sadd.s32 $0x80, s6;
	s7 =	sand.u32 $0x70, s3;
	v1 =	vadd.s32 $0x4DC4, v2  }
0x8b7: {  	s3 =	sor.u32 s7, s8  }
0x8b8: {  	v2 =	vld [tilespmem:s3+$0x300];
	_ =	sdelay $0x2  }
0x8b9: {  	[tilespmem:s24+$0xBB00] =	vst v0  }
0x8ba: {  	v0 =	vld.idx.msk [tilespmem:v1+s1+$0x0], $0xffff  }
0x8bb: {  	v1 =	vadd.s32 $0x4DC4, v2;
	_ =	sdelay $0x3  }
0x8bc: {  	[tilespmem:s5+$0xBB00] =	vst v0  }
0x8bd: {  	v0 =	vld.idx.msk [tilespmem:v1+s1+$0x0], $0xffff;
	_ =	sdelay $0x4  }
0x8be: {  	[tilespmem:s3+$0xBB00] =	vst v0  }
0x8bf: {  	v0 =	vld [tilespmem:s21+$0x380];
	_ =	sdelay $0x4  }
0x8c0: {  	v0 =	vadd.s32 $0x4DC4, v0  }
0x8c1: {  	v1 =	vld [tilespmem:s22+$0x380];
	_ =	sdelay $0x3  }
0x8c2: {  	s3 =	simm.s32 $0x20;
	v0 =	vld.idx.msk [tilespmem:v0+s1+$0x0], $0xffff  }
0x8c3: {  	s7 =	sand.u32 $0x1C00, s23;
	s5 =	simm.s32 $0x180;
	s6 =	sand.u32 $0x70, s3;
	v1 =	vadd.s32 $0x4DC4, v1  }
.LBB2_209:
0x8c4: {  	p1 =	sne.s32 s5, $0x1200;
	s6 =	sor.u32 s6, s7  }
0x8c5: {  	v2 =	vld [tilespmem:s6+$0x380]  }
.Ltmp106:
0x8c6: {  	(pc) =	sbr.rel @p1 .LBB2_209-.Ltmp106, $4  }
0x8c7: {  	[tilespmem:s21+$0xBB80] =	vst v0;
	s21 =	smov.u32 s22;
	s22 =	smov.u32 s6  }
0x8c8: {  	v0 =	vld.idx.msk [tilespmem:v1+s1+$0x0], $0xffff  }
0x8c9: {  	s3 =	sadd.s32 $0x10, s3  }
0x8ca: {  	s7 =	sand.u32 $0x1C00, s5;
	s5 =	sadd.s32 $0x80, s5;
	s6 =	sand.u32 $0x70, s3;
	v1 =	vadd.s32 $0x4DC4, v2  }
0x8cb: {  	s3 =	sor.u32 s6, s7  }
0x8cc: {  	v2 =	vld [tilespmem:s3+$0x380];
	_ =	sdelay $0x2  }
0x8cd: {  	[tilespmem:s21+$0xBB80] =	vst v0  }
0x8ce: {  	v0 =	vld.idx.msk [tilespmem:v1+s1+$0x0], $0xffff  }
0x8cf: {  	v1 =	vadd.s32 $0x4DC4, v2;
	_ =	sdelay $0x3  }
0x8d0: {  	[tilespmem:s22+$0xBB80] =	vst v0  }
0x8d1: {  	v0 =	vld.idx.msk [tilespmem:v1+s1+$0x0], $0xffff;
	_ =	sdelay $0x4  }
0x8d2: {  	s5 =	rddreg [dreg:$0x12];
	s21 =	simm.s32 $0x0;
	[tilespmem:s3+$0xBB80] =	vst v0  }
0x8d3: {  	[hbm4b:s5+s21] =	stream.linear.scatter [tilespmem:s13], [sflag:$0x2], $0x1400, $0x38;
	[tilespmem:$0x13000] =	vst v63  }
0x8d4: {  	_ =	swait.ge [sflag:s18], $0x1400  }
0x8d5: {  	s22 =	sand.u32 $0x70, s21;
	s3 =	sand.u32 $0x1C00, s21;
	[sflag:s18] =	ssyncset.done $0x0  }
0x8d6: {  	s21 =	sor.u32 s22, s3;
	[sflag:s18] =	ssyncadd.s32 $0xFFFFEC00  }
0x8d7: {  	v0 =	vld [tilespmem:s21+$0x0];
	_ =	sdelay $0x2  }
0x8d8: {  	s23 =	simm.s32 $0x80;
	s24 =	simm.s32 $0x10  }
0x8d9: {  	s5 =	sand.u32 $0x70, s24;
	s3 =	sand.u32 $0x1C00, s23  }
0x8da: {  	s22 =	sor.u32 s5, s3;
	v0 =	vadd.s32 $0x5668, v0  }
0x8db: {  	v1 =	vld [tilespmem:s22+$0x0];
	_ =	sdelay $0x2  }
0x8dc: {  	s23 =	simm.s32 $0x100  }
0x8dd: {  	s6 =	simm.s32 $0x180;
	s3 =	simm.s32 $0x20;
	s8 =	sand.u32 $0x1C00, s23;
	v0 =	vld.idx.msk [tilespmem:v0+s1+$0x0], $0xffff  }
0x8de: {  	s24 =	smov.u32 s21;
	s7 =	sand.u32 $0x70, s3;
	s5 =	smov.u32 s22;
	v1 =	vadd.s32 $0x5668, v1  }
.LBB2_211:
0x8df: {  	p1 =	sne.s32 s6, $0x1200;
	s7 =	sor.u32 s7, s8  }
0x8e0: {  	v2 =	vld [tilespmem:s7+$0x0]  }
.Ltmp107:
0x8e1: {  	(pc) =	sbr.rel @p1 .LBB2_211-.Ltmp107, $4  }
0x8e2: {  	[tilespmem:s24+$0xE000] =	vst v0;
	s24 =	smov.u32 s5;
	s5 =	smov.u32 s7  }
0x8e3: {  	v0 =	vld.idx.msk [tilespmem:v1+s1+$0x0], $0xffff  }
0x8e4: {  	s3 =	sadd.s32 $0x10, s3  }
0x8e5: {  	s8 =	sand.u32 $0x1C00, s6;
	s6 =	sadd.s32 $0x80, s6;
	s7 =	sand.u32 $0x70, s3;
	v1 =	vadd.s32 $0x5668, v2  }
0x8e6: {  	s3 =	sor.u32 s7, s8  }
0x8e7: {  	v2 =	vld [tilespmem:s3+$0x0];
	_ =	sdelay $0x2  }
0x8e8: {  	[tilespmem:s24+$0xE000] =	vst v0  }
0x8e9: {  	v0 =	vld.idx.msk [tilespmem:v1+s1+$0x0], $0xffff  }
0x8ea: {  	v1 =	vadd.s32 $0x5668, v2;
	_ =	sdelay $0x3  }
0x8eb: {  	[tilespmem:s5+$0xE000] =	vst v0  }
0x8ec: {  	v0 =	vld.idx.msk [tilespmem:v1+s1+$0x0], $0xffff;
	_ =	sdelay $0x4  }
0x8ed: {  	[tilespmem:s3+$0xE000] =	vst v0  }
0x8ee: {  	v0 =	vld [tilespmem:s21+$0x80];
	_ =	sdelay $0x4  }
0x8ef: {  	v0 =	vadd.s32 $0x5668, v0  }
0x8f0: {  	v1 =	vld [tilespmem:s22+$0x80];
	_ =	sdelay $0x3  }
0x8f1: {  	s3 =	simm.s32 $0x20;
	v0 =	vld.idx.msk [tilespmem:v0+s1+$0x0], $0xffff  }
0x8f2: {  	s7 =	sand.u32 $0x1C00, s23;
	s5 =	simm.s32 $0x180;
	s6 =	sand.u32 $0x70, s3;
	v1 =	vadd.s32 $0x5668, v1  }
.LBB2_213:
0x8f3: {  	p1 =	sne.s32 s5, $0x1200;
	s6 =	sor.u32 s6, s7  }
0x8f4: {  	v2 =	vld [tilespmem:s6+$0x80]  }
.Ltmp108:
0x8f5: {  	(pc) =	sbr.rel @p1 .LBB2_213-.Ltmp108, $4  }
0x8f6: {  	[tilespmem:s21+$0xE080] =	vst v0;
	s21 =	smov.u32 s22;
	s22 =	smov.u32 s6  }
0x8f7: {  	v0 =	vld.idx.msk [tilespmem:v1+s1+$0x0], $0xffff  }
0x8f8: {  	s3 =	sadd.s32 $0x10, s3  }
0x8f9: {  	s7 =	sand.u32 $0x1C00, s5;
	s5 =	sadd.s32 $0x80, s5;
	s6 =	sand.u32 $0x70, s3;
	v1 =	vadd.s32 $0x5668, v2  }
0x8fa: {  	s3 =	sor.u32 s6, s7  }
0x8fb: {  	v2 =	vld [tilespmem:s3+$0x80];
	_ =	sdelay $0x2  }
0x8fc: {  	[tilespmem:s21+$0xE080] =	vst v0  }
0x8fd: {  	v0 =	vld.idx.msk [tilespmem:v1+s1+$0x0], $0xffff  }
0x8fe: {  	v1 =	vadd.s32 $0x5668, v2;
	_ =	sdelay $0x3  }
0x8ff: {  	[tilespmem:s22+$0xE080] =	vst v0  }
0x900: {  	v0 =	vld.idx.msk [tilespmem:v1+s1+$0x0], $0xffff;
	_ =	sdelay $0x2  }
0x901: {  	s5 =	simm.s32 $0x0  }
0x902: {  	s22 =	sand.u32 $0x70, s5;
	s5 =	sand.u32 $0x1C00, s5  }
0x903: {  	s21 =	sor.u32 s22, s5;
	[tilespmem:s3+$0xE080] =	vst v0  }
0x904: {  	v0 =	vld [tilespmem:s21+$0x100];
	_ =	sdelay $0x2  }
0x905: {  	s23 =	simm.s32 $0x80;
	s24 =	simm.s32 $0x10  }
0x906: {  	s5 =	sand.u32 $0x70, s24;
	s3 =	sand.u32 $0x1C00, s23  }
0x907: {  	s22 =	sor.u32 s5, s3;
	v0 =	vadd.s32 $0x5668, v0  }
0x908: {  	v1 =	vld [tilespmem:s22+$0x100];
	_ =	sdelay $0x2  }
0x909: {  	s6 =	simm.s32 $0x180  }
0x90a: {  	s24 =	smov.u32 s21;
	s23 =	simm.s32 $0x100;
	s3 =	simm.s32 $0x20;
	v0 =	vld.idx.msk [tilespmem:v0+s1+$0x0], $0xffff  }
0x90b: {  	s8 =	sand.u32 $0x1C00, s23;
	s7 =	sand.u32 $0x70, s3;
	s5 =	smov.u32 s22;
	v1 =	vadd.s32 $0x5668, v1  }
.LBB2_215:
0x90c: {  	p1 =	sne.s32 s6, $0x1200;
	s7 =	sor.u32 s7, s8  }
0x90d: {  	v2 =	vld [tilespmem:s7+$0x100]  }
.Ltmp109:
0x90e: {  	(pc) =	sbr.rel @p1 .LBB2_215-.Ltmp109, $4  }
0x90f: {  	[tilespmem:s24+$0xE100] =	vst v0;
	s24 =	smov.u32 s5;
	s5 =	smov.u32 s7  }
0x910: {  	v0 =	vld.idx.msk [tilespmem:v1+s1+$0x0], $0xffff  }
0x911: {  	s3 =	sadd.s32 $0x10, s3  }
0x912: {  	s8 =	sand.u32 $0x1C00, s6;
	s6 =	sadd.s32 $0x80, s6;
	s7 =	sand.u32 $0x70, s3;
	v1 =	vadd.s32 $0x5668, v2  }
0x913: {  	s3 =	sor.u32 s7, s8  }
0x914: {  	v2 =	vld [tilespmem:s3+$0x100];
	_ =	sdelay $0x2  }
0x915: {  	[tilespmem:s24+$0xE100] =	vst v0  }
0x916: {  	v0 =	vld.idx.msk [tilespmem:v1+s1+$0x0], $0xffff  }
0x917: {  	v1 =	vadd.s32 $0x5668, v2;
	_ =	sdelay $0x3  }
0x918: {  	[tilespmem:s5+$0xE100] =	vst v0  }
0x919: {  	v0 =	vld.idx.msk [tilespmem:v1+s1+$0x0], $0xffff;
	_ =	sdelay $0x4  }
0x91a: {  	[tilespmem:s3+$0xE100] =	vst v0  }
0x91b: {  	v0 =	vld [tilespmem:s21+$0x180];
	_ =	sdelay $0x4  }
0x91c: {  	v0 =	vadd.s32 $0x5668, v0  }
0x91d: {  	v1 =	vld [tilespmem:s22+$0x180];
	_ =	sdelay $0x3  }
0x91e: {  	s3 =	simm.s32 $0x20;
	v0 =	vld.idx.msk [tilespmem:v0+s1+$0x0], $0xffff  }
0x91f: {  	s7 =	sand.u32 $0x1C00, s23;
	s5 =	simm.s32 $0x180;
	s6 =	sand.u32 $0x70, s3;
	v1 =	vadd.s32 $0x5668, v1  }
.LBB2_217:
0x920: {  	p1 =	sne.s32 s5, $0x1200;
	s6 =	sor.u32 s6, s7  }
0x921: {  	v2 =	vld [tilespmem:s6+$0x180]  }
.Ltmp110:
0x922: {  	(pc) =	sbr.rel @p1 .LBB2_217-.Ltmp110, $4  }
0x923: {  	[tilespmem:s21+$0xE180] =	vst v0;
	s21 =	smov.u32 s22;
	s22 =	smov.u32 s6  }
0x924: {  	v0 =	vld.idx.msk [tilespmem:v1+s1+$0x0], $0xffff  }
0x925: {  	s3 =	sadd.s32 $0x10, s3  }
0x926: {  	s7 =	sand.u32 $0x1C00, s5;
	s5 =	sadd.s32 $0x80, s5;
	s6 =	sand.u32 $0x70, s3;
	v1 =	vadd.s32 $0x5668, v2  }
0x927: {  	s3 =	sor.u32 s6, s7  }
0x928: {  	v2 =	vld [tilespmem:s3+$0x180];
	_ =	sdelay $0x2  }
0x929: {  	[tilespmem:s21+$0xE180] =	vst v0  }
0x92a: {  	v0 =	vld.idx.msk [tilespmem:v1+s1+$0x0], $0xffff  }
0x92b: {  	v1 =	vadd.s32 $0x5668, v2;
	_ =	sdelay $0x3  }
0x92c: {  	[tilespmem:s22+$0xE180] =	vst v0  }
0x92d: {  	v0 =	vld.idx.msk [tilespmem:v1+s1+$0x0], $0xffff;
	_ =	sdelay $0x2  }
0x92e: {  	s5 =	simm.s32 $0x0  }
0x92f: {  	s22 =	sand.u32 $0x70, s5;
	s5 =	sand.u32 $0x1C00, s5  }
0x930: {  	s21 =	sor.u32 s22, s5;
	[tilespmem:s3+$0xE180] =	vst v0  }
0x931: {  	v0 =	vld [tilespmem:s21+$0x200];
	_ =	sdelay $0x2  }
0x932: {  	s23 =	simm.s32 $0x80;
	s24 =	simm.s32 $0x10  }
0x933: {  	s5 =	sand.u32 $0x70, s24;
	s3 =	sand.u32 $0x1C00, s23  }
0x934: {  	s22 =	sor.u32 s5, s3;
	v0 =	vadd.s32 $0x5668, v0  }
0x935: {  	v1 =	vld [tilespmem:s22+$0x200];
	_ =	sdelay $0x2  }
0x936: {  	s6 =	simm.s32 $0x180  }
0x937: {  	s24 =	smov.u32 s21;
	s23 =	simm.s32 $0x100;
	s3 =	simm.s32 $0x20;
	v0 =	vld.idx.msk [tilespmem:v0+s1+$0x0], $0xffff  }
0x938: {  	s8 =	sand.u32 $0x1C00, s23;
	s7 =	sand.u32 $0x70, s3;
	s5 =	smov.u32 s22;
	v1 =	vadd.s32 $0x5668, v1  }
.LBB2_219:
0x939: {  	p1 =	sne.s32 s6, $0x1200;
	s7 =	sor.u32 s7, s8  }
0x93a: {  	v2 =	vld [tilespmem:s7+$0x200]  }
.Ltmp111:
0x93b: {  	(pc) =	sbr.rel @p1 .LBB2_219-.Ltmp111, $4  }
0x93c: {  	[tilespmem:s24+$0xE200] =	vst v0;
	s24 =	smov.u32 s5;
	s5 =	smov.u32 s7  }
0x93d: {  	v0 =	vld.idx.msk [tilespmem:v1+s1+$0x0], $0xffff  }
0x93e: {  	s3 =	sadd.s32 $0x10, s3  }
0x93f: {  	s8 =	sand.u32 $0x1C00, s6;
	s6 =	sadd.s32 $0x80, s6;
	s7 =	sand.u32 $0x70, s3;
	v1 =	vadd.s32 $0x5668, v2  }
0x940: {  	s3 =	sor.u32 s7, s8  }
0x941: {  	v2 =	vld [tilespmem:s3+$0x200];
	_ =	sdelay $0x2  }
0x942: {  	[tilespmem:s24+$0xE200] =	vst v0  }
0x943: {  	v0 =	vld.idx.msk [tilespmem:v1+s1+$0x0], $0xffff  }
0x944: {  	v1 =	vadd.s32 $0x5668, v2;
	_ =	sdelay $0x3  }
0x945: {  	[tilespmem:s5+$0xE200] =	vst v0  }
0x946: {  	v0 =	vld.idx.msk [tilespmem:v1+s1+$0x0], $0xffff;
	_ =	sdelay $0x4  }
0x947: {  	[tilespmem:s3+$0xE200] =	vst v0  }
0x948: {  	v0 =	vld [tilespmem:s21+$0x280];
	_ =	sdelay $0x4  }
0x949: {  	v0 =	vadd.s32 $0x5668, v0  }
0x94a: {  	v1 =	vld [tilespmem:s22+$0x280];
	_ =	sdelay $0x3  }
0x94b: {  	s3 =	simm.s32 $0x20;
	v0 =	vld.idx.msk [tilespmem:v0+s1+$0x0], $0xffff  }
0x94c: {  	s7 =	sand.u32 $0x1C00, s23;
	s5 =	simm.s32 $0x180;
	s6 =	sand.u32 $0x70, s3;
	v1 =	vadd.s32 $0x5668, v1  }
.LBB2_221:
0x94d: {  	p1 =	sne.s32 s5, $0x1200;
	s6 =	sor.u32 s6, s7  }
0x94e: {  	v2 =	vld [tilespmem:s6+$0x280]  }
.Ltmp112:
0x94f: {  	(pc) =	sbr.rel @p1 .LBB2_221-.Ltmp112, $4  }
0x950: {  	[tilespmem:s21+$0xE280] =	vst v0;
	s21 =	smov.u32 s22;
	s22 =	smov.u32 s6  }
0x951: {  	v0 =	vld.idx.msk [tilespmem:v1+s1+$0x0], $0xffff  }
0x952: {  	s3 =	sadd.s32 $0x10, s3  }
0x953: {  	s7 =	sand.u32 $0x1C00, s5;
	s5 =	sadd.s32 $0x80, s5;
	s6 =	sand.u32 $0x70, s3;
	v1 =	vadd.s32 $0x5668, v2  }
0x954: {  	s3 =	sor.u32 s6, s7  }
0x955: {  	v2 =	vld [tilespmem:s3+$0x280];
	_ =	sdelay $0x2  }
0x956: {  	[tilespmem:s21+$0xE280] =	vst v0  }
0x957: {  	v0 =	vld.idx.msk [tilespmem:v1+s1+$0x0], $0xffff  }
0x958: {  	v1 =	vadd.s32 $0x5668, v2;
	_ =	sdelay $0x3  }
0x959: {  	[tilespmem:s22+$0xE280] =	vst v0  }
0x95a: {  	v0 =	vld.idx.msk [tilespmem:v1+s1+$0x0], $0xffff;
	_ =	sdelay $0x2  }
0x95b: {  	s5 =	simm.s32 $0x0  }
0x95c: {  	s22 =	sand.u32 $0x70, s5;
	s5 =	sand.u32 $0x1C00, s5  }
0x95d: {  	s21 =	sor.u32 s22, s5;
	[tilespmem:s3+$0xE280] =	vst v0  }
0x95e: {  	v0 =	vld [tilespmem:s21+$0x300];
	_ =	sdelay $0x2  }
0x95f: {  	s23 =	simm.s32 $0x80;
	s24 =	simm.s32 $0x10  }
0x960: {  	s5 =	sand.u32 $0x70, s24;
	s3 =	sand.u32 $0x1C00, s23  }
0x961: {  	s22 =	sor.u32 s5, s3;
	v0 =	vadd.s32 $0x5668, v0  }
0x962: {  	v1 =	vld [tilespmem:s22+$0x300];
	_ =	sdelay $0x2  }
0x963: {  	s6 =	simm.s32 $0x180  }
0x964: {  	s24 =	smov.u32 s21;
	s23 =	simm.s32 $0x100;
	s3 =	simm.s32 $0x20;
	v0 =	vld.idx.msk [tilespmem:v0+s1+$0x0], $0xffff  }
0x965: {  	s8 =	sand.u32 $0x1C00, s23;
	s7 =	sand.u32 $0x70, s3;
	s5 =	smov.u32 s22;
	v1 =	vadd.s32 $0x5668, v1  }
.LBB2_223:
0x966: {  	p1 =	sne.s32 s6, $0x1200;
	s7 =	sor.u32 s7, s8  }
0x967: {  	v2 =	vld [tilespmem:s7+$0x300]  }
.Ltmp113:
0x968: {  	(pc) =	sbr.rel @p1 .LBB2_223-.Ltmp113, $4  }
0x969: {  	[tilespmem:s24+$0xE300] =	vst v0;
	s24 =	smov.u32 s5;
	s5 =	smov.u32 s7  }
0x96a: {  	v0 =	vld.idx.msk [tilespmem:v1+s1+$0x0], $0xffff  }
0x96b: {  	s3 =	sadd.s32 $0x10, s3  }
0x96c: {  	s8 =	sand.u32 $0x1C00, s6;
	s6 =	sadd.s32 $0x80, s6;
	s7 =	sand.u32 $0x70, s3;
	v1 =	vadd.s32 $0x5668, v2  }
0x96d: {  	s3 =	sor.u32 s7, s8  }
0x96e: {  	v2 =	vld [tilespmem:s3+$0x300];
	_ =	sdelay $0x2  }
0x96f: {  	[tilespmem:s24+$0xE300] =	vst v0  }
0x970: {  	v0 =	vld.idx.msk [tilespmem:v1+s1+$0x0], $0xffff  }
0x971: {  	v1 =	vadd.s32 $0x5668, v2;
	_ =	sdelay $0x3  }
0x972: {  	[tilespmem:s5+$0xE300] =	vst v0  }
0x973: {  	v0 =	vld.idx.msk [tilespmem:v1+s1+$0x0], $0xffff;
	_ =	sdelay $0x4  }
0x974: {  	[tilespmem:s3+$0xE300] =	vst v0  }
0x975: {  	v0 =	vld [tilespmem:s21+$0x380];
	_ =	sdelay $0x4  }
0x976: {  	v0 =	vadd.s32 $0x5668, v0  }
0x977: {  	v1 =	vld [tilespmem:s22+$0x380];
	_ =	sdelay $0x3  }
0x978: {  	s3 =	simm.s32 $0x20;
	v0 =	vld.idx.msk [tilespmem:v0+s1+$0x0], $0xffff  }
0x979: {  	s7 =	sand.u32 $0x1C00, s23;
	s5 =	simm.s32 $0x180;
	s6 =	sand.u32 $0x70, s3;
	v1 =	vadd.s32 $0x5668, v1  }
.LBB2_225:
0x97a: {  	p1 =	sne.s32 s5, $0x1200;
	s6 =	sor.u32 s6, s7  }
0x97b: {  	v2 =	vld [tilespmem:s6+$0x380]  }
.Ltmp114:
0x97c: {  	(pc) =	sbr.rel @p1 .LBB2_225-.Ltmp114, $4  }
0x97d: {  	[tilespmem:s21+$0xE380] =	vst v0;
	s21 =	smov.u32 s22;
	s22 =	smov.u32 s6  }
0x97e: {  	v0 =	vld.idx.msk [tilespmem:v1+s1+$0x0], $0xffff  }
0x97f: {  	s3 =	sadd.s32 $0x10, s3  }
0x980: {  	s7 =	sand.u32 $0x1C00, s5;
	s5 =	sadd.s32 $0x80, s5;
	s6 =	sand.u32 $0x70, s3;
	v1 =	vadd.s32 $0x5668, v2  }
0x981: {  	s3 =	sor.u32 s6, s7  }
0x982: {  	v2 =	vld [tilespmem:s3+$0x380];
	_ =	sdelay $0x2  }
0x983: {  	[tilespmem:s21+$0xE380] =	vst v0  }
0x984: {  	v0 =	vld.idx.msk [tilespmem:v1+s1+$0x0], $0xffff  }
0x985: {  	v1 =	vadd.s32 $0x5668, v2;
	_ =	sdelay $0x3  }
0x986: {  	[tilespmem:s22+$0xE380] =	vst v0  }
0x987: {  	v0 =	vld.idx.msk [tilespmem:v1+s1+$0x0], $0xffff;
	_ =	sdelay $0x4  }
0x988: {  	s5 =	rddreg [dreg:$0x13];
	s21 =	simm.s32 $0x0;
	[tilespmem:s3+$0xE380] =	vst v0  }
0x989: {  	[hbm4b:s5+s21] =	stream.linear.scatter [tilespmem:s14], [sflag:$0x3], $0x1400, $0x38;
	[tilespmem:$0x13000] =	vst v63  }
0x98a: {  	_ =	swait.ge [sflag:s19], $0x1400  }
0x98b: {  	s22 =	sand.u32 $0x70, s21;
	s3 =	sand.u32 $0x1C00, s21;
	[sflag:s19] =	ssyncset.done $0x0  }
0x98c: {  	s21 =	sor.u32 s22, s3;
	[sflag:s19] =	ssyncadd.s32 $0xFFFFEC00  }
0x98d: {  	v0 =	vld [tilespmem:s21+$0x0];
	_ =	sdelay $0x2  }
0x98e: {  	s23 =	simm.s32 $0x80;
	s24 =	simm.s32 $0x10  }
0x98f: {  	s5 =	sand.u32 $0x70, s24;
	s3 =	sand.u32 $0x1C00, s23  }
0x990: {  	s22 =	sor.u32 s5, s3;
	v0 =	vadd.s32 $0x5F0C, v0  }
0x991: {  	v1 =	vld [tilespmem:s22+$0x0];
	_ =	sdelay $0x2  }
0x992: {  	s23 =	simm.s32 $0x100  }
0x993: {  	s6 =	simm.s32 $0x180;
	s3 =	simm.s32 $0x20;
	s8 =	sand.u32 $0x1C00, s23;
	v0 =	vld.idx.msk [tilespmem:v0+s1+$0x0], $0xffff  }
0x994: {  	s24 =	smov.u32 s21;
	s7 =	sand.u32 $0x70, s3;
	s5 =	smov.u32 s22;
	v1 =	vadd.s32 $0x5F0C, v1  }
.LBB2_227:
0x995: {  	p1 =	sne.s32 s6, $0x1200;
	s7 =	sor.u32 s7, s8  }
0x996: {  	v2 =	vld [tilespmem:s7+$0x0]  }
.Ltmp115:
0x997: {  	(pc) =	sbr.rel @p1 .LBB2_227-.Ltmp115, $4  }
0x998: {  	[tilespmem:s24+$0x10800] =	vst v0;
	s24 =	smov.u32 s5;
	s5 =	smov.u32 s7  }
0x999: {  	v0 =	vld.idx.msk [tilespmem:v1+s1+$0x0], $0xffff  }
0x99a: {  	s3 =	sadd.s32 $0x10, s3  }
0x99b: {  	s8 =	sand.u32 $0x1C00, s6;
	s6 =	sadd.s32 $0x80, s6;
	s7 =	sand.u32 $0x70, s3;
	v1 =	vadd.s32 $0x5F0C, v2  }
0x99c: {  	s3 =	sor.u32 s7, s8  }
0x99d: {  	v2 =	vld [tilespmem:s3+$0x0];
	_ =	sdelay $0x2  }
0x99e: {  	[tilespmem:s24+$0x10800] =	vst v0  }
0x99f: {  	v0 =	vld.idx.msk [tilespmem:v1+s1+$0x0], $0xffff  }
0x9a0: {  	v1 =	vadd.s32 $0x5F0C, v2;
	_ =	sdelay $0x3  }
0x9a1: {  	[tilespmem:s5+$0x10800] =	vst v0  }
0x9a2: {  	v0 =	vld.idx.msk [tilespmem:v1+s1+$0x0], $0xffff;
	_ =	sdelay $0x4  }
0x9a3: {  	[tilespmem:s3+$0x10800] =	vst v0  }
0x9a4: {  	v0 =	vld [tilespmem:s21+$0x80];
	_ =	sdelay $0x4  }
0x9a5: {  	v0 =	vadd.s32 $0x5F0C, v0  }
0x9a6: {  	v1 =	vld [tilespmem:s22+$0x80];
	_ =	sdelay $0x3  }
0x9a7: {  	s3 =	simm.s32 $0x20;
	v0 =	vld.idx.msk [tilespmem:v0+s1+$0x0], $0xffff  }
0x9a8: {  	s7 =	sand.u32 $0x1C00, s23;
	s5 =	simm.s32 $0x180;
	s6 =	sand.u32 $0x70, s3;
	v1 =	vadd.s32 $0x5F0C, v1  }
.LBB2_229:
0x9a9: {  	p1 =	sne.s32 s5, $0x1200;
	s6 =	sor.u32 s6, s7  }
0x9aa: {  	v2 =	vld [tilespmem:s6+$0x80]  }
.Ltmp116:
0x9ab: {  	(pc) =	sbr.rel @p1 .LBB2_229-.Ltmp116, $4  }
0x9ac: {  	[tilespmem:s21+$0x10880] =	vst v0;
	s21 =	smov.u32 s22;
	s22 =	smov.u32 s6  }
0x9ad: {  	v0 =	vld.idx.msk [tilespmem:v1+s1+$0x0], $0xffff  }
0x9ae: {  	s3 =	sadd.s32 $0x10, s3  }
0x9af: {  	s7 =	sand.u32 $0x1C00, s5;
	s5 =	sadd.s32 $0x80, s5;
	s6 =	sand.u32 $0x70, s3;
	v1 =	vadd.s32 $0x5F0C, v2  }
0x9b0: {  	s3 =	sor.u32 s6, s7  }
0x9b1: {  	v2 =	vld [tilespmem:s3+$0x80];
	_ =	sdelay $0x2  }
0x9b2: {  	[tilespmem:s21+$0x10880] =	vst v0  }
0x9b3: {  	v0 =	vld.idx.msk [tilespmem:v1+s1+$0x0], $0xffff  }
0x9b4: {  	v1 =	vadd.s32 $0x5F0C, v2;
	_ =	sdelay $0x3  }
0x9b5: {  	[tilespmem:s22+$0x10880] =	vst v0  }
0x9b6: {  	v0 =	vld.idx.msk [tilespmem:v1+s1+$0x0], $0xffff;
	_ =	sdelay $0x2  }
0x9b7: {  	s5 =	simm.s32 $0x0  }
0x9b8: {  	s22 =	sand.u32 $0x70, s5;
	s5 =	sand.u32 $0x1C00, s5  }
0x9b9: {  	s21 =	sor.u32 s22, s5;
	[tilespmem:s3+$0x10880] =	vst v0  }
0x9ba: {  	v0 =	vld [tilespmem:s21+$0x100];
	_ =	sdelay $0x2  }
0x9bb: {  	s23 =	simm.s32 $0x80;
	s24 =	simm.s32 $0x10  }
0x9bc: {  	s5 =	sand.u32 $0x70, s24;
	s3 =	sand.u32 $0x1C00, s23  }
0x9bd: {  	s22 =	sor.u32 s5, s3;
	v0 =	vadd.s32 $0x5F0C, v0  }
0x9be: {  	v1 =	vld [tilespmem:s22+$0x100];
	_ =	sdelay $0x2  }
0x9bf: {  	s6 =	simm.s32 $0x180  }
0x9c0: {  	s24 =	smov.u32 s21;
	s23 =	simm.s32 $0x100;
	s3 =	simm.s32 $0x20;
	v0 =	vld.idx.msk [tilespmem:v0+s1+$0x0], $0xffff  }
0x9c1: {  	s8 =	sand.u32 $0x1C00, s23;
	s7 =	sand.u32 $0x70, s3;
	s5 =	smov.u32 s22;
	v1 =	vadd.s32 $0x5F0C, v1  }
.LBB2_231:
0x9c2: {  	p1 =	sne.s32 s6, $0x1200;
	s7 =	sor.u32 s7, s8  }
0x9c3: {  	v2 =	vld [tilespmem:s7+$0x100]  }
.Ltmp117:
0x9c4: {  	(pc) =	sbr.rel @p1 .LBB2_231-.Ltmp117, $4  }
0x9c5: {  	[tilespmem:s24+$0x10900] =	vst v0;
	s24 =	smov.u32 s5;
	s5 =	smov.u32 s7  }
0x9c6: {  	v0 =	vld.idx.msk [tilespmem:v1+s1+$0x0], $0xffff  }
0x9c7: {  	s3 =	sadd.s32 $0x10, s3  }
0x9c8: {  	s8 =	sand.u32 $0x1C00, s6;
	s6 =	sadd.s32 $0x80, s6;
	s7 =	sand.u32 $0x70, s3;
	v1 =	vadd.s32 $0x5F0C, v2  }
0x9c9: {  	s3 =	sor.u32 s7, s8  }
0x9ca: {  	v2 =	vld [tilespmem:s3+$0x100];
	_ =	sdelay $0x2  }
0x9cb: {  	[tilespmem:s24+$0x10900] =	vst v0  }
0x9cc: {  	v0 =	vld.idx.msk [tilespmem:v1+s1+$0x0], $0xffff  }
0x9cd: {  	v1 =	vadd.s32 $0x5F0C, v2;
	_ =	sdelay $0x3  }
0x9ce: {  	[tilespmem:s5+$0x10900] =	vst v0  }
0x9cf: {  	v0 =	vld.idx.msk [tilespmem:v1+s1+$0x0], $0xffff;
	_ =	sdelay $0x4  }
0x9d0: {  	[tilespmem:s3+$0x10900] =	vst v0  }
0x9d1: {  	v0 =	vld [tilespmem:s21+$0x180];
	_ =	sdelay $0x4  }
0x9d2: {  	v0 =	vadd.s32 $0x5F0C, v0  }
0x9d3: {  	v1 =	vld [tilespmem:s22+$0x180];
	_ =	sdelay $0x3  }
0x9d4: {  	s3 =	simm.s32 $0x20;
	v0 =	vld.idx.msk [tilespmem:v0+s1+$0x0], $0xffff  }
0x9d5: {  	s7 =	sand.u32 $0x1C00, s23;
	s5 =	simm.s32 $0x180;
	s6 =	sand.u32 $0x70, s3;
	v1 =	vadd.s32 $0x5F0C, v1  }
.LBB2_233:
0x9d6: {  	p1 =	sne.s32 s5, $0x1200;
	s6 =	sor.u32 s6, s7  }
0x9d7: {  	v2 =	vld [tilespmem:s6+$0x180]  }
.Ltmp118:
0x9d8: {  	(pc) =	sbr.rel @p1 .LBB2_233-.Ltmp118, $4  }
0x9d9: {  	[tilespmem:s21+$0x10980] =	vst v0;
	s21 =	smov.u32 s22;
	s22 =	smov.u32 s6  }
0x9da: {  	v0 =	vld.idx.msk [tilespmem:v1+s1+$0x0], $0xffff  }
0x9db: {  	s3 =	sadd.s32 $0x10, s3  }
0x9dc: {  	s7 =	sand.u32 $0x1C00, s5;
	s5 =	sadd.s32 $0x80, s5;
	s6 =	sand.u32 $0x70, s3;
	v1 =	vadd.s32 $0x5F0C, v2  }
0x9dd: {  	s3 =	sor.u32 s6, s7  }
0x9de: {  	v2 =	vld [tilespmem:s3+$0x180];
	_ =	sdelay $0x2  }
0x9df: {  	[tilespmem:s21+$0x10980] =	vst v0  }
0x9e0: {  	v0 =	vld.idx.msk [tilespmem:v1+s1+$0x0], $0xffff  }
0x9e1: {  	v1 =	vadd.s32 $0x5F0C, v2;
	_ =	sdelay $0x3  }
0x9e2: {  	[tilespmem:s22+$0x10980] =	vst v0  }
0x9e3: {  	v0 =	vld.idx.msk [tilespmem:v1+s1+$0x0], $0xffff;
	_ =	sdelay $0x2  }
0x9e4: {  	s5 =	simm.s32 $0x0  }
0x9e5: {  	s22 =	sand.u32 $0x70, s5;
	s5 =	sand.u32 $0x1C00, s5  }
0x9e6: {  	s21 =	sor.u32 s22, s5;
	[tilespmem:s3+$0x10980] =	vst v0  }
0x9e7: {  	v0 =	vld [tilespmem:s21+$0x200];
	_ =	sdelay $0x2  }
0x9e8: {  	s23 =	simm.s32 $0x80;
	s24 =	simm.s32 $0x10  }
0x9e9: {  	s5 =	sand.u32 $0x70, s24;
	s3 =	sand.u32 $0x1C00, s23  }
0x9ea: {  	s22 =	sor.u32 s5, s3;
	v0 =	vadd.s32 $0x5F0C, v0  }
0x9eb: {  	v1 =	vld [tilespmem:s22+$0x200];
	_ =	sdelay $0x2  }
0x9ec: {  	s6 =	simm.s32 $0x180  }
0x9ed: {  	s24 =	smov.u32 s21;
	s23 =	simm.s32 $0x100;
	s3 =	simm.s32 $0x20;
	v0 =	vld.idx.msk [tilespmem:v0+s1+$0x0], $0xffff  }
0x9ee: {  	s8 =	sand.u32 $0x1C00, s23;
	s7 =	sand.u32 $0x70, s3;
	s5 =	smov.u32 s22;
	v1 =	vadd.s32 $0x5F0C, v1  }
.LBB2_235:
0x9ef: {  	p1 =	sne.s32 s6, $0x1200;
	s7 =	sor.u32 s7, s8  }
0x9f0: {  	v2 =	vld [tilespmem:s7+$0x200]  }
.Ltmp119:
0x9f1: {  	(pc) =	sbr.rel @p1 .LBB2_235-.Ltmp119, $4  }
0x9f2: {  	[tilespmem:s24+$0x10A00] =	vst v0;
	s24 =	smov.u32 s5;
	s5 =	smov.u32 s7  }
0x9f3: {  	v0 =	vld.idx.msk [tilespmem:v1+s1+$0x0], $0xffff  }
0x9f4: {  	s3 =	sadd.s32 $0x10, s3  }
0x9f5: {  	s8 =	sand.u32 $0x1C00, s6;
	s6 =	sadd.s32 $0x80, s6;
	s7 =	sand.u32 $0x70, s3;
	v1 =	vadd.s32 $0x5F0C, v2  }
0x9f6: {  	s3 =	sor.u32 s7, s8  }
0x9f7: {  	v2 =	vld [tilespmem:s3+$0x200];
	_ =	sdelay $0x2  }
0x9f8: {  	[tilespmem:s24+$0x10A00] =	vst v0  }
0x9f9: {  	v0 =	vld.idx.msk [tilespmem:v1+s1+$0x0], $0xffff  }
0x9fa: {  	v1 =	vadd.s32 $0x5F0C, v2;
	_ =	sdelay $0x3  }
0x9fb: {  	[tilespmem:s5+$0x10A00] =	vst v0  }
0x9fc: {  	v0 =	vld.idx.msk [tilespmem:v1+s1+$0x0], $0xffff;
	_ =	sdelay $0x4  }
0x9fd: {  	[tilespmem:s3+$0x10A00] =	vst v0  }
0x9fe: {  	v0 =	vld [tilespmem:s21+$0x280];
	_ =	sdelay $0x4  }
0x9ff: {  	v0 =	vadd.s32 $0x5F0C, v0  }
0xa00: {  	v1 =	vld [tilespmem:s22+$0x280];
	_ =	sdelay $0x3  }
0xa01: {  	s3 =	simm.s32 $0x20;
	v0 =	vld.idx.msk [tilespmem:v0+s1+$0x0], $0xffff  }
0xa02: {  	s7 =	sand.u32 $0x1C00, s23;
	s5 =	simm.s32 $0x180;
	s6 =	sand.u32 $0x70, s3;
	v1 =	vadd.s32 $0x5F0C, v1  }
.LBB2_237:
0xa03: {  	p1 =	sne.s32 s5, $0x1200;
	s6 =	sor.u32 s6, s7  }
0xa04: {  	v2 =	vld [tilespmem:s6+$0x280]  }
.Ltmp120:
0xa05: {  	(pc) =	sbr.rel @p1 .LBB2_237-.Ltmp120, $4  }
0xa06: {  	[tilespmem:s21+$0x10A80] =	vst v0;
	s21 =	smov.u32 s22;
	s22 =	smov.u32 s6  }
0xa07: {  	v0 =	vld.idx.msk [tilespmem:v1+s1+$0x0], $0xffff  }
0xa08: {  	s3 =	sadd.s32 $0x10, s3  }
0xa09: {  	s7 =	sand.u32 $0x1C00, s5;
	s5 =	sadd.s32 $0x80, s5;
	s6 =	sand.u32 $0x70, s3;
	v1 =	vadd.s32 $0x5F0C, v2  }
0xa0a: {  	s3 =	sor.u32 s6, s7  }
0xa0b: {  	v2 =	vld [tilespmem:s3+$0x280];
	_ =	sdelay $0x2  }
0xa0c: {  	[tilespmem:s21+$0x10A80] =	vst v0  }
0xa0d: {  	v0 =	vld.idx.msk [tilespmem:v1+s1+$0x0], $0xffff  }
0xa0e: {  	v1 =	vadd.s32 $0x5F0C, v2;
	_ =	sdelay $0x3  }
0xa0f: {  	[tilespmem:s22+$0x10A80] =	vst v0  }
0xa10: {  	v0 =	vld.idx.msk [tilespmem:v1+s1+$0x0], $0xffff;
	_ =	sdelay $0x2  }
0xa11: {  	s5 =	simm.s32 $0x0  }
0xa12: {  	s22 =	sand.u32 $0x70, s5;
	s5 =	sand.u32 $0x1C00, s5  }
0xa13: {  	s21 =	sor.u32 s22, s5;
	[tilespmem:s3+$0x10A80] =	vst v0  }
0xa14: {  	v0 =	vld [tilespmem:s21+$0x300];
	_ =	sdelay $0x2  }
0xa15: {  	s23 =	simm.s32 $0x80;
	s24 =	simm.s32 $0x10  }
0xa16: {  	s5 =	sand.u32 $0x70, s24;
	s3 =	sand.u32 $0x1C00, s23  }
0xa17: {  	s22 =	sor.u32 s5, s3;
	v0 =	vadd.s32 $0x5F0C, v0  }
0xa18: {  	v1 =	vld [tilespmem:s22+$0x300];
	_ =	sdelay $0x2  }
0xa19: {  	s6 =	simm.s32 $0x180  }
0xa1a: {  	s24 =	smov.u32 s21;
	s23 =	simm.s32 $0x100;
	s3 =	simm.s32 $0x20;
	v0 =	vld.idx.msk [tilespmem:v0+s1+$0x0], $0xffff  }
0xa1b: {  	s8 =	sand.u32 $0x1C00, s23;
	s7 =	sand.u32 $0x70, s3;
	s5 =	smov.u32 s22;
	v1 =	vadd.s32 $0x5F0C, v1  }
.LBB2_239:
0xa1c: {  	p1 =	sne.s32 s6, $0x1200;
	s7 =	sor.u32 s7, s8  }
0xa1d: {  	v2 =	vld [tilespmem:s7+$0x300]  }
.Ltmp121:
0xa1e: {  	(pc) =	sbr.rel @p1 .LBB2_239-.Ltmp121, $4  }
0xa1f: {  	[tilespmem:s24+$0x10B00] =	vst v0;
	s24 =	smov.u32 s5;
	s5 =	smov.u32 s7  }
0xa20: {  	v0 =	vld.idx.msk [tilespmem:v1+s1+$0x0], $0xffff  }
0xa21: {  	s3 =	sadd.s32 $0x10, s3  }
0xa22: {  	s8 =	sand.u32 $0x1C00, s6;
	s6 =	sadd.s32 $0x80, s6;
	s7 =	sand.u32 $0x70, s3;
	v1 =	vadd.s32 $0x5F0C, v2  }
0xa23: {  	s3 =	sor.u32 s7, s8  }
0xa24: {  	v2 =	vld [tilespmem:s3+$0x300];
	_ =	sdelay $0x2  }
0xa25: {  	[tilespmem:s24+$0x10B00] =	vst v0  }
0xa26: {  	v0 =	vld.idx.msk [tilespmem:v1+s1+$0x0], $0xffff  }
0xa27: {  	v1 =	vadd.s32 $0x5F0C, v2;
	_ =	sdelay $0x3  }
0xa28: {  	[tilespmem:s5+$0x10B00] =	vst v0  }
0xa29: {  	v0 =	vld.idx.msk [tilespmem:v1+s1+$0x0], $0xffff;
	_ =	sdelay $0x4  }
0xa2a: {  	[tilespmem:s3+$0x10B00] =	vst v0  }
0xa2b: {  	v0 =	vld [tilespmem:s21+$0x380];
	_ =	sdelay $0x4  }
0xa2c: {  	v0 =	vadd.s32 $0x5F0C, v0  }
0xa2d: {  	v1 =	vld [tilespmem:s22+$0x380];
	_ =	sdelay $0x3  }
0xa2e: {  	s3 =	simm.s32 $0x20;
	v0 =	vld.idx.msk [tilespmem:v0+s1+$0x0], $0xffff  }
0xa2f: {  	s7 =	sand.u32 $0x1C00, s23;
	s5 =	simm.s32 $0x180;
	s6 =	sand.u32 $0x70, s3;
	v1 =	vadd.s32 $0x5F0C, v1  }
.LBB2_241:
0xa30: {  	p1 =	sne.s32 s5, $0x1200;
	s6 =	sor.u32 s6, s7  }
0xa31: {  	v2 =	vld [tilespmem:s6+$0x380]  }
.Ltmp122:
0xa32: {  	(pc) =	sbr.rel @p1 .LBB2_241-.Ltmp122, $4  }
0xa33: {  	[tilespmem:s21+$0x10B80] =	vst v0;
	s21 =	smov.u32 s22;
	s22 =	smov.u32 s6  }
0xa34: {  	v0 =	vld.idx.msk [tilespmem:v1+s1+$0x0], $0xffff  }
0xa35: {  	s3 =	sadd.s32 $0x10, s3  }
0xa36: {  	s7 =	sand.u32 $0x1C00, s5;
	s5 =	sadd.s32 $0x80, s5;
	s6 =	sand.u32 $0x70, s3;
	v1 =	vadd.s32 $0x5F0C, v2  }
0xa37: {  	s3 =	sor.u32 s6, s7  }
0xa38: {  	v2 =	vld [tilespmem:s3+$0x380];
	_ =	sdelay $0x2  }
0xa39: {  	[tilespmem:s21+$0x10B80] =	vst v0  }
0xa3a: {  	v0 =	vld.idx.msk [tilespmem:v1+s1+$0x0], $0xffff  }
0xa3b: {  	v63 =	vadd.s32 $0x5F0C, v2;
	_ =	sdelay $0x3  }
0xa3c: {  	[tilespmem:s22+$0x10B80] =	vst v0  }
0xa3d: {  	v0 =	vld.idx.msk [tilespmem:v63+s1+$0x0], $0xffff;
	_ =	sdelay $0x4  }
0xa3e: {  	s24 =	rddreg [dreg:$0x14];
	[tilespmem:s3+$0x10B80] =	vst v0  }
0xa3f: {  	[hbm4b:s24+s2] =	stream.linear.scatter [tilespmem:s15], [sflag:$0x4], $0x1400, $0x38;
	[tilespmem:$0x13000] =	vst v63  }
0xa40: {  	_ =	swait.ge [sflag:s16], $0x1400  }
0xa41: {  	[sflag:s16] =	ssyncset.done $0x0  }
0xa42: {  	[sflag:s16] =	ssyncadd.s32 $0xFFFFEC00  }
0xa43: {  	_ =	swait.ge [sflag:s17], $0x1400  }
0xa44: {  	[sflag:s17] =	ssyncset.done $0x0  }
0xa45: {  	[sflag:s17] =	ssyncadd.s32 $0xFFFFEC00  }
0xa46: {  	_ =	swait.ge [sflag:s18], $0x1400  }
.Ltmp123:
0xa47: {  	[sflag:s18] =	ssyncset.done $0x0;
	(pc) =	sbr.rel .LBB2_243-.Ltmp123, $4  }
0xa48: {  	[sflag:s18] =	ssyncadd.s32 $0xFFFFEC00  }
0xa49: {  	_ =	swait.ge [sflag:s19], $0x1400  }
0xa4a: {  	[sflag:s19] =	ssyncset.done $0x0  }
0xa4b: {  	[sflag:s19] =	ssyncadd.s32 $0xFFFFEC00  }
.LBB2_244:
0xa4c: {  	_ =	sfence.sel $0x180000  }
0xa4d: {  	[bflag:$0x0] =	sbarrier.arrive $0xFFFF  }
0xa4e: {  	_ =	strace $0x90000047  }
0xa4f: {  	s0 =	stileid.u32;
	[bflag:$0x2] =	sbarrier.arrive $0xFFFF  }
0xa50: {  	p0 =	sne.s32 s0, $0x0;
	s0 =	rddreg [dreg:$0x2]  }
0xa51: {  	s0 =	sadd.s32 @!p0 $0x100000, s0  }
0xa52: {  	[sflag:s0] =	ssyncadd.tile.s32 @!p0 $0x1;
	_ =	shalt  }
.Lfunc_end2:
_tile_overlayer_lowered:
.L_overlay_start_2:
0xa53: {  	(tag) =	ssettag $0x2  }
0xa54: {  	s0 =	rddreg [dreg:$0x0];
	s2 =	stileid.u32  }
0xa55: {  	s1 =	rddreg [dreg:$0x1];
	p0 =	sne.s32 s2, $0x0  }
0xa56: {  	s3 =	rddreg [dreg:$0x2];
	[bflag:$0x3] =	sbarrier.arrive $0xFFFF;
	s2 =	simm.s32 @!p0 $0x1C05  }
0xa57: {  	[timem:s3], [sflag:s2] =	dma.local @!p0 [hbm:s0], s1  }
0xa58: {  	s0 =	simm.s32 @!p0 $0x5  }
0xa59: {  	_ =	swait.ge @!p0 [sflag:s0], s1  }
0xa5a: {  	s1 =	ssub.s32 @!p0 $0x0, s1;
	[sflag:s0] =	ssyncset.done @!p0 $0x0  }
0xa5b: {  	[sflag:s0] =	ssyncadd.s32 @!p0 s1  }
0xa5c: {  	[bflag:$0x3] =	sbarrier.arrive $0xFFFF  }
0xa5d: {  	_ =	shalt  }

</sc_bundles>
